<compile_context>
chip_gen: v7x
topology: tpu7x:2x2x1
jax: 0.10.2.dev20260603
libtpu: 0.0.44.dev20260713+nightly
codegen_flags: <defaults>
</compile_context>

<pallas_src>
import functools

import jax
import jax.numpy as jnp
from jax import lax
from jax.experimental import pallas as pl
from jax.experimental.pallas import tpu as pltpu
from jax.experimental.pallas import tpu_sc as plsc

N = 10000
E = 320000
D = 128
H = 4
DH = 32

NC = 2
NS = 16
NW = NC * NS
R = 320
NPAD = NW * R

S = 1600
NSTRIP = E // S
RC = 64
NGRP = S // 16

BLK = 1000
GRID = N // BLK


def _pre_body(x_ref, wc_ref, a_ref, wh_ref, s12_ref, gmax_ref):
    i = pl.program_id(0)
    wh = jax.lax.dot_general(
        x_ref[...], wc_ref[...], (((1,), (0,)), ((), ())),
        preferred_element_type=jnp.float32)
    s12 = jax.lax.dot_general(
        wh, a_ref[...], (((1,), (0,)), ((), ())),
        preferred_element_type=jnp.float32)
    wh_ref[...] = wh
    s12_ref[...] = s12
    cmax = jnp.max(s12, axis=0, keepdims=True)

    @pl.when(i == 0)
    def _():
        gmax_ref[...] = cmax

    @pl.when(i != 0)
    def _():
        gmax_ref[...] = jnp.maximum(gmax_ref[...], cmax)


def _pre_call(x, wc, a2col):
    return pl.pallas_call(
        _pre_body,
        grid=(GRID,),
        in_specs=[
            pl.BlockSpec((BLK, D), lambda i: (i, 0)),
            pl.BlockSpec((D, D), lambda i: (0, 0)),
            pl.BlockSpec((D, 2 * H), lambda i: (0, 0)),
        ],
        out_specs=[
            pl.BlockSpec((BLK, D), lambda i: (i, 0)),
            pl.BlockSpec((BLK, 2 * H), lambda i: (i, 0)),
            pl.BlockSpec((1, 2 * H), lambda i: (0, 0)),
        ],
        out_shape=[
            jax.ShapeDtypeStruct((N, D), jnp.float32),
            jax.ShapeDtypeStruct((N, 2 * H), jnp.float32),
            jax.ShapeDtypeStruct((1, 2 * H), jnp.float32),
        ],
    )(x, wc, a2col)


def _sc_body(src_hbm, dst_hbm, s1_hbm, s2_hbm, g_hbm, wh_hbm, out_hbm,
             s1_v, s2_v, num_v, den_v, srcs0_v, srcs1_v, dsts0_v, dsts1_v,
             wl_v, wlsrc_v, wldst_v, wlex_v, rows0_v, rows1_v, g_v,
             sem_s0, sem_s1, sem_d0, sem_d1, sem_r0, sem_r1):
    wid = lax.axis_index("s") * NC + lax.axis_index("c")
    lo = wid * R

    iota = lax.iota(jnp.int32, 16)
    iota4 = iota * 4
    mask4 = iota < 4
    zf = jnp.zeros((16,), jnp.float32)
    zi = jnp.zeros((16,), jnp.int32)

    pltpu.async_copy(src_hbm.at[pl.ds(0, S)], srcs0_v, sem_s0)
    pltpu.async_copy(dst_hbm.at[pl.ds(0, S)], dsts0_v, sem_d0)

    pltpu.sync_copy(s1_hbm, s1_v)
    pltpu.sync_copy(s2_hbm.at[pl.ds(lo * H, R * H)], s2_v)
    pltpu.sync_copy(g_hbm, g_v)

    gvec = g_v[...]
    gs = [jnp.full((16,), gvec[h], jnp.float32) for h in range(H)]
    lo_s = jnp.full((16,), lo, jnp.int32)
    hi_s = jnp.full((16,), lo + R, jnp.int32)

    @pl.loop(0, (R * D) // 16)
    def _(i):
        plsc.store_scatter(num_v, [i * 16 + iota], zf)

    @pl.loop(0, (R * H) // 16)
    def _(i):
        plsc.store_scatter(den_v, [i * 16 + iota], zf)

    @pl.loop(0, S // 16)
    def _(i):
        plsc.store_scatter(wlsrc_v, [i * 16 + iota], zi)

    @pl.loop(0, S // 16)
    def _(i):
        plsc.store_scatter(wldst_v, [i * 16 + iota], zi)

    @pl.loop(0, (S + 16) // 16)
    def _(i):
        plsc.store_scatter(wl_v, [i * 16 + iota], zi)

    def _process(srcs_v, dsts_v):
        def _scan(i, off):
            ids = i * 16 + iota
            dv = plsc.load_gather(dsts_v, [ids])
            m = jnp.logical_and(dv >= lo_s, dv < hi_s)
            plsc.store_compressed(wl_v.at[pl.ds(off, 16)], ids, mask=m)
            cnt = plsc.all_reduce_population_count(m)
            return off + cnt[0]

        m_cnt = pl.loop(0, NGRP, init_carry=jnp.int32(0), unroll=4)(_scan)

        ngrp2 = (m_cnt + 15) // 16

        def _mat(j):
            base = j * 16
            valid = (base + iota) < m_cnt
            ids = plsc.load_gather(wl_v, [base + iota])
            sv = plsc.load_gather(srcs_v, [ids])
            dv = plsc.load_gather(dsts_v, [ids])
            dl = jnp.where(valid, dv - lo_s, 0)
            plsc.store_scatter(wlsrc_v, [base + iota], sv)
            plsc.store_scatter(wldst_v, [base + iota], dl)
            for h in range(H):
                s1g = plsc.load_gather(s1_v, [sv * H + h])
                s2g = plsc.load_gather(s2_v, [dl * H + h])
                e = s1g + s2g
                e = jnp.where(e > 0, e, 0.2 * e)
                ex = jnp.exp(e - gs[h])
                plsc.store_scatter(wlex_v, [base * 4 + h + iota4], ex)

        pl.loop(0, ngrp2)(_mat)

        nchunk = (m_cnt + (RC - 1)) // RC

        def _gather(c, rbuf, sem):
            pltpu.async_copy(wh_hbm.at[wlsrc_v.at[pl.ds(c * RC, RC)]],
                             rbuf, sem)

        def _gwait(c, rbuf, sem):
            pltpu.make_async_copy(wh_hbm.at[wlsrc_v.at[pl.ds(c * RC, RC)]],
                                  rbuf, sem).wait()

        def _proc_chunk(c, rows_v):
            kmax = jnp.minimum(m_cnt - c * RC, RC)

            def _edge(k):
                p = c * RC + k
                pv = jnp.full((16,), p, jnp.int32)
                dsp = plsc.load_gather(wldst_v, [pv])
                exvec = wlex_v[pl.ds(p * 4, 16)]
                plsc.addupdate_scatter(
                    den_v, [dsp * H + iota], exvec, mask=mask4)
                obase = dsp * D
                krow = jnp.full((16,), k, jnp.int32)
                for h in range(H):
                    asp = plsc.load_gather(wlex_v, [pv * 4 + h])
                    for q in range(2):
                        col = h * DH + q * 16
                        rv = plsc.load_gather(rows_v, [krow, col + iota])
                        plsc.addupdate_scatter(
                            num_v, [obase + col + iota], rv * asp)

            pl.loop(0, kmax)(_edge)

        @pl.when(nchunk > 0)
        def _():
            _gather(0, rows0_v, sem_r0)

        def _cpair(v):
            c0 = 2 * v
            c1 = c0 + 1
            _gwait(c0, rows0_v, sem_r0)

            @pl.when(c1 < nchunk)
            def _():
                _gather(c1, rows1_v, sem_r1)

            _proc_chunk(c0, rows0_v)

            @pl.when(c1 < nchunk)
            def _():
                _gwait(c1, rows1_v, sem_r1)

                @pl.when(c1 + 1 < nchunk)
                def _():
                    _gather(c1 + 1, rows0_v, sem_r0)

                _proc_chunk(c1, rows1_v)

        pl.loop(0, (nchunk + 1) // 2)(_cpair)

    def _pair(u):
        t0 = 2 * u
        t1 = t0 + 1
        pltpu.make_async_copy(src_hbm.at[pl.ds(t0 * S, S)], srcs0_v,
                              sem_s0).wait()
        pltpu.make_async_copy(dst_hbm.at[pl.ds(t0 * S, S)], dsts0_v,
                              sem_d0).wait()
        pltpu.async_copy(src_hbm.at[pl.ds(t1 * S, S)], srcs1_v, sem_s1)
        pltpu.async_copy(dst_hbm.at[pl.ds(t1 * S, S)], dsts1_v, sem_d1)
        _process(srcs0_v, dsts0_v)
        pltpu.make_async_copy(src_hbm.at[pl.ds(t1 * S, S)], srcs1_v,
                              sem_s1).wait()
        pltpu.make_async_copy(dst_hbm.at[pl.ds(t1 * S, S)], dsts1_v,
                              sem_d1).wait()

        @pl.when(t1 + 1 < NSTRIP)
        def _():
            nxt = jnp.minimum(t1 + 1, NSTRIP - 1)
            pltpu.async_copy(src_hbm.at[pl.ds(nxt * S, S)], srcs0_v, sem_s0)
            pltpu.async_copy(dst_hbm.at[pl.ds(nxt * S, S)], dsts0_v, sem_d0)

        _process(srcs1_v, dsts1_v)

    pl.loop(0, NSTRIP // 2)(_pair)

    @pl.loop(0, R)
    def _fin(r):
        rv4 = jnp.full((16,), r * H, jnp.int32)
        for h in range(H):
            dsp = plsc.load_gather(den_v, [rv4 + h])
            isp = 1.0 / (dsp + 1e-16)
            for q in range(2):
                idx = r * D + h * DH + q * 16 + iota
                v = plsc.load_gather(num_v, [idx])
                plsc.store_scatter(num_v, [idx], v * isp)

    pltpu.sync_copy(num_v, out_hbm.at[pl.ds(lo * D, R * D)])


def _sc_call(src, dst, s1f, s2f, g16, wh):
    mesh = plsc.VectorSubcoreMesh(
        core_axis_name="c", subcore_axis_name="s",
        num_cores=NC, num_subcores=NS)
    kfn = pl.kernel(
        _sc_body,
        out_type=jax.ShapeDtypeStruct((NPAD * D,), jnp.float32),
        mesh=mesh,
        compiler_params=pltpu.CompilerParams(
            needs_layout_passes=False, use_tc_tiling_on_sc=False),
        scratch_types=[
            pltpu.VMEM((N * H,), jnp.float32),
            pltpu.VMEM((R * H,), jnp.float32),
            pltpu.VMEM((R * D,), jnp.float32),
            pltpu.VMEM((R * H + 16,), jnp.float32),
            pltpu.VMEM((S,), jnp.int32),
            pltpu.VMEM((S,), jnp.int32),
            pltpu.VMEM((S,), jnp.int32),
            pltpu.VMEM((S,), jnp.int32),
            pltpu.VMEM((S + 16,), jnp.int32),
            pltpu.VMEM((S,), jnp.int32),
            pltpu.VMEM((S + 16,), jnp.int32),
            pltpu.VMEM((H * S + 16,), jnp.float32),
            pltpu.VMEM((RC, D), jnp.float32),
            pltpu.VMEM((RC, D), jnp.float32),
            pltpu.VMEM((16,), jnp.float32),
            pltpu.SemaphoreType.DMA,
            pltpu.SemaphoreType.DMA,
            pltpu.SemaphoreType.DMA,
            pltpu.SemaphoreType.DMA,
            pltpu.SemaphoreType.DMA,
            pltpu.SemaphoreType.DMA,
        ],
    )
    return kfn(src, dst, s1f, s2f, g16, wh)


def _gru_body(h_ref, x_ref, wi_ref, wh_ref, bi_ref, bh_ref, out_ref):
    gi = jax.lax.dot_general(
        h_ref[...], wi_ref[...], (((1,), (0,)), ((), ())),
        preferred_element_type=jnp.float32) + bi_ref[...]
    gh = jax.lax.dot_general(
        x_ref[...], wh_ref[...], (((1,), (0,)), ((), ())),
        preferred_element_type=jnp.float32) + bh_ref[...]
    r = jax.nn.sigmoid(gi[:, :D] + gh[:, :D])
    z = jax.nn.sigmoid(gi[:, D:2 * D] + gh[:, D:2 * D])
    n = jnp.tanh(gi[:, 2 * D:] + r * gh[:, 2 * D:])
    out_ref[...] = (1.0 - z) * n + z * x_ref[...]


def _gru_call(hp, x, wiT, whT, bi, bh):
    return pl.pallas_call(
        _gru_body,
        grid=(GRID,),
        in_specs=[
            pl.BlockSpec((BLK, D), lambda i: (i, 0)),
            pl.BlockSpec((BLK, D), lambda i: (i, 0)),
            pl.BlockSpec((D, 3 * D), lambda i: (0, 0)),
            pl.BlockSpec((D, 3 * D), lambda i: (0, 0)),
            pl.BlockSpec((1, 3 * D), lambda i: (0, 0)),
            pl.BlockSpec((1, 3 * D), lambda i: (0, 0)),
        ],
        out_specs=pl.BlockSpec((BLK, D), lambda i: (i, 0)),
        out_shape=jax.ShapeDtypeStruct((N, D), jnp.float32),
    )(hp, x, wiT, whT, bi, bh)


@jax.jit
def kernel(x, edge_index, W, a, W_ih, W_hh, b_ih, b_hh):
    ei = edge_index.astype(jnp.int32)
    src = ei[0]
    dst = ei[1]

    wc = jnp.concatenate([W[h] for h in range(H)], axis=1)
    a1 = a[:, :DH, 0]
    a2 = a[:, DH:, 0]
    eye = jnp.eye(H, dtype=jnp.float32)
    A1 = jnp.einsum("hd,hk->hdk", a1, eye).reshape(D, H)
    A2 = jnp.einsum("hd,hk->hdk", a2, eye).reshape(D, H)
    a2col = jnp.concatenate([A1, A2], axis=1)

    wh, s12, gmax = _pre_call(x, wc, a2col)

    gsum = gmax[0, :H] + gmax[0, H:]
    g = jnp.where(gsum > 0, gsum, 0.2 * gsum)
    g16 = jnp.pad(g, (0, 16 - H)).astype(jnp.float32)

    s1f = s12[:, :H].reshape(-1)
    s2f = jnp.pad(s12[:, H:], ((0, NPAD - N), (0, 0))).reshape(-1)

    hp_flat = _sc_call(src, dst, s1f, s2f, g16, wh)
    hp = hp_flat.reshape(NPAD, D)[:N]

    out = _gru_call(hp, x, W_ih.T, W_hh.T,
                    b_ih.reshape(1, 3 * D), b_hh.reshape(1, 3 * D))
    return out

# --- scband reference (transcript-rebuilt; emitter-appended) ---
"""Pipeline reference for scband-cross-gat-40870908789102 (READ-ONLY COPY).

The authoritative reference and input builder live on the scoring server;
editing this copy changes nothing except your own understanding.
"""

import jax, jax.numpy as jnp
import numpy as np

N = 10000
E = 320000
D = 128
H = 4
DH = D // H  # 32


def setup_inputs(seed: int = 0) -> dict:
    key = jax.random.key(seed)
    ks = jax.random.split(key, 8)
    x = jax.random.normal(ks[0], (N, D), dtype=jnp.float32)
    edge_index = jax.random.randint(ks[1], (2, E), 0, N, dtype=jnp.int64)
    # Per-head GAT params: W [H, D, DH], a [H, 2*DH, 1] (xavier-ish scale)
    W = jax.random.normal(ks[2], (H, D, DH), dtype=jnp.float32) * (1.414 * (6.0 / (D + DH)) ** 0.5 / 1.73)
    a = jax.random.normal(ks[3], (H, 2 * DH, 1), dtype=jnp.float32) * 0.1
    # GRUCell params (torch layout): W_ih [3D, D], W_hh [3D, D], b_ih [3D], b_hh [3D]
    W_ih = jax.random.normal(ks[4], (3 * D, D), dtype=jnp.float32) * (1.0 / D ** 0.5)
    W_hh = jax.random.normal(ks[5], (3 * D, D), dtype=jnp.float32) * (1.0 / D ** 0.5)
    b_ih = jax.random.normal(ks[6], (3 * D,), dtype=jnp.float32) * 0.01
    b_hh = jax.random.normal(ks[7], (3 * D,), dtype=jnp.float32) * 0.01
    return {"x": x, "edge_index": edge_index, "W": W, "a": a,
            "W_ih": W_ih, "W_hh": W_hh, "b_ih": b_ih, "b_hh": b_hh}


def _gat_head(x, Wh_mat, a_vec, src, dst, alpha=0.2):
    Wh = x @ Wh_mat  # [N, DH]
    e1 = Wh @ a_vec[:DH, :]   # [N, 1]
    e2 = Wh @ a_vec[DH:, :]   # [N, 1]
    e = e1[src] + e2[dst]     # [E, 1]
    e = jnp.where(e > 0, e, alpha * e)  # leaky relu
    # segment softmax over incoming edges per dst node
    emax = jax.ops.segment_max(e, dst, num_segments=N)
    emax = jnp.where(jnp.isfinite(emax), emax, 0.0)
    ex = jnp.exp(e - emax[dst])
    esum = jax.ops.segment_sum(ex, dst, num_segments=N)
    attn = ex / (esum[dst] + 1e-16)   # [E, 1]
    h_prime = jax.ops.segment_sum(attn * Wh[src], dst, num_segments=N)  # [N, DH]
    return h_prime


def reference(x, edge_index, W, a, W_ih, W_hh, b_ih, b_hh):
    src = edge_index[0]
    dst = edge_index[1]
    heads = [_gat_head(x, W[h], a[h], src, dst) for h in range(H)]
    h = jnp.concatenate(heads, axis=1)  # [N, D] -- GRU input
    # torch.nn.GRUCell(input=h, hidden=x)
    gi = h @ W_ih.T + b_ih
    gh = x @ W_hh.T + b_hh
    i_r, i_z, i_n = gi[:, :D], gi[:, D:2 * D], gi[:, 2 * D:]
    h_r, h_z, h_n = gh[:, :D], gh[:, D:2 * D], gh[:, 2 * D:]
    r = jax.nn.sigmoid(i_r + h_r)
    z = jax.nn.sigmoid(i_z + h_z)
    n = jnp.tanh(i_n + r * h_n)
    out = (1.0 - z) * n + z * x
    return out

if __name__ == "__main__":
    import jax
    _d = setup_inputs()
    print(jax.jit(kernel)(*tuple(_d.values())))

</pallas_src>

<mosaic_0001>
#map = affine_map<(d0, d1) -> (0)>
#map1 = affine_map<(d0, d1) -> (0, 0)>
module attributes {stable_mosaic.version = 14 : i64} {
  func.func @_sc_body(%arg0: i32, %arg1: i32, %arg2: memref<320000xi32, #tpu.memory_space<hbm>>, %arg3: memref<320000xi32, #tpu.memory_space<hbm>>, %arg4: memref<40000xf32, #tpu.memory_space<hbm>>, %arg5: memref<40960xf32, #tpu.memory_space<hbm>>, %arg6: memref<16xf32, #tpu.memory_space<hbm>>, %arg7: memref<10000x128xf32, #tpu.memory_space<hbm>>, %arg8: memref<1310720xf32, #tpu.memory_space<hbm>>, %arg9: memref<40000xf32, #tpu.memory_space<vmem>>, %arg10: memref<1280xf32, #tpu.memory_space<vmem>>, %arg11: memref<40960xf32, #tpu.memory_space<vmem>>, %arg12: memref<1296xf32, #tpu.memory_space<vmem>>, %arg13: memref<1600xi32, #tpu.memory_space<vmem>>, %arg14: memref<1600xi32, #tpu.memory_space<vmem>>, %arg15: memref<1600xi32, #tpu.memory_space<vmem>>, %arg16: memref<1600xi32, #tpu.memory_space<vmem>>, %arg17: memref<1616xi32, #tpu.memory_space<vmem>>, %arg18: memref<1600xi32, #tpu.memory_space<vmem>>, %arg19: memref<1616xi32, #tpu.memory_space<vmem>>, %arg20: memref<6416xf32, #tpu.memory_space<vmem>>, %arg21: memref<64x128xf32, #tpu.memory_space<vmem>>, %arg22: memref<64x128xf32, #tpu.memory_space<vmem>>, %arg23: memref<16xf32, #tpu.memory_space<vmem>>, %arg24: memref<!tpu.dma_semaphore, #tpu.memory_space<semaphore_mem>>, %arg25: memref<!tpu.dma_semaphore, #tpu.memory_space<semaphore_mem>>, %arg26: memref<!tpu.dma_semaphore, #tpu.memory_space<semaphore_mem>>, %arg27: memref<!tpu.dma_semaphore, #tpu.memory_space<semaphore_mem>>, %arg28: memref<!tpu.dma_semaphore, #tpu.memory_space<semaphore_mem>>, %arg29: memref<!tpu.dma_semaphore, #tpu.memory_space<semaphore_mem>>) attributes {dimension_semantics = [#tpu.dimension_semantics<core_parallel>, #tpu.dimension_semantics<subcore_parallel>], iteration_bounds = array<i64: 2, 16>, scalar_prefetch = 0 : i64, scratch_operands = 21 : i64, tpu.core_type = #tpu.core_type<sc_vector_subcore>, window_params = [{transform_indices = #map}, {transform_indices = #map}, {transform_indices = #map}, {transform_indices = #map}, {transform_indices = #map}, {transform_indices = #map1}, {transform_indices = #map}]} {
    %mul3A = arith.constant 2 : i32
    %mul3A_0 = arith.muli %arg1, %mul3A : i32
    %add3A = arith.addi %mul3A_0, %arg0 : i32
    %mul3A_1 = arith.constant 320 : i32
    %mul3A_2 = arith.muli %add3A, %mul3A_1 : i32
    %iota3A = tpu.iota {dimensions = array<i32: 0>} : vector<16xi32>
    %mul3A_3 = arith.constant 4 : i32
    %mul3A_4 = vector.broadcast %mul3A_3 : i32 to vector<16xi32>
    %mul3A_5 = arith.muli %iota3A, %mul3A_4 : vector<16xi32>
    %lt3A = arith.constant 4 : i32
    %lt3A_6 = vector.broadcast %lt3A : i32 to vector<16xi32>
    %lt3A_7 = arith.cmpi slt, %iota3A, %lt3A_6 : vector<16xi32>
    %broadcast_in_dim3A = arith.constant 0.000000e+00 : f32
    %broadcast_in_dim3A_8 = vector.broadcast %broadcast_in_dim3A : f32 to vector<16xf32>
    %broadcast_in_dim3A_9 = arith.constant 0 : i32
    %broadcast_in_dim3A_10 = vector.broadcast %broadcast_in_dim3A_9 : i32 to vector<16xi32>
    %dma_start3A = arith.constant 0 : i32
    %dma_start3A_11 = tpu.memref_slice %arg2[%dma_start3A] : memref<320000xi32, #tpu.memory_space<hbm>> -> memref<1600xi32, #tpu.memory_space<hbm>>
    %dma_start3A_12 = arith.constant 0 : i32
    %dma_start3A_13 = tpu.memref_slice %arg2[%dma_start3A_12] : memref<320000xi32, #tpu.memory_space<hbm>> -> memref<1600xi32, #tpu.memory_space<hbm>>
    tpu.enqueue_dma source(%dma_start3A_13 : memref<1600xi32, #tpu.memory_space<hbm>>) target(%arg13 : memref<1600xi32, #tpu.memory_space<vmem>>) target_semaphore(%arg24 : memref<!tpu.dma_semaphore, #tpu.memory_space<semaphore_mem>>)
    %dma_start3A_14 = arith.constant 0 : i32
    %dma_start3A_15 = tpu.memref_slice %arg3[%dma_start3A_14] : memref<320000xi32, #tpu.memory_space<hbm>> -> memref<1600xi32, #tpu.memory_space<hbm>>
    %dma_start3A_16 = arith.constant 0 : i32
    %dma_start3A_17 = tpu.memref_slice %arg3[%dma_start3A_16] : memref<320000xi32, #tpu.memory_space<hbm>> -> memref<1600xi32, #tpu.memory_space<hbm>>
    tpu.enqueue_dma source(%dma_start3A_17 : memref<1600xi32, #tpu.memory_space<hbm>>) target(%arg15 : memref<1600xi32, #tpu.memory_space<vmem>>) target_semaphore(%arg26 : memref<!tpu.dma_semaphore, #tpu.memory_space<semaphore_mem>>)
    "tpu.region"() ({
      %run_scoped3A = tpu.sem_alloc : memref<!tpu.dma_semaphore, #tpu.memory_space<semaphore_mem>>
      tpu.enqueue_dma source(%arg4 : memref<40000xf32, #tpu.memory_space<hbm>>) target(%arg9 : memref<40000xf32, #tpu.memory_space<vmem>>) target_semaphore(%run_scoped3A : memref<!tpu.dma_semaphore, #tpu.memory_space<semaphore_mem>>)
      tpu.wait_dma2 semaphore(%run_scoped3A : memref<!tpu.dma_semaphore, #tpu.memory_space<semaphore_mem>>) src(%arg4 : memref<40000xf32, #tpu.memory_space<hbm>>) dst(%arg9 : memref<40000xf32, #tpu.memory_space<vmem>>)
      tpu.yield
    }) : () -> ()
    %mul3A_18 = arith.constant 4 : i32
    %mul3A_19 = arith.muli %mul3A_2, %mul3A_18 : i32
    "tpu.region"() ({
      %run_scoped3A = tpu.sem_alloc : memref<!tpu.dma_semaphore, #tpu.memory_space<semaphore_mem>>
      %dma_start3A_71 = tpu.memref_slice %arg5[%mul3A_19] : memref<40960xf32, #tpu.memory_space<hbm>> -> memref<1280xf32, #tpu.memory_space<hbm>>
      %dma_start3A_72 = tpu.memref_slice %arg5[%mul3A_19] : memref<40960xf32, #tpu.memory_space<hbm>> -> memref<1280xf32, #tpu.memory_space<hbm>>
      tpu.enqueue_dma source(%dma_start3A_72 : memref<1280xf32, #tpu.memory_space<hbm>>) target(%arg10 : memref<1280xf32, #tpu.memory_space<vmem>>) target_semaphore(%run_scoped3A : memref<!tpu.dma_semaphore, #tpu.memory_space<semaphore_mem>>)
      %dma_wait3A = tpu.memref_slice %arg5[%mul3A_19] : memref<40960xf32, #tpu.memory_space<hbm>> -> memref<1280xf32, #tpu.memory_space<hbm>>
      %dma_wait3A_73 = tpu.memref_slice %arg5[%mul3A_19] : memref<40960xf32, #tpu.memory_space<hbm>> -> memref<1280xf32, #tpu.memory_space<hbm>>
      tpu.wait_dma2 semaphore(%run_scoped3A : memref<!tpu.dma_semaphore, #tpu.memory_space<semaphore_mem>>) src(%dma_wait3A_73 : memref<1280xf32, #tpu.memory_space<hbm>>) dst(%arg10 : memref<1280xf32, #tpu.memory_space<vmem>>)
      tpu.yield
    }) : () -> ()
    "tpu.region"() ({
      %run_scoped3A = tpu.sem_alloc : memref<!tpu.dma_semaphore, #tpu.memory_space<semaphore_mem>>
      tpu.enqueue_dma source(%arg6 : memref<16xf32, #tpu.memory_space<hbm>>) target(%arg23 : memref<16xf32, #tpu.memory_space<vmem>>) target_semaphore(%run_scoped3A : memref<!tpu.dma_semaphore, #tpu.memory_space<semaphore_mem>>)
      tpu.wait_dma2 semaphore(%run_scoped3A : memref<!tpu.dma_semaphore, #tpu.memory_space<semaphore_mem>>) src(%arg6 : memref<16xf32, #tpu.memory_space<hbm>>) dst(%arg23 : memref<16xf32, #tpu.memory_space<vmem>>)
      tpu.yield
    }) : () -> ()
    %get3A = arith.constant 0 : index
    %get3A_20 = tpu.vector_load %arg23[%get3A] {strides = array<i32>} : memref<16xf32, #tpu.memory_space<vmem>>, vector<16xf32>,
    %slice3A = vector.extract_strided_slice %get3A_20 {offsets = [0], sizes = [1], strides = [1]} : vector<16xf32> to vector<1xf32>
    %squeeze3A = vector.extract %slice3A[0] : f32 from vector<1xf32>
    %broadcast_in_dim3A_21 = vector.broadcast %squeeze3A : f32 to vector<16xf32>
    %slice3A_22 = vector.extract_strided_slice %get3A_20 {offsets = [1], sizes = [1], strides = [1]} : vector<16xf32> to vector<1xf32>
    %squeeze3A_23 = vector.extract %slice3A_22[0] : f32 from vector<1xf32>
    %broadcast_in_dim3A_24 = vector.broadcast %squeeze3A_23 : f32 to vector<16xf32>
    %slice3A_25 = vector.extract_strided_slice %get3A_20 {offsets = [2], sizes = [1], strides = [1]} : vector<16xf32> to vector<1xf32>
    %squeeze3A_26 = vector.extract %slice3A_25[0] : f32 from vector<1xf32>
    %broadcast_in_dim3A_27 = vector.broadcast %squeeze3A_26 : f32 to vector<16xf32>
    %slice3A_28 = vector.extract_strided_slice %get3A_20 {offsets = [3], sizes = [1], strides = [1]} : vector<16xf32> to vector<1xf32>
    %squeeze3A_29 = vector.extract %slice3A_28[0] : f32 from vector<1xf32>
    %broadcast_in_dim3A_30 = vector.broadcast %squeeze3A_29 : f32 to vector<16xf32>
    %broadcast_in_dim3A_31 = vector.broadcast %mul3A_2 : i32 to vector<16xi32>
    %add3A_32 = arith.constant 320 : i32
    %add3A_33 = arith.addi %mul3A_2, %add3A_32 : i32
    %broadcast_in_dim3A_34 = vector.broadcast %add3A_33 : i32 to vector<16xi32>
    %scan3A = arith.constant 0 : i32
    %scan3A_35 = arith.constant 2560 : i32
    %scan3A_36 = arith.addi %scan3A, %scan3A_35 : i32
    %scan3A_37 = arith.constant 1 : i32
    scf.for %scan3A_71 = %scan3A to %scan3A_36 step %scan3A_37  : i32 {
      %mul3A_72 = arith.constant 1 : i32
      %mul3A_73 = arith.muli %scan3A_71, %mul3A_72 : i32
      %add3A_74 = arith.constant 0 : i32
      %add3A_75 = arith.addi %add3A_74, %mul3A_73 : i32
      %mul3A_76 = arith.constant 16 : i32
      %mul3A_77 = arith.muli %add3A_75, %mul3A_76 : i32
      %add3A_78 = vector.broadcast %mul3A_77 : i32 to vector<16xi32>
      %add3A_79 = arith.addi %add3A_78, %iota3A : vector<16xi32>
      tpu.vector_store_idx %arg11[%add3A_79], %broadcast_in_dim3A_8 : memref<40960xf32, #tpu.memory_space<vmem>>[vector<16xi32>], vector<16xf32>,
    }
    %scan3A_38 = arith.constant 2560 : i32
    %scan3A_39 = arith.constant 0 : i32
    %scan3A_40 = arith.constant 80 : i32
    %scan3A_41 = arith.addi %scan3A_39, %scan3A_40 : i32
    %scan3A_42 = arith.constant 1 : i32
    scf.for %scan3A_71 = %scan3A_39 to %scan3A_41 step %scan3A_42  : i32 {
      %mul3A_72 = arith.constant 1 : i32
      %mul3A_73 = arith.muli %scan3A_71, %mul3A_72 : i32
      %add3A_74 = arith.constant 0 : i32
      %add3A_75 = arith.addi %add3A_74, %mul3A_73 : i32
      %mul3A_76 = arith.constant 16 : i32
      %mul3A_77 = arith.muli %add3A_75, %mul3A_76 : i32
      %add3A_78 = vector.broadcast %mul3A_77 : i32 to vector<16xi32>
      %add3A_79 = arith.addi %add3A_78, %iota3A : vector<16xi32>
      tpu.vector_store_idx %arg12[%add3A_79], %broadcast_in_dim3A_8 : memref<1296xf32, #tpu.memory_space<vmem>>[vector<16xi32>], vector<16xf32>,
    }
    %scan3A_43 = arith.constant 80 : i32
    %scan3A_44 = arith.constant 0 : i32
    %scan3A_45 = arith.constant 100 : i32
    %scan3A_46 = arith.addi %scan3A_44, %scan3A_45 : i32
    %scan3A_47 = arith.constant 1 : i32
    scf.for %scan3A_71 = %scan3A_44 to %scan3A_46 step %scan3A_47  : i32 {
      %mul3A_72 = arith.constant 1 : i32
      %mul3A_73 = arith.muli %scan3A_71, %mul3A_72 : i32
      %add3A_74 = arith.constant 0 : i32
      %add3A_75 = arith.addi %add3A_74, %mul3A_73 : i32
      %mul3A_76 = arith.constant 16 : i32
      %mul3A_77 = arith.muli %add3A_75, %mul3A_76 : i32
      %add3A_78 = vector.broadcast %mul3A_77 : i32 to vector<16xi32>
      %add3A_79 = arith.addi %add3A_78, %iota3A : vector<16xi32>
      tpu.vector_store_idx %arg18[%add3A_79], %broadcast_in_dim3A_10 : memref<1600xi32, #tpu.memory_space<vmem>>[vector<16xi32>], vector<16xi32>,
    }
    %scan3A_48 = arith.constant 100 : i32
    %scan3A_49 = arith.constant 0 : i32
    %scan3A_50 = arith.constant 100 : i32
    %scan3A_51 = arith.addi %scan3A_49, %scan3A_50 : i32
    %scan3A_52 = arith.constant 1 : i32
    scf.for %scan3A_71 = %scan3A_49 to %scan3A_51 step %scan3A_52  : i32 {
      %mul3A_72 = arith.constant 1 : i32
      %mul3A_73 = arith.muli %scan3A_71, %mul3A_72 : i32
      %add3A_74 = arith.constant 0 : i32
      %add3A_75 = arith.addi %add3A_74, %mul3A_73 : i32
      %mul3A_76 = arith.constant 16 : i32
      %mul3A_77 = arith.muli %add3A_75, %mul3A_76 : i32
      %add3A_78 = vector.broadcast %mul3A_77 : i32 to vector<16xi32>
      %add3A_79 = arith.addi %add3A_78, %iota3A : vector<16xi32>
      tpu.vector_store_idx %arg19[%add3A_79], %broadcast_in_dim3A_10 : memref<1616xi32, #tpu.memory_space<vmem>>[vector<16xi32>], vector<16xi32>,
    }
    %scan3A_53 = arith.constant 100 : i32
    %scan3A_54 = arith.constant 0 : i32
    %scan3A_55 = arith.constant 101 : i32
    %scan3A_56 = arith.addi %scan3A_54, %scan3A_55 : i32
    %scan3A_57 = arith.constant 1 : i32
    scf.for %scan3A_71 = %scan3A_54 to %scan3A_56 step %scan3A_57  : i32 {
      %mul3A_72 = arith.constant 1 : i32
      %mul3A_73 = arith.muli %scan3A_71, %mul3A_72 : i32
      %add3A_74 = arith.constant 0 : i32
      %add3A_75 = arith.addi %add3A_74, %mul3A_73 : i32
      %mul3A_76 = arith.constant 16 : i32
      %mul3A_77 = arith.muli %add3A_75, %mul3A_76 : i32
      %add3A_78 = vector.broadcast %mul3A_77 : i32 to vector<16xi32>
      %add3A_79 = arith.addi %add3A_78, %iota3A : vector<16xi32>
      tpu.vector_store_idx %arg17[%add3A_79], %broadcast_in_dim3A_10 : memref<1616xi32, #tpu.memory_space<vmem>>[vector<16xi32>], vector<16xi32>,
    }
    %scan3A_58 = arith.constant 101 : i32
    %scan3A_59 = arith.constant 0 : i32
    %scan3A_60 = arith.constant 100 : i32
    %scan3A_61 = arith.addi %scan3A_59, %scan3A_60 : i32
    %scan3A_62 = arith.constant 1 : i32
    scf.for %scan3A_71 = %scan3A_59 to %scan3A_61 step %scan3A_62  : i32 {
      %mul3A_72 = arith.constant 1 : i32
      %mul3A_73 = arith.muli %scan3A_71, %mul3A_72 : i32
      %add3A_74 = arith.constant 0 : i32
      %add3A_75 = arith.addi %add3A_74, %mul3A_73 : i32
      %mul3A_76 = arith.constant 2 : i32
      %mul3A_77 = arith.muli %mul3A_76, %add3A_75 : i32
      %add3A_78 = arith.constant 1 : i32
      %add3A_79 = arith.addi %mul3A_77, %add3A_78 : i32
      %mul3A_80 = arith.constant 1600 : i32
      %mul3A_81 = arith.muli %mul3A_77, %mul3A_80 : i32
      %dma_wait3A = tpu.memref_slice %arg2[%mul3A_81] : memref<320000xi32, #tpu.memory_space<hbm>> -> memref<1600xi32, #tpu.memory_space<hbm>>
      %dma_wait3A_82 = tpu.memref_slice %arg2[%mul3A_81] : memref<320000xi32, #tpu.memory_space<hbm>> -> memref<1600xi32, #tpu.memory_space<hbm>>
      tpu.wait_dma2 semaphore(%arg24 : memref<!tpu.dma_semaphore, #tpu.memory_space<semaphore_mem>>) src(%dma_wait3A_82 : memref<1600xi32, #tpu.memory_space<hbm>>) dst(%arg13 : memref<1600xi32, #tpu.memory_space<vmem>>)
      %mul3A_83 = arith.constant 1600 : i32
      %mul3A_84 = arith.muli %mul3A_77, %mul3A_83 : i32
      %dma_wait3A_85 = tpu.memref_slice %arg3[%mul3A_84] : memref<320000xi32, #tpu.memory_space<hbm>> -> memref<1600xi32, #tpu.memory_space<hbm>>
      %dma_wait3A_86 = tpu.memref_slice %arg3[%mul3A_84] : memref<320000xi32, #tpu.memory_space<hbm>> -> memref<1600xi32, #tpu.memory_space<hbm>>
      tpu.wait_dma2 semaphore(%arg26 : memref<!tpu.dma_semaphore, #tpu.memory_space<semaphore_mem>>) src(%dma_wait3A_86 : memref<1600xi32, #tpu.memory_space<hbm>>) dst(%arg15 : memref<1600xi32, #tpu.memory_space<vmem>>)
      %mul3A_87 = arith.constant 1600 : i32
      %mul3A_88 = arith.muli %add3A_79, %mul3A_87 : i32
      %dma_start3A_89 = tpu.memref_slice %arg2[%mul3A_88] : memref<320000xi32, #tpu.memory_space<hbm>> -> memref<1600xi32, #tpu.memory_space<hbm>>
      %dma_start3A_90 = tpu.memref_slice %arg2[%mul3A_88] : memref<320000xi32, #tpu.memory_space<hbm>> -> memref<1600xi32, #tpu.memory_space<hbm>>
      tpu.enqueue_dma source(%dma_start3A_90 : memref<1600xi32, #tpu.memory_space<hbm>>) target(%arg14 : memref<1600xi32, #tpu.memory_space<vmem>>) target_semaphore(%arg25 : memref<!tpu.dma_semaphore, #tpu.memory_space<semaphore_mem>>)
      %mul3A_91 = arith.constant 1600 : i32
      %mul3A_92 = arith.muli %add3A_79, %mul3A_91 : i32
      %dma_start3A_93 = tpu.memref_slice %arg3[%mul3A_92] : memref<320000xi32, #tpu.memory_space<hbm>> -> memref<1600xi32, #tpu.memory_space<hbm>>
      %dma_start3A_94 = tpu.memref_slice %arg3[%mul3A_92] : memref<320000xi32, #tpu.memory_space<hbm>> -> memref<1600xi32, #tpu.memory_space<hbm>>
      tpu.enqueue_dma source(%dma_start3A_94 : memref<1600xi32, #tpu.memory_space<hbm>>) target(%arg16 : memref<1600xi32, #tpu.memory_space<vmem>>) target_semaphore(%arg27 : memref<!tpu.dma_semaphore, #tpu.memory_space<semaphore_mem>>)
      %scan3A_95 = arith.constant 0 : i32
      %scan3A_96 = arith.constant 0 : i32
      %scan3A_97 = arith.constant 100 : i32
      %scan3A_98 = arith.addi %scan3A_96, %scan3A_97 : i32
      %scan3A_99 = arith.constant 4 : i32
      %scan3A_100 = scf.for %scan3A_354 = %scan3A_96 to %scan3A_98 step %scan3A_99 iter_args(%scan3A_355 = %scan3A_95) -> (i32)  : i32 {
        %mul3A_356 = arith.constant 1 : i32
        %mul3A_357 = arith.muli %scan3A_354, %mul3A_356 : i32
        %add3A_358 = arith.constant 0 : i32
        %add3A_359 = arith.addi %add3A_358, %mul3A_357 : i32
        %mul3A_360 = arith.constant 16 : i32
        %mul3A_361 = arith.muli %add3A_359, %mul3A_360 : i32
        %add3A_362 = vector.broadcast %mul3A_361 : i32 to vector<16xi32>
        %add3A_363 = arith.addi %add3A_362, %iota3A : vector<16xi32>
        %gather3A = tpu.vector_load_idx %arg15[%add3A_363] : memref<1600xi32, #tpu.memory_space<vmem>>[vector<16xi32>], vector<16xi32>,
        %ge3A = arith.cmpi sge, %gather3A, %broadcast_in_dim3A_31 : vector<16xi32>
        %lt3A_364 = arith.cmpi slt, %gather3A, %broadcast_in_dim3A_34 : vector<16xi32>
        %and3A_365 = arith.andi %ge3A, %lt3A_364 : vector<16xi1>
        %swap3A = arith.index_cast %scan3A_355 : i32 to index
        %swap3A_366 = tpu.vector_load %arg17[%swap3A] masked %and3A_365 {strides = array<i32>} : memref<1616xi32, #tpu.memory_space<vmem>>, vector<16xi32>, vector<16xi1>
        tpu.vector_store %arg17[%swap3A], %add3A_363 masked %and3A_365 {strides = array<i32>} : memref<1616xi32, #tpu.memory_space<vmem>>, vector<16xi32>, vector<16xi1>
        %all_reduce_population_count3A = tpu.all_reduce %and3A_365 {dim = 0 : i64, kind = #tpu.reduction_kind<sum>} : vector<16xi1> -> vector<16xi32>
        %slice3A_367 = vector.extract_strided_slice %all_reduce_population_count3A {offsets = [0], sizes = [1], strides = [1]} : vector<16xi32> to vector<1xi32>
        %squeeze3A_368 = vector.extract %slice3A_367[0] : i32 from vector<1xi32>
        %add3A_369 = arith.addi %scan3A_355, %squeeze3A_368 : i32
        %scan3A_370 = arith.constant 1 : i32
        %scan3A_371 = arith.addi %scan3A_354, %scan3A_370 : i32
        %mul3A_372 = arith.constant 1 : i32
        %mul3A_373 = arith.muli %scan3A_371, %mul3A_372 : i32
        %add3A_374 = arith.constant 0 : i32
        %add3A_375 = arith.addi %add3A_374, %mul3A_373 : i32
        %mul3A_376 = arith.constant 16 : i32
        %mul3A_377 = arith.muli %add3A_375, %mul3A_376 : i32
        %add3A_378 = vector.broadcast %mul3A_377 : i32 to vector<16xi32>
        %add3A_379 = arith.addi %add3A_378, %iota3A : vector<16xi32>
        %gather3A_380 = tpu.vector_load_idx %arg15[%add3A_379] : memref<1600xi32, #tpu.memory_space<vmem>>[vector<16xi32>], vector<16xi32>,
        %ge3A_381 = arith.cmpi sge, %gather3A_380, %broadcast_in_dim3A_31 : vector<16xi32>
        %lt3A_382 = arith.cmpi slt, %gather3A_380, %broadcast_in_dim3A_34 : vector<16xi32>
        %and3A_383 = arith.andi %ge3A_381, %lt3A_382 : vector<16xi1>
        %swap3A_384 = arith.index_cast %add3A_369 : i32 to index
        %swap3A_385 = tpu.vector_load %arg17[%swap3A_384] masked %and3A_383 {strides = array<i32>} : memref<1616xi32, #tpu.memory_space<vmem>>, vector<16xi32>, vector<16xi1>
        tpu.vector_store %arg17[%swap3A_384], %add3A_379 masked %and3A_383 {strides = array<i32>} : memref<1616xi32, #tpu.memory_space<vmem>>, vector<16xi32>, vector<16xi1>
        %all_reduce_population_count3A_386 = tpu.all_reduce %and3A_383 {dim = 0 : i64, kind = #tpu.reduction_kind<sum>} : vector<16xi1> -> vector<16xi32>
        %slice3A_387 = vector.extract_strided_slice %all_reduce_population_count3A_386 {offsets = [0], sizes = [1], strides = [1]} : vector<16xi32> to vector<1xi32>
        %squeeze3A_388 = vector.extract %slice3A_387[0] : i32 from vector<1xi32>
        %add3A_389 = arith.addi %add3A_369, %squeeze3A_388 : i32
        %scan3A_390 = arith.constant 2 : i32
        %scan3A_391 = arith.addi %scan3A_354, %scan3A_390 : i32
        %mul3A_392 = arith.constant 1 : i32
        %mul3A_393 = arith.muli %scan3A_391, %mul3A_392 : i32
        %add3A_394 = arith.constant 0 : i32
        %add3A_395 = arith.addi %add3A_394, %mul3A_393 : i32
        %mul3A_396 = arith.constant 16 : i32
        %mul3A_397 = arith.muli %add3A_395, %mul3A_396 : i32
        %add3A_398 = vector.broadcast %mul3A_397 : i32 to vector<16xi32>
        %add3A_399 = arith.addi %add3A_398, %iota3A : vector<16xi32>
        %gather3A_400 = tpu.vector_load_idx %arg15[%add3A_399] : memref<1600xi32, #tpu.memory_space<vmem>>[vector<16xi32>], vector<16xi32>,
        %ge3A_401 = arith.cmpi sge, %gather3A_400, %broadcast_in_dim3A_31 : vector<16xi32>
        %lt3A_402 = arith.cmpi slt, %gather3A_400, %broadcast_in_dim3A_34 : vector<16xi32>
        %and3A_403 = arith.andi %ge3A_401, %lt3A_402 : vector<16xi1>
        %swap3A_404 = arith.index_cast %add3A_389 : i32 to index
        %swap3A_405 = tpu.vector_load %arg17[%swap3A_404] masked %and3A_403 {strides = array<i32>} : memref<1616xi32, #tpu.memory_space<vmem>>, vector<16xi32>, vector<16xi1>
        tpu.vector_store %arg17[%swap3A_404], %add3A_399 masked %and3A_403 {strides = array<i32>} : memref<1616xi32, #tpu.memory_space<vmem>>, vector<16xi32>, vector<16xi1>
        %all_reduce_population_count3A_406 = tpu.all_reduce %and3A_403 {dim = 0 : i64, kind = #tpu.reduction_kind<sum>} : vector<16xi1> -> vector<16xi32>
        %slice3A_407 = vector.extract_strided_slice %all_reduce_population_count3A_406 {offsets = [0], sizes = [1], strides = [1]} : vector<16xi32> to vector<1xi32>
        %squeeze3A_408 = vector.extract %slice3A_407[0] : i32 from vector<1xi32>
        %add3A_409 = arith.addi %add3A_389, %squeeze3A_408 : i32
        %scan3A_410 = arith.constant 3 : i32
        %scan3A_411 = arith.addi %scan3A_354, %scan3A_410 : i32
        %mul3A_412 = arith.constant 1 : i32
        %mul3A_413 = arith.muli %scan3A_411, %mul3A_412 : i32
        %add3A_414 = arith.constant 0 : i32
        %add3A_415 = arith.addi %add3A_414, %mul3A_413 : i32
        %mul3A_416 = arith.constant 16 : i32
        %mul3A_417 = arith.muli %add3A_415, %mul3A_416 : i32
        %add3A_418 = vector.broadcast %mul3A_417 : i32 to vector<16xi32>
        %add3A_419 = arith.addi %add3A_418, %iota3A : vector<16xi32>
        %gather3A_420 = tpu.vector_load_idx %arg15[%add3A_419] : memref<1600xi32, #tpu.memory_space<vmem>>[vector<16xi32>], vector<16xi32>,
        %ge3A_421 = arith.cmpi sge, %gather3A_420, %broadcast_in_dim3A_31 : vector<16xi32>
        %lt3A_422 = arith.cmpi slt, %gather3A_420, %broadcast_in_dim3A_34 : vector<16xi32>
        %and3A_423 = arith.andi %ge3A_421, %lt3A_422 : vector<16xi1>
        %swap3A_424 = arith.index_cast %add3A_409 : i32 to index
        %swap3A_425 = tpu.vector_load %arg17[%swap3A_424] masked %and3A_423 {strides = array<i32>} : memref<1616xi32, #tpu.memory_space<vmem>>, vector<16xi32>, vector<16xi1>
        tpu.vector_store %arg17[%swap3A_424], %add3A_419 masked %and3A_423 {strides = array<i32>} : memref<1616xi32, #tpu.memory_space<vmem>>, vector<16xi32>, vector<16xi1>
        %all_reduce_population_count3A_426 = tpu.all_reduce %and3A_423 {dim = 0 : i64, kind = #tpu.reduction_kind<sum>} : vector<16xi1> -> vector<16xi32>
        %slice3A_427 = vector.extract_strided_slice %all_reduce_population_count3A_426 {offsets = [0], sizes = [1], strides = [1]} : vector<16xi32> to vector<1xi32>
        %squeeze3A_428 = vector.extract %slice3A_427[0] : i32 from vector<1xi32>
        %add3A_429 = arith.addi %add3A_409, %squeeze3A_428 : i32
        scf.yield %add3A_429 : i32
      }
      %scan3A_101 = arith.constant 100 : i32
      %add3A_102 = arith.constant 15 : i32
      %add3A_103 = arith.addi %scan3A_100, %add3A_102 : i32
      %jit3A = arith.constant 16 : i32
      %div3A = arith.divsi %add3A_103, %jit3A : i32
      %sign3A = arith.constant 0 : i32
      %sign3A_104 = arith.cmpi sgt, %add3A_103, %sign3A : i32
      %sign3A_105 = arith.extui %sign3A_104 : i1 to i32
      %sign3A_106 = arith.constant 0 : i32
      %sign3A_107 = arith.cmpi slt, %add3A_103, %sign3A_106 : i32
      %sign3A_108 = arith.extui %sign3A_107 : i1 to i32
      %sign3A_109 = arith.subi %sign3A_105, %sign3A_108 : i32
      %sign3A_110 = arith.constant 0 : i32
      %sign3A_111 = arith.cmpi sgt, %jit3A, %sign3A_110 : i32
      %sign3A_112 = arith.extui %sign3A_111 : i1 to i32
      %sign3A_113 = arith.constant 0 : i32
      %sign3A_114 = arith.cmpi slt, %jit3A, %sign3A_113 : i32
      %sign3A_115 = arith.extui %sign3A_114 : i1 to i32
      %sign3A_116 = arith.subi %sign3A_112, %sign3A_115 : i32
      %ne3A = arith.cmpi ne, %sign3A_109, %sign3A_116 : i32
      %rem3A = arith.remsi %add3A_103, %jit3A : i32
      %ne3A_117 = arith.constant 0 : i32
      %ne3A_118 = arith.cmpi ne, %rem3A, %ne3A_117 : i32
      %and3A = arith.andi %ne3A, %ne3A_118 : i1
      %sub3A = arith.constant 1 : i32
      %sub3A_119 = arith.subi %div3A, %sub3A : i32
      %select_n3A = arith.select %and3A, %sub3A_119, %div3A : i32
      %sub3A_120 = arith.constant 0 : i32
      %sub3A_121 = arith.subi %select_n3A, %sub3A_120 : i32
      %sub3A_122 = arith.constant 1 : i32
      %sub3A_123 = arith.constant 1 : i32
      %sub3A_124 = arith.subi %sub3A_122, %sub3A_123 : i32
      %add3A_125 = arith.addi %sub3A_121, %sub3A_124 : i32
      %div3A_126 = arith.constant 1 : i32
      %div3A_127 = arith.divsi %add3A_125, %div3A_126 : i32
      %while3A = arith.constant 1 : i32
      %while3A_128 = arith.constant 0 : i32
      %while3A_129 = arith.constant 0 : i32
      %while3A_130 = arith.subi %div3A_127, %while3A_129 : i32
      %while3A_131 = arith.addi %while3A_129, %while3A_130 : i32
      %while3A_132 = arith.constant 1 : i32
      %while3A_133 = arith.divsi %while3A_130, %while3A_132 : i32
      %while3A_134 = arith.muli %while3A_133, %while3A_132 : i32
      %while3A_135 = arith.addi %while3A_129, %while3A_134 : i32
      %while3A_136 = arith.constant 1 : i32
      scf.for %while3A_354 = %while3A_129 to %while3A_135 step %while3A_136  : i32 {
        %mul3A_355 = arith.muli %while3A_354, %while3A : i32
        %add3A_356 = arith.addi %while3A_128, %mul3A_355 : i32
        %mul3A_357 = arith.constant 16 : i32
        %mul3A_358 = arith.muli %add3A_356, %mul3A_357 : i32
        %add3A_359 = vector.broadcast %mul3A_358 : i32 to vector<16xi32>
        %add3A_360 = arith.addi %add3A_359, %iota3A : vector<16xi32>
        %lt3A_361 = vector.broadcast %scan3A_100 : i32 to vector<16xi32>
        %lt3A_362 = arith.cmpi slt, %add3A_360, %lt3A_361 : vector<16xi32>
        %add3A_363 = vector.broadcast %mul3A_358 : i32 to vector<16xi32>
        %add3A_364 = arith.addi %add3A_363, %iota3A : vector<16xi32>
        %gather3A = tpu.vector_load_idx %arg17[%add3A_364] : memref<1616xi32, #tpu.memory_space<vmem>>[vector<16xi32>], vector<16xi32>,
        %gather3A_365 = tpu.vector_load_idx %arg13[%gather3A] : memref<1600xi32, #tpu.memory_space<vmem>>[vector<16xi32>], vector<16xi32>,
        %gather3A_366 = tpu.vector_load_idx %arg15[%gather3A] : memref<1600xi32, #tpu.memory_space<vmem>>[vector<16xi32>], vector<16xi32>,
        %sub3A_367 = arith.subi %gather3A_366, %broadcast_in_dim3A_31 : vector<16xi32>
        %jit3A_368 = arith.constant 0 : i32
        %broadcast_in_dim3A_369 = vector.broadcast %jit3A_368 : i32 to vector<16xi32>
        %select_n3A_370 = arith.select %lt3A_362, %sub3A_367, %broadcast_in_dim3A_369 : vector<16xi1>, vector<16xi32>
        %add3A_371 = vector.broadcast %mul3A_358 : i32 to vector<16xi32>
        %add3A_372 = arith.addi %add3A_371, %iota3A : vector<16xi32>
        tpu.vector_store_idx %arg18[%add3A_372], %gather3A_365 : memref<1600xi32, #tpu.memory_space<vmem>>[vector<16xi32>], vector<16xi32>,
        %add3A_373 = vector.broadcast %mul3A_358 : i32 to vector<16xi32>
        %add3A_374 = arith.addi %add3A_373, %iota3A : vector<16xi32>
        tpu.vector_store_idx %arg19[%add3A_374], %select_n3A_370 : memref<1616xi32, #tpu.memory_space<vmem>>[vector<16xi32>], vector<16xi32>,
        %mul3A_375 = arith.constant 4 : i32
        %mul3A_376 = vector.broadcast %mul3A_375 : i32 to vector<16xi32>
        %mul3A_377 = arith.muli %gather3A_365, %mul3A_376 : vector<16xi32>
        %add3A_378 = arith.constant 0 : i32
        %add3A_379 = vector.broadcast %add3A_378 : i32 to vector<16xi32>
        %add3A_380 = arith.addi %mul3A_377, %add3A_379 : vector<16xi32>
        %gather3A_381 = tpu.vector_load_idx %arg9[%add3A_380] : memref<40000xf32, #tpu.memory_space<vmem>>[vector<16xi32>], vector<16xf32>,
        %mul3A_382 = arith.constant 4 : i32
        %mul3A_383 = vector.broadcast %mul3A_382 : i32 to vector<16xi32>
        %mul3A_384 = arith.muli %select_n3A_370, %mul3A_383 : vector<16xi32>
        %add3A_385 = arith.constant 0 : i32
        %add3A_386 = vector.broadcast %add3A_385 : i32 to vector<16xi32>
        %add3A_387 = arith.addi %mul3A_384, %add3A_386 : vector<16xi32>
        %gather3A_388 = tpu.vector_load_idx %arg10[%add3A_387] : memref<1280xf32, #tpu.memory_space<vmem>>[vector<16xi32>], vector<16xf32>,
        %add3A_389 = arith.addf %gather3A_381, %gather3A_388 : vector<16xf32>
        %gt3A_390 = arith.constant 0.000000e+00 : f32
        %gt3A_391 = vector.broadcast %gt3A_390 : f32 to vector<16xf32>
        %gt3A_392 = arith.cmpf ogt, %add3A_389, %gt3A_391 : vector<16xf32>
        %mul3A_393 = arith.constant 2.000000e-01 : f32
        %mul3A_394 = vector.broadcast %mul3A_393 : f32 to vector<16xf32>
        %mul3A_395 = arith.mulf %mul3A_394, %add3A_389 : vector<16xf32>
        %select_n3A_396 = arith.select %gt3A_392, %add3A_389, %mul3A_395 : vector<16xi1>, vector<16xf32>
        %sub3A_397 = arith.subf %select_n3A_396, %broadcast_in_dim3A_21 : vector<16xf32>
        %exp3A = math.exp %sub3A_397 : vector<16xf32>
        %mul3A_398 = arith.constant 4 : i32
        %mul3A_399 = arith.muli %mul3A_358, %mul3A_398 : i32
        %add3A_400 = arith.constant 0 : i32
        %add3A_401 = arith.addi %mul3A_399, %add3A_400 : i32
        %add3A_402 = vector.broadcast %add3A_401 : i32 to vector<16xi32>
        %add3A_403 = arith.addi %add3A_402, %mul3A_5 : vector<16xi32>
        tpu.vector_store_idx %arg20[%add3A_403], %exp3A : memref<6416xf32, #tpu.memory_space<vmem>>[vector<16xi32>], vector<16xf32>,
        %mul3A_404 = arith.constant 4 : i32
        %mul3A_405 = vector.broadcast %mul3A_404 : i32 to vector<16xi32>
        %mul3A_406 = arith.muli %gather3A_365, %mul3A_405 : vector<16xi32>
        %add3A_407 = arith.constant 1 : i32
        %add3A_408 = vector.broadcast %add3A_407 : i32 to vector<16xi32>
        %add3A_409 = arith.addi %mul3A_406, %add3A_408 : vector<16xi32>
        %gather3A_410 = tpu.vector_load_idx %arg9[%add3A_409] : memref<40000xf32, #tpu.memory_space<vmem>>[vector<16xi32>], vector<16xf32>,
        %mul3A_411 = arith.constant 4 : i32
        %mul3A_412 = vector.broadcast %mul3A_411 : i32 to vector<16xi32>
        %mul3A_413 = arith.muli %select_n3A_370, %mul3A_412 : vector<16xi32>
        %add3A_414 = arith.constant 1 : i32
        %add3A_415 = vector.broadcast %add3A_414 : i32 to vector<16xi32>
        %add3A_416 = arith.addi %mul3A_413, %add3A_415 : vector<16xi32>
        %gather3A_417 = tpu.vector_load_idx %arg10[%add3A_416] : memref<1280xf32, #tpu.memory_space<vmem>>[vector<16xi32>], vector<16xf32>,
        %add3A_418 = arith.addf %gather3A_410, %gather3A_417 : vector<16xf32>
        %gt3A_419 = arith.constant 0.000000e+00 : f32
        %gt3A_420 = vector.broadcast %gt3A_419 : f32 to vector<16xf32>
        %gt3A_421 = arith.cmpf ogt, %add3A_418, %gt3A_420 : vector<16xf32>
        %mul3A_422 = arith.constant 2.000000e-01 : f32
        %mul3A_423 = vector.broadcast %mul3A_422 : f32 to vector<16xf32>
        %mul3A_424 = arith.mulf %mul3A_423, %add3A_418 : vector<16xf32>
        %select_n3A_425 = arith.select %gt3A_421, %add3A_418, %mul3A_424 : vector<16xi1>, vector<16xf32>
        %sub3A_426 = arith.subf %select_n3A_425, %broadcast_in_dim3A_24 : vector<16xf32>
        %exp3A_427 = math.exp %sub3A_426 : vector<16xf32>
        %mul3A_428 = arith.constant 4 : i32
        %mul3A_429 = arith.muli %mul3A_358, %mul3A_428 : i32
        %add3A_430 = arith.constant 1 : i32
        %add3A_431 = arith.addi %mul3A_429, %add3A_430 : i32
        %add3A_432 = vector.broadcast %add3A_431 : i32 to vector<16xi32>
        %add3A_433 = arith.addi %add3A_432, %mul3A_5 : vector<16xi32>
        tpu.vector_store_idx %arg20[%add3A_433], %exp3A_427 : memref<6416xf32, #tpu.memory_space<vmem>>[vector<16xi32>], vector<16xf32>,
        %mul3A_434 = arith.constant 4 : i32
        %mul3A_435 = vector.broadcast %mul3A_434 : i32 to vector<16xi32>
        %mul3A_436 = arith.muli %gather3A_365, %mul3A_435 : vector<16xi32>
        %add3A_437 = arith.constant 2 : i32
        %add3A_438 = vector.broadcast %add3A_437 : i32 to vector<16xi32>
        %add3A_439 = arith.addi %mul3A_436, %add3A_438 : vector<16xi32>
        %gather3A_440 = tpu.vector_load_idx %arg9[%add3A_439] : memref<40000xf32, #tpu.memory_space<vmem>>[vector<16xi32>], vector<16xf32>,
        %mul3A_441 = arith.constant 4 : i32
        %mul3A_442 = vector.broadcast %mul3A_441 : i32 to vector<16xi32>
        %mul3A_443 = arith.muli %select_n3A_370, %mul3A_442 : vector<16xi32>
        %add3A_444 = arith.constant 2 : i32
        %add3A_445 = vector.broadcast %add3A_444 : i32 to vector<16xi32>
        %add3A_446 = arith.addi %mul3A_443, %add3A_445 : vector<16xi32>
        %gather3A_447 = tpu.vector_load_idx %arg10[%add3A_446] : memref<1280xf32, #tpu.memory_space<vmem>>[vector<16xi32>], vector<16xf32>,
        %add3A_448 = arith.addf %gather3A_440, %gather3A_447 : vector<16xf32>
        %gt3A_449 = arith.constant 0.000000e+00 : f32
        %gt3A_450 = vector.broadcast %gt3A_449 : f32 to vector<16xf32>
        %gt3A_451 = arith.cmpf ogt, %add3A_448, %gt3A_450 : vector<16xf32>
        %mul3A_452 = arith.constant 2.000000e-01 : f32
        %mul3A_453 = vector.broadcast %mul3A_452 : f32 to vector<16xf32>
        %mul3A_454 = arith.mulf %mul3A_453, %add3A_448 : vector<16xf32>
        %select_n3A_455 = arith.select %gt3A_451, %add3A_448, %mul3A_454 : vector<16xi1>, vector<16xf32>
        %sub3A_456 = arith.subf %select_n3A_455, %broadcast_in_dim3A_27 : vector<16xf32>
        %exp3A_457 = math.exp %sub3A_456 : vector<16xf32>
        %mul3A_458 = arith.constant 4 : i32
        %mul3A_459 = arith.muli %mul3A_358, %mul3A_458 : i32
        %add3A_460 = arith.constant 2 : i32
        %add3A_461 = arith.addi %mul3A_459, %add3A_460 : i32
        %add3A_462 = vector.broadcast %add3A_461 : i32 to vector<16xi32>
        %add3A_463 = arith.addi %add3A_462, %mul3A_5 : vector<16xi32>
        tpu.vector_store_idx %arg20[%add3A_463], %exp3A_457 : memref<6416xf32, #tpu.memory_space<vmem>>[vector<16xi32>], vector<16xf32>,
        %mul3A_464 = arith.constant 4 : i32
        %mul3A_465 = vector.broadcast %mul3A_464 : i32 to vector<16xi32>
        %mul3A_466 = arith.muli %gather3A_365, %mul3A_465 : vector<16xi32>
        %add3A_467 = arith.constant 3 : i32
        %add3A_468 = vector.broadcast %add3A_467 : i32 to vector<16xi32>
        %add3A_469 = arith.addi %mul3A_466, %add3A_468 : vector<16xi32>
        %gather3A_470 = tpu.vector_load_idx %arg9[%add3A_469] : memref<40000xf32, #tpu.memory_space<vmem>>[vector<16xi32>], vector<16xf32>,
        %mul3A_471 = arith.constant 4 : i32
        %mul3A_472 = vector.broadcast %mul3A_471 : i32 to vector<16xi32>
        %mul3A_473 = arith.muli %select_n3A_370, %mul3A_472 : vector<16xi32>
        %add3A_474 = arith.constant 3 : i32
        %add3A_475 = vector.broadcast %add3A_474 : i32 to vector<16xi32>
        %add3A_476 = arith.addi %mul3A_473, %add3A_475 : vector<16xi32>
        %gather3A_477 = tpu.vector_load_idx %arg10[%add3A_476] : memref<1280xf32, #tpu.memory_space<vmem>>[vector<16xi32>], vector<16xf32>,
        %add3A_478 = arith.addf %gather3A_470, %gather3A_477 : vector<16xf32>
        %gt3A_479 = arith.constant 0.000000e+00 : f32
        %gt3A_480 = vector.broadcast %gt3A_479 : f32 to vector<16xf32>
        %gt3A_481 = arith.cmpf ogt, %add3A_478, %gt3A_480 : vector<16xf32>
        %mul3A_482 = arith.constant 2.000000e-01 : f32
        %mul3A_483 = vector.broadcast %mul3A_482 : f32 to vector<16xf32>
        %mul3A_484 = arith.mulf %mul3A_483, %add3A_478 : vector<16xf32>
        %select_n3A_485 = arith.select %gt3A_481, %add3A_478, %mul3A_484 : vector<16xi1>, vector<16xf32>
        %sub3A_486 = arith.subf %select_n3A_485, %broadcast_in_dim3A_30 : vector<16xf32>
        %exp3A_487 = math.exp %sub3A_486 : vector<16xf32>
        %mul3A_488 = arith.constant 4 : i32
        %mul3A_489 = arith.muli %mul3A_358, %mul3A_488 : i32
        %add3A_490 = arith.constant 3 : i32
        %add3A_491 = arith.addi %mul3A_489, %add3A_490 : i32
        %add3A_492 = vector.broadcast %add3A_491 : i32 to vector<16xi32>
        %add3A_493 = arith.addi %add3A_492, %mul3A_5 : vector<16xi32>
        tpu.vector_store_idx %arg20[%add3A_493], %exp3A_487 : memref<6416xf32, #tpu.memory_space<vmem>>[vector<16xi32>], vector<16xf32>,
      }
      %while3A_137 = arith.constant 1 : i32
      scf.for %while3A_354 = %while3A_135 to %while3A_131 step %while3A_137  : i32 {
        %mul3A_355 = arith.muli %while3A_354, %while3A : i32
        %add3A_356 = arith.addi %while3A_128, %mul3A_355 : i32
        %mul3A_357 = arith.constant 16 : i32
        %mul3A_358 = arith.muli %add3A_356, %mul3A_357 : i32
        %add3A_359 = vector.broadcast %mul3A_358 : i32 to vector<16xi32>
        %add3A_360 = arith.addi %add3A_359, %iota3A : vector<16xi32>
        %lt3A_361 = vector.broadcast %scan3A_100 : i32 to vector<16xi32>
        %lt3A_362 = arith.cmpi slt, %add3A_360, %lt3A_361 : vector<16xi32>
        %add3A_363 = vector.broadcast %mul3A_358 : i32 to vector<16xi32>
        %add3A_364 = arith.addi %add3A_363, %iota3A : vector<16xi32>
        %gather3A = tpu.vector_load_idx %arg17[%add3A_364] : memref<1616xi32, #tpu.memory_space<vmem>>[vector<16xi32>], vector<16xi32>,
        %gather3A_365 = tpu.vector_load_idx %arg13[%gather3A] : memref<1600xi32, #tpu.memory_space<vmem>>[vector<16xi32>], vector<16xi32>,
        %gather3A_366 = tpu.vector_load_idx %arg15[%gather3A] : memref<1600xi32, #tpu.memory_space<vmem>>[vector<16xi32>], vector<16xi32>,
        %sub3A_367 = arith.subi %gather3A_366, %broadcast_in_dim3A_31 : vector<16xi32>
        %jit3A_368 = arith.constant 0 : i32
        %broadcast_in_dim3A_369 = vector.broadcast %jit3A_368 : i32 to vector<16xi32>
        %select_n3A_370 = arith.select %lt3A_362, %sub3A_367, %broadcast_in_dim3A_369 : vector<16xi1>, vector<16xi32>
        %add3A_371 = vector.broadcast %mul3A_358 : i32 to vector<16xi32>
        %add3A_372 = arith.addi %add3A_371, %iota3A : vector<16xi32>
        tpu.vector_store_idx %arg18[%add3A_372], %gather3A_365 : memref<1600xi32, #tpu.memory_space<vmem>>[vector<16xi32>], vector<16xi32>,
        %add3A_373 = vector.broadcast %mul3A_358 : i32 to vector<16xi32>
        %add3A_374 = arith.addi %add3A_373, %iota3A : vector<16xi32>
        tpu.vector_store_idx %arg19[%add3A_374], %select_n3A_370 : memref<1616xi32, #tpu.memory_space<vmem>>[vector<16xi32>], vector<16xi32>,
        %mul3A_375 = arith.constant 4 : i32
        %mul3A_376 = vector.broadcast %mul3A_375 : i32 to vector<16xi32>
        %mul3A_377 = arith.muli %gather3A_365, %mul3A_376 : vector<16xi32>
        %add3A_378 = arith.constant 0 : i32
        %add3A_379 = vector.broadcast %add3A_378 : i32 to vector<16xi32>
        %add3A_380 = arith.addi %mul3A_377, %add3A_379 : vector<16xi32>
        %gather3A_381 = tpu.vector_load_idx %arg9[%add3A_380] : memref<40000xf32, #tpu.memory_space<vmem>>[vector<16xi32>], vector<16xf32>,
        %mul3A_382 = arith.constant 4 : i32
        %mul3A_383 = vector.broadcast %mul3A_382 : i32 to vector<16xi32>
        %mul3A_384 = arith.muli %select_n3A_370, %mul3A_383 : vector<16xi32>
        %add3A_385 = arith.constant 0 : i32
        %add3A_386 = vector.broadcast %add3A_385 : i32 to vector<16xi32>
        %add3A_387 = arith.addi %mul3A_384, %add3A_386 : vector<16xi32>
        %gather3A_388 = tpu.vector_load_idx %arg10[%add3A_387] : memref<1280xf32, #tpu.memory_space<vmem>>[vector<16xi32>], vector<16xf32>,
        %add3A_389 = arith.addf %gather3A_381, %gather3A_388 : vector<16xf32>
        %gt3A_390 = arith.constant 0.000000e+00 : f32
        %gt3A_391 = vector.broadcast %gt3A_390 : f32 to vector<16xf32>
        %gt3A_392 = arith.cmpf ogt, %add3A_389, %gt3A_391 : vector<16xf32>
        %mul3A_393 = arith.constant 2.000000e-01 : f32
        %mul3A_394 = vector.broadcast %mul3A_393 : f32 to vector<16xf32>
        %mul3A_395 = arith.mulf %mul3A_394, %add3A_389 : vector<16xf32>
        %select_n3A_396 = arith.select %gt3A_392, %add3A_389, %mul3A_395 : vector<16xi1>, vector<16xf32>
        %sub3A_397 = arith.subf %select_n3A_396, %broadcast_in_dim3A_21 : vector<16xf32>
        %exp3A = math.exp %sub3A_397 : vector<16xf32>
        %mul3A_398 = arith.constant 4 : i32
        %mul3A_399 = arith.muli %mul3A_358, %mul3A_398 : i32
        %add3A_400 = arith.constant 0 : i32
        %add3A_401 = arith.addi %mul3A_399, %add3A_400 : i32
        %add3A_402 = vector.broadcast %add3A_401 : i32 to vector<16xi32>
        %add3A_403 = arith.addi %add3A_402, %mul3A_5 : vector<16xi32>
        tpu.vector_store_idx %arg20[%add3A_403], %exp3A : memref<6416xf32, #tpu.memory_space<vmem>>[vector<16xi32>], vector<16xf32>,
        %mul3A_404 = arith.constant 4 : i32
        %mul3A_405 = vector.broadcast %mul3A_404 : i32 to vector<16xi32>
        %mul3A_406 = arith.muli %gather3A_365, %mul3A_405 : vector<16xi32>
        %add3A_407 = arith.constant 1 : i32
        %add3A_408 = vector.broadcast %add3A_407 : i32 to vector<16xi32>
        %add3A_409 = arith.addi %mul3A_406, %add3A_408 : vector<16xi32>
        %gather3A_410 = tpu.vector_load_idx %arg9[%add3A_409] : memref<40000xf32, #tpu.memory_space<vmem>>[vector<16xi32>], vector<16xf32>,
        %mul3A_411 = arith.constant 4 : i32
        %mul3A_412 = vector.broadcast %mul3A_411 : i32 to vector<16xi32>
        %mul3A_413 = arith.muli %select_n3A_370, %mul3A_412 : vector<16xi32>
        %add3A_414 = arith.constant 1 : i32
        %add3A_415 = vector.broadcast %add3A_414 : i32 to vector<16xi32>
        %add3A_416 = arith.addi %mul3A_413, %add3A_415 : vector<16xi32>
        %gather3A_417 = tpu.vector_load_idx %arg10[%add3A_416] : memref<1280xf32, #tpu.memory_space<vmem>>[vector<16xi32>], vector<16xf32>,
        %add3A_418 = arith.addf %gather3A_410, %gather3A_417 : vector<16xf32>
        %gt3A_419 = arith.constant 0.000000e+00 : f32
        %gt3A_420 = vector.broadcast %gt3A_419 : f32 to vector<16xf32>
        %gt3A_421 = arith.cmpf ogt, %add3A_418, %gt3A_420 : vector<16xf32>
        %mul3A_422 = arith.constant 2.000000e-01 : f32
        %mul3A_423 = vector.broadcast %mul3A_422 : f32 to vector<16xf32>
        %mul3A_424 = arith.mulf %mul3A_423, %add3A_418 : vector<16xf32>
        %select_n3A_425 = arith.select %gt3A_421, %add3A_418, %mul3A_424 : vector<16xi1>, vector<16xf32>
        %sub3A_426 = arith.subf %select_n3A_425, %broadcast_in_dim3A_24 : vector<16xf32>
        %exp3A_427 = math.exp %sub3A_426 : vector<16xf32>
        %mul3A_428 = arith.constant 4 : i32
        %mul3A_429 = arith.muli %mul3A_358, %mul3A_428 : i32
        %add3A_430 = arith.constant 1 : i32
        %add3A_431 = arith.addi %mul3A_429, %add3A_430 : i32
        %add3A_432 = vector.broadcast %add3A_431 : i32 to vector<16xi32>
        %add3A_433 = arith.addi %add3A_432, %mul3A_5 : vector<16xi32>
        tpu.vector_store_idx %arg20[%add3A_433], %exp3A_427 : memref<6416xf32, #tpu.memory_space<vmem>>[vector<16xi32>], vector<16xf32>,
        %mul3A_434 = arith.constant 4 : i32
        %mul3A_435 = vector.broadcast %mul3A_434 : i32 to vector<16xi32>
        %mul3A_436 = arith.muli %gather3A_365, %mul3A_435 : vector<16xi32>
        %add3A_437 = arith.constant 2 : i32
        %add3A_438 = vector.broadcast %add3A_437 : i32 to vector<16xi32>
        %add3A_439 = arith.addi %mul3A_436, %add3A_438 : vector<16xi32>
        %gather3A_440 = tpu.vector_load_idx %arg9[%add3A_439] : memref<40000xf32, #tpu.memory_space<vmem>>[vector<16xi32>], vector<16xf32>,
        %mul3A_441 = arith.constant 4 : i32
        %mul3A_442 = vector.broadcast %mul3A_441 : i32 to vector<16xi32>
        %mul3A_443 = arith.muli %select_n3A_370, %mul3A_442 : vector<16xi32>
        %add3A_444 = arith.constant 2 : i32
        %add3A_445 = vector.broadcast %add3A_444 : i32 to vector<16xi32>
        %add3A_446 = arith.addi %mul3A_443, %add3A_445 : vector<16xi32>
        %gather3A_447 = tpu.vector_load_idx %arg10[%add3A_446] : memref<1280xf32, #tpu.memory_space<vmem>>[vector<16xi32>], vector<16xf32>,
        %add3A_448 = arith.addf %gather3A_440, %gather3A_447 : vector<16xf32>
        %gt3A_449 = arith.constant 0.000000e+00 : f32
        %gt3A_450 = vector.broadcast %gt3A_449 : f32 to vector<16xf32>
        %gt3A_451 = arith.cmpf ogt, %add3A_448, %gt3A_450 : vector<16xf32>
        %mul3A_452 = arith.constant 2.000000e-01 : f32
        %mul3A_453 = vector.broadcast %mul3A_452 : f32 to vector<16xf32>
        %mul3A_454 = arith.mulf %mul3A_453, %add3A_448 : vector<16xf32>
        %select_n3A_455 = arith.select %gt3A_451, %add3A_448, %mul3A_454 : vector<16xi1>, vector<16xf32>
        %sub3A_456 = arith.subf %select_n3A_455, %broadcast_in_dim3A_27 : vector<16xf32>
        %exp3A_457 = math.exp %sub3A_456 : vector<16xf32>
        %mul3A_458 = arith.constant 4 : i32
        %mul3A_459 = arith.muli %mul3A_358, %mul3A_458 : i32
        %add3A_460 = arith.constant 2 : i32
        %add3A_461 = arith.addi %mul3A_459, %add3A_460 : i32
        %add3A_462 = vector.broadcast %add3A_461 : i32 to vector<16xi32>
        %add3A_463 = arith.addi %add3A_462, %mul3A_5 : vector<16xi32>
        tpu.vector_store_idx %arg20[%add3A_463], %exp3A_457 : memref<6416xf32, #tpu.memory_space<vmem>>[vector<16xi32>], vector<16xf32>,
        %mul3A_464 = arith.constant 4 : i32
        %mul3A_465 = vector.broadcast %mul3A_464 : i32 to vector<16xi32>
        %mul3A_466 = arith.muli %gather3A_365, %mul3A_465 : vector<16xi32>
        %add3A_467 = arith.constant 3 : i32
        %add3A_468 = vector.broadcast %add3A_467 : i32 to vector<16xi32>
        %add3A_469 = arith.addi %mul3A_466, %add3A_468 : vector<16xi32>
        %gather3A_470 = tpu.vector_load_idx %arg9[%add3A_469] : memref<40000xf32, #tpu.memory_space<vmem>>[vector<16xi32>], vector<16xf32>,
        %mul3A_471 = arith.constant 4 : i32
        %mul3A_472 = vector.broadcast %mul3A_471 : i32 to vector<16xi32>
        %mul3A_473 = arith.muli %select_n3A_370, %mul3A_472 : vector<16xi32>
        %add3A_474 = arith.constant 3 : i32
        %add3A_475 = vector.broadcast %add3A_474 : i32 to vector<16xi32>
        %add3A_476 = arith.addi %mul3A_473, %add3A_475 : vector<16xi32>
        %gather3A_477 = tpu.vector_load_idx %arg10[%add3A_476] : memref<1280xf32, #tpu.memory_space<vmem>>[vector<16xi32>], vector<16xf32>,
        %add3A_478 = arith.addf %gather3A_470, %gather3A_477 : vector<16xf32>
        %gt3A_479 = arith.constant 0.000000e+00 : f32
        %gt3A_480 = vector.broadcast %gt3A_479 : f32 to vector<16xf32>
        %gt3A_481 = arith.cmpf ogt, %add3A_478, %gt3A_480 : vector<16xf32>
        %mul3A_482 = arith.constant 2.000000e-01 : f32
        %mul3A_483 = vector.broadcast %mul3A_482 : f32 to vector<16xf32>
        %mul3A_484 = arith.mulf %mul3A_483, %add3A_478 : vector<16xf32>
        %select_n3A_485 = arith.select %gt3A_481, %add3A_478, %mul3A_484 : vector<16xi1>, vector<16xf32>
        %sub3A_486 = arith.subf %select_n3A_485, %broadcast_in_dim3A_30 : vector<16xf32>
        %exp3A_487 = math.exp %sub3A_486 : vector<16xf32>
        %mul3A_488 = arith.constant 4 : i32
        %mul3A_489 = arith.muli %mul3A_358, %mul3A_488 : i32
        %add3A_490 = arith.constant 3 : i32
        %add3A_491 = arith.addi %mul3A_489, %add3A_490 : i32
        %add3A_492 = vector.broadcast %add3A_491 : i32 to vector<16xi32>
        %add3A_493 = arith.addi %add3A_492, %mul3A_5 : vector<16xi32>
        tpu.vector_store_idx %arg20[%add3A_493], %exp3A_487 : memref<6416xf32, #tpu.memory_space<vmem>>[vector<16xi32>], vector<16xf32>,
      }
      %add3A_138 = arith.constant 63 : i32
      %add3A_139 = arith.addi %scan3A_100, %add3A_138 : i32
      %jit3A_140 = arith.constant 64 : i32
      %div3A_141 = arith.divsi %add3A_139, %jit3A_140 : i32
      %sign3A_142 = arith.constant 0 : i32
      %sign3A_143 = arith.cmpi sgt, %add3A_139, %sign3A_142 : i32
      %sign3A_144 = arith.extui %sign3A_143 : i1 to i32
      %sign3A_145 = arith.constant 0 : i32
      %sign3A_146 = arith.cmpi slt, %add3A_139, %sign3A_145 : i32
      %sign3A_147 = arith.extui %sign3A_146 : i1 to i32
      %sign3A_148 = arith.subi %sign3A_144, %sign3A_147 : i32
      %sign3A_149 = arith.constant 0 : i32
      %sign3A_150 = arith.cmpi sgt, %jit3A_140, %sign3A_149 : i32
      %sign3A_151 = arith.extui %sign3A_150 : i1 to i32
      %sign3A_152 = arith.constant 0 : i32
      %sign3A_153 = arith.cmpi slt, %jit3A_140, %sign3A_152 : i32
      %sign3A_154 = arith.extui %sign3A_153 : i1 to i32
      %sign3A_155 = arith.subi %sign3A_151, %sign3A_154 : i32
      %ne3A_156 = arith.cmpi ne, %sign3A_148, %sign3A_155 : i32
      %rem3A_157 = arith.remsi %add3A_139, %jit3A_140 : i32
      %ne3A_158 = arith.constant 0 : i32
      %ne3A_159 = arith.cmpi ne, %rem3A_157, %ne3A_158 : i32
      %and3A_160 = arith.andi %ne3A_156, %ne3A_159 : i1
      %sub3A_161 = arith.constant 1 : i32
      %sub3A_162 = arith.subi %div3A_141, %sub3A_161 : i32
      %select_n3A_163 = arith.select %and3A_160, %sub3A_162, %div3A_141 : i32
      %gt3A = arith.constant 0 : i32
      %gt3A_164 = arith.cmpi sgt, %select_n3A_163, %gt3A : i32
      %convert_element_type3A = arith.extui %gt3A_164 : i1 to i32
      %cond3A = arith.constant 0 : i32
      %cond3A_165 = arith.cmpi ne, %convert_element_type3A, %cond3A : i32
      scf.if %cond3A_165 {
        %dma_start3A_354 = arith.constant 0 : i32
        %dma_start3A_355 = tpu.memref_slice %arg18[%dma_start3A_354] : memref<1600xi32, #tpu.memory_space<vmem>> -> memref<64xi32, #tpu.memory_space<vmem>>
        %dma_start3A_356 = arith.constant 0 : i32
        %dma_start3A_357 = arith.constant 0 : i32
        %dma_start3A_358 = tpu.memref_slice %arg7[%dma_start3A_356, %dma_start3A_357] : memref<10000x128xf32, #tpu.memory_space<hbm>> -> memref<10000x128xf32, #tpu.memory_space<hbm>>
        tpu.enqueue_indirect_dma source(%dma_start3A_358 : memref<10000x128xf32, #tpu.memory_space<hbm>>) target(%arg21 : memref<64x128xf32, #tpu.memory_space<vmem>>) offsets(%dma_start3A_355 : memref<64xi32, #tpu.memory_space<vmem>>) semaphore(%arg28 : memref<!tpu.dma_semaphore, #tpu.memory_space<semaphore_mem>>)
      } else {
      }
      %add3A_166 = arith.constant 1 : i32
      %add3A_167 = arith.addi %select_n3A_163, %add3A_166 : i32
      %jit3A_168 = arith.constant 2 : i32
      %div3A_169 = arith.divsi %add3A_167, %jit3A_168 : i32
      %sign3A_170 = arith.constant 0 : i32
      %sign3A_171 = arith.cmpi sgt, %add3A_167, %sign3A_170 : i32
      %sign3A_172 = arith.extui %sign3A_171 : i1 to i32
      %sign3A_173 = arith.constant 0 : i32
      %sign3A_174 = arith.cmpi slt, %add3A_167, %sign3A_173 : i32
      %sign3A_175 = arith.extui %sign3A_174 : i1 to i32
      %sign3A_176 = arith.subi %sign3A_172, %sign3A_175 : i32
      %sign3A_177 = arith.constant 0 : i32
      %sign3A_178 = arith.cmpi sgt, %jit3A_168, %sign3A_177 : i32
      %sign3A_179 = arith.extui %sign3A_178 : i1 to i32
      %sign3A_180 = arith.constant 0 : i32
      %sign3A_181 = arith.cmpi slt, %jit3A_168, %sign3A_180 : i32
      %sign3A_182 = arith.extui %sign3A_181 : i1 to i32
      %sign3A_183 = arith.subi %sign3A_179, %sign3A_182 : i32
      %ne3A_184 = arith.cmpi ne, %sign3A_176, %sign3A_183 : i32
      %rem3A_185 = arith.remsi %add3A_167, %jit3A_168 : i32
      %ne3A_186 = arith.constant 0 : i32
      %ne3A_187 = arith.cmpi ne, %rem3A_185, %ne3A_186 : i32
      %and3A_188 = arith.andi %ne3A_184, %ne3A_187 : i1
      %sub3A_189 = arith.constant 1 : i32
      %sub3A_190 = arith.subi %div3A_169, %sub3A_189 : i32
      %select_n3A_191 = arith.select %and3A_188, %sub3A_190, %div3A_169 : i32
      %sub3A_192 = arith.constant 0 : i32
      %sub3A_193 = arith.subi %select_n3A_191, %sub3A_192 : i32
      %sub3A_194 = arith.constant 1 : i32
      %sub3A_195 = arith.constant 1 : i32
      %sub3A_196 = arith.subi %sub3A_194, %sub3A_195 : i32
      %add3A_197 = arith.addi %sub3A_193, %sub3A_196 : i32
      %div3A_198 = arith.constant 1 : i32
      %div3A_199 = arith.divsi %add3A_197, %div3A_198 : i32
      %while3A_200 = arith.constant 1 : i32
      %while3A_201 = arith.constant 0 : i32
      %while3A_202 = arith.constant 0 : i32
      %while3A_203 = arith.subi %div3A_199, %while3A_202 : i32
      %while3A_204 = arith.addi %while3A_202, %while3A_203 : i32
      %while3A_205 = arith.constant 1 : i32
      %while3A_206 = arith.divsi %while3A_203, %while3A_205 : i32
      %while3A_207 = arith.muli %while3A_206, %while3A_205 : i32
      %while3A_208 = arith.addi %while3A_202, %while3A_207 : i32
      %while3A_209 = arith.constant 1 : i32
      scf.for %while3A_354 = %while3A_202 to %while3A_208 step %while3A_209  : i32 {
        %mul3A_355 = arith.muli %while3A_354, %while3A_200 : i32
        %add3A_356 = arith.addi %while3A_201, %mul3A_355 : i32
        %mul3A_357 = arith.constant 2 : i32
        %mul3A_358 = arith.muli %mul3A_357, %add3A_356 : i32
        %add3A_359 = arith.constant 1 : i32
        %add3A_360 = arith.addi %mul3A_358, %add3A_359 : i32
        %mul3A_361 = arith.constant 64 : i32
        %mul3A_362 = arith.muli %mul3A_358, %mul3A_361 : i32
        %dma_wait3A_363 = tpu.memref_slice %arg18[%mul3A_362] : memref<1600xi32, #tpu.memory_space<vmem>> -> memref<64xi32, #tpu.memory_space<vmem>>
        %dma_wait3A_364 = arith.constant 0 : i32
        %dma_wait3A_365 = arith.constant 0 : i32
        %dma_wait3A_366 = tpu.memref_slice %arg7[%dma_wait3A_364, %dma_wait3A_365] : memref<10000x128xf32, #tpu.memory_space<hbm>> -> memref<10000x128xf32, #tpu.memory_space<hbm>>
        tpu.wait_indirect_dma semaphore(%arg28 : memref<!tpu.dma_semaphore, #tpu.memory_space<semaphore_mem>>) src(%dma_wait3A_366 : memref<10000x128xf32, #tpu.memory_space<hbm>>) dst(%arg21 : memref<64x128xf32, #tpu.memory_space<vmem>>)
        %lt3A_367 = arith.cmpi slt, %add3A_360, %select_n3A_163 : i32
        %convert_element_type3A_368 = arith.extui %lt3A_367 : i1 to i32
        %cond3A_369 = arith.constant 0 : i32
        %cond3A_370 = arith.cmpi ne, %convert_element_type3A_368, %cond3A_369 : i32
        scf.if %cond3A_370 {
          %mul3A_398 = arith.constant 64 : i32
          %mul3A_399 = arith.muli %add3A_360, %mul3A_398 : i32
          %dma_start3A_400 = tpu.memref_slice %arg18[%mul3A_399] : memref<1600xi32, #tpu.memory_space<vmem>> -> memref<64xi32, #tpu.memory_space<vmem>>
          %dma_start3A_401 = arith.constant 0 : i32
          %dma_start3A_402 = arith.constant 0 : i32
          %dma_start3A_403 = tpu.memref_slice %arg7[%dma_start3A_401, %dma_start3A_402] : memref<10000x128xf32, #tpu.memory_space<hbm>> -> memref<10000x128xf32, #tpu.memory_space<hbm>>
          tpu.enqueue_indirect_dma source(%dma_start3A_403 : memref<10000x128xf32, #tpu.memory_space<hbm>>) target(%arg22 : memref<64x128xf32, #tpu.memory_space<vmem>>) offsets(%dma_start3A_400 : memref<64xi32, #tpu.memory_space<vmem>>) semaphore(%arg29 : memref<!tpu.dma_semaphore, #tpu.memory_space<semaphore_mem>>)
        } else {
        }
        %mul3A_371 = arith.constant 64 : i32
        %mul3A_372 = arith.muli %mul3A_358, %mul3A_371 : i32
        %sub3A_373 = arith.subi %scan3A_100, %mul3A_372 : i32
        %min3A = arith.constant 64 : i32
        %min3A_374 = arith.minsi %sub3A_373, %min3A : i32
        %sub3A_375 = arith.constant 0 : i32
        %sub3A_376 = arith.subi %min3A_374, %sub3A_375 : i32
        %sub3A_377 = arith.constant 1 : i32
        %sub3A_378 = arith.constant 1 : i32
        %sub3A_379 = arith.subi %sub3A_377, %sub3A_378 : i32
        %add3A_380 = arith.addi %sub3A_376, %sub3A_379 : i32
        %div3A_381 = arith.constant 1 : i32
        %div3A_382 = arith.divsi %add3A_380, %div3A_381 : i32
        %while3A_383 = arith.constant 1 : i32
        %while3A_384 = arith.constant 0 : i32
        %while3A_385 = arith.constant 0 : i32
        %while3A_386 = arith.subi %div3A_382, %while3A_385 : i32
        %while3A_387 = arith.addi %while3A_385, %while3A_386 : i32
        %while3A_388 = arith.constant 1 : i32
        %while3A_389 = arith.divsi %while3A_386, %while3A_388 : i32
        %while3A_390 = arith.muli %while3A_389, %while3A_388 : i32
        %while3A_391 = arith.addi %while3A_385, %while3A_390 : i32
        %while3A_392 = arith.constant 1 : i32
        scf.for %while3A_398 = %while3A_385 to %while3A_391 step %while3A_392  : i32 {
          %mul3A_399 = arith.muli %while3A_398, %while3A_383 : i32
          %add3A_400 = arith.addi %while3A_384, %mul3A_399 : i32
          %mul3A_401 = arith.constant 64 : i32
          %mul3A_402 = arith.muli %mul3A_358, %mul3A_401 : i32
          %add3A_403 = arith.addi %mul3A_402, %add3A_400 : i32
          %broadcast_in_dim3A_404 = vector.broadcast %add3A_403 : i32 to vector<16xi32>
          %gather3A = tpu.vector_load_idx %arg19[%broadcast_in_dim3A_404] : memref<1616xi32, #tpu.memory_space<vmem>>[vector<16xi32>], vector<16xi32>,
          %mul3A_405 = arith.constant 4 : i32
          %mul3A_406 = arith.muli %add3A_403, %mul3A_405 : i32
          %get3A_407 = arith.index_cast %mul3A_406 : i32 to index
          %get3A_408 = tpu.vector_load %arg20[%get3A_407] {strides = array<i32>} : memref<6416xf32, #tpu.memory_space<vmem>>, vector<16xf32>,
          %mul3A_409 = arith.constant 4 : i32
          %mul3A_410 = vector.broadcast %mul3A_409 : i32 to vector<16xi32>
          %mul3A_411 = arith.muli %gather3A, %mul3A_410 : vector<16xi32>
          %add3A_412 = arith.addi %mul3A_411, %iota3A : vector<16xi32>
          tpu.vector_store_idx %arg12[%add3A_412], %get3A_408 masked %lt3A_7 {add = true} : memref<1296xf32, #tpu.memory_space<vmem>>[vector<16xi32>], vector<16xf32>, vector<16xi1>
          %mul3A_413 = arith.constant 128 : i32
          %mul3A_414 = vector.broadcast %mul3A_413 : i32 to vector<16xi32>
          %mul3A_415 = arith.muli %gather3A, %mul3A_414 : vector<16xi32>
          %broadcast_in_dim3A_416 = vector.broadcast %add3A_400 : i32 to vector<16xi32>
          %mul3A_417 = arith.constant 4 : i32
          %mul3A_418 = vector.broadcast %mul3A_417 : i32 to vector<16xi32>
          %mul3A_419 = arith.muli %broadcast_in_dim3A_404, %mul3A_418 : vector<16xi32>
          %add3A_420 = arith.constant 0 : i32
          %add3A_421 = vector.broadcast %add3A_420 : i32 to vector<16xi32>
          %add3A_422 = arith.addi %mul3A_419, %add3A_421 : vector<16xi32>
          %gather3A_423 = tpu.vector_load_idx %arg20[%add3A_422] : memref<6416xf32, #tpu.memory_space<vmem>>[vector<16xi32>], vector<16xf32>,
          %add3A_424 = arith.constant 0 : i32
          %add3A_425 = vector.broadcast %add3A_424 : i32 to vector<16xi32>
          %add3A_426 = arith.addi %add3A_425, %iota3A : vector<16xi32>
          %gather3A_427 = tpu.vector_load_idx %arg21[%broadcast_in_dim3A_416, %add3A_426] : memref<64x128xf32, #tpu.memory_space<vmem>>[vector<16xi32>, vector<16xi32>], vector<16xf32>,
          %add3A_428 = arith.constant 0 : i32
          %add3A_429 = vector.broadcast %add3A_428 : i32 to vector<16xi32>
          %add3A_430 = arith.addi %mul3A_415, %add3A_429 : vector<16xi32>
          %add3A_431 = arith.addi %add3A_430, %iota3A : vector<16xi32>
          %mul3A_432 = arith.mulf %gather3A_427, %gather3A_423 : vector<16xf32>
          tpu.vector_store_idx %arg11[%add3A_431], %mul3A_432 {add = true} : memref<40960xf32, #tpu.memory_space<vmem>>[vector<16xi32>], vector<16xf32>,
          %add3A_433 = arith.constant 16 : i32
          %add3A_434 = vector.broadcast %add3A_433 : i32 to vector<16xi32>
          %add3A_435 = arith.addi %add3A_434, %iota3A : vector<16xi32>
          %gather3A_436 = tpu.vector_load_idx %arg21[%broadcast_in_dim3A_416, %add3A_435] : memref<64x128xf32, #tpu.memory_space<vmem>>[vector<16xi32>, vector<16xi32>], vector<16xf32>,
          %add3A_437 = arith.constant 16 : i32
          %add3A_438 = vector.broadcast %add3A_437 : i32 to vector<16xi32>
          %add3A_439 = arith.addi %mul3A_415, %add3A_438 : vector<16xi32>
          %add3A_440 = arith.addi %add3A_439, %iota3A : vector<16xi32>
          %mul3A_441 = arith.mulf %gather3A_436, %gather3A_423 : vector<16xf32>
          tpu.vector_store_idx %arg11[%add3A_440], %mul3A_441 {add = true} : memref<40960xf32, #tpu.memory_space<vmem>>[vector<16xi32>], vector<16xf32>,
          %mul3A_442 = arith.constant 4 : i32
          %mul3A_443 = vector.broadcast %mul3A_442 : i32 to vector<16xi32>
          %mul3A_444 = arith.muli %broadcast_in_dim3A_404, %mul3A_443 : vector<16xi32>
          %add3A_445 = arith.constant 1 : i32
          %add3A_446 = vector.broadcast %add3A_445 : i32 to vector<16xi32>
          %add3A_447 = arith.addi %mul3A_444, %add3A_446 : vector<16xi32>
          %gather3A_448 = tpu.vector_load_idx %arg20[%add3A_447] : memref<6416xf32, #tpu.memory_space<vmem>>[vector<16xi32>], vector<16xf32>,
          %add3A_449 = arith.constant 32 : i32
          %add3A_450 = vector.broadcast %add3A_449 : i32 to vector<16xi32>
          %add3A_451 = arith.addi %add3A_450, %iota3A : vector<16xi32>
          %gather3A_452 = tpu.vector_load_idx %arg21[%broadcast_in_dim3A_416, %add3A_451] : memref<64x128xf32, #tpu.memory_space<vmem>>[vector<16xi32>, vector<16xi32>], vector<16xf32>,
          %add3A_453 = arith.constant 32 : i32
          %add3A_454 = vector.broadcast %add3A_453 : i32 to vector<16xi32>
          %add3A_455 = arith.addi %mul3A_415, %add3A_454 : vector<16xi32>
          %add3A_456 = arith.addi %add3A_455, %iota3A : vector<16xi32>
          %mul3A_457 = arith.mulf %gather3A_452, %gather3A_448 : vector<16xf32>
          tpu.vector_store_idx %arg11[%add3A_456], %mul3A_457 {add = true} : memref<40960xf32, #tpu.memory_space<vmem>>[vector<16xi32>], vector<16xf32>,
          %add3A_458 = arith.constant 48 : i32
          %add3A_459 = vector.broadcast %add3A_458 : i32 to vector<16xi32>
          %add3A_460 = arith.addi %add3A_459, %iota3A : vector<16xi32>
          %gather3A_461 = tpu.vector_load_idx %arg21[%broadcast_in_dim3A_416, %add3A_460] : memref<64x128xf32, #tpu.memory_space<vmem>>[vector<16xi32>, vector<16xi32>], vector<16xf32>,
          %add3A_462 = arith.constant 48 : i32
          %add3A_463 = vector.broadcast %add3A_462 : i32 to vector<16xi32>
          %add3A_464 = arith.addi %mul3A_415, %add3A_463 : vector<16xi32>
          %add3A_465 = arith.addi %add3A_464, %iota3A : vector<16xi32>
          %mul3A_466 = arith.mulf %gather3A_461, %gather3A_448 : vector<16xf32>
          tpu.vector_store_idx %arg11[%add3A_465], %mul3A_466 {add = true} : memref<40960xf32, #tpu.memory_space<vmem>>[vector<16xi32>], vector<16xf32>,
          %mul3A_467 = arith.constant 4 : i32
          %mul3A_468 = vector.broadcast %mul3A_467 : i32 to vector<16xi32>
          %mul3A_469 = arith.muli %broadcast_in_dim3A_404, %mul3A_468 : vector<16xi32>
          %add3A_470 = arith.constant 2 : i32
          %add3A_471 = vector.broadcast %add3A_470 : i32 to vector<16xi32>
          %add3A_472 = arith.addi %mul3A_469, %add3A_471 : vector<16xi32>
          %gather3A_473 = tpu.vector_load_idx %arg20[%add3A_472] : memref<6416xf32, #tpu.memory_space<vmem>>[vector<16xi32>], vector<16xf32>,
          %add3A_474 = arith.constant 64 : i32
          %add3A_475 = vector.broadcast %add3A_474 : i32 to vector<16xi32>
          %add3A_476 = arith.addi %add3A_475, %iota3A : vector<16xi32>
          %gather3A_477 = tpu.vector_load_idx %arg21[%broadcast_in_dim3A_416, %add3A_476] : memref<64x128xf32, #tpu.memory_space<vmem>>[vector<16xi32>, vector<16xi32>], vector<16xf32>,
          %add3A_478 = arith.constant 64 : i32
          %add3A_479 = vector.broadcast %add3A_478 : i32 to vector<16xi32>
          %add3A_480 = arith.addi %mul3A_415, %add3A_479 : vector<16xi32>
          %add3A_481 = arith.addi %add3A_480, %iota3A : vector<16xi32>
          %mul3A_482 = arith.mulf %gather3A_477, %gather3A_473 : vector<16xf32>
          tpu.vector_store_idx %arg11[%add3A_481], %mul3A_482 {add = true} : memref<40960xf32, #tpu.memory_space<vmem>>[vector<16xi32>], vector<16xf32>,
          %add3A_483 = arith.constant 80 : i32
          %add3A_484 = vector.broadcast %add3A_483 : i32 to vector<16xi32>
          %add3A_485 = arith.addi %add3A_484, %iota3A : vector<16xi32>
          %gather3A_486 = tpu.vector_load_idx %arg21[%broadcast_in_dim3A_416, %add3A_485] : memref<64x128xf32, #tpu.memory_space<vmem>>[vector<16xi32>, vector<16xi32>], vector<16xf32>,
          %add3A_487 = arith.constant 80 : i32
          %add3A_488 = vector.broadcast %add3A_487 : i32 to vector<16xi32>
          %add3A_489 = arith.addi %mul3A_415, %add3A_488 : vector<16xi32>
          %add3A_490 = arith.addi %add3A_489, %iota3A : vector<16xi32>
          %mul3A_491 = arith.mulf %gather3A_486, %gather3A_473 : vector<16xf32>
          tpu.vector_store_idx %arg11[%add3A_490], %mul3A_491 {add = true} : memref<40960xf32, #tpu.memory_space<vmem>>[vector<16xi32>], vector<16xf32>,
          %mul3A_492 = arith.constant 4 : i32
          %mul3A_493 = vector.broadcast %mul3A_492 : i32 to vector<16xi32>
          %mul3A_494 = arith.muli %broadcast_in_dim3A_404, %mul3A_493 : vector<16xi32>
          %add3A_495 = arith.constant 3 : i32
          %add3A_496 = vector.broadcast %add3A_495 : i32 to vector<16xi32>
          %add3A_497 = arith.addi %mul3A_494, %add3A_496 : vector<16xi32>
          %gather3A_498 = tpu.vector_load_idx %arg20[%add3A_497] : memref<6416xf32, #tpu.memory_space<vmem>>[vector<16xi32>], vector<16xf32>,
          %add3A_499 = arith.constant 96 : i32
          %add3A_500 = vector.broadcast %add3A_499 : i32 to vector<16xi32>
          %add3A_501 = arith.addi %add3A_500, %iota3A : vector<16xi32>
          %gather3A_502 = tpu.vector_load_idx %arg21[%broadcast_in_dim3A_416, %add3A_501] : memref<64x128xf32, #tpu.memory_space<vmem>>[vector<16xi32>, vector<16xi32>], vector<16xf32>,
          %add3A_503 = arith.constant 96 : i32
          %add3A_504 = vector.broadcast %add3A_503 : i32 to vector<16xi32>
          %add3A_505 = arith.addi %mul3A_415, %add3A_504 : vector<16xi32>
          %add3A_506 = arith.addi %add3A_505, %iota3A : vector<16xi32>
          %mul3A_507 = arith.mulf %gather3A_502, %gather3A_498 : vector<16xf32>
          tpu.vector_store_idx %arg11[%add3A_506], %mul3A_507 {add = true} : memref<40960xf32, #tpu.memory_space<vmem>>[vector<16xi32>], vector<16xf32>,
          %add3A_508 = arith.constant 112 : i32
          %add3A_509 = vector.broadcast %add3A_508 : i32 to vector<16xi32>
          %add3A_510 = arith.addi %add3A_509, %iota3A : vector<16xi32>
          %gather3A_511 = tpu.vector_load_idx %arg21[%broadcast_in_dim3A_416, %add3A_510] : memref<64x128xf32, #tpu.memory_space<vmem>>[vector<16xi32>, vector<16xi32>], vector<16xf32>,
          %add3A_512 = arith.constant 112 : i32
          %add3A_513 = vector.broadcast %add3A_512 : i32 to vector<16xi32>
          %add3A_514 = arith.addi %mul3A_415, %add3A_513 : vector<16xi32>
          %add3A_515 = arith.addi %add3A_514, %iota3A : vector<16xi32>
          %mul3A_516 = arith.mulf %gather3A_511, %gather3A_498 : vector<16xf32>
          tpu.vector_store_idx %arg11[%add3A_515], %mul3A_516 {add = true} : memref<40960xf32, #tpu.memory_space<vmem>>[vector<16xi32>], vector<16xf32>,
        }
        %while3A_393 = arith.constant 1 : i32
        scf.for %while3A_398 = %while3A_391 to %while3A_387 step %while3A_393  : i32 {
          %mul3A_399 = arith.muli %while3A_398, %while3A_383 : i32
          %add3A_400 = arith.addi %while3A_384, %mul3A_399 : i32
          %mul3A_401 = arith.constant 64 : i32
          %mul3A_402 = arith.muli %mul3A_358, %mul3A_401 : i32
          %add3A_403 = arith.addi %mul3A_402, %add3A_400 : i32
          %broadcast_in_dim3A_404 = vector.broadcast %add3A_403 : i32 to vector<16xi32>
          %gather3A = tpu.vector_load_idx %arg19[%broadcast_in_dim3A_404] : memref<1616xi32, #tpu.memory_space<vmem>>[vector<16xi32>], vector<16xi32>,
          %mul3A_405 = arith.constant 4 : i32
          %mul3A_406 = arith.muli %add3A_403, %mul3A_405 : i32
          %get3A_407 = arith.index_cast %mul3A_406 : i32 to index
          %get3A_408 = tpu.vector_load %arg20[%get3A_407] {strides = array<i32>} : memref<6416xf32, #tpu.memory_space<vmem>>, vector<16xf32>,
          %mul3A_409 = arith.constant 4 : i32
          %mul3A_410 = vector.broadcast %mul3A_409 : i32 to vector<16xi32>
          %mul3A_411 = arith.muli %gather3A, %mul3A_410 : vector<16xi32>
          %add3A_412 = arith.addi %mul3A_411, %iota3A : vector<16xi32>
          tpu.vector_store_idx %arg12[%add3A_412], %get3A_408 masked %lt3A_7 {add = true} : memref<1296xf32, #tpu.memory_space<vmem>>[vector<16xi32>], vector<16xf32>, vector<16xi1>
          %mul3A_413 = arith.constant 128 : i32
          %mul3A_414 = vector.broadcast %mul3A_413 : i32 to vector<16xi32>
          %mul3A_415 = arith.muli %gather3A, %mul3A_414 : vector<16xi32>
          %broadcast_in_dim3A_416 = vector.broadcast %add3A_400 : i32 to vector<16xi32>
          %mul3A_417 = arith.constant 4 : i32
          %mul3A_418 = vector.broadcast %mul3A_417 : i32 to vector<16xi32>
          %mul3A_419 = arith.muli %broadcast_in_dim3A_404, %mul3A_418 : vector<16xi32>
          %add3A_420 = arith.constant 0 : i32
          %add3A_421 = vector.broadcast %add3A_420 : i32 to vector<16xi32>
          %add3A_422 = arith.addi %mul3A_419, %add3A_421 : vector<16xi32>
          %gather3A_423 = tpu.vector_load_idx %arg20[%add3A_422] : memref<6416xf32, #tpu.memory_space<vmem>>[vector<16xi32>], vector<16xf32>,
          %add3A_424 = arith.constant 0 : i32
          %add3A_425 = vector.broadcast %add3A_424 : i32 to vector<16xi32>
          %add3A_426 = arith.addi %add3A_425, %iota3A : vector<16xi32>
          %gather3A_427 = tpu.vector_load_idx %arg21[%broadcast_in_dim3A_416, %add3A_426] : memref<64x128xf32, #tpu.memory_space<vmem>>[vector<16xi32>, vector<16xi32>], vector<16xf32>,
          %add3A_428 = arith.constant 0 : i32
          %add3A_429 = vector.broadcast %add3A_428 : i32 to vector<16xi32>
          %add3A_430 = arith.addi %mul3A_415, %add3A_429 : vector<16xi32>
          %add3A_431 = arith.addi %add3A_430, %iota3A : vector<16xi32>
          %mul3A_432 = arith.mulf %gather3A_427, %gather3A_423 : vector<16xf32>
          tpu.vector_store_idx %arg11[%add3A_431], %mul3A_432 {add = true} : memref<40960xf32, #tpu.memory_space<vmem>>[vector<16xi32>], vector<16xf32>,
          %add3A_433 = arith.constant 16 : i32
          %add3A_434 = vector.broadcast %add3A_433 : i32 to vector<16xi32>
          %add3A_435 = arith.addi %add3A_434, %iota3A : vector<16xi32>
          %gather3A_436 = tpu.vector_load_idx %arg21[%broadcast_in_dim3A_416, %add3A_435] : memref<64x128xf32, #tpu.memory_space<vmem>>[vector<16xi32>, vector<16xi32>], vector<16xf32>,
          %add3A_437 = arith.constant 16 : i32
          %add3A_438 = vector.broadcast %add3A_437 : i32 to vector<16xi32>
          %add3A_439 = arith.addi %mul3A_415, %add3A_438 : vector<16xi32>
          %add3A_440 = arith.addi %add3A_439, %iota3A : vector<16xi32>
          %mul3A_441 = arith.mulf %gather3A_436, %gather3A_423 : vector<16xf32>
          tpu.vector_store_idx %arg11[%add3A_440], %mul3A_441 {add = true} : memref<40960xf32, #tpu.memory_space<vmem>>[vector<16xi32>], vector<16xf32>,
          %mul3A_442 = arith.constant 4 : i32
          %mul3A_443 = vector.broadcast %mul3A_442 : i32 to vector<16xi32>
          %mul3A_444 = arith.muli %broadcast_in_dim3A_404, %mul3A_443 : vector<16xi32>
          %add3A_445 = arith.constant 1 : i32
          %add3A_446 = vector.broadcast %add3A_445 : i32 to vector<16xi32>
          %add3A_447 = arith.addi %mul3A_444, %add3A_446 : vector<16xi32>
          %gather3A_448 = tpu.vector_load_idx %arg20[%add3A_447] : memref<6416xf32, #tpu.memory_space<vmem>>[vector<16xi32>], vector<16xf32>,
          %add3A_449 = arith.constant 32 : i32
          %add3A_450 = vector.broadcast %add3A_449 : i32 to vector<16xi32>
          %add3A_451 = arith.addi %add3A_450, %iota3A : vector<16xi32>
          %gather3A_452 = tpu.vector_load_idx %arg21[%broadcast_in_dim3A_416, %add3A_451] : memref<64x128xf32, #tpu.memory_space<vmem>>[vector<16xi32>, vector<16xi32>], vector<16xf32>,
          %add3A_453 = arith.constant 32 : i32
          %add3A_454 = vector.broadcast %add3A_453 : i32 to vector<16xi32>
          %add3A_455 = arith.addi %mul3A_415, %add3A_454 : vector<16xi32>
          %add3A_456 = arith.addi %add3A_455, %iota3A : vector<16xi32>
          %mul3A_457 = arith.mulf %gather3A_452, %gather3A_448 : vector<16xf32>
          tpu.vector_store_idx %arg11[%add3A_456], %mul3A_457 {add = true} : memref<40960xf32, #tpu.memory_space<vmem>>[vector<16xi32>], vector<16xf32>,
          %add3A_458 = arith.constant 48 : i32
          %add3A_459 = vector.broadcast %add3A_458 : i32 to vector<16xi32>
          %add3A_460 = arith.addi %add3A_459, %iota3A : vector<16xi32>
          %gather3A_461 = tpu.vector_load_idx %arg21[%broadcast_in_dim3A_416, %add3A_460] : memref<64x128xf32, #tpu.memory_space<vmem>>[vector<16xi32>, vector<16xi32>], vector<16xf32>,
          %add3A_462 = arith.constant 48 : i32
          %add3A_463 = vector.broadcast %add3A_462 : i32 to vector<16xi32>
          %add3A_464 = arith.addi %mul3A_415, %add3A_463 : vector<16xi32>
          %add3A_465 = arith.addi %add3A_464, %iota3A : vector<16xi32>
          %mul3A_466 = arith.mulf %gather3A_461, %gather3A_448 : vector<16xf32>
          tpu.vector_store_idx %arg11[%add3A_465], %mul3A_466 {add = true} : memref<40960xf32, #tpu.memory_space<vmem>>[vector<16xi32>], vector<16xf32>,
          %mul3A_467 = arith.constant 4 : i32
          %mul3A_468 = vector.broadcast %mul3A_467 : i32 to vector<16xi32>
          %mul3A_469 = arith.muli %broadcast_in_dim3A_404, %mul3A_468 : vector<16xi32>
          %add3A_470 = arith.constant 2 : i32
          %add3A_471 = vector.broadcast %add3A_470 : i32 to vector<16xi32>
          %add3A_472 = arith.addi %mul3A_469, %add3A_471 : vector<16xi32>
          %gather3A_473 = tpu.vector_load_idx %arg20[%add3A_472] : memref<6416xf32, #tpu.memory_space<vmem>>[vector<16xi32>], vector<16xf32>,
          %add3A_474 = arith.constant 64 : i32
          %add3A_475 = vector.broadcast %add3A_474 : i32 to vector<16xi32>
          %add3A_476 = arith.addi %add3A_475, %iota3A : vector<16xi32>
          %gather3A_477 = tpu.vector_load_idx %arg21[%broadcast_in_dim3A_416, %add3A_476] : memref<64x128xf32, #tpu.memory_space<vmem>>[vector<16xi32>, vector<16xi32>], vector<16xf32>,
          %add3A_478 = arith.constant 64 : i32
          %add3A_479 = vector.broadcast %add3A_478 : i32 to vector<16xi32>
          %add3A_480 = arith.addi %mul3A_415, %add3A_479 : vector<16xi32>
          %add3A_481 = arith.addi %add3A_480, %iota3A : vector<16xi32>
          %mul3A_482 = arith.mulf %gather3A_477, %gather3A_473 : vector<16xf32>
          tpu.vector_store_idx %arg11[%add3A_481], %mul3A_482 {add = true} : memref<40960xf32, #tpu.memory_space<vmem>>[vector<16xi32>], vector<16xf32>,
          %add3A_483 = arith.constant 80 : i32
          %add3A_484 = vector.broadcast %add3A_483 : i32 to vector<16xi32>
          %add3A_485 = arith.addi %add3A_484, %iota3A : vector<16xi32>
          %gather3A_486 = tpu.vector_load_idx %arg21[%broadcast_in_dim3A_416, %add3A_485] : memref<64x128xf32, #tpu.memory_space<vmem>>[vector<16xi32>, vector<16xi32>], vector<16xf32>,
          %add3A_487 = arith.constant 80 : i32
          %add3A_488 = vector.broadcast %add3A_487 : i32 to vector<16xi32>
          %add3A_489 = arith.addi %mul3A_415, %add3A_488 : vector<16xi32>
          %add3A_490 = arith.addi %add3A_489, %iota3A : vector<16xi32>
          %mul3A_491 = arith.mulf %gather3A_486, %gather3A_473 : vector<16xf32>
          tpu.vector_store_idx %arg11[%add3A_490], %mul3A_491 {add = true} : memref<40960xf32, #tpu.memory_space<vmem>>[vector<16xi32>], vector<16xf32>,
          %mul3A_492 = arith.constant 4 : i32
          %mul3A_493 = vector.broadcast %mul3A_492 : i32 to vector<16xi32>
          %mul3A_494 = arith.muli %broadcast_in_dim3A_404, %mul3A_493 : vector<16xi32>
          %add3A_495 = arith.constant 3 : i32
          %add3A_496 = vector.broadcast %add3A_495 : i32 to vector<16xi32>
          %add3A_497 = arith.addi %mul3A_494, %add3A_496 : vector<16xi32>
          %gather3A_498 = tpu.vector_load_idx %arg20[%add3A_497] : memref<6416xf32, #tpu.memory_space<vmem>>[vector<16xi32>], vector<16xf32>,
          %add3A_499 = arith.constant 96 : i32
          %add3A_500 = vector.broadcast %add3A_499 : i32 to vector<16xi32>
          %add3A_501 = arith.addi %add3A_500, %iota3A : vector<16xi32>
          %gather3A_502 = tpu.vector_load_idx %arg21[%broadcast_in_dim3A_416, %add3A_501] : memref<64x128xf32, #tpu.memory_space<vmem>>[vector<16xi32>, vector<16xi32>], vector<16xf32>,
          %add3A_503 = arith.constant 96 : i32
          %add3A_504 = vector.broadcast %add3A_503 : i32 to vector<16xi32>
          %add3A_505 = arith.addi %mul3A_415, %add3A_504 : vector<16xi32>
          %add3A_506 = arith.addi %add3A_505, %iota3A : vector<16xi32>
          %mul3A_507 = arith.mulf %gather3A_502, %gather3A_498 : vector<16xf32>
          tpu.vector_store_idx %arg11[%add3A_506], %mul3A_507 {add = true} : memref<40960xf32, #tpu.memory_space<vmem>>[vector<16xi32>], vector<16xf32>,
          %add3A_508 = arith.constant 112 : i32
          %add3A_509 = vector.broadcast %add3A_508 : i32 to vector<16xi32>
          %add3A_510 = arith.addi %add3A_509, %iota3A : vector<16xi32>
          %gather3A_511 = tpu.vector_load_idx %arg21[%broadcast_in_dim3A_416, %add3A_510] : memref<64x128xf32, #tpu.memory_space<vmem>>[vector<16xi32>, vector<16xi32>], vector<16xf32>,
          %add3A_512 = arith.constant 112 : i32
          %add3A_513 = vector.broadcast %add3A_512 : i32 to vector<16xi32>
          %add3A_514 = arith.addi %mul3A_415, %add3A_513 : vector<16xi32>
          %add3A_515 = arith.addi %add3A_514, %iota3A : vector<16xi32>
          %mul3A_516 = arith.mulf %gather3A_511, %gather3A_498 : vector<16xf32>
          tpu.vector_store_idx %arg11[%add3A_515], %mul3A_516 {add = true} : memref<40960xf32, #tpu.memory_space<vmem>>[vector<16xi32>], vector<16xf32>,
        }
        %lt3A_394 = arith.cmpi slt, %add3A_360, %select_n3A_163 : i32
        %convert_element_type3A_395 = arith.extui %lt3A_394 : i1 to i32
        %cond3A_396 = arith.constant 0 : i32
        %cond3A_397 = arith.cmpi ne, %convert_element_type3A_395, %cond3A_396 : i32
        scf.if %cond3A_397 {
          %mul3A_398 = arith.constant 64 : i32
          %mul3A_399 = arith.muli %add3A_360, %mul3A_398 : i32
          %dma_wait3A_400 = tpu.memref_slice %arg18[%mul3A_399] : memref<1600xi32, #tpu.memory_space<vmem>> -> memref<64xi32, #tpu.memory_space<vmem>>
          %dma_wait3A_401 = arith.constant 0 : i32
          %dma_wait3A_402 = arith.constant 0 : i32
          %dma_wait3A_403 = tpu.memref_slice %arg7[%dma_wait3A_401, %dma_wait3A_402] : memref<10000x128xf32, #tpu.memory_space<hbm>> -> memref<10000x128xf32, #tpu.memory_space<hbm>>
          tpu.wait_indirect_dma semaphore(%arg29 : memref<!tpu.dma_semaphore, #tpu.memory_space<semaphore_mem>>) src(%dma_wait3A_403 : memref<10000x128xf32, #tpu.memory_space<hbm>>) dst(%arg22 : memref<64x128xf32, #tpu.memory_space<vmem>>)
          %add3A_404 = arith.constant 1 : i32
          %add3A_405 = arith.addi %add3A_360, %add3A_404 : i32
          %lt3A_406 = arith.cmpi slt, %add3A_405, %select_n3A_163 : i32
          %convert_element_type3A_407 = arith.extui %lt3A_406 : i1 to i32
          %cond3A_408 = arith.constant 0 : i32
          %cond3A_409 = arith.cmpi ne, %convert_element_type3A_407, %cond3A_408 : i32
          scf.if %cond3A_409 {
            %add3A_434 = arith.constant 1 : i32
            %add3A_435 = arith.addi %add3A_360, %add3A_434 : i32
            %mul3A_436 = arith.constant 64 : i32
            %mul3A_437 = arith.muli %add3A_435, %mul3A_436 : i32
            %dma_start3A_438 = tpu.memref_slice %arg18[%mul3A_437] : memref<1600xi32, #tpu.memory_space<vmem>> -> memref<64xi32, #tpu.memory_space<vmem>>
            %dma_start3A_439 = arith.constant 0 : i32
            %dma_start3A_440 = arith.constant 0 : i32
            %dma_start3A_441 = tpu.memref_slice %arg7[%dma_start3A_439, %dma_start3A_440] : memref<10000x128xf32, #tpu.memory_space<hbm>> -> memref<10000x128xf32, #tpu.memory_space<hbm>>
            tpu.enqueue_indirect_dma source(%dma_start3A_441 : memref<10000x128xf32, #tpu.memory_space<hbm>>) target(%arg21 : memref<64x128xf32, #tpu.memory_space<vmem>>) offsets(%dma_start3A_438 : memref<64xi32, #tpu.memory_space<vmem>>) semaphore(%arg28 : memref<!tpu.dma_semaphore, #tpu.memory_space<semaphore_mem>>)
          } else {
          }
          %mul3A_410 = arith.constant 64 : i32
          %mul3A_411 = arith.muli %add3A_360, %mul3A_410 : i32
          %sub3A_412 = arith.subi %scan3A_100, %mul3A_411 : i32
          %min3A_413 = arith.constant 64 : i32
          %min3A_414 = arith.minsi %sub3A_412, %min3A_413 : i32
          %sub3A_415 = arith.constant 0 : i32
          %sub3A_416 = arith.subi %min3A_414, %sub3A_415 : i32
          %sub3A_417 = arith.constant 1 : i32
          %sub3A_418 = arith.constant 1 : i32
          %sub3A_419 = arith.subi %sub3A_417, %sub3A_418 : i32
          %add3A_420 = arith.addi %sub3A_416, %sub3A_419 : i32
          %div3A_421 = arith.constant 1 : i32
          %div3A_422 = arith.divsi %add3A_420, %div3A_421 : i32
          %while3A_423 = arith.constant 1 : i32
          %while3A_424 = arith.constant 0 : i32
          %while3A_425 = arith.constant 0 : i32
          %while3A_426 = arith.subi %div3A_422, %while3A_425 : i32
          %while3A_427 = arith.addi %while3A_425, %while3A_426 : i32
          %while3A_428 = arith.constant 1 : i32
          %while3A_429 = arith.divsi %while3A_426, %while3A_428 : i32
          %while3A_430 = arith.muli %while3A_429, %while3A_428 : i32
          %while3A_431 = arith.addi %while3A_425, %while3A_430 : i32
          %while3A_432 = arith.constant 1 : i32
          scf.for %while3A_434 = %while3A_425 to %while3A_431 step %while3A_432  : i32 {
            %mul3A_435 = arith.muli %while3A_434, %while3A_423 : i32
            %add3A_436 = arith.addi %while3A_424, %mul3A_435 : i32
            %mul3A_437 = arith.constant 64 : i32
            %mul3A_438 = arith.muli %add3A_360, %mul3A_437 : i32
            %add3A_439 = arith.addi %mul3A_438, %add3A_436 : i32
            %broadcast_in_dim3A_440 = vector.broadcast %add3A_439 : i32 to vector<16xi32>
            %gather3A = tpu.vector_load_idx %arg19[%broadcast_in_dim3A_440] : memref<1616xi32, #tpu.memory_space<vmem>>[vector<16xi32>], vector<16xi32>,
            %mul3A_441 = arith.constant 4 : i32
            %mul3A_442 = arith.muli %add3A_439, %mul3A_441 : i32
            %get3A_443 = arith.index_cast %mul3A_442 : i32 to index
            %get3A_444 = tpu.vector_load %arg20[%get3A_443] {strides = array<i32>} : memref<6416xf32, #tpu.memory_space<vmem>>, vector<16xf32>,
            %mul3A_445 = arith.constant 4 : i32
            %mul3A_446 = vector.broadcast %mul3A_445 : i32 to vector<16xi32>
            %mul3A_447 = arith.muli %gather3A, %mul3A_446 : vector<16xi32>
            %add3A_448 = arith.addi %mul3A_447, %iota3A : vector<16xi32>
            tpu.vector_store_idx %arg12[%add3A_448], %get3A_444 masked %lt3A_7 {add = true} : memref<1296xf32, #tpu.memory_space<vmem>>[vector<16xi32>], vector<16xf32>, vector<16xi1>
            %mul3A_449 = arith.constant 128 : i32
            %mul3A_450 = vector.broadcast %mul3A_449 : i32 to vector<16xi32>
            %mul3A_451 = arith.muli %gather3A, %mul3A_450 : vector<16xi32>
            %broadcast_in_dim3A_452 = vector.broadcast %add3A_436 : i32 to vector<16xi32>
            %mul3A_453 = arith.constant 4 : i32
            %mul3A_454 = vector.broadcast %mul3A_453 : i32 to vector<16xi32>
            %mul3A_455 = arith.muli %broadcast_in_dim3A_440, %mul3A_454 : vector<16xi32>
            %add3A_456 = arith.constant 0 : i32
            %add3A_457 = vector.broadcast %add3A_456 : i32 to vector<16xi32>
            %add3A_458 = arith.addi %mul3A_455, %add3A_457 : vector<16xi32>
            %gather3A_459 = tpu.vector_load_idx %arg20[%add3A_458] : memref<6416xf32, #tpu.memory_space<vmem>>[vector<16xi32>], vector<16xf32>,
            %add3A_460 = arith.constant 0 : i32
            %add3A_461 = vector.broadcast %add3A_460 : i32 to vector<16xi32>
            %add3A_462 = arith.addi %add3A_461, %iota3A : vector<16xi32>
            %gather3A_463 = tpu.vector_load_idx %arg22[%broadcast_in_dim3A_452, %add3A_462] : memref<64x128xf32, #tpu.memory_space<vmem>>[vector<16xi32>, vector<16xi32>], vector<16xf32>,
            %add3A_464 = arith.constant 0 : i32
            %add3A_465 = vector.broadcast %add3A_464 : i32 to vector<16xi32>
            %add3A_466 = arith.addi %mul3A_451, %add3A_465 : vector<16xi32>
            %add3A_467 = arith.addi %add3A_466, %iota3A : vector<16xi32>
            %mul3A_468 = arith.mulf %gather3A_463, %gather3A_459 : vector<16xf32>
            tpu.vector_store_idx %arg11[%add3A_467], %mul3A_468 {add = true} : memref<40960xf32, #tpu.memory_space<vmem>>[vector<16xi32>], vector<16xf32>,
            %add3A_469 = arith.constant 16 : i32
            %add3A_470 = vector.broadcast %add3A_469 : i32 to vector<16xi32>
            %add3A_471 = arith.addi %add3A_470, %iota3A : vector<16xi32>
            %gather3A_472 = tpu.vector_load_idx %arg22[%broadcast_in_dim3A_452, %add3A_471] : memref<64x128xf32, #tpu.memory_space<vmem>>[vector<16xi32>, vector<16xi32>], vector<16xf32>,
            %add3A_473 = arith.constant 16 : i32
            %add3A_474 = vector.broadcast %add3A_473 : i32 to vector<16xi32>
            %add3A_475 = arith.addi %mul3A_451, %add3A_474 : vector<16xi32>
            %add3A_476 = arith.addi %add3A_475, %iota3A : vector<16xi32>
            %mul3A_477 = arith.mulf %gather3A_472, %gather3A_459 : vector<16xf32>
            tpu.vector_store_idx %arg11[%add3A_476], %mul3A_477 {add = true} : memref<40960xf32, #tpu.memory_space<vmem>>[vector<16xi32>], vector<16xf32>,
            %mul3A_478 = arith.constant 4 : i32
            %mul3A_479 = vector.broadcast %mul3A_478 : i32 to vector<16xi32>
            %mul3A_480 = arith.muli %broadcast_in_dim3A_440, %mul3A_479 : vector<16xi32>
            %add3A_481 = arith.constant 1 : i32
            %add3A_482 = vector.broadcast %add3A_481 : i32 to vector<16xi32>
            %add3A_483 = arith.addi %mul3A_480, %add3A_482 : vector<16xi32>
            %gather3A_484 = tpu.vector_load_idx %arg20[%add3A_483] : memref<6416xf32, #tpu.memory_space<vmem>>[vector<16xi32>], vector<16xf32>,
            %add3A_485 = arith.constant 32 : i32
            %add3A_486 = vector.broadcast %add3A_485 : i32 to vector<16xi32>
            %add3A_487 = arith.addi %add3A_486, %iota3A : vector<16xi32>
            %gather3A_488 = tpu.vector_load_idx %arg22[%broadcast_in_dim3A_452, %add3A_487] : memref<64x128xf32, #tpu.memory_space<vmem>>[vector<16xi32>, vector<16xi32>], vector<16xf32>,
            %add3A_489 = arith.constant 32 : i32
            %add3A_490 = vector.broadcast %add3A_489 : i32 to vector<16xi32>
            %add3A_491 = arith.addi %mul3A_451, %add3A_490 : vector<16xi32>
            %add3A_492 = arith.addi %add3A_491, %iota3A : vector<16xi32>
            %mul3A_493 = arith.mulf %gather3A_488, %gather3A_484 : vector<16xf32>
            tpu.vector_store_idx %arg11[%add3A_492], %mul3A_493 {add = true} : memref<40960xf32, #tpu.memory_space<vmem>>[vector<16xi32>], vector<16xf32>,
            %add3A_494 = arith.constant 48 : i32
            %add3A_495 = vector.broadcast %add3A_494 : i32 to vector<16xi32>
            %add3A_496 = arith.addi %add3A_495, %iota3A : vector<16xi32>
            %gather3A_497 = tpu.vector_load_idx %arg22[%broadcast_in_dim3A_452, %add3A_496] : memref<64x128xf32, #tpu.memory_space<vmem>>[vector<16xi32>, vector<16xi32>], vector<16xf32>,
            %add3A_498 = arith.constant 48 : i32
            %add3A_499 = vector.broadcast %add3A_498 : i32 to vector<16xi32>
            %add3A_500 = arith.addi %mul3A_451, %add3A_499 : vector<16xi32>
            %add3A_501 = arith.addi %add3A_500, %iota3A : vector<16xi32>
            %mul3A_502 = arith.mulf %gather3A_497, %gather3A_484 : vector<16xf32>
            tpu.vector_store_idx %arg11[%add3A_501], %mul3A_502 {add = true} : memref<40960xf32, #tpu.memory_space<vmem>>[vector<16xi32>], vector<16xf32>,
            %mul3A_503 = arith.constant 4 : i32
            %mul3A_504 = vector.broadcast %mul3A_503 : i32 to vector<16xi32>
            %mul3A_505 = arith.muli %broadcast_in_dim3A_440, %mul3A_504 : vector<16xi32>
            %add3A_506 = arith.constant 2 : i32
            %add3A_507 = vector.broadcast %add3A_506 : i32 to vector<16xi32>
            %add3A_508 = arith.addi %mul3A_505, %add3A_507 : vector<16xi32>
            %gather3A_509 = tpu.vector_load_idx %arg20[%add3A_508] : memref<6416xf32, #tpu.memory_space<vmem>>[vector<16xi32>], vector<16xf32>,
            %add3A_510 = arith.constant 64 : i32
            %add3A_511 = vector.broadcast %add3A_510 : i32 to vector<16xi32>
            %add3A_512 = arith.addi %add3A_511, %iota3A : vector<16xi32>
            %gather3A_513 = tpu.vector_load_idx %arg22[%broadcast_in_dim3A_452, %add3A_512] : memref<64x128xf32, #tpu.memory_space<vmem>>[vector<16xi32>, vector<16xi32>], vector<16xf32>,
            %add3A_514 = arith.constant 64 : i32
            %add3A_515 = vector.broadcast %add3A_514 : i32 to vector<16xi32>
            %add3A_516 = arith.addi %mul3A_451, %add3A_515 : vector<16xi32>
            %add3A_517 = arith.addi %add3A_516, %iota3A : vector<16xi32>
            %mul3A_518 = arith.mulf %gather3A_513, %gather3A_509 : vector<16xf32>
            tpu.vector_store_idx %arg11[%add3A_517], %mul3A_518 {add = true} : memref<40960xf32, #tpu.memory_space<vmem>>[vector<16xi32>], vector<16xf32>,
            %add3A_519 = arith.constant 80 : i32
            %add3A_520 = vector.broadcast %add3A_519 : i32 to vector<16xi32>
            %add3A_521 = arith.addi %add3A_520, %iota3A : vector<16xi32>
            %gather3A_522 = tpu.vector_load_idx %arg22[%broadcast_in_dim3A_452, %add3A_521] : memref<64x128xf32, #tpu.memory_space<vmem>>[vector<16xi32>, vector<16xi32>], vector<16xf32>,
            %add3A_523 = arith.constant 80 : i32
            %add3A_524 = vector.broadcast %add3A_523 : i32 to vector<16xi32>
            %add3A_525 = arith.addi %mul3A_451, %add3A_524 : vector<16xi32>
            %add3A_526 = arith.addi %add3A_525, %iota3A : vector<16xi32>
            %mul3A_527 = arith.mulf %gather3A_522, %gather3A_509 : vector<16xf32>
            tpu.vector_store_idx %arg11[%add3A_526], %mul3A_527 {add = true} : memref<40960xf32, #tpu.memory_space<vmem>>[vector<16xi32>], vector<16xf32>,
            %mul3A_528 = arith.constant 4 : i32
            %mul3A_529 = vector.broadcast %mul3A_528 : i32 to vector<16xi32>
            %mul3A_530 = arith.muli %broadcast_in_dim3A_440, %mul3A_529 : vector<16xi32>
            %add3A_531 = arith.constant 3 : i32
            %add3A_532 = vector.broadcast %add3A_531 : i32 to vector<16xi32>
            %add3A_533 = arith.addi %mul3A_530, %add3A_532 : vector<16xi32>
            %gather3A_534 = tpu.vector_load_idx %arg20[%add3A_533] : memref<6416xf32, #tpu.memory_space<vmem>>[vector<16xi32>], vector<16xf32>,
            %add3A_535 = arith.constant 96 : i32
            %add3A_536 = vector.broadcast %add3A_535 : i32 to vector<16xi32>
            %add3A_537 = arith.addi %add3A_536, %iota3A : vector<16xi32>
            %gather3A_538 = tpu.vector_load_idx %arg22[%broadcast_in_dim3A_452, %add3A_537] : memref<64x128xf32, #tpu.memory_space<vmem>>[vector<16xi32>, vector<16xi32>], vector<16xf32>,
            %add3A_539 = arith.constant 96 : i32
            %add3A_540 = vector.broadcast %add3A_539 : i32 to vector<16xi32>
            %add3A_541 = arith.addi %mul3A_451, %add3A_540 : vector<16xi32>
            %add3A_542 = arith.addi %add3A_541, %iota3A : vector<16xi32>
            %mul3A_543 = arith.mulf %gather3A_538, %gather3A_534 : vector<16xf32>
            tpu.vector_store_idx %arg11[%add3A_542], %mul3A_543 {add = true} : memref<40960xf32, #tpu.memory_space<vmem>>[vector<16xi32>], vector<16xf32>,
            %add3A_544 = arith.constant 112 : i32
            %add3A_545 = vector.broadcast %add3A_544 : i32 to vector<16xi32>
            %add3A_546 = arith.addi %add3A_545, %iota3A : vector<16xi32>
            %gather3A_547 = tpu.vector_load_idx %arg22[%broadcast_in_dim3A_452, %add3A_546] : memref<64x128xf32, #tpu.memory_space<vmem>>[vector<16xi32>, vector<16xi32>], vector<16xf32>,
            %add3A_548 = arith.constant 112 : i32
            %add3A_549 = vector.broadcast %add3A_548 : i32 to vector<16xi32>
            %add3A_550 = arith.addi %mul3A_451, %add3A_549 : vector<16xi32>
            %add3A_551 = arith.addi %add3A_550, %iota3A : vector<16xi32>
            %mul3A_552 = arith.mulf %gather3A_547, %gather3A_534 : vector<16xf32>
            tpu.vector_store_idx %arg11[%add3A_551], %mul3A_552 {add = true} : memref<40960xf32, #tpu.memory_space<vmem>>[vector<16xi32>], vector<16xf32>,
          }
          %while3A_433 = arith.constant 1 : i32
          scf.for %while3A_434 = %while3A_431 to %while3A_427 step %while3A_433  : i32 {
            %mul3A_435 = arith.muli %while3A_434, %while3A_423 : i32
            %add3A_436 = arith.addi %while3A_424, %mul3A_435 : i32
            %mul3A_437 = arith.constant 64 : i32
            %mul3A_438 = arith.muli %add3A_360, %mul3A_437 : i32
            %add3A_439 = arith.addi %mul3A_438, %add3A_436 : i32
            %broadcast_in_dim3A_440 = vector.broadcast %add3A_439 : i32 to vector<16xi32>
            %gather3A = tpu.vector_load_idx %arg19[%broadcast_in_dim3A_440] : memref<1616xi32, #tpu.memory_space<vmem>>[vector<16xi32>], vector<16xi32>,
            %mul3A_441 = arith.constant 4 : i32
            %mul3A_442 = arith.muli %add3A_439, %mul3A_441 : i32
            %get3A_443 = arith.index_cast %mul3A_442 : i32 to index
            %get3A_444 = tpu.vector_load %arg20[%get3A_443] {strides = array<i32>} : memref<6416xf32, #tpu.memory_space<vmem>>, vector<16xf32>,
            %mul3A_445 = arith.constant 4 : i32
            %mul3A_446 = vector.broadcast %mul3A_445 : i32 to vector<16xi32>
            %mul3A_447 = arith.muli %gather3A, %mul3A_446 : vector<16xi32>
            %add3A_448 = arith.addi %mul3A_447, %iota3A : vector<16xi32>
            tpu.vector_store_idx %arg12[%add3A_448], %get3A_444 masked %lt3A_7 {add = true} : memref<1296xf32, #tpu.memory_space<vmem>>[vector<16xi32>], vector<16xf32>, vector<16xi1>
            %mul3A_449 = arith.constant 128 : i32
            %mul3A_450 = vector.broadcast %mul3A_449 : i32 to vector<16xi32>
            %mul3A_451 = arith.muli %gather3A, %mul3A_450 : vector<16xi32>
            %broadcast_in_dim3A_452 = vector.broadcast %add3A_436 : i32 to vector<16xi32>
            %mul3A_453 = arith.constant 4 : i32
            %mul3A_454 = vector.broadcast %mul3A_453 : i32 to vector<16xi32>
            %mul3A_455 = arith.muli %broadcast_in_dim3A_440, %mul3A_454 : vector<16xi32>
            %add3A_456 = arith.constant 0 : i32
            %add3A_457 = vector.broadcast %add3A_456 : i32 to vector<16xi32>
            %add3A_458 = arith.addi %mul3A_455, %add3A_457 : vector<16xi32>
            %gather3A_459 = tpu.vector_load_idx %arg20[%add3A_458] : memref<6416xf32, #tpu.memory_space<vmem>>[vector<16xi32>], vector<16xf32>,
            %add3A_460 = arith.constant 0 : i32
            %add3A_461 = vector.broadcast %add3A_460 : i32 to vector<16xi32>
            %add3A_462 = arith.addi %add3A_461, %iota3A : vector<16xi32>
            %gather3A_463 = tpu.vector_load_idx %arg22[%broadcast_in_dim3A_452, %add3A_462] : memref<64x128xf32, #tpu.memory_space<vmem>>[vector<16xi32>, vector<16xi32>], vector<16xf32>,
            %add3A_464 = arith.constant 0 : i32
            %add3A_465 = vector.broadcast %add3A_464 : i32 to vector<16xi32>
            %add3A_466 = arith.addi %mul3A_451, %add3A_465 : vector<16xi32>
            %add3A_467 = arith.addi %add3A_466, %iota3A : vector<16xi32>
            %mul3A_468 = arith.mulf %gather3A_463, %gather3A_459 : vector<16xf32>
            tpu.vector_store_idx %arg11[%add3A_467], %mul3A_468 {add = true} : memref<40960xf32, #tpu.memory_space<vmem>>[vector<16xi32>], vector<16xf32>,
            %add3A_469 = arith.constant 16 : i32
            %add3A_470 = vector.broadcast %add3A_469 : i32 to vector<16xi32>
            %add3A_471 = arith.addi %add3A_470, %iota3A : vector<16xi32>
            %gather3A_472 = tpu.vector_load_idx %arg22[%broadcast_in_dim3A_452, %add3A_471] : memref<64x128xf32, #tpu.memory_space<vmem>>[vector<16xi32>, vector<16xi32>], vector<16xf32>,
            %add3A_473 = arith.constant 16 : i32
            %add3A_474 = vector.broadcast %add3A_473 : i32 to vector<16xi32>
            %add3A_475 = arith.addi %mul3A_451, %add3A_474 : vector<16xi32>
            %add3A_476 = arith.addi %add3A_475, %iota3A : vector<16xi32>
            %mul3A_477 = arith.mulf %gather3A_472, %gather3A_459 : vector<16xf32>
            tpu.vector_store_idx %arg11[%add3A_476], %mul3A_477 {add = true} : memref<40960xf32, #tpu.memory_space<vmem>>[vector<16xi32>], vector<16xf32>,
            %mul3A_478 = arith.constant 4 : i32
            %mul3A_479 = vector.broadcast %mul3A_478 : i32 to vector<16xi32>
            %mul3A_480 = arith.muli %broadcast_in_dim3A_440, %mul3A_479 : vector<16xi32>
            %add3A_481 = arith.constant 1 : i32
            %add3A_482 = vector.broadcast %add3A_481 : i32 to vector<16xi32>
            %add3A_483 = arith.addi %mul3A_480, %add3A_482 : vector<16xi32>
            %gather3A_484 = tpu.vector_load_idx %arg20[%add3A_483] : memref<6416xf32, #tpu.memory_space<vmem>>[vector<16xi32>], vector<16xf32>,
            %add3A_485 = arith.constant 32 : i32
            %add3A_486 = vector.broadcast %add3A_485 : i32 to vector<16xi32>
            %add3A_487 = arith.addi %add3A_486, %iota3A : vector<16xi32>
            %gather3A_488 = tpu.vector_load_idx %arg22[%broadcast_in_dim3A_452, %add3A_487] : memref<64x128xf32, #tpu.memory_space<vmem>>[vector<16xi32>, vector<16xi32>], vector<16xf32>,
            %add3A_489 = arith.constant 32 : i32
            %add3A_490 = vector.broadcast %add3A_489 : i32 to vector<16xi32>
            %add3A_491 = arith.addi %mul3A_451, %add3A_490 : vector<16xi32>
            %add3A_492 = arith.addi %add3A_491, %iota3A : vector<16xi32>
            %mul3A_493 = arith.mulf %gather3A_488, %gather3A_484 : vector<16xf32>
            tpu.vector_store_idx %arg11[%add3A_492], %mul3A_493 {add = true} : memref<40960xf32, #tpu.memory_space<vmem>>[vector<16xi32>], vector<16xf32>,
            %add3A_494 = arith.constant 48 : i32
            %add3A_495 = vector.broadcast %add3A_494 : i32 to vector<16xi32>
            %add3A_496 = arith.addi %add3A_495, %iota3A : vector<16xi32>
            %gather3A_497 = tpu.vector_load_idx %arg22[%broadcast_in_dim3A_452, %add3A_496] : memref<64x128xf32, #tpu.memory_space<vmem>>[vector<16xi32>, vector<16xi32>], vector<16xf32>,
            %add3A_498 = arith.constant 48 : i32
            %add3A_499 = vector.broadcast %add3A_498 : i32 to vector<16xi32>
            %add3A_500 = arith.addi %mul3A_451, %add3A_499 : vector<16xi32>
            %add3A_501 = arith.addi %add3A_500, %iota3A : vector<16xi32>
            %mul3A_502 = arith.mulf %gather3A_497, %gather3A_484 : vector<16xf32>
            tpu.vector_store_idx %arg11[%add3A_501], %mul3A_502 {add = true} : memref<40960xf32, #tpu.memory_space<vmem>>[vector<16xi32>], vector<16xf32>,
            %mul3A_503 = arith.constant 4 : i32
            %mul3A_504 = vector.broadcast %mul3A_503 : i32 to vector<16xi32>
            %mul3A_505 = arith.muli %broadcast_in_dim3A_440, %mul3A_504 : vector<16xi32>
            %add3A_506 = arith.constant 2 : i32
            %add3A_507 = vector.broadcast %add3A_506 : i32 to vector<16xi32>
            %add3A_508 = arith.addi %mul3A_505, %add3A_507 : vector<16xi32>
            %gather3A_509 = tpu.vector_load_idx %arg20[%add3A_508] : memref<6416xf32, #tpu.memory_space<vmem>>[vector<16xi32>], vector<16xf32>,
            %add3A_510 = arith.constant 64 : i32
            %add3A_511 = vector.broadcast %add3A_510 : i32 to vector<16xi32>
            %add3A_512 = arith.addi %add3A_511, %iota3A : vector<16xi32>
            %gather3A_513 = tpu.vector_load_idx %arg22[%broadcast_in_dim3A_452, %add3A_512] : memref<64x128xf32, #tpu.memory_space<vmem>>[vector<16xi32>, vector<16xi32>], vector<16xf32>,
            %add3A_514 = arith.constant 64 : i32
            %add3A_515 = vector.broadcast %add3A_514 : i32 to vector<16xi32>
            %add3A_516 = arith.addi %mul3A_451, %add3A_515 : vector<16xi32>
            %add3A_517 = arith.addi %add3A_516, %iota3A : vector<16xi32>
            %mul3A_518 = arith.mulf %gather3A_513, %gather3A_509 : vector<16xf32>
            tpu.vector_store_idx %arg11[%add3A_517], %mul3A_518 {add = true} : memref<40960xf32, #tpu.memory_space<vmem>>[vector<16xi32>], vector<16xf32>,
            %add3A_519 = arith.constant 80 : i32
            %add3A_520 = vector.broadcast %add3A_519 : i32 to vector<16xi32>
            %add3A_521 = arith.addi %add3A_520, %iota3A : vector<16xi32>
            %gather3A_522 = tpu.vector_load_idx %arg22[%broadcast_in_dim3A_452, %add3A_521] : memref<64x128xf32, #tpu.memory_space<vmem>>[vector<16xi32>, vector<16xi32>], vector<16xf32>,
            %add3A_523 = arith.constant 80 : i32
            %add3A_524 = vector.broadcast %add3A_523 : i32 to vector<16xi32>
            %add3A_525 = arith.addi %mul3A_451, %add3A_524 : vector<16xi32>
            %add3A_526 = arith.addi %add3A_525, %iota3A : vector<16xi32>
            %mul3A_527 = arith.mulf %gather3A_522, %gather3A_509 : vector<16xf32>
            tpu.vector_store_idx %arg11[%add3A_526], %mul3A_527 {add = true} : memref<40960xf32, #tpu.memory_space<vmem>>[vector<16xi32>], vector<16xf32>,
            %mul3A_528 = arith.constant 4 : i32
            %mul3A_529 = vector.broadcast %mul3A_528 : i32 to vector<16xi32>
            %mul3A_530 = arith.muli %broadcast_in_dim3A_440, %mul3A_529 : vector<16xi32>
            %add3A_531 = arith.constant 3 : i32
            %add3A_532 = vector.broadcast %add3A_531 : i32 to vector<16xi32>
            %add3A_533 = arith.addi %mul3A_530, %add3A_532 : vector<16xi32>
            %gather3A_534 = tpu.vector_load_idx %arg20[%add3A_533] : memref<6416xf32, #tpu.memory_space<vmem>>[vector<16xi32>], vector<16xf32>,
            %add3A_535 = arith.constant 96 : i32
            %add3A_536 = vector.broadcast %add3A_535 : i32 to vector<16xi32>
            %add3A_537 = arith.addi %add3A_536, %iota3A : vector<16xi32>
            %gather3A_538 = tpu.vector_load_idx %arg22[%broadcast_in_dim3A_452, %add3A_537] : memref<64x128xf32, #tpu.memory_space<vmem>>[vector<16xi32>, vector<16xi32>], vector<16xf32>,
            %add3A_539 = arith.constant 96 : i32
            %add3A_540 = vector.broadcast %add3A_539 : i32 to vector<16xi32>
            %add3A_541 = arith.addi %mul3A_451, %add3A_540 : vector<16xi32>
            %add3A_542 = arith.addi %add3A_541, %iota3A : vector<16xi32>
            %mul3A_543 = arith.mulf %gather3A_538, %gather3A_534 : vector<16xf32>
            tpu.vector_store_idx %arg11[%add3A_542], %mul3A_543 {add = true} : memref<40960xf32, #tpu.memory_space<vmem>>[vector<16xi32>], vector<16xf32>,
            %add3A_544 = arith.constant 112 : i32
            %add3A_545 = vector.broadcast %add3A_544 : i32 to vector<16xi32>
            %add3A_546 = arith.addi %add3A_545, %iota3A : vector<16xi32>
            %gather3A_547 = tpu.vector_load_idx %arg22[%broadcast_in_dim3A_452, %add3A_546] : memref<64x128xf32, #tpu.memory_space<vmem>>[vector<16xi32>, vector<16xi32>], vector<16xf32>,
            %add3A_548 = arith.constant 112 : i32
            %add3A_549 = vector.broadcast %add3A_548 : i32 to vector<16xi32>
            %add3A_550 = arith.addi %mul3A_451, %add3A_549 : vector<16xi32>
            %add3A_551 = arith.addi %add3A_550, %iota3A : vector<16xi32>
            %mul3A_552 = arith.mulf %gather3A_547, %gather3A_534 : vector<16xf32>
            tpu.vector_store_idx %arg11[%add3A_551], %mul3A_552 {add = true} : memref<40960xf32, #tpu.memory_space<vmem>>[vector<16xi32>], vector<16xf32>,
          }
        } else {
        }
      }
      %while3A_210 = arith.constant 1 : i32
      scf.for %while3A_354 = %while3A_208 to %while3A_204 step %while3A_210  : i32 {
        %mul3A_355 = arith.muli %while3A_354, %while3A_200 : i32
        %add3A_356 = arith.addi %while3A_201, %mul3A_355 : i32
        %mul3A_357 = arith.constant 2 : i32
        %mul3A_358 = arith.muli %mul3A_357, %add3A_356 : i32
        %add3A_359 = arith.constant 1 : i32
        %add3A_360 = arith.addi %mul3A_358, %add3A_359 : i32
        %mul3A_361 = arith.constant 64 : i32
        %mul3A_362 = arith.muli %mul3A_358, %mul3A_361 : i32
        %dma_wait3A_363 = tpu.memref_slice %arg18[%mul3A_362] : memref<1600xi32, #tpu.memory_space<vmem>> -> memref<64xi32, #tpu.memory_space<vmem>>
        %dma_wait3A_364 = arith.constant 0 : i32
        %dma_wait3A_365 = arith.constant 0 : i32
        %dma_wait3A_366 = tpu.memref_slice %arg7[%dma_wait3A_364, %dma_wait3A_365] : memref<10000x128xf32, #tpu.memory_space<hbm>> -> memref<10000x128xf32, #tpu.memory_space<hbm>>
        tpu.wait_indirect_dma semaphore(%arg28 : memref<!tpu.dma_semaphore, #tpu.memory_space<semaphore_mem>>) src(%dma_wait3A_366 : memref<10000x128xf32, #tpu.memory_space<hbm>>) dst(%arg21 : memref<64x128xf32, #tpu.memory_space<vmem>>)
        %lt3A_367 = arith.cmpi slt, %add3A_360, %select_n3A_163 : i32
        %convert_element_type3A_368 = arith.extui %lt3A_367 : i1 to i32
        %cond3A_369 = arith.constant 0 : i32
        %cond3A_370 = arith.cmpi ne, %convert_element_type3A_368, %cond3A_369 : i32
        scf.if %cond3A_370 {
          %mul3A_398 = arith.constant 64 : i32
          %mul3A_399 = arith.muli %add3A_360, %mul3A_398 : i32
          %dma_start3A_400 = tpu.memref_slice %arg18[%mul3A_399] : memref<1600xi32, #tpu.memory_space<vmem>> -> memref<64xi32, #tpu.memory_space<vmem>>
          %dma_start3A_401 = arith.constant 0 : i32
          %dma_start3A_402 = arith.constant 0 : i32
          %dma_start3A_403 = tpu.memref_slice %arg7[%dma_start3A_401, %dma_start3A_402] : memref<10000x128xf32, #tpu.memory_space<hbm>> -> memref<10000x128xf32, #tpu.memory_space<hbm>>
          tpu.enqueue_indirect_dma source(%dma_start3A_403 : memref<10000x128xf32, #tpu.memory_space<hbm>>) target(%arg22 : memref<64x128xf32, #tpu.memory_space<vmem>>) offsets(%dma_start3A_400 : memref<64xi32, #tpu.memory_space<vmem>>) semaphore(%arg29 : memref<!tpu.dma_semaphore, #tpu.memory_space<semaphore_mem>>)
        } else {
        }
        %mul3A_371 = arith.constant 64 : i32
        %mul3A_372 = arith.muli %mul3A_358, %mul3A_371 : i32
        %sub3A_373 = arith.subi %scan3A_100, %mul3A_372 : i32
        %min3A = arith.constant 64 : i32
        %min3A_374 = arith.minsi %sub3A_373, %min3A : i32
        %sub3A_375 = arith.constant 0 : i32
        %sub3A_376 = arith.subi %min3A_374, %sub3A_375 : i32
        %sub3A_377 = arith.constant 1 : i32
        %sub3A_378 = arith.constant 1 : i32
        %sub3A_379 = arith.subi %sub3A_377, %sub3A_378 : i32
        %add3A_380 = arith.addi %sub3A_376, %sub3A_379 : i32
        %div3A_381 = arith.constant 1 : i32
        %div3A_382 = arith.divsi %add3A_380, %div3A_381 : i32
        %while3A_383 = arith.constant 1 : i32
        %while3A_384 = arith.constant 0 : i32
        %while3A_385 = arith.constant 0 : i32
        %while3A_386 = arith.subi %div3A_382, %while3A_385 : i32
        %while3A_387 = arith.addi %while3A_385, %while3A_386 : i32
        %while3A_388 = arith.constant 1 : i32
        %while3A_389 = arith.divsi %while3A_386, %while3A_388 : i32
        %while3A_390 = arith.muli %while3A_389, %while3A_388 : i32
        %while3A_391 = arith.addi %while3A_385, %while3A_390 : i32
        %while3A_392 = arith.constant 1 : i32
        scf.for %while3A_398 = %while3A_385 to %while3A_391 step %while3A_392  : i32 {
          %mul3A_399 = arith.muli %while3A_398, %while3A_383 : i32
          %add3A_400 = arith.addi %while3A_384, %mul3A_399 : i32
          %mul3A_401 = arith.constant 64 : i32
          %mul3A_402 = arith.muli %mul3A_358, %mul3A_401 : i32
          %add3A_403 = arith.addi %mul3A_402, %add3A_400 : i32
          %broadcast_in_dim3A_404 = vector.broadcast %add3A_403 : i32 to vector<16xi32>
          %gather3A = tpu.vector_load_idx %arg19[%broadcast_in_dim3A_404] : memref<1616xi32, #tpu.memory_space<vmem>>[vector<16xi32>], vector<16xi32>,
          %mul3A_405 = arith.constant 4 : i32
          %mul3A_406 = arith.muli %add3A_403, %mul3A_405 : i32
          %get3A_407 = arith.index_cast %mul3A_406 : i32 to index
          %get3A_408 = tpu.vector_load %arg20[%get3A_407] {strides = array<i32>} : memref<6416xf32, #tpu.memory_space<vmem>>, vector<16xf32>,
          %mul3A_409 = arith.constant 4 : i32
          %mul3A_410 = vector.broadcast %mul3A_409 : i32 to vector<16xi32>
          %mul3A_411 = arith.muli %gather3A, %mul3A_410 : vector<16xi32>
          %add3A_412 = arith.addi %mul3A_411, %iota3A : vector<16xi32>
          tpu.vector_store_idx %arg12[%add3A_412], %get3A_408 masked %lt3A_7 {add = true} : memref<1296xf32, #tpu.memory_space<vmem>>[vector<16xi32>], vector<16xf32>, vector<16xi1>
          %mul3A_413 = arith.constant 128 : i32
          %mul3A_414 = vector.broadcast %mul3A_413 : i32 to vector<16xi32>
          %mul3A_415 = arith.muli %gather3A, %mul3A_414 : vector<16xi32>
          %broadcast_in_dim3A_416 = vector.broadcast %add3A_400 : i32 to vector<16xi32>
          %mul3A_417 = arith.constant 4 : i32
          %mul3A_418 = vector.broadcast %mul3A_417 : i32 to vector<16xi32>
          %mul3A_419 = arith.muli %broadcast_in_dim3A_404, %mul3A_418 : vector<16xi32>
          %add3A_420 = arith.constant 0 : i32
          %add3A_421 = vector.broadcast %add3A_420 : i32 to vector<16xi32>
          %add3A_422 = arith.addi %mul3A_419, %add3A_421 : vector<16xi32>
          %gather3A_423 = tpu.vector_load_idx %arg20[%add3A_422] : memref<6416xf32, #tpu.memory_space<vmem>>[vector<16xi32>], vector<16xf32>,
          %add3A_424 = arith.constant 0 : i32
          %add3A_425 = vector.broadcast %add3A_424 : i32 to vector<16xi32>
          %add3A_426 = arith.addi %add3A_425, %iota3A : vector<16xi32>
          %gather3A_427 = tpu.vector_load_idx %arg21[%broadcast_in_dim3A_416, %add3A_426] : memref<64x128xf32, #tpu.memory_space<vmem>>[vector<16xi32>, vector<16xi32>], vector<16xf32>,
          %add3A_428 = arith.constant 0 : i32
          %add3A_429 = vector.broadcast %add3A_428 : i32 to vector<16xi32>
          %add3A_430 = arith.addi %mul3A_415, %add3A_429 : vector<16xi32>
          %add3A_431 = arith.addi %add3A_430, %iota3A : vector<16xi32>
          %mul3A_432 = arith.mulf %gather3A_427, %gather3A_423 : vector<16xf32>
          tpu.vector_store_idx %arg11[%add3A_431], %mul3A_432 {add = true} : memref<40960xf32, #tpu.memory_space<vmem>>[vector<16xi32>], vector<16xf32>,
          %add3A_433 = arith.constant 16 : i32
          %add3A_434 = vector.broadcast %add3A_433 : i32 to vector<16xi32>
          %add3A_435 = arith.addi %add3A_434, %iota3A : vector<16xi32>
          %gather3A_436 = tpu.vector_load_idx %arg21[%broadcast_in_dim3A_416, %add3A_435] : memref<64x128xf32, #tpu.memory_space<vmem>>[vector<16xi32>, vector<16xi32>], vector<16xf32>,
          %add3A_437 = arith.constant 16 : i32
          %add3A_438 = vector.broadcast %add3A_437 : i32 to vector<16xi32>
          %add3A_439 = arith.addi %mul3A_415, %add3A_438 : vector<16xi32>
          %add3A_440 = arith.addi %add3A_439, %iota3A : vector<16xi32>
          %mul3A_441 = arith.mulf %gather3A_436, %gather3A_423 : vector<16xf32>
          tpu.vector_store_idx %arg11[%add3A_440], %mul3A_441 {add = true} : memref<40960xf32, #tpu.memory_space<vmem>>[vector<16xi32>], vector<16xf32>,
          %mul3A_442 = arith.constant 4 : i32
          %mul3A_443 = vector.broadcast %mul3A_442 : i32 to vector<16xi32>
          %mul3A_444 = arith.muli %broadcast_in_dim3A_404, %mul3A_443 : vector<16xi32>
          %add3A_445 = arith.constant 1 : i32
          %add3A_446 = vector.broadcast %add3A_445 : i32 to vector<16xi32>
          %add3A_447 = arith.addi %mul3A_444, %add3A_446 : vector<16xi32>
          %gather3A_448 = tpu.vector_load_idx %arg20[%add3A_447] : memref<6416xf32, #tpu.memory_space<vmem>>[vector<16xi32>], vector<16xf32>,
          %add3A_449 = arith.constant 32 : i32
          %add3A_450 = vector.broadcast %add3A_449 : i32 to vector<16xi32>
          %add3A_451 = arith.addi %add3A_450, %iota3A : vector<16xi32>
          %gather3A_452 = tpu.vector_load_idx %arg21[%broadcast_in_dim3A_416, %add3A_451] : memref<64x128xf32, #tpu.memory_space<vmem>>[vector<16xi32>, vector<16xi32>], vector<16xf32>,
          %add3A_453 = arith.constant 32 : i32
          %add3A_454 = vector.broadcast %add3A_453 : i32 to vector<16xi32>
          %add3A_455 = arith.addi %mul3A_415, %add3A_454 : vector<16xi32>
          %add3A_456 = arith.addi %add3A_455, %iota3A : vector<16xi32>
          %mul3A_457 = arith.mulf %gather3A_452, %gather3A_448 : vector<16xf32>
          tpu.vector_store_idx %arg11[%add3A_456], %mul3A_457 {add = true} : memref<40960xf32, #tpu.memory_space<vmem>>[vector<16xi32>], vector<16xf32>,
          %add3A_458 = arith.constant 48 : i32
          %add3A_459 = vector.broadcast %add3A_458 : i32 to vector<16xi32>
          %add3A_460 = arith.addi %add3A_459, %iota3A : vector<16xi32>
          %gather3A_461 = tpu.vector_load_idx %arg21[%broadcast_in_dim3A_416, %add3A_460] : memref<64x128xf32, #tpu.memory_space<vmem>>[vector<16xi32>, vector<16xi32>], vector<16xf32>,
          %add3A_462 = arith.constant 48 : i32
          %add3A_463 = vector.broadcast %add3A_462 : i32 to vector<16xi32>
          %add3A_464 = arith.addi %mul3A_415, %add3A_463 : vector<16xi32>
          %add3A_465 = arith.addi %add3A_464, %iota3A : vector<16xi32>
          %mul3A_466 = arith.mulf %gather3A_461, %gather3A_448 : vector<16xf32>
          tpu.vector_store_idx %arg11[%add3A_465], %mul3A_466 {add = true} : memref<40960xf32, #tpu.memory_space<vmem>>[vector<16xi32>], vector<16xf32>,
          %mul3A_467 = arith.constant 4 : i32
          %mul3A_468 = vector.broadcast %mul3A_467 : i32 to vector<16xi32>
          %mul3A_469 = arith.muli %broadcast_in_dim3A_404, %mul3A_468 : vector<16xi32>
          %add3A_470 = arith.constant 2 : i32
          %add3A_471 = vector.broadcast %add3A_470 : i32 to vector<16xi32>
          %add3A_472 = arith.addi %mul3A_469, %add3A_471 : vector<16xi32>
          %gather3A_473 = tpu.vector_load_idx %arg20[%add3A_472] : memref<6416xf32, #tpu.memory_space<vmem>>[vector<16xi32>], vector<16xf32>,
          %add3A_474 = arith.constant 64 : i32
          %add3A_475 = vector.broadcast %add3A_474 : i32 to vector<16xi32>
          %add3A_476 = arith.addi %add3A_475, %iota3A : vector<16xi32>
          %gather3A_477 = tpu.vector_load_idx %arg21[%broadcast_in_dim3A_416, %add3A_476] : memref<64x128xf32, #tpu.memory_space<vmem>>[vector<16xi32>, vector<16xi32>], vector<16xf32>,
          %add3A_478 = arith.constant 64 : i32
          %add3A_479 = vector.broadcast %add3A_478 : i32 to vector<16xi32>
          %add3A_480 = arith.addi %mul3A_415, %add3A_479 : vector<16xi32>
          %add3A_481 = arith.addi %add3A_480, %iota3A : vector<16xi32>
          %mul3A_482 = arith.mulf %gather3A_477, %gather3A_473 : vector<16xf32>
          tpu.vector_store_idx %arg11[%add3A_481], %mul3A_482 {add = true} : memref<40960xf32, #tpu.memory_space<vmem>>[vector<16xi32>], vector<16xf32>,
          %add3A_483 = arith.constant 80 : i32
          %add3A_484 = vector.broadcast %add3A_483 : i32 to vector<16xi32>
          %add3A_485 = arith.addi %add3A_484, %iota3A : vector<16xi32>
          %gather3A_486 = tpu.vector_load_idx %arg21[%broadcast_in_dim3A_416, %add3A_485] : memref<64x128xf32, #tpu.memory_space<vmem>>[vector<16xi32>, vector<16xi32>], vector<16xf32>,
          %add3A_487 = arith.constant 80 : i32
          %add3A_488 = vector.broadcast %add3A_487 : i32 to vector<16xi32>
          %add3A_489 = arith.addi %mul3A_415, %add3A_488 : vector<16xi32>
          %add3A_490 = arith.addi %add3A_489, %iota3A : vector<16xi32>
          %mul3A_491 = arith.mulf %gather3A_486, %gather3A_473 : vector<16xf32>
          tpu.vector_store_idx %arg11[%add3A_490], %mul3A_491 {add = true} : memref<40960xf32, #tpu.memory_space<vmem>>[vector<16xi32>], vector<16xf32>,
          %mul3A_492 = arith.constant 4 : i32
          %mul3A_493 = vector.broadcast %mul3A_492 : i32 to vector<16xi32>
          %mul3A_494 = arith.muli %broadcast_in_dim3A_404, %mul3A_493 : vector<16xi32>
          %add3A_495 = arith.constant 3 : i32
          %add3A_496 = vector.broadcast %add3A_495 : i32 to vector<16xi32>
          %add3A_497 = arith.addi %mul3A_494, %add3A_496 : vector<16xi32>
          %gather3A_498 = tpu.vector_load_idx %arg20[%add3A_497] : memref<6416xf32, #tpu.memory_space<vmem>>[vector<16xi32>], vector<16xf32>,
          %add3A_499 = arith.constant 96 : i32
          %add3A_500 = vector.broadcast %add3A_499 : i32 to vector<16xi32>
          %add3A_501 = arith.addi %add3A_500, %iota3A : vector<16xi32>
          %gather3A_502 = tpu.vector_load_idx %arg21[%broadcast_in_dim3A_416, %add3A_501] : memref<64x128xf32, #tpu.memory_space<vmem>>[vector<16xi32>, vector<16xi32>], vector<16xf32>,
          %add3A_503 = arith.constant 96 : i32
          %add3A_504 = vector.broadcast %add3A_503 : i32 to vector<16xi32>
          %add3A_505 = arith.addi %mul3A_415, %add3A_504 : vector<16xi32>
          %add3A_506 = arith.addi %add3A_505, %iota3A : vector<16xi32>
          %mul3A_507 = arith.mulf %gather3A_502, %gather3A_498 : vector<16xf32>
          tpu.vector_store_idx %arg11[%add3A_506], %mul3A_507 {add = true} : memref<40960xf32, #tpu.memory_space<vmem>>[vector<16xi32>], vector<16xf32>,
          %add3A_508 = arith.constant 112 : i32
          %add3A_509 = vector.broadcast %add3A_508 : i32 to vector<16xi32>
          %add3A_510 = arith.addi %add3A_509, %iota3A : vector<16xi32>
          %gather3A_511 = tpu.vector_load_idx %arg21[%broadcast_in_dim3A_416, %add3A_510] : memref<64x128xf32, #tpu.memory_space<vmem>>[vector<16xi32>, vector<16xi32>], vector<16xf32>,
          %add3A_512 = arith.constant 112 : i32
          %add3A_513 = vector.broadcast %add3A_512 : i32 to vector<16xi32>
          %add3A_514 = arith.addi %mul3A_415, %add3A_513 : vector<16xi32>
          %add3A_515 = arith.addi %add3A_514, %iota3A : vector<16xi32>
          %mul3A_516 = arith.mulf %gather3A_511, %gather3A_498 : vector<16xf32>
          tpu.vector_store_idx %arg11[%add3A_515], %mul3A_516 {add = true} : memref<40960xf32, #tpu.memory_space<vmem>>[vector<16xi32>], vector<16xf32>,
        }
        %while3A_393 = arith.constant 1 : i32
        scf.for %while3A_398 = %while3A_391 to %while3A_387 step %while3A_393  : i32 {
          %mul3A_399 = arith.muli %while3A_398, %while3A_383 : i32
          %add3A_400 = arith.addi %while3A_384, %mul3A_399 : i32
          %mul3A_401 = arith.constant 64 : i32
          %mul3A_402 = arith.muli %mul3A_358, %mul3A_401 : i32
          %add3A_403 = arith.addi %mul3A_402, %add3A_400 : i32
          %broadcast_in_dim3A_404 = vector.broadcast %add3A_403 : i32 to vector<16xi32>
          %gather3A = tpu.vector_load_idx %arg19[%broadcast_in_dim3A_404] : memref<1616xi32, #tpu.memory_space<vmem>>[vector<16xi32>], vector<16xi32>,
          %mul3A_405 = arith.constant 4 : i32
          %mul3A_406 = arith.muli %add3A_403, %mul3A_405 : i32
          %get3A_407 = arith.index_cast %mul3A_406 : i32 to index
          %get3A_408 = tpu.vector_load %arg20[%get3A_407] {strides = array<i32>} : memref<6416xf32, #tpu.memory_space<vmem>>, vector<16xf32>,
          %mul3A_409 = arith.constant 4 : i32
          %mul3A_410 = vector.broadcast %mul3A_409 : i32 to vector<16xi32>
          %mul3A_411 = arith.muli %gather3A, %mul3A_410 : vector<16xi32>
          %add3A_412 = arith.addi %mul3A_411, %iota3A : vector<16xi32>
          tpu.vector_store_idx %arg12[%add3A_412], %get3A_408 masked %lt3A_7 {add = true} : memref<1296xf32, #tpu.memory_space<vmem>>[vector<16xi32>], vector<16xf32>, vector<16xi1>
          %mul3A_413 = arith.constant 128 : i32
          %mul3A_414 = vector.broadcast %mul3A_413 : i32 to vector<16xi32>
          %mul3A_415 = arith.muli %gather3A, %mul3A_414 : vector<16xi32>
          %broadcast_in_dim3A_416 = vector.broadcast %add3A_400 : i32 to vector<16xi32>
          %mul3A_417 = arith.constant 4 : i32
          %mul3A_418 = vector.broadcast %mul3A_417 : i32 to vector<16xi32>
          %mul3A_419 = arith.muli %broadcast_in_dim3A_404, %mul3A_418 : vector<16xi32>
          %add3A_420 = arith.constant 0 : i32
          %add3A_421 = vector.broadcast %add3A_420 : i32 to vector<16xi32>
          %add3A_422 = arith.addi %mul3A_419, %add3A_421 : vector<16xi32>
          %gather3A_423 = tpu.vector_load_idx %arg20[%add3A_422] : memref<6416xf32, #tpu.memory_space<vmem>>[vector<16xi32>], vector<16xf32>,
          %add3A_424 = arith.constant 0 : i32
          %add3A_425 = vector.broadcast %add3A_424 : i32 to vector<16xi32>
          %add3A_426 = arith.addi %add3A_425, %iota3A : vector<16xi32>
          %gather3A_427 = tpu.vector_load_idx %arg21[%broadcast_in_dim3A_416, %add3A_426] : memref<64x128xf32, #tpu.memory_space<vmem>>[vector<16xi32>, vector<16xi32>], vector<16xf32>,
          %add3A_428 = arith.constant 0 : i32
          %add3A_429 = vector.broadcast %add3A_428 : i32 to vector<16xi32>
          %add3A_430 = arith.addi %mul3A_415, %add3A_429 : vector<16xi32>
          %add3A_431 = arith.addi %add3A_430, %iota3A : vector<16xi32>
          %mul3A_432 = arith.mulf %gather3A_427, %gather3A_423 : vector<16xf32>
          tpu.vector_store_idx %arg11[%add3A_431], %mul3A_432 {add = true} : memref<40960xf32, #tpu.memory_space<vmem>>[vector<16xi32>], vector<16xf32>,
          %add3A_433 = arith.constant 16 : i32
          %add3A_434 = vector.broadcast %add3A_433 : i32 to vector<16xi32>
          %add3A_435 = arith.addi %add3A_434, %iota3A : vector<16xi32>
          %gather3A_436 = tpu.vector_load_idx %arg21[%broadcast_in_dim3A_416, %add3A_435] : memref<64x128xf32, #tpu.memory_space<vmem>>[vector<16xi32>, vector<16xi32>], vector<16xf32>,
          %add3A_437 = arith.constant 16 : i32
          %add3A_438 = vector.broadcast %add3A_437 : i32 to vector<16xi32>
          %add3A_439 = arith.addi %mul3A_415, %add3A_438 : vector<16xi32>
          %add3A_440 = arith.addi %add3A_439, %iota3A : vector<16xi32>
          %mul3A_441 = arith.mulf %gather3A_436, %gather3A_423 : vector<16xf32>
          tpu.vector_store_idx %arg11[%add3A_440], %mul3A_441 {add = true} : memref<40960xf32, #tpu.memory_space<vmem>>[vector<16xi32>], vector<16xf32>,
          %mul3A_442 = arith.constant 4 : i32
          %mul3A_443 = vector.broadcast %mul3A_442 : i32 to vector<16xi32>
          %mul3A_444 = arith.muli %broadcast_in_dim3A_404, %mul3A_443 : vector<16xi32>
          %add3A_445 = arith.constant 1 : i32
          %add3A_446 = vector.broadcast %add3A_445 : i32 to vector<16xi32>
          %add3A_447 = arith.addi %mul3A_444, %add3A_446 : vector<16xi32>
          %gather3A_448 = tpu.vector_load_idx %arg20[%add3A_447] : memref<6416xf32, #tpu.memory_space<vmem>>[vector<16xi32>], vector<16xf32>,
          %add3A_449 = arith.constant 32 : i32
          %add3A_450 = vector.broadcast %add3A_449 : i32 to vector<16xi32>
          %add3A_451 = arith.addi %add3A_450, %iota3A : vector<16xi32>
          %gather3A_452 = tpu.vector_load_idx %arg21[%broadcast_in_dim3A_416, %add3A_451] : memref<64x128xf32, #tpu.memory_space<vmem>>[vector<16xi32>, vector<16xi32>], vector<16xf32>,
          %add3A_453 = arith.constant 32 : i32
          %add3A_454 = vector.broadcast %add3A_453 : i32 to vector<16xi32>
          %add3A_455 = arith.addi %mul3A_415, %add3A_454 : vector<16xi32>
          %add3A_456 = arith.addi %add3A_455, %iota3A : vector<16xi32>
          %mul3A_457 = arith.mulf %gather3A_452, %gather3A_448 : vector<16xf32>
          tpu.vector_store_idx %arg11[%add3A_456], %mul3A_457 {add = true} : memref<40960xf32, #tpu.memory_space<vmem>>[vector<16xi32>], vector<16xf32>,
          %add3A_458 = arith.constant 48 : i32
          %add3A_459 = vector.broadcast %add3A_458 : i32 to vector<16xi32>
          %add3A_460 = arith.addi %add3A_459, %iota3A : vector<16xi32>
          %gather3A_461 = tpu.vector_load_idx %arg21[%broadcast_in_dim3A_416, %add3A_460] : memref<64x128xf32, #tpu.memory_space<vmem>>[vector<16xi32>, vector<16xi32>], vector<16xf32>,
          %add3A_462 = arith.constant 48 : i32
          %add3A_463 = vector.broadcast %add3A_462 : i32 to vector<16xi32>
          %add3A_464 = arith.addi %mul3A_415, %add3A_463 : vector<16xi32>
          %add3A_465 = arith.addi %add3A_464, %iota3A : vector<16xi32>
          %mul3A_466 = arith.mulf %gather3A_461, %gather3A_448 : vector<16xf32>
          tpu.vector_store_idx %arg11[%add3A_465], %mul3A_466 {add = true} : memref<40960xf32, #tpu.memory_space<vmem>>[vector<16xi32>], vector<16xf32>,
          %mul3A_467 = arith.constant 4 : i32
          %mul3A_468 = vector.broadcast %mul3A_467 : i32 to vector<16xi32>
          %mul3A_469 = arith.muli %broadcast_in_dim3A_404, %mul3A_468 : vector<16xi32>
          %add3A_470 = arith.constant 2 : i32
          %add3A_471 = vector.broadcast %add3A_470 : i32 to vector<16xi32>
          %add3A_472 = arith.addi %mul3A_469, %add3A_471 : vector<16xi32>
          %gather3A_473 = tpu.vector_load_idx %arg20[%add3A_472] : memref<6416xf32, #tpu.memory_space<vmem>>[vector<16xi32>], vector<16xf32>,
          %add3A_474 = arith.constant 64 : i32
          %add3A_475 = vector.broadcast %add3A_474 : i32 to vector<16xi32>
          %add3A_476 = arith.addi %add3A_475, %iota3A : vector<16xi32>
          %gather3A_477 = tpu.vector_load_idx %arg21[%broadcast_in_dim3A_416, %add3A_476] : memref<64x128xf32, #tpu.memory_space<vmem>>[vector<16xi32>, vector<16xi32>], vector<16xf32>,
          %add3A_478 = arith.constant 64 : i32
          %add3A_479 = vector.broadcast %add3A_478 : i32 to vector<16xi32>
          %add3A_480 = arith.addi %mul3A_415, %add3A_479 : vector<16xi32>
          %add3A_481 = arith.addi %add3A_480, %iota3A : vector<16xi32>
          %mul3A_482 = arith.mulf %gather3A_477, %gather3A_473 : vector<16xf32>
          tpu.vector_store_idx %arg11[%add3A_481], %mul3A_482 {add = true} : memref<40960xf32, #tpu.memory_space<vmem>>[vector<16xi32>], vector<16xf32>,
          %add3A_483 = arith.constant 80 : i32
          %add3A_484 = vector.broadcast %add3A_483 : i32 to vector<16xi32>
          %add3A_485 = arith.addi %add3A_484, %iota3A : vector<16xi32>
          %gather3A_486 = tpu.vector_load_idx %arg21[%broadcast_in_dim3A_416, %add3A_485] : memref<64x128xf32, #tpu.memory_space<vmem>>[vector<16xi32>, vector<16xi32>], vector<16xf32>,
          %add3A_487 = arith.constant 80 : i32
          %add3A_488 = vector.broadcast %add3A_487 : i32 to vector<16xi32>
          %add3A_489 = arith.addi %mul3A_415, %add3A_488 : vector<16xi32>
          %add3A_490 = arith.addi %add3A_489, %iota3A : vector<16xi32>
          %mul3A_491 = arith.mulf %gather3A_486, %gather3A_473 : vector<16xf32>
          tpu.vector_store_idx %arg11[%add3A_490], %mul3A_491 {add = true} : memref<40960xf32, #tpu.memory_space<vmem>>[vector<16xi32>], vector<16xf32>,
          %mul3A_492 = arith.constant 4 : i32
          %mul3A_493 = vector.broadcast %mul3A_492 : i32 to vector<16xi32>
          %mul3A_494 = arith.muli %broadcast_in_dim3A_404, %mul3A_493 : vector<16xi32>
          %add3A_495 = arith.constant 3 : i32
          %add3A_496 = vector.broadcast %add3A_495 : i32 to vector<16xi32>
          %add3A_497 = arith.addi %mul3A_494, %add3A_496 : vector<16xi32>
          %gather3A_498 = tpu.vector_load_idx %arg20[%add3A_497] : memref<6416xf32, #tpu.memory_space<vmem>>[vector<16xi32>], vector<16xf32>,
          %add3A_499 = arith.constant 96 : i32
          %add3A_500 = vector.broadcast %add3A_499 : i32 to vector<16xi32>
          %add3A_501 = arith.addi %add3A_500, %iota3A : vector<16xi32>
          %gather3A_502 = tpu.vector_load_idx %arg21[%broadcast_in_dim3A_416, %add3A_501] : memref<64x128xf32, #tpu.memory_space<vmem>>[vector<16xi32>, vector<16xi32>], vector<16xf32>,
          %add3A_503 = arith.constant 96 : i32
          %add3A_504 = vector.broadcast %add3A_503 : i32 to vector<16xi32>
          %add3A_505 = arith.addi %mul3A_415, %add3A_504 : vector<16xi32>
          %add3A_506 = arith.addi %add3A_505, %iota3A : vector<16xi32>
          %mul3A_507 = arith.mulf %gather3A_502, %gather3A_498 : vector<16xf32>
          tpu.vector_store_idx %arg11[%add3A_506], %mul3A_507 {add = true} : memref<40960xf32, #tpu.memory_space<vmem>>[vector<16xi32>], vector<16xf32>,
          %add3A_508 = arith.constant 112 : i32
          %add3A_509 = vector.broadcast %add3A_508 : i32 to vector<16xi32>
          %add3A_510 = arith.addi %add3A_509, %iota3A : vector<16xi32>
          %gather3A_511 = tpu.vector_load_idx %arg21[%broadcast_in_dim3A_416, %add3A_510] : memref<64x128xf32, #tpu.memory_space<vmem>>[vector<16xi32>, vector<16xi32>], vector<16xf32>,
          %add3A_512 = arith.constant 112 : i32
          %add3A_513 = vector.broadcast %add3A_512 : i32 to vector<16xi32>
          %add3A_514 = arith.addi %mul3A_415, %add3A_513 : vector<16xi32>
          %add3A_515 = arith.addi %add3A_514, %iota3A : vector<16xi32>
          %mul3A_516 = arith.mulf %gather3A_511, %gather3A_498 : vector<16xf32>
          tpu.vector_store_idx %arg11[%add3A_515], %mul3A_516 {add = true} : memref<40960xf32, #tpu.memory_space<vmem>>[vector<16xi32>], vector<16xf32>,
        }
        %lt3A_394 = arith.cmpi slt, %add3A_360, %select_n3A_163 : i32
        %convert_element_type3A_395 = arith.extui %lt3A_394 : i1 to i32
        %cond3A_396 = arith.constant 0 : i32
        %cond3A_397 = arith.cmpi ne, %convert_element_type3A_395, %cond3A_396 : i32
        scf.if %cond3A_397 {
          %mul3A_398 = arith.constant 64 : i32
          %mul3A_399 = arith.muli %add3A_360, %mul3A_398 : i32
          %dma_wait3A_400 = tpu.memref_slice %arg18[%mul3A_399] : memref<1600xi32, #tpu.memory_space<vmem>> -> memref<64xi32, #tpu.memory_space<vmem>>
          %dma_wait3A_401 = arith.constant 0 : i32
          %dma_wait3A_402 = arith.constant 0 : i32
          %dma_wait3A_403 = tpu.memref_slice %arg7[%dma_wait3A_401, %dma_wait3A_402] : memref<10000x128xf32, #tpu.memory_space<hbm>> -> memref<10000x128xf32, #tpu.memory_space<hbm>>
          tpu.wait_indirect_dma semaphore(%arg29 : memref<!tpu.dma_semaphore, #tpu.memory_space<semaphore_mem>>) src(%dma_wait3A_403 : memref<10000x128xf32, #tpu.memory_space<hbm>>) dst(%arg22 : memref<64x128xf32, #tpu.memory_space<vmem>>)
          %add3A_404 = arith.constant 1 : i32
          %add3A_405 = arith.addi %add3A_360, %add3A_404 : i32
          %lt3A_406 = arith.cmpi slt, %add3A_405, %select_n3A_163 : i32
          %convert_element_type3A_407 = arith.extui %lt3A_406 : i1 to i32
          %cond3A_408 = arith.constant 0 : i32
          %cond3A_409 = arith.cmpi ne, %convert_element_type3A_407, %cond3A_408 : i32
          scf.if %cond3A_409 {
            %add3A_434 = arith.constant 1 : i32
            %add3A_435 = arith.addi %add3A_360, %add3A_434 : i32
            %mul3A_436 = arith.constant 64 : i32
            %mul3A_437 = arith.muli %add3A_435, %mul3A_436 : i32
            %dma_start3A_438 = tpu.memref_slice %arg18[%mul3A_437] : memref<1600xi32, #tpu.memory_space<vmem>> -> memref<64xi32, #tpu.memory_space<vmem>>
            %dma_start3A_439 = arith.constant 0 : i32
            %dma_start3A_440 = arith.constant 0 : i32
            %dma_start3A_441 = tpu.memref_slice %arg7[%dma_start3A_439, %dma_start3A_440] : memref<10000x128xf32, #tpu.memory_space<hbm>> -> memref<10000x128xf32, #tpu.memory_space<hbm>>
            tpu.enqueue_indirect_dma source(%dma_start3A_441 : memref<10000x128xf32, #tpu.memory_space<hbm>>) target(%arg21 : memref<64x128xf32, #tpu.memory_space<vmem>>) offsets(%dma_start3A_438 : memref<64xi32, #tpu.memory_space<vmem>>) semaphore(%arg28 : memref<!tpu.dma_semaphore, #tpu.memory_space<semaphore_mem>>)
          } else {
          }
          %mul3A_410 = arith.constant 64 : i32
          %mul3A_411 = arith.muli %add3A_360, %mul3A_410 : i32
          %sub3A_412 = arith.subi %scan3A_100, %mul3A_411 : i32
          %min3A_413 = arith.constant 64 : i32
          %min3A_414 = arith.minsi %sub3A_412, %min3A_413 : i32
          %sub3A_415 = arith.constant 0 : i32
          %sub3A_416 = arith.subi %min3A_414, %sub3A_415 : i32
          %sub3A_417 = arith.constant 1 : i32
          %sub3A_418 = arith.constant 1 : i32
          %sub3A_419 = arith.subi %sub3A_417, %sub3A_418 : i32
          %add3A_420 = arith.addi %sub3A_416, %sub3A_419 : i32
          %div3A_421 = arith.constant 1 : i32
          %div3A_422 = arith.divsi %add3A_420, %div3A_421 : i32
          %while3A_423 = arith.constant 1 : i32
          %while3A_424 = arith.constant 0 : i32
          %while3A_425 = arith.constant 0 : i32
          %while3A_426 = arith.subi %div3A_422, %while3A_425 : i32
          %while3A_427 = arith.addi %while3A_425, %while3A_426 : i32
          %while3A_428 = arith.constant 1 : i32
          %while3A_429 = arith.divsi %while3A_426, %while3A_428 : i32
          %while3A_430 = arith.muli %while3A_429, %while3A_428 : i32
          %while3A_431 = arith.addi %while3A_425, %while3A_430 : i32
          %while3A_432 = arith.constant 1 : i32
          scf.for %while3A_434 = %while3A_425 to %while3A_431 step %while3A_432  : i32 {
            %mul3A_435 = arith.muli %while3A_434, %while3A_423 : i32
            %add3A_436 = arith.addi %while3A_424, %mul3A_435 : i32
            %mul3A_437 = arith.constant 64 : i32
            %mul3A_438 = arith.muli %add3A_360, %mul3A_437 : i32
            %add3A_439 = arith.addi %mul3A_438, %add3A_436 : i32
            %broadcast_in_dim3A_440 = vector.broadcast %add3A_439 : i32 to vector<16xi32>
            %gather3A = tpu.vector_load_idx %arg19[%broadcast_in_dim3A_440] : memref<1616xi32, #tpu.memory_space<vmem>>[vector<16xi32>], vector<16xi32>,
            %mul3A_441 = arith.constant 4 : i32
            %mul3A_442 = arith.muli %add3A_439, %mul3A_441 : i32
            %get3A_443 = arith.index_cast %mul3A_442 : i32 to index
            %get3A_444 = tpu.vector_load %arg20[%get3A_443] {strides = array<i32>} : memref<6416xf32, #tpu.memory_space<vmem>>, vector<16xf32>,
            %mul3A_445 = arith.constant 4 : i32
            %mul3A_446 = vector.broadcast %mul3A_445 : i32 to vector<16xi32>
            %mul3A_447 = arith.muli %gather3A, %mul3A_446 : vector<16xi32>
            %add3A_448 = arith.addi %mul3A_447, %iota3A : vector<16xi32>
            tpu.vector_store_idx %arg12[%add3A_448], %get3A_444 masked %lt3A_7 {add = true} : memref<1296xf32, #tpu.memory_space<vmem>>[vector<16xi32>], vector<16xf32>, vector<16xi1>
            %mul3A_449 = arith.constant 128 : i32
            %mul3A_450 = vector.broadcast %mul3A_449 : i32 to vector<16xi32>
            %mul3A_451 = arith.muli %gather3A, %mul3A_450 : vector<16xi32>
            %broadcast_in_dim3A_452 = vector.broadcast %add3A_436 : i32 to vector<16xi32>
            %mul3A_453 = arith.constant 4 : i32
            %mul3A_454 = vector.broadcast %mul3A_453 : i32 to vector<16xi32>
            %mul3A_455 = arith.muli %broadcast_in_dim3A_440, %mul3A_454 : vector<16xi32>
            %add3A_456 = arith.constant 0 : i32
            %add3A_457 = vector.broadcast %add3A_456 : i32 to vector<16xi32>
            %add3A_458 = arith.addi %mul3A_455, %add3A_457 : vector<16xi32>
            %gather3A_459 = tpu.vector_load_idx %arg20[%add3A_458] : memref<6416xf32, #tpu.memory_space<vmem>>[vector<16xi32>], vector<16xf32>,
            %add3A_460 = arith.constant 0 : i32
            %add3A_461 = vector.broadcast %add3A_460 : i32 to vector<16xi32>
            %add3A_462 = arith.addi %add3A_461, %iota3A : vector<16xi32>
            %gather3A_463 = tpu.vector_load_idx %arg22[%broadcast_in_dim3A_452, %add3A_462] : memref<64x128xf32, #tpu.memory_space<vmem>>[vector<16xi32>, vector<16xi32>], vector<16xf32>,
            %add3A_464 = arith.constant 0 : i32
            %add3A_465 = vector.broadcast %add3A_464 : i32 to vector<16xi32>
            %add3A_466 = arith.addi %mul3A_451, %add3A_465 : vector<16xi32>
            %add3A_467 = arith.addi %add3A_466, %iota3A : vector<16xi32>
            %mul3A_468 = arith.mulf %gather3A_463, %gather3A_459 : vector<16xf32>
            tpu.vector_store_idx %arg11[%add3A_467], %mul3A_468 {add = true} : memref<40960xf32, #tpu.memory_space<vmem>>[vector<16xi32>], vector<16xf32>,
            %add3A_469 = arith.constant 16 : i32
            %add3A_470 = vector.broadcast %add3A_469 : i32 to vector<16xi32>
            %add3A_471 = arith.addi %add3A_470, %iota3A : vector<16xi32>
            %gather3A_472 = tpu.vector_load_idx %arg22[%broadcast_in_dim3A_452, %add3A_471] : memref<64x128xf32, #tpu.memory_space<vmem>>[vector<16xi32>, vector<16xi32>], vector<16xf32>,
            %add3A_473 = arith.constant 16 : i32
            %add3A_474 = vector.broadcast %add3A_473 : i32 to vector<16xi32>
            %add3A_475 = arith.addi %mul3A_451, %add3A_474 : vector<16xi32>
            %add3A_476 = arith.addi %add3A_475, %iota3A : vector<16xi32>
            %mul3A_477 = arith.mulf %gather3A_472, %gather3A_459 : vector<16xf32>
            tpu.vector_store_idx %arg11[%add3A_476], %mul3A_477 {add = true} : memref<40960xf32, #tpu.memory_space<vmem>>[vector<16xi32>], vector<16xf32>,
            %mul3A_478 = arith.constant 4 : i32
            %mul3A_479 = vector.broadcast %mul3A_478 : i32 to vector<16xi32>
            %mul3A_480 = arith.muli %broadcast_in_dim3A_440, %mul3A_479 : vector<16xi32>
            %add3A_481 = arith.constant 1 : i32
            %add3A_482 = vector.broadcast %add3A_481 : i32 to vector<16xi32>
            %add3A_483 = arith.addi %mul3A_480, %add3A_482 : vector<16xi32>
            %gather3A_484 = tpu.vector_load_idx %arg20[%add3A_483] : memref<6416xf32, #tpu.memory_space<vmem>>[vector<16xi32>], vector<16xf32>,
            %add3A_485 = arith.constant 32 : i32
            %add3A_486 = vector.broadcast %add3A_485 : i32 to vector<16xi32>
            %add3A_487 = arith.addi %add3A_486, %iota3A : vector<16xi32>
            %gather3A_488 = tpu.vector_load_idx %arg22[%broadcast_in_dim3A_452, %add3A_487] : memref<64x128xf32, #tpu.memory_space<vmem>>[vector<16xi32>, vector<16xi32>], vector<16xf32>,
            %add3A_489 = arith.constant 32 : i32
            %add3A_490 = vector.broadcast %add3A_489 : i32 to vector<16xi32>
            %add3A_491 = arith.addi %mul3A_451, %add3A_490 : vector<16xi32>
            %add3A_492 = arith.addi %add3A_491, %iota3A : vector<16xi32>
            %mul3A_493 = arith.mulf %gather3A_488, %gather3A_484 : vector<16xf32>
            tpu.vector_store_idx %arg11[%add3A_492], %mul3A_493 {add = true} : memref<40960xf32, #tpu.memory_space<vmem>>[vector<16xi32>], vector<16xf32>,
            %add3A_494 = arith.constant 48 : i32
            %add3A_495 = vector.broadcast %add3A_494 : i32 to vector<16xi32>
            %add3A_496 = arith.addi %add3A_495, %iota3A : vector<16xi32>
            %gather3A_497 = tpu.vector_load_idx %arg22[%broadcast_in_dim3A_452, %add3A_496] : memref<64x128xf32, #tpu.memory_space<vmem>>[vector<16xi32>, vector<16xi32>], vector<16xf32>,
            %add3A_498 = arith.constant 48 : i32
            %add3A_499 = vector.broadcast %add3A_498 : i32 to vector<16xi32>
            %add3A_500 = arith.addi %mul3A_451, %add3A_499 : vector<16xi32>
            %add3A_501 = arith.addi %add3A_500, %iota3A : vector<16xi32>
            %mul3A_502 = arith.mulf %gather3A_497, %gather3A_484 : vector<16xf32>
            tpu.vector_store_idx %arg11[%add3A_501], %mul3A_502 {add = true} : memref<40960xf32, #tpu.memory_space<vmem>>[vector<16xi32>], vector<16xf32>,
            %mul3A_503 = arith.constant 4 : i32
            %mul3A_504 = vector.broadcast %mul3A_503 : i32 to vector<16xi32>
            %mul3A_505 = arith.muli %broadcast_in_dim3A_440, %mul3A_504 : vector<16xi32>
            %add3A_506 = arith.constant 2 : i32
            %add3A_507 = vector.broadcast %add3A_506 : i32 to vector<16xi32>
            %add3A_508 = arith.addi %mul3A_505, %add3A_507 : vector<16xi32>
            %gather3A_509 = tpu.vector_load_idx %arg20[%add3A_508] : memref<6416xf32, #tpu.memory_space<vmem>>[vector<16xi32>], vector<16xf32>,
            %add3A_510 = arith.constant 64 : i32
            %add3A_511 = vector.broadcast %add3A_510 : i32 to vector<16xi32>
            %add3A_512 = arith.addi %add3A_511, %iota3A : vector<16xi32>
            %gather3A_513 = tpu.vector_load_idx %arg22[%broadcast_in_dim3A_452, %add3A_512] : memref<64x128xf32, #tpu.memory_space<vmem>>[vector<16xi32>, vector<16xi32>], vector<16xf32>,
            %add3A_514 = arith.constant 64 : i32
            %add3A_515 = vector.broadcast %add3A_514 : i32 to vector<16xi32>
            %add3A_516 = arith.addi %mul3A_451, %add3A_515 : vector<16xi32>
            %add3A_517 = arith.addi %add3A_516, %iota3A : vector<16xi32>
            %mul3A_518 = arith.mulf %gather3A_513, %gather3A_509 : vector<16xf32>
            tpu.vector_store_idx %arg11[%add3A_517], %mul3A_518 {add = true} : memref<40960xf32, #tpu.memory_space<vmem>>[vector<16xi32>], vector<16xf32>,
            %add3A_519 = arith.constant 80 : i32
            %add3A_520 = vector.broadcast %add3A_519 : i32 to vector<16xi32>
            %add3A_521 = arith.addi %add3A_520, %iota3A : vector<16xi32>
            %gather3A_522 = tpu.vector_load_idx %arg22[%broadcast_in_dim3A_452, %add3A_521] : memref<64x128xf32, #tpu.memory_space<vmem>>[vector<16xi32>, vector<16xi32>], vector<16xf32>,
            %add3A_523 = arith.constant 80 : i32
            %add3A_524 = vector.broadcast %add3A_523 : i32 to vector<16xi32>
            %add3A_525 = arith.addi %mul3A_451, %add3A_524 : vector<16xi32>
            %add3A_526 = arith.addi %add3A_525, %iota3A : vector<16xi32>
            %mul3A_527 = arith.mulf %gather3A_522, %gather3A_509 : vector<16xf32>
            tpu.vector_store_idx %arg11[%add3A_526], %mul3A_527 {add = true} : memref<40960xf32, #tpu.memory_space<vmem>>[vector<16xi32>], vector<16xf32>,
            %mul3A_528 = arith.constant 4 : i32
            %mul3A_529 = vector.broadcast %mul3A_528 : i32 to vector<16xi32>
            %mul3A_530 = arith.muli %broadcast_in_dim3A_440, %mul3A_529 : vector<16xi32>
            %add3A_531 = arith.constant 3 : i32
            %add3A_532 = vector.broadcast %add3A_531 : i32 to vector<16xi32>
            %add3A_533 = arith.addi %mul3A_530, %add3A_532 : vector<16xi32>
            %gather3A_534 = tpu.vector_load_idx %arg20[%add3A_533] : memref<6416xf32, #tpu.memory_space<vmem>>[vector<16xi32>], vector<16xf32>,
            %add3A_535 = arith.constant 96 : i32
            %add3A_536 = vector.broadcast %add3A_535 : i32 to vector<16xi32>
            %add3A_537 = arith.addi %add3A_536, %iota3A : vector<16xi32>
            %gather3A_538 = tpu.vector_load_idx %arg22[%broadcast_in_dim3A_452, %add3A_537] : memref<64x128xf32, #tpu.memory_space<vmem>>[vector<16xi32>, vector<16xi32>], vector<16xf32>,
            %add3A_539 = arith.constant 96 : i32
            %add3A_540 = vector.broadcast %add3A_539 : i32 to vector<16xi32>
            %add3A_541 = arith.addi %mul3A_451, %add3A_540 : vector<16xi32>
            %add3A_542 = arith.addi %add3A_541, %iota3A : vector<16xi32>
            %mul3A_543 = arith.mulf %gather3A_538, %gather3A_534 : vector<16xf32>
            tpu.vector_store_idx %arg11[%add3A_542], %mul3A_543 {add = true} : memref<40960xf32, #tpu.memory_space<vmem>>[vector<16xi32>], vector<16xf32>,
            %add3A_544 = arith.constant 112 : i32
            %add3A_545 = vector.broadcast %add3A_544 : i32 to vector<16xi32>
            %add3A_546 = arith.addi %add3A_545, %iota3A : vector<16xi32>
            %gather3A_547 = tpu.vector_load_idx %arg22[%broadcast_in_dim3A_452, %add3A_546] : memref<64x128xf32, #tpu.memory_space<vmem>>[vector<16xi32>, vector<16xi32>], vector<16xf32>,
            %add3A_548 = arith.constant 112 : i32
            %add3A_549 = vector.broadcast %add3A_548 : i32 to vector<16xi32>
            %add3A_550 = arith.addi %mul3A_451, %add3A_549 : vector<16xi32>
            %add3A_551 = arith.addi %add3A_550, %iota3A : vector<16xi32>
            %mul3A_552 = arith.mulf %gather3A_547, %gather3A_534 : vector<16xf32>
            tpu.vector_store_idx %arg11[%add3A_551], %mul3A_552 {add = true} : memref<40960xf32, #tpu.memory_space<vmem>>[vector<16xi32>], vector<16xf32>,
          }
          %while3A_433 = arith.constant 1 : i32
          scf.for %while3A_434 = %while3A_431 to %while3A_427 step %while3A_433  : i32 {
            %mul3A_435 = arith.muli %while3A_434, %while3A_423 : i32
            %add3A_436 = arith.addi %while3A_424, %mul3A_435 : i32
            %mul3A_437 = arith.constant 64 : i32
            %mul3A_438 = arith.muli %add3A_360, %mul3A_437 : i32
            %add3A_439 = arith.addi %mul3A_438, %add3A_436 : i32
            %broadcast_in_dim3A_440 = vector.broadcast %add3A_439 : i32 to vector<16xi32>
            %gather3A = tpu.vector_load_idx %arg19[%broadcast_in_dim3A_440] : memref<1616xi32, #tpu.memory_space<vmem>>[vector<16xi32>], vector<16xi32>,
            %mul3A_441 = arith.constant 4 : i32
            %mul3A_442 = arith.muli %add3A_439, %mul3A_441 : i32
            %get3A_443 = arith.index_cast %mul3A_442 : i32 to index
            %get3A_444 = tpu.vector_load %arg20[%get3A_443] {strides = array<i32>} : memref<6416xf32, #tpu.memory_space<vmem>>, vector<16xf32>,
            %mul3A_445 = arith.constant 4 : i32
            %mul3A_446 = vector.broadcast %mul3A_445 : i32 to vector<16xi32>
            %mul3A_447 = arith.muli %gather3A, %mul3A_446 : vector<16xi32>
            %add3A_448 = arith.addi %mul3A_447, %iota3A : vector<16xi32>
            tpu.vector_store_idx %arg12[%add3A_448], %get3A_444 masked %lt3A_7 {add = true} : memref<1296xf32, #tpu.memory_space<vmem>>[vector<16xi32>], vector<16xf32>, vector<16xi1>
            %mul3A_449 = arith.constant 128 : i32
            %mul3A_450 = vector.broadcast %mul3A_449 : i32 to vector<16xi32>
            %mul3A_451 = arith.muli %gather3A, %mul3A_450 : vector<16xi32>
            %broadcast_in_dim3A_452 = vector.broadcast %add3A_436 : i32 to vector<16xi32>
            %mul3A_453 = arith.constant 4 : i32
            %mul3A_454 = vector.broadcast %mul3A_453 : i32 to vector<16xi32>
            %mul3A_455 = arith.muli %broadcast_in_dim3A_440, %mul3A_454 : vector<16xi32>
            %add3A_456 = arith.constant 0 : i32
            %add3A_457 = vector.broadcast %add3A_456 : i32 to vector<16xi32>
            %add3A_458 = arith.addi %mul3A_455, %add3A_457 : vector<16xi32>
            %gather3A_459 = tpu.vector_load_idx %arg20[%add3A_458] : memref<6416xf32, #tpu.memory_space<vmem>>[vector<16xi32>], vector<16xf32>,
            %add3A_460 = arith.constant 0 : i32
            %add3A_461 = vector.broadcast %add3A_460 : i32 to vector<16xi32>
            %add3A_462 = arith.addi %add3A_461, %iota3A : vector<16xi32>
            %gather3A_463 = tpu.vector_load_idx %arg22[%broadcast_in_dim3A_452, %add3A_462] : memref<64x128xf32, #tpu.memory_space<vmem>>[vector<16xi32>, vector<16xi32>], vector<16xf32>,
            %add3A_464 = arith.constant 0 : i32
            %add3A_465 = vector.broadcast %add3A_464 : i32 to vector<16xi32>
            %add3A_466 = arith.addi %mul3A_451, %add3A_465 : vector<16xi32>
            %add3A_467 = arith.addi %add3A_466, %iota3A : vector<16xi32>
            %mul3A_468 = arith.mulf %gather3A_463, %gather3A_459 : vector<16xf32>
            tpu.vector_store_idx %arg11[%add3A_467], %mul3A_468 {add = true} : memref<40960xf32, #tpu.memory_space<vmem>>[vector<16xi32>], vector<16xf32>,
            %add3A_469 = arith.constant 16 : i32
            %add3A_470 = vector.broadcast %add3A_469 : i32 to vector<16xi32>
            %add3A_471 = arith.addi %add3A_470, %iota3A : vector<16xi32>
            %gather3A_472 = tpu.vector_load_idx %arg22[%broadcast_in_dim3A_452, %add3A_471] : memref<64x128xf32, #tpu.memory_space<vmem>>[vector<16xi32>, vector<16xi32>], vector<16xf32>,
            %add3A_473 = arith.constant 16 : i32
            %add3A_474 = vector.broadcast %add3A_473 : i32 to vector<16xi32>
            %add3A_475 = arith.addi %mul3A_451, %add3A_474 : vector<16xi32>
            %add3A_476 = arith.addi %add3A_475, %iota3A : vector<16xi32>
            %mul3A_477 = arith.mulf %gather3A_472, %gather3A_459 : vector<16xf32>
            tpu.vector_store_idx %arg11[%add3A_476], %mul3A_477 {add = true} : memref<40960xf32, #tpu.memory_space<vmem>>[vector<16xi32>], vector<16xf32>,
            %mul3A_478 = arith.constant 4 : i32
            %mul3A_479 = vector.broadcast %mul3A_478 : i32 to vector<16xi32>
            %mul3A_480 = arith.muli %broadcast_in_dim3A_440, %mul3A_479 : vector<16xi32>
            %add3A_481 = arith.constant 1 : i32
            %add3A_482 = vector.broadcast %add3A_481 : i32 to vector<16xi32>
            %add3A_483 = arith.addi %mul3A_480, %add3A_482 : vector<16xi32>
            %gather3A_484 = tpu.vector_load_idx %arg20[%add3A_483] : memref<6416xf32, #tpu.memory_space<vmem>>[vector<16xi32>], vector<16xf32>,
            %add3A_485 = arith.constant 32 : i32
            %add3A_486 = vector.broadcast %add3A_485 : i32 to vector<16xi32>
            %add3A_487 = arith.addi %add3A_486, %iota3A : vector<16xi32>
            %gather3A_488 = tpu.vector_load_idx %arg22[%broadcast_in_dim3A_452, %add3A_487] : memref<64x128xf32, #tpu.memory_space<vmem>>[vector<16xi32>, vector<16xi32>], vector<16xf32>,
            %add3A_489 = arith.constant 32 : i32
            %add3A_490 = vector.broadcast %add3A_489 : i32 to vector<16xi32>
            %add3A_491 = arith.addi %mul3A_451, %add3A_490 : vector<16xi32>
            %add3A_492 = arith.addi %add3A_491, %iota3A : vector<16xi32>
            %mul3A_493 = arith.mulf %gather3A_488, %gather3A_484 : vector<16xf32>
            tpu.vector_store_idx %arg11[%add3A_492], %mul3A_493 {add = true} : memref<40960xf32, #tpu.memory_space<vmem>>[vector<16xi32>], vector<16xf32>,
            %add3A_494 = arith.constant 48 : i32
            %add3A_495 = vector.broadcast %add3A_494 : i32 to vector<16xi32>
            %add3A_496 = arith.addi %add3A_495, %iota3A : vector<16xi32>
            %gather3A_497 = tpu.vector_load_idx %arg22[%broadcast_in_dim3A_452, %add3A_496] : memref<64x128xf32, #tpu.memory_space<vmem>>[vector<16xi32>, vector<16xi32>], vector<16xf32>,
            %add3A_498 = arith.constant 48 : i32
            %add3A_499 = vector.broadcast %add3A_498 : i32 to vector<16xi32>
            %add3A_500 = arith.addi %mul3A_451, %add3A_499 : vector<16xi32>
            %add3A_501 = arith.addi %add3A_500, %iota3A : vector<16xi32>
            %mul3A_502 = arith.mulf %gather3A_497, %gather3A_484 : vector<16xf32>
            tpu.vector_store_idx %arg11[%add3A_501], %mul3A_502 {add = true} : memref<40960xf32, #tpu.memory_space<vmem>>[vector<16xi32>], vector<16xf32>,
            %mul3A_503 = arith.constant 4 : i32
            %mul3A_504 = vector.broadcast %mul3A_503 : i32 to vector<16xi32>
            %mul3A_505 = arith.muli %broadcast_in_dim3A_440, %mul3A_504 : vector<16xi32>
            %add3A_506 = arith.constant 2 : i32
            %add3A_507 = vector.broadcast %add3A_506 : i32 to vector<16xi32>
            %add3A_508 = arith.addi %mul3A_505, %add3A_507 : vector<16xi32>
            %gather3A_509 = tpu.vector_load_idx %arg20[%add3A_508] : memref<6416xf32, #tpu.memory_space<vmem>>[vector<16xi32>], vector<16xf32>,
            %add3A_510 = arith.constant 64 : i32
            %add3A_511 = vector.broadcast %add3A_510 : i32 to vector<16xi32>
            %add3A_512 = arith.addi %add3A_511, %iota3A : vector<16xi32>
            %gather3A_513 = tpu.vector_load_idx %arg22[%broadcast_in_dim3A_452, %add3A_512] : memref<64x128xf32, #tpu.memory_space<vmem>>[vector<16xi32>, vector<16xi32>], vector<16xf32>,
            %add3A_514 = arith.constant 64 : i32
            %add3A_515 = vector.broadcast %add3A_514 : i32 to vector<16xi32>
            %add3A_516 = arith.addi %mul3A_451, %add3A_515 : vector<16xi32>
            %add3A_517 = arith.addi %add3A_516, %iota3A : vector<16xi32>
            %mul3A_518 = arith.mulf %gather3A_513, %gather3A_509 : vector<16xf32>
            tpu.vector_store_idx %arg11[%add3A_517], %mul3A_518 {add = true} : memref<40960xf32, #tpu.memory_space<vmem>>[vector<16xi32>], vector<16xf32>,
            %add3A_519 = arith.constant 80 : i32
            %add3A_520 = vector.broadcast %add3A_519 : i32 to vector<16xi32>
            %add3A_521 = arith.addi %add3A_520, %iota3A : vector<16xi32>
            %gather3A_522 = tpu.vector_load_idx %arg22[%broadcast_in_dim3A_452, %add3A_521] : memref<64x128xf32, #tpu.memory_space<vmem>>[vector<16xi32>, vector<16xi32>], vector<16xf32>,
            %add3A_523 = arith.constant 80 : i32
            %add3A_524 = vector.broadcast %add3A_523 : i32 to vector<16xi32>
            %add3A_525 = arith.addi %mul3A_451, %add3A_524 : vector<16xi32>
            %add3A_526 = arith.addi %add3A_525, %iota3A : vector<16xi32>
            %mul3A_527 = arith.mulf %gather3A_522, %gather3A_509 : vector<16xf32>
            tpu.vector_store_idx %arg11[%add3A_526], %mul3A_527 {add = true} : memref<40960xf32, #tpu.memory_space<vmem>>[vector<16xi32>], vector<16xf32>,
            %mul3A_528 = arith.constant 4 : i32
            %mul3A_529 = vector.broadcast %mul3A_528 : i32 to vector<16xi32>
            %mul3A_530 = arith.muli %broadcast_in_dim3A_440, %mul3A_529 : vector<16xi32>
            %add3A_531 = arith.constant 3 : i32
            %add3A_532 = vector.broadcast %add3A_531 : i32 to vector<16xi32>
            %add3A_533 = arith.addi %mul3A_530, %add3A_532 : vector<16xi32>
            %gather3A_534 = tpu.vector_load_idx %arg20[%add3A_533] : memref<6416xf32, #tpu.memory_space<vmem>>[vector<16xi32>], vector<16xf32>,
            %add3A_535 = arith.constant 96 : i32
            %add3A_536 = vector.broadcast %add3A_535 : i32 to vector<16xi32>
            %add3A_537 = arith.addi %add3A_536, %iota3A : vector<16xi32>
            %gather3A_538 = tpu.vector_load_idx %arg22[%broadcast_in_dim3A_452, %add3A_537] : memref<64x128xf32, #tpu.memory_space<vmem>>[vector<16xi32>, vector<16xi32>], vector<16xf32>,
            %add3A_539 = arith.constant 96 : i32
            %add3A_540 = vector.broadcast %add3A_539 : i32 to vector<16xi32>
            %add3A_541 = arith.addi %mul3A_451, %add3A_540 : vector<16xi32>
            %add3A_542 = arith.addi %add3A_541, %iota3A : vector<16xi32>
            %mul3A_543 = arith.mulf %gather3A_538, %gather3A_534 : vector<16xf32>
            tpu.vector_store_idx %arg11[%add3A_542], %mul3A_543 {add = true} : memref<40960xf32, #tpu.memory_space<vmem>>[vector<16xi32>], vector<16xf32>,
            %add3A_544 = arith.constant 112 : i32
            %add3A_545 = vector.broadcast %add3A_544 : i32 to vector<16xi32>
            %add3A_546 = arith.addi %add3A_545, %iota3A : vector<16xi32>
            %gather3A_547 = tpu.vector_load_idx %arg22[%broadcast_in_dim3A_452, %add3A_546] : memref<64x128xf32, #tpu.memory_space<vmem>>[vector<16xi32>, vector<16xi32>], vector<16xf32>,
            %add3A_548 = arith.constant 112 : i32
            %add3A_549 = vector.broadcast %add3A_548 : i32 to vector<16xi32>
            %add3A_550 = arith.addi %mul3A_451, %add3A_549 : vector<16xi32>
            %add3A_551 = arith.addi %add3A_550, %iota3A : vector<16xi32>
            %mul3A_552 = arith.mulf %gather3A_547, %gather3A_534 : vector<16xf32>
            tpu.vector_store_idx %arg11[%add3A_551], %mul3A_552 {add = true} : memref<40960xf32, #tpu.memory_space<vmem>>[vector<16xi32>], vector<16xf32>,
          }
        } else {
        }
      }
      %mul3A_211 = arith.constant 1600 : i32
      %mul3A_212 = arith.muli %add3A_79, %mul3A_211 : i32
      %dma_wait3A_213 = tpu.memref_slice %arg2[%mul3A_212] : memref<320000xi32, #tpu.memory_space<hbm>> -> memref<1600xi32, #tpu.memory_space<hbm>>
      %dma_wait3A_214 = tpu.memref_slice %arg2[%mul3A_212] : memref<320000xi32, #tpu.memory_space<hbm>> -> memref<1600xi32, #tpu.memory_space<hbm>>
      tpu.wait_dma2 semaphore(%arg25 : memref<!tpu.dma_semaphore, #tpu.memory_space<semaphore_mem>>) src(%dma_wait3A_214 : memref<1600xi32, #tpu.memory_space<hbm>>) dst(%arg14 : memref<1600xi32, #tpu.memory_space<vmem>>)
      %mul3A_215 = arith.constant 1600 : i32
      %mul3A_216 = arith.muli %add3A_79, %mul3A_215 : i32
      %dma_wait3A_217 = tpu.memref_slice %arg3[%mul3A_216] : memref<320000xi32, #tpu.memory_space<hbm>> -> memref<1600xi32, #tpu.memory_space<hbm>>
      %dma_wait3A_218 = tpu.memref_slice %arg3[%mul3A_216] : memref<320000xi32, #tpu.memory_space<hbm>> -> memref<1600xi32, #tpu.memory_space<hbm>>
      tpu.wait_dma2 semaphore(%arg27 : memref<!tpu.dma_semaphore, #tpu.memory_space<semaphore_mem>>) src(%dma_wait3A_218 : memref<1600xi32, #tpu.memory_space<hbm>>) dst(%arg16 : memref<1600xi32, #tpu.memory_space<vmem>>)
      %add3A_219 = arith.constant 1 : i32
      %add3A_220 = arith.addi %add3A_79, %add3A_219 : i32
      %lt3A_221 = arith.constant 200 : i32
      %lt3A_222 = arith.cmpi slt, %add3A_220, %lt3A_221 : i32
      %convert_element_type3A_223 = arith.extui %lt3A_222 : i1 to i32
      %cond3A_224 = arith.constant 0 : i32
      %cond3A_225 = arith.cmpi ne, %convert_element_type3A_223, %cond3A_224 : i32
      scf.if %cond3A_225 {
        %add3A_354 = arith.constant 1 : i32
        %add3A_355 = arith.addi %add3A_79, %add3A_354 : i32
        %min3A = arith.constant 199 : i32
        %min3A_356 = arith.minsi %add3A_355, %min3A : i32
        %mul3A_357 = arith.constant 1600 : i32
        %mul3A_358 = arith.muli %min3A_356, %mul3A_357 : i32
        %dma_start3A_359 = tpu.memref_slice %arg2[%mul3A_358] : memref<320000xi32, #tpu.memory_space<hbm>> -> memref<1600xi32, #tpu.memory_space<hbm>>
        %dma_start3A_360 = tpu.memref_slice %arg2[%mul3A_358] : memref<320000xi32, #tpu.memory_space<hbm>> -> memref<1600xi32, #tpu.memory_space<hbm>>
        tpu.enqueue_dma source(%dma_start3A_360 : memref<1600xi32, #tpu.memory_space<hbm>>) target(%arg13 : memref<1600xi32, #tpu.memory_space<vmem>>) target_semaphore(%arg24 : memref<!tpu.dma_semaphore, #tpu.memory_space<semaphore_mem>>)
        %mul3A_361 = arith.constant 1600 : i32
        %mul3A_362 = arith.muli %min3A_356, %mul3A_361 : i32
        %dma_start3A_363 = tpu.memref_slice %arg3[%mul3A_362] : memref<320000xi32, #tpu.memory_space<hbm>> -> memref<1600xi32, #tpu.memory_space<hbm>>
        %dma_start3A_364 = tpu.memref_slice %arg3[%mul3A_362] : memref<320000xi32, #tpu.memory_space<hbm>> -> memref<1600xi32, #tpu.memory_space<hbm>>
        tpu.enqueue_dma source(%dma_start3A_364 : memref<1600xi32, #tpu.memory_space<hbm>>) target(%arg15 : memref<1600xi32, #tpu.memory_space<vmem>>) target_semaphore(%arg26 : memref<!tpu.dma_semaphore, #tpu.memory_space<semaphore_mem>>)
      } else {
      }
      %scan3A_226 = arith.constant 0 : i32
      %scan3A_227 = arith.constant 0 : i32
      %scan3A_228 = arith.constant 100 : i32
      %scan3A_229 = arith.addi %scan3A_227, %scan3A_228 : i32
      %scan3A_230 = arith.constant 4 : i32
      %scan3A_231 = scf.for %scan3A_354 = %scan3A_227 to %scan3A_229 step %scan3A_230 iter_args(%scan3A_355 = %scan3A_226) -> (i32)  : i32 {
        %mul3A_356 = arith.constant 1 : i32
        %mul3A_357 = arith.muli %scan3A_354, %mul3A_356 : i32
        %add3A_358 = arith.constant 0 : i32
        %add3A_359 = arith.addi %add3A_358, %mul3A_357 : i32
        %mul3A_360 = arith.constant 16 : i32
        %mul3A_361 = arith.muli %add3A_359, %mul3A_360 : i32
        %add3A_362 = vector.broadcast %mul3A_361 : i32 to vector<16xi32>
        %add3A_363 = arith.addi %add3A_362, %iota3A : vector<16xi32>
        %gather3A = tpu.vector_load_idx %arg16[%add3A_363] : memref<1600xi32, #tpu.memory_space<vmem>>[vector<16xi32>], vector<16xi32>,
        %ge3A = arith.cmpi sge, %gather3A, %broadcast_in_dim3A_31 : vector<16xi32>
        %lt3A_364 = arith.cmpi slt, %gather3A, %broadcast_in_dim3A_34 : vector<16xi32>
        %and3A_365 = arith.andi %ge3A, %lt3A_364 : vector<16xi1>
        %swap3A = arith.index_cast %scan3A_355 : i32 to index
        %swap3A_366 = tpu.vector_load %arg17[%swap3A] masked %and3A_365 {strides = array<i32>} : memref<1616xi32, #tpu.memory_space<vmem>>, vector<16xi32>, vector<16xi1>
        tpu.vector_store %arg17[%swap3A], %add3A_363 masked %and3A_365 {strides = array<i32>} : memref<1616xi32, #tpu.memory_space<vmem>>, vector<16xi32>, vector<16xi1>
        %all_reduce_population_count3A = tpu.all_reduce %and3A_365 {dim = 0 : i64, kind = #tpu.reduction_kind<sum>} : vector<16xi1> -> vector<16xi32>
        %slice3A_367 = vector.extract_strided_slice %all_reduce_population_count3A {offsets = [0], sizes = [1], strides = [1]} : vector<16xi32> to vector<1xi32>
        %squeeze3A_368 = vector.extract %slice3A_367[0] : i32 from vector<1xi32>
        %add3A_369 = arith.addi %scan3A_355, %squeeze3A_368 : i32
        %scan3A_370 = arith.constant 1 : i32
        %scan3A_371 = arith.addi %scan3A_354, %scan3A_370 : i32
        %mul3A_372 = arith.constant 1 : i32
        %mul3A_373 = arith.muli %scan3A_371, %mul3A_372 : i32
        %add3A_374 = arith.constant 0 : i32
        %add3A_375 = arith.addi %add3A_374, %mul3A_373 : i32
        %mul3A_376 = arith.constant 16 : i32
        %mul3A_377 = arith.muli %add3A_375, %mul3A_376 : i32
        %add3A_378 = vector.broadcast %mul3A_377 : i32 to vector<16xi32>
        %add3A_379 = arith.addi %add3A_378, %iota3A : vector<16xi32>
        %gather3A_380 = tpu.vector_load_idx %arg16[%add3A_379] : memref<1600xi32, #tpu.memory_space<vmem>>[vector<16xi32>], vector<16xi32>,
        %ge3A_381 = arith.cmpi sge, %gather3A_380, %broadcast_in_dim3A_31 : vector<16xi32>
        %lt3A_382 = arith.cmpi slt, %gather3A_380, %broadcast_in_dim3A_34 : vector<16xi32>
        %and3A_383 = arith.andi %ge3A_381, %lt3A_382 : vector<16xi1>
        %swap3A_384 = arith.index_cast %add3A_369 : i32 to index
        %swap3A_385 = tpu.vector_load %arg17[%swap3A_384] masked %and3A_383 {strides = array<i32>} : memref<1616xi32, #tpu.memory_space<vmem>>, vector<16xi32>, vector<16xi1>
        tpu.vector_store %arg17[%swap3A_384], %add3A_379 masked %and3A_383 {strides = array<i32>} : memref<1616xi32, #tpu.memory_space<vmem>>, vector<16xi32>, vector<16xi1>
        %all_reduce_population_count3A_386 = tpu.all_reduce %and3A_383 {dim = 0 : i64, kind = #tpu.reduction_kind<sum>} : vector<16xi1> -> vector<16xi32>
        %slice3A_387 = vector.extract_strided_slice %all_reduce_population_count3A_386 {offsets = [0], sizes = [1], strides = [1]} : vector<16xi32> to vector<1xi32>
        %squeeze3A_388 = vector.extract %slice3A_387[0] : i32 from vector<1xi32>
        %add3A_389 = arith.addi %add3A_369, %squeeze3A_388 : i32
        %scan3A_390 = arith.constant 2 : i32
        %scan3A_391 = arith.addi %scan3A_354, %scan3A_390 : i32
        %mul3A_392 = arith.constant 1 : i32
        %mul3A_393 = arith.muli %scan3A_391, %mul3A_392 : i32
        %add3A_394 = arith.constant 0 : i32
        %add3A_395 = arith.addi %add3A_394, %mul3A_393 : i32
        %mul3A_396 = arith.constant 16 : i32
        %mul3A_397 = arith.muli %add3A_395, %mul3A_396 : i32
        %add3A_398 = vector.broadcast %mul3A_397 : i32 to vector<16xi32>
        %add3A_399 = arith.addi %add3A_398, %iota3A : vector<16xi32>
        %gather3A_400 = tpu.vector_load_idx %arg16[%add3A_399] : memref<1600xi32, #tpu.memory_space<vmem>>[vector<16xi32>], vector<16xi32>,
        %ge3A_401 = arith.cmpi sge, %gather3A_400, %broadcast_in_dim3A_31 : vector<16xi32>
        %lt3A_402 = arith.cmpi slt, %gather3A_400, %broadcast_in_dim3A_34 : vector<16xi32>
        %and3A_403 = arith.andi %ge3A_401, %lt3A_402 : vector<16xi1>
        %swap3A_404 = arith.index_cast %add3A_389 : i32 to index
        %swap3A_405 = tpu.vector_load %arg17[%swap3A_404] masked %and3A_403 {strides = array<i32>} : memref<1616xi32, #tpu.memory_space<vmem>>, vector<16xi32>, vector<16xi1>
        tpu.vector_store %arg17[%swap3A_404], %add3A_399 masked %and3A_403 {strides = array<i32>} : memref<1616xi32, #tpu.memory_space<vmem>>, vector<16xi32>, vector<16xi1>
        %all_reduce_population_count3A_406 = tpu.all_reduce %and3A_403 {dim = 0 : i64, kind = #tpu.reduction_kind<sum>} : vector<16xi1> -> vector<16xi32>
        %slice3A_407 = vector.extract_strided_slice %all_reduce_population_count3A_406 {offsets = [0], sizes = [1], strides = [1]} : vector<16xi32> to vector<1xi32>
        %squeeze3A_408 = vector.extract %slice3A_407[0] : i32 from vector<1xi32>
        %add3A_409 = arith.addi %add3A_389, %squeeze3A_408 : i32
        %scan3A_410 = arith.constant 3 : i32
        %scan3A_411 = arith.addi %scan3A_354, %scan3A_410 : i32
        %mul3A_412 = arith.constant 1 : i32
        %mul3A_413 = arith.muli %scan3A_411, %mul3A_412 : i32
        %add3A_414 = arith.constant 0 : i32
        %add3A_415 = arith.addi %add3A_414, %mul3A_413 : i32
        %mul3A_416 = arith.constant 16 : i32
        %mul3A_417 = arith.muli %add3A_415, %mul3A_416 : i32
        %add3A_418 = vector.broadcast %mul3A_417 : i32 to vector<16xi32>
        %add3A_419 = arith.addi %add3A_418, %iota3A : vector<16xi32>
        %gather3A_420 = tpu.vector_load_idx %arg16[%add3A_419] : memref<1600xi32, #tpu.memory_space<vmem>>[vector<16xi32>], vector<16xi32>,
        %ge3A_421 = arith.cmpi sge, %gather3A_420, %broadcast_in_dim3A_31 : vector<16xi32>
        %lt3A_422 = arith.cmpi slt, %gather3A_420, %broadcast_in_dim3A_34 : vector<16xi32>
        %and3A_423 = arith.andi %ge3A_421, %lt3A_422 : vector<16xi1>
        %swap3A_424 = arith.index_cast %add3A_409 : i32 to index
        %swap3A_425 = tpu.vector_load %arg17[%swap3A_424] masked %and3A_423 {strides = array<i32>} : memref<1616xi32, #tpu.memory_space<vmem>>, vector<16xi32>, vector<16xi1>
        tpu.vector_store %arg17[%swap3A_424], %add3A_419 masked %and3A_423 {strides = array<i32>} : memref<1616xi32, #tpu.memory_space<vmem>>, vector<16xi32>, vector<16xi1>
        %all_reduce_population_count3A_426 = tpu.all_reduce %and3A_423 {dim = 0 : i64, kind = #tpu.reduction_kind<sum>} : vector<16xi1> -> vector<16xi32>
        %slice3A_427 = vector.extract_strided_slice %all_reduce_population_count3A_426 {offsets = [0], sizes = [1], strides = [1]} : vector<16xi32> to vector<1xi32>
        %squeeze3A_428 = vector.extract %slice3A_427[0] : i32 from vector<1xi32>
        %add3A_429 = arith.addi %add3A_409, %squeeze3A_428 : i32
        scf.yield %add3A_429 : i32
      }
      %scan3A_232 = arith.constant 100 : i32
      %add3A_233 = arith.constant 15 : i32
      %add3A_234 = arith.addi %scan3A_231, %add3A_233 : i32
      %jit3A_235 = arith.constant 16 : i32
      %div3A_236 = arith.divsi %add3A_234, %jit3A_235 : i32
      %sign3A_237 = arith.constant 0 : i32
      %sign3A_238 = arith.cmpi sgt, %add3A_234, %sign3A_237 : i32
      %sign3A_239 = arith.extui %sign3A_238 : i1 to i32
      %sign3A_240 = arith.constant 0 : i32
      %sign3A_241 = arith.cmpi slt, %add3A_234, %sign3A_240 : i32
      %sign3A_242 = arith.extui %sign3A_241 : i1 to i32
      %sign3A_243 = arith.subi %sign3A_239, %sign3A_242 : i32
      %sign3A_244 = arith.constant 0 : i32
      %sign3A_245 = arith.cmpi sgt, %jit3A_235, %sign3A_244 : i32
      %sign3A_246 = arith.extui %sign3A_245 : i1 to i32
      %sign3A_247 = arith.constant 0 : i32
      %sign3A_248 = arith.cmpi slt, %jit3A_235, %sign3A_247 : i32
      %sign3A_249 = arith.extui %sign3A_248 : i1 to i32
      %sign3A_250 = arith.subi %sign3A_246, %sign3A_249 : i32
      %ne3A_251 = arith.cmpi ne, %sign3A_243, %sign3A_250 : i32
      %rem3A_252 = arith.remsi %add3A_234, %jit3A_235 : i32
      %ne3A_253 = arith.constant 0 : i32
      %ne3A_254 = arith.cmpi ne, %rem3A_252, %ne3A_253 : i32
      %and3A_255 = arith.andi %ne3A_251, %ne3A_254 : i1
      %sub3A_256 = arith.constant 1 : i32
      %sub3A_257 = arith.subi %div3A_236, %sub3A_256 : i32
      %select_n3A_258 = arith.select %and3A_255, %sub3A_257, %div3A_236 : i32
      %sub3A_259 = arith.constant 0 : i32
      %sub3A_260 = arith.subi %select_n3A_258, %sub3A_259 : i32
      %sub3A_261 = arith.constant 1 : i32
      %sub3A_262 = arith.constant 1 : i32
      %sub3A_263 = arith.subi %sub3A_261, %sub3A_262 : i32
      %add3A_264 = arith.addi %sub3A_260, %sub3A_263 : i32
      %div3A_265 = arith.constant 1 : i32
      %div3A_266 = arith.divsi %add3A_264, %div3A_265 : i32
      %while3A_267 = arith.constant 1 : i32
      %while3A_268 = arith.constant 0 : i32
      %while3A_269 = arith.constant 0 : i32
      %while3A_270 = arith.subi %div3A_266, %while3A_269 : i32
      %while3A_271 = arith.addi %while3A_269, %while3A_270 : i32
      %while3A_272 = arith.constant 1 : i32
      %while3A_273 = arith.divsi %while3A_270, %while3A_272 : i32
      %while3A_274 = arith.muli %while3A_273, %while3A_272 : i32
      %while3A_275 = arith.addi %while3A_269, %while3A_274 : i32
      %while3A_276 = arith.constant 1 : i32
      scf.for %while3A_354 = %while3A_269 to %while3A_275 step %while3A_276  : i32 {
        %mul3A_355 = arith.muli %while3A_354, %while3A_267 : i32
        %add3A_356 = arith.addi %while3A_268, %mul3A_355 : i32
        %mul3A_357 = arith.constant 16 : i32
        %mul3A_358 = arith.muli %add3A_356, %mul3A_357 : i32
        %add3A_359 = vector.broadcast %mul3A_358 : i32 to vector<16xi32>
        %add3A_360 = arith.addi %add3A_359, %iota3A : vector<16xi32>
        %lt3A_361 = vector.broadcast %scan3A_231 : i32 to vector<16xi32>
        %lt3A_362 = arith.cmpi slt, %add3A_360, %lt3A_361 : vector<16xi32>
        %add3A_363 = vector.broadcast %mul3A_358 : i32 to vector<16xi32>
        %add3A_364 = arith.addi %add3A_363, %iota3A : vector<16xi32>
        %gather3A = tpu.vector_load_idx %arg17[%add3A_364] : memref<1616xi32, #tpu.memory_space<vmem>>[vector<16xi32>], vector<16xi32>,
        %gather3A_365 = tpu.vector_load_idx %arg14[%gather3A] : memref<1600xi32, #tpu.memory_space<vmem>>[vector<16xi32>], vector<16xi32>,
        %gather3A_366 = tpu.vector_load_idx %arg16[%gather3A] : memref<1600xi32, #tpu.memory_space<vmem>>[vector<16xi32>], vector<16xi32>,
        %sub3A_367 = arith.subi %gather3A_366, %broadcast_in_dim3A_31 : vector<16xi32>
        %jit3A_368 = arith.constant 0 : i32
        %broadcast_in_dim3A_369 = vector.broadcast %jit3A_368 : i32 to vector<16xi32>
        %select_n3A_370 = arith.select %lt3A_362, %sub3A_367, %broadcast_in_dim3A_369 : vector<16xi1>, vector<16xi32>
        %add3A_371 = vector.broadcast %mul3A_358 : i32 to vector<16xi32>
        %add3A_372 = arith.addi %add3A_371, %iota3A : vector<16xi32>
        tpu.vector_store_idx %arg18[%add3A_372], %gather3A_365 : memref<1600xi32, #tpu.memory_space<vmem>>[vector<16xi32>], vector<16xi32>,
        %add3A_373 = vector.broadcast %mul3A_358 : i32 to vector<16xi32>
        %add3A_374 = arith.addi %add3A_373, %iota3A : vector<16xi32>
        tpu.vector_store_idx %arg19[%add3A_374], %select_n3A_370 : memref<1616xi32, #tpu.memory_space<vmem>>[vector<16xi32>], vector<16xi32>,
        %mul3A_375 = arith.constant 4 : i32
        %mul3A_376 = vector.broadcast %mul3A_375 : i32 to vector<16xi32>
        %mul3A_377 = arith.muli %gather3A_365, %mul3A_376 : vector<16xi32>
        %add3A_378 = arith.constant 0 : i32
        %add3A_379 = vector.broadcast %add3A_378 : i32 to vector<16xi32>
        %add3A_380 = arith.addi %mul3A_377, %add3A_379 : vector<16xi32>
        %gather3A_381 = tpu.vector_load_idx %arg9[%add3A_380] : memref<40000xf32, #tpu.memory_space<vmem>>[vector<16xi32>], vector<16xf32>,
        %mul3A_382 = arith.constant 4 : i32
        %mul3A_383 = vector.broadcast %mul3A_382 : i32 to vector<16xi32>
        %mul3A_384 = arith.muli %select_n3A_370, %mul3A_383 : vector<16xi32>
        %add3A_385 = arith.constant 0 : i32
        %add3A_386 = vector.broadcast %add3A_385 : i32 to vector<16xi32>
        %add3A_387 = arith.addi %mul3A_384, %add3A_386 : vector<16xi32>
        %gather3A_388 = tpu.vector_load_idx %arg10[%add3A_387] : memref<1280xf32, #tpu.memory_space<vmem>>[vector<16xi32>], vector<16xf32>,
        %add3A_389 = arith.addf %gather3A_381, %gather3A_388 : vector<16xf32>
        %gt3A_390 = arith.constant 0.000000e+00 : f32
        %gt3A_391 = vector.broadcast %gt3A_390 : f32 to vector<16xf32>
        %gt3A_392 = arith.cmpf ogt, %add3A_389, %gt3A_391 : vector<16xf32>
        %mul3A_393 = arith.constant 2.000000e-01 : f32
        %mul3A_394 = vector.broadcast %mul3A_393 : f32 to vector<16xf32>
        %mul3A_395 = arith.mulf %mul3A_394, %add3A_389 : vector<16xf32>
        %select_n3A_396 = arith.select %gt3A_392, %add3A_389, %mul3A_395 : vector<16xi1>, vector<16xf32>
        %sub3A_397 = arith.subf %select_n3A_396, %broadcast_in_dim3A_21 : vector<16xf32>
        %exp3A = math.exp %sub3A_397 : vector<16xf32>
        %mul3A_398 = arith.constant 4 : i32
        %mul3A_399 = arith.muli %mul3A_358, %mul3A_398 : i32
        %add3A_400 = arith.constant 0 : i32
        %add3A_401 = arith.addi %mul3A_399, %add3A_400 : i32
        %add3A_402 = vector.broadcast %add3A_401 : i32 to vector<16xi32>
        %add3A_403 = arith.addi %add3A_402, %mul3A_5 : vector<16xi32>
        tpu.vector_store_idx %arg20[%add3A_403], %exp3A : memref<6416xf32, #tpu.memory_space<vmem>>[vector<16xi32>], vector<16xf32>,
        %mul3A_404 = arith.constant 4 : i32
        %mul3A_405 = vector.broadcast %mul3A_404 : i32 to vector<16xi32>
        %mul3A_406 = arith.muli %gather3A_365, %mul3A_405 : vector<16xi32>
        %add3A_407 = arith.constant 1 : i32
        %add3A_408 = vector.broadcast %add3A_407 : i32 to vector<16xi32>
        %add3A_409 = arith.addi %mul3A_406, %add3A_408 : vector<16xi32>
        %gather3A_410 = tpu.vector_load_idx %arg9[%add3A_409] : memref<40000xf32, #tpu.memory_space<vmem>>[vector<16xi32>], vector<16xf32>,
        %mul3A_411 = arith.constant 4 : i32
        %mul3A_412 = vector.broadcast %mul3A_411 : i32 to vector<16xi32>
        %mul3A_413 = arith.muli %select_n3A_370, %mul3A_412 : vector<16xi32>
        %add3A_414 = arith.constant 1 : i32
        %add3A_415 = vector.broadcast %add3A_414 : i32 to vector<16xi32>
        %add3A_416 = arith.addi %mul3A_413, %add3A_415 : vector<16xi32>
        %gather3A_417 = tpu.vector_load_idx %arg10[%add3A_416] : memref<1280xf32, #tpu.memory_space<vmem>>[vector<16xi32>], vector<16xf32>,
        %add3A_418 = arith.addf %gather3A_410, %gather3A_417 : vector<16xf32>
        %gt3A_419 = arith.constant 0.000000e+00 : f32
        %gt3A_420 = vector.broadcast %gt3A_419 : f32 to vector<16xf32>
        %gt3A_421 = arith.cmpf ogt, %add3A_418, %gt3A_420 : vector<16xf32>
        %mul3A_422 = arith.constant 2.000000e-01 : f32
        %mul3A_423 = vector.broadcast %mul3A_422 : f32 to vector<16xf32>
        %mul3A_424 = arith.mulf %mul3A_423, %add3A_418 : vector<16xf32>
        %select_n3A_425 = arith.select %gt3A_421, %add3A_418, %mul3A_424 : vector<16xi1>, vector<16xf32>
        %sub3A_426 = arith.subf %select_n3A_425, %broadcast_in_dim3A_24 : vector<16xf32>
        %exp3A_427 = math.exp %sub3A_426 : vector<16xf32>
        %mul3A_428 = arith.constant 4 : i32
        %mul3A_429 = arith.muli %mul3A_358, %mul3A_428 : i32
        %add3A_430 = arith.constant 1 : i32
        %add3A_431 = arith.addi %mul3A_429, %add3A_430 : i32
        %add3A_432 = vector.broadcast %add3A_431 : i32 to vector<16xi32>
        %add3A_433 = arith.addi %add3A_432, %mul3A_5 : vector<16xi32>
        tpu.vector_store_idx %arg20[%add3A_433], %exp3A_427 : memref<6416xf32, #tpu.memory_space<vmem>>[vector<16xi32>], vector<16xf32>,
        %mul3A_434 = arith.constant 4 : i32
        %mul3A_435 = vector.broadcast %mul3A_434 : i32 to vector<16xi32>
        %mul3A_436 = arith.muli %gather3A_365, %mul3A_435 : vector<16xi32>
        %add3A_437 = arith.constant 2 : i32
        %add3A_438 = vector.broadcast %add3A_437 : i32 to vector<16xi32>
        %add3A_439 = arith.addi %mul3A_436, %add3A_438 : vector<16xi32>
        %gather3A_440 = tpu.vector_load_idx %arg9[%add3A_439] : memref<40000xf32, #tpu.memory_space<vmem>>[vector<16xi32>], vector<16xf32>,
        %mul3A_441 = arith.constant 4 : i32
        %mul3A_442 = vector.broadcast %mul3A_441 : i32 to vector<16xi32>
        %mul3A_443 = arith.muli %select_n3A_370, %mul3A_442 : vector<16xi32>
        %add3A_444 = arith.constant 2 : i32
        %add3A_445 = vector.broadcast %add3A_444 : i32 to vector<16xi32>
        %add3A_446 = arith.addi %mul3A_443, %add3A_445 : vector<16xi32>
        %gather3A_447 = tpu.vector_load_idx %arg10[%add3A_446] : memref<1280xf32, #tpu.memory_space<vmem>>[vector<16xi32>], vector<16xf32>,
        %add3A_448 = arith.addf %gather3A_440, %gather3A_447 : vector<16xf32>
        %gt3A_449 = arith.constant 0.000000e+00 : f32
        %gt3A_450 = vector.broadcast %gt3A_449 : f32 to vector<16xf32>
        %gt3A_451 = arith.cmpf ogt, %add3A_448, %gt3A_450 : vector<16xf32>
        %mul3A_452 = arith.constant 2.000000e-01 : f32
        %mul3A_453 = vector.broadcast %mul3A_452 : f32 to vector<16xf32>
        %mul3A_454 = arith.mulf %mul3A_453, %add3A_448 : vector<16xf32>
        %select_n3A_455 = arith.select %gt3A_451, %add3A_448, %mul3A_454 : vector<16xi1>, vector<16xf32>
        %sub3A_456 = arith.subf %select_n3A_455, %broadcast_in_dim3A_27 : vector<16xf32>
        %exp3A_457 = math.exp %sub3A_456 : vector<16xf32>
        %mul3A_458 = arith.constant 4 : i32
        %mul3A_459 = arith.muli %mul3A_358, %mul3A_458 : i32
        %add3A_460 = arith.constant 2 : i32
        %add3A_461 = arith.addi %mul3A_459, %add3A_460 : i32
        %add3A_462 = vector.broadcast %add3A_461 : i32 to vector<16xi32>
        %add3A_463 = arith.addi %add3A_462, %mul3A_5 : vector<16xi32>
        tpu.vector_store_idx %arg20[%add3A_463], %exp3A_457 : memref<6416xf32, #tpu.memory_space<vmem>>[vector<16xi32>], vector<16xf32>,
        %mul3A_464 = arith.constant 4 : i32
        %mul3A_465 = vector.broadcast %mul3A_464 : i32 to vector<16xi32>
        %mul3A_466 = arith.muli %gather3A_365, %mul3A_465 : vector<16xi32>
        %add3A_467 = arith.constant 3 : i32
        %add3A_468 = vector.broadcast %add3A_467 : i32 to vector<16xi32>
        %add3A_469 = arith.addi %mul3A_466, %add3A_468 : vector<16xi32>
        %gather3A_470 = tpu.vector_load_idx %arg9[%add3A_469] : memref<40000xf32, #tpu.memory_space<vmem>>[vector<16xi32>], vector<16xf32>,
        %mul3A_471 = arith.constant 4 : i32
        %mul3A_472 = vector.broadcast %mul3A_471 : i32 to vector<16xi32>
        %mul3A_473 = arith.muli %select_n3A_370, %mul3A_472 : vector<16xi32>
        %add3A_474 = arith.constant 3 : i32
        %add3A_475 = vector.broadcast %add3A_474 : i32 to vector<16xi32>
        %add3A_476 = arith.addi %mul3A_473, %add3A_475 : vector<16xi32>
        %gather3A_477 = tpu.vector_load_idx %arg10[%add3A_476] : memref<1280xf32, #tpu.memory_space<vmem>>[vector<16xi32>], vector<16xf32>,
        %add3A_478 = arith.addf %gather3A_470, %gather3A_477 : vector<16xf32>
        %gt3A_479 = arith.constant 0.000000e+00 : f32
        %gt3A_480 = vector.broadcast %gt3A_479 : f32 to vector<16xf32>
        %gt3A_481 = arith.cmpf ogt, %add3A_478, %gt3A_480 : vector<16xf32>
        %mul3A_482 = arith.constant 2.000000e-01 : f32
        %mul3A_483 = vector.broadcast %mul3A_482 : f32 to vector<16xf32>
        %mul3A_484 = arith.mulf %mul3A_483, %add3A_478 : vector<16xf32>
        %select_n3A_485 = arith.select %gt3A_481, %add3A_478, %mul3A_484 : vector<16xi1>, vector<16xf32>
        %sub3A_486 = arith.subf %select_n3A_485, %broadcast_in_dim3A_30 : vector<16xf32>
        %exp3A_487 = math.exp %sub3A_486 : vector<16xf32>
        %mul3A_488 = arith.constant 4 : i32
        %mul3A_489 = arith.muli %mul3A_358, %mul3A_488 : i32
        %add3A_490 = arith.constant 3 : i32
        %add3A_491 = arith.addi %mul3A_489, %add3A_490 : i32
        %add3A_492 = vector.broadcast %add3A_491 : i32 to vector<16xi32>
        %add3A_493 = arith.addi %add3A_492, %mul3A_5 : vector<16xi32>
        tpu.vector_store_idx %arg20[%add3A_493], %exp3A_487 : memref<6416xf32, #tpu.memory_space<vmem>>[vector<16xi32>], vector<16xf32>,
      }
      %while3A_277 = arith.constant 1 : i32
      scf.for %while3A_354 = %while3A_275 to %while3A_271 step %while3A_277  : i32 {
        %mul3A_355 = arith.muli %while3A_354, %while3A_267 : i32
        %add3A_356 = arith.addi %while3A_268, %mul3A_355 : i32
        %mul3A_357 = arith.constant 16 : i32
        %mul3A_358 = arith.muli %add3A_356, %mul3A_357 : i32
        %add3A_359 = vector.broadcast %mul3A_358 : i32 to vector<16xi32>
        %add3A_360 = arith.addi %add3A_359, %iota3A : vector<16xi32>
        %lt3A_361 = vector.broadcast %scan3A_231 : i32 to vector<16xi32>
        %lt3A_362 = arith.cmpi slt, %add3A_360, %lt3A_361 : vector<16xi32>
        %add3A_363 = vector.broadcast %mul3A_358 : i32 to vector<16xi32>
        %add3A_364 = arith.addi %add3A_363, %iota3A : vector<16xi32>
        %gather3A = tpu.vector_load_idx %arg17[%add3A_364] : memref<1616xi32, #tpu.memory_space<vmem>>[vector<16xi32>], vector<16xi32>,
        %gather3A_365 = tpu.vector_load_idx %arg14[%gather3A] : memref<1600xi32, #tpu.memory_space<vmem>>[vector<16xi32>], vector<16xi32>,
        %gather3A_366 = tpu.vector_load_idx %arg16[%gather3A] : memref<1600xi32, #tpu.memory_space<vmem>>[vector<16xi32>], vector<16xi32>,
        %sub3A_367 = arith.subi %gather3A_366, %broadcast_in_dim3A_31 : vector<16xi32>
        %jit3A_368 = arith.constant 0 : i32
        %broadcast_in_dim3A_369 = vector.broadcast %jit3A_368 : i32 to vector<16xi32>
        %select_n3A_370 = arith.select %lt3A_362, %sub3A_367, %broadcast_in_dim3A_369 : vector<16xi1>, vector<16xi32>
        %add3A_371 = vector.broadcast %mul3A_358 : i32 to vector<16xi32>
        %add3A_372 = arith.addi %add3A_371, %iota3A : vector<16xi32>
        tpu.vector_store_idx %arg18[%add3A_372], %gather3A_365 : memref<1600xi32, #tpu.memory_space<vmem>>[vector<16xi32>], vector<16xi32>,
        %add3A_373 = vector.broadcast %mul3A_358 : i32 to vector<16xi32>
        %add3A_374 = arith.addi %add3A_373, %iota3A : vector<16xi32>
        tpu.vector_store_idx %arg19[%add3A_374], %select_n3A_370 : memref<1616xi32, #tpu.memory_space<vmem>>[vector<16xi32>], vector<16xi32>,
        %mul3A_375 = arith.constant 4 : i32
        %mul3A_376 = vector.broadcast %mul3A_375 : i32 to vector<16xi32>
        %mul3A_377 = arith.muli %gather3A_365, %mul3A_376 : vector<16xi32>
        %add3A_378 = arith.constant 0 : i32
        %add3A_379 = vector.broadcast %add3A_378 : i32 to vector<16xi32>
        %add3A_380 = arith.addi %mul3A_377, %add3A_379 : vector<16xi32>
        %gather3A_381 = tpu.vector_load_idx %arg9[%add3A_380] : memref<40000xf32, #tpu.memory_space<vmem>>[vector<16xi32>], vector<16xf32>,
        %mul3A_382 = arith.constant 4 : i32
        %mul3A_383 = vector.broadcast %mul3A_382 : i32 to vector<16xi32>
        %mul3A_384 = arith.muli %select_n3A_370, %mul3A_383 : vector<16xi32>
        %add3A_385 = arith.constant 0 : i32
        %add3A_386 = vector.broadcast %add3A_385 : i32 to vector<16xi32>
        %add3A_387 = arith.addi %mul3A_384, %add3A_386 : vector<16xi32>
        %gather3A_388 = tpu.vector_load_idx %arg10[%add3A_387] : memref<1280xf32, #tpu.memory_space<vmem>>[vector<16xi32>], vector<16xf32>,
        %add3A_389 = arith.addf %gather3A_381, %gather3A_388 : vector<16xf32>
        %gt3A_390 = arith.constant 0.000000e+00 : f32
        %gt3A_391 = vector.broadcast %gt3A_390 : f32 to vector<16xf32>
        %gt3A_392 = arith.cmpf ogt, %add3A_389, %gt3A_391 : vector<16xf32>
        %mul3A_393 = arith.constant 2.000000e-01 : f32
        %mul3A_394 = vector.broadcast %mul3A_393 : f32 to vector<16xf32>
        %mul3A_395 = arith.mulf %mul3A_394, %add3A_389 : vector<16xf32>
        %select_n3A_396 = arith.select %gt3A_392, %add3A_389, %mul3A_395 : vector<16xi1>, vector<16xf32>
        %sub3A_397 = arith.subf %select_n3A_396, %broadcast_in_dim3A_21 : vector<16xf32>
        %exp3A = math.exp %sub3A_397 : vector<16xf32>
        %mul3A_398 = arith.constant 4 : i32
        %mul3A_399 = arith.muli %mul3A_358, %mul3A_398 : i32
        %add3A_400 = arith.constant 0 : i32
        %add3A_401 = arith.addi %mul3A_399, %add3A_400 : i32
        %add3A_402 = vector.broadcast %add3A_401 : i32 to vector<16xi32>
        %add3A_403 = arith.addi %add3A_402, %mul3A_5 : vector<16xi32>
        tpu.vector_store_idx %arg20[%add3A_403], %exp3A : memref<6416xf32, #tpu.memory_space<vmem>>[vector<16xi32>], vector<16xf32>,
        %mul3A_404 = arith.constant 4 : i32
        %mul3A_405 = vector.broadcast %mul3A_404 : i32 to vector<16xi32>
        %mul3A_406 = arith.muli %gather3A_365, %mul3A_405 : vector<16xi32>
        %add3A_407 = arith.constant 1 : i32
        %add3A_408 = vector.broadcast %add3A_407 : i32 to vector<16xi32>
        %add3A_409 = arith.addi %mul3A_406, %add3A_408 : vector<16xi32>
        %gather3A_410 = tpu.vector_load_idx %arg9[%add3A_409] : memref<40000xf32, #tpu.memory_space<vmem>>[vector<16xi32>], vector<16xf32>,
        %mul3A_411 = arith.constant 4 : i32
        %mul3A_412 = vector.broadcast %mul3A_411 : i32 to vector<16xi32>
        %mul3A_413 = arith.muli %select_n3A_370, %mul3A_412 : vector<16xi32>
        %add3A_414 = arith.constant 1 : i32
        %add3A_415 = vector.broadcast %add3A_414 : i32 to vector<16xi32>
        %add3A_416 = arith.addi %mul3A_413, %add3A_415 : vector<16xi32>
        %gather3A_417 = tpu.vector_load_idx %arg10[%add3A_416] : memref<1280xf32, #tpu.memory_space<vmem>>[vector<16xi32>], vector<16xf32>,
        %add3A_418 = arith.addf %gather3A_410, %gather3A_417 : vector<16xf32>
        %gt3A_419 = arith.constant 0.000000e+00 : f32
        %gt3A_420 = vector.broadcast %gt3A_419 : f32 to vector<16xf32>
        %gt3A_421 = arith.cmpf ogt, %add3A_418, %gt3A_420 : vector<16xf32>
        %mul3A_422 = arith.constant 2.000000e-01 : f32
        %mul3A_423 = vector.broadcast %mul3A_422 : f32 to vector<16xf32>
        %mul3A_424 = arith.mulf %mul3A_423, %add3A_418 : vector<16xf32>
        %select_n3A_425 = arith.select %gt3A_421, %add3A_418, %mul3A_424 : vector<16xi1>, vector<16xf32>
        %sub3A_426 = arith.subf %select_n3A_425, %broadcast_in_dim3A_24 : vector<16xf32>
        %exp3A_427 = math.exp %sub3A_426 : vector<16xf32>
        %mul3A_428 = arith.constant 4 : i32
        %mul3A_429 = arith.muli %mul3A_358, %mul3A_428 : i32
        %add3A_430 = arith.constant 1 : i32
        %add3A_431 = arith.addi %mul3A_429, %add3A_430 : i32
        %add3A_432 = vector.broadcast %add3A_431 : i32 to vector<16xi32>
        %add3A_433 = arith.addi %add3A_432, %mul3A_5 : vector<16xi32>
        tpu.vector_store_idx %arg20[%add3A_433], %exp3A_427 : memref<6416xf32, #tpu.memory_space<vmem>>[vector<16xi32>], vector<16xf32>,
        %mul3A_434 = arith.constant 4 : i32
        %mul3A_435 = vector.broadcast %mul3A_434 : i32 to vector<16xi32>
        %mul3A_436 = arith.muli %gather3A_365, %mul3A_435 : vector<16xi32>
        %add3A_437 = arith.constant 2 : i32
        %add3A_438 = vector.broadcast %add3A_437 : i32 to vector<16xi32>
        %add3A_439 = arith.addi %mul3A_436, %add3A_438 : vector<16xi32>
        %gather3A_440 = tpu.vector_load_idx %arg9[%add3A_439] : memref<40000xf32, #tpu.memory_space<vmem>>[vector<16xi32>], vector<16xf32>,
        %mul3A_441 = arith.constant 4 : i32
        %mul3A_442 = vector.broadcast %mul3A_441 : i32 to vector<16xi32>
        %mul3A_443 = arith.muli %select_n3A_370, %mul3A_442 : vector<16xi32>
        %add3A_444 = arith.constant 2 : i32
        %add3A_445 = vector.broadcast %add3A_444 : i32 to vector<16xi32>
        %add3A_446 = arith.addi %mul3A_443, %add3A_445 : vector<16xi32>
        %gather3A_447 = tpu.vector_load_idx %arg10[%add3A_446] : memref<1280xf32, #tpu.memory_space<vmem>>[vector<16xi32>], vector<16xf32>,
        %add3A_448 = arith.addf %gather3A_440, %gather3A_447 : vector<16xf32>
        %gt3A_449 = arith.constant 0.000000e+00 : f32
        %gt3A_450 = vector.broadcast %gt3A_449 : f32 to vector<16xf32>
        %gt3A_451 = arith.cmpf ogt, %add3A_448, %gt3A_450 : vector<16xf32>
        %mul3A_452 = arith.constant 2.000000e-01 : f32
        %mul3A_453 = vector.broadcast %mul3A_452 : f32 to vector<16xf32>
        %mul3A_454 = arith.mulf %mul3A_453, %add3A_448 : vector<16xf32>
        %select_n3A_455 = arith.select %gt3A_451, %add3A_448, %mul3A_454 : vector<16xi1>, vector<16xf32>
        %sub3A_456 = arith.subf %select_n3A_455, %broadcast_in_dim3A_27 : vector<16xf32>
        %exp3A_457 = math.exp %sub3A_456 : vector<16xf32>
        %mul3A_458 = arith.constant 4 : i32
        %mul3A_459 = arith.muli %mul3A_358, %mul3A_458 : i32
        %add3A_460 = arith.constant 2 : i32
        %add3A_461 = arith.addi %mul3A_459, %add3A_460 : i32
        %add3A_462 = vector.broadcast %add3A_461 : i32 to vector<16xi32>
        %add3A_463 = arith.addi %add3A_462, %mul3A_5 : vector<16xi32>
        tpu.vector_store_idx %arg20[%add3A_463], %exp3A_457 : memref<6416xf32, #tpu.memory_space<vmem>>[vector<16xi32>], vector<16xf32>,
        %mul3A_464 = arith.constant 4 : i32
        %mul3A_465 = vector.broadcast %mul3A_464 : i32 to vector<16xi32>
        %mul3A_466 = arith.muli %gather3A_365, %mul3A_465 : vector<16xi32>
        %add3A_467 = arith.constant 3 : i32
        %add3A_468 = vector.broadcast %add3A_467 : i32 to vector<16xi32>
        %add3A_469 = arith.addi %mul3A_466, %add3A_468 : vector<16xi32>
        %gather3A_470 = tpu.vector_load_idx %arg9[%add3A_469] : memref<40000xf32, #tpu.memory_space<vmem>>[vector<16xi32>], vector<16xf32>,
        %mul3A_471 = arith.constant 4 : i32
        %mul3A_472 = vector.broadcast %mul3A_471 : i32 to vector<16xi32>
        %mul3A_473 = arith.muli %select_n3A_370, %mul3A_472 : vector<16xi32>
        %add3A_474 = arith.constant 3 : i32
        %add3A_475 = vector.broadcast %add3A_474 : i32 to vector<16xi32>
        %add3A_476 = arith.addi %mul3A_473, %add3A_475 : vector<16xi32>
        %gather3A_477 = tpu.vector_load_idx %arg10[%add3A_476] : memref<1280xf32, #tpu.memory_space<vmem>>[vector<16xi32>], vector<16xf32>,
        %add3A_478 = arith.addf %gather3A_470, %gather3A_477 : vector<16xf32>
        %gt3A_479 = arith.constant 0.000000e+00 : f32
        %gt3A_480 = vector.broadcast %gt3A_479 : f32 to vector<16xf32>
        %gt3A_481 = arith.cmpf ogt, %add3A_478, %gt3A_480 : vector<16xf32>
        %mul3A_482 = arith.constant 2.000000e-01 : f32
        %mul3A_483 = vector.broadcast %mul3A_482 : f32 to vector<16xf32>
        %mul3A_484 = arith.mulf %mul3A_483, %add3A_478 : vector<16xf32>
        %select_n3A_485 = arith.select %gt3A_481, %add3A_478, %mul3A_484 : vector<16xi1>, vector<16xf32>
        %sub3A_486 = arith.subf %select_n3A_485, %broadcast_in_dim3A_30 : vector<16xf32>
        %exp3A_487 = math.exp %sub3A_486 : vector<16xf32>
        %mul3A_488 = arith.constant 4 : i32
        %mul3A_489 = arith.muli %mul3A_358, %mul3A_488 : i32
        %add3A_490 = arith.constant 3 : i32
        %add3A_491 = arith.addi %mul3A_489, %add3A_490 : i32
        %add3A_492 = vector.broadcast %add3A_491 : i32 to vector<16xi32>
        %add3A_493 = arith.addi %add3A_492, %mul3A_5 : vector<16xi32>
        tpu.vector_store_idx %arg20[%add3A_493], %exp3A_487 : memref<6416xf32, #tpu.memory_space<vmem>>[vector<16xi32>], vector<16xf32>,
      }
      %add3A_278 = arith.constant 63 : i32
      %add3A_279 = arith.addi %scan3A_231, %add3A_278 : i32
      %jit3A_280 = arith.constant 64 : i32
      %div3A_281 = arith.divsi %add3A_279, %jit3A_280 : i32
      %sign3A_282 = arith.constant 0 : i32
      %sign3A_283 = arith.cmpi sgt, %add3A_279, %sign3A_282 : i32
      %sign3A_284 = arith.extui %sign3A_283 : i1 to i32
      %sign3A_285 = arith.constant 0 : i32
      %sign3A_286 = arith.cmpi slt, %add3A_279, %sign3A_285 : i32
      %sign3A_287 = arith.extui %sign3A_286 : i1 to i32
      %sign3A_288 = arith.subi %sign3A_284, %sign3A_287 : i32
      %sign3A_289 = arith.constant 0 : i32
      %sign3A_290 = arith.cmpi sgt, %jit3A_280, %sign3A_289 : i32
      %sign3A_291 = arith.extui %sign3A_290 : i1 to i32
      %sign3A_292 = arith.constant 0 : i32
      %sign3A_293 = arith.cmpi slt, %jit3A_280, %sign3A_292 : i32
      %sign3A_294 = arith.extui %sign3A_293 : i1 to i32
      %sign3A_295 = arith.subi %sign3A_291, %sign3A_294 : i32
      %ne3A_296 = arith.cmpi ne, %sign3A_288, %sign3A_295 : i32
      %rem3A_297 = arith.remsi %add3A_279, %jit3A_280 : i32
      %ne3A_298 = arith.constant 0 : i32
      %ne3A_299 = arith.cmpi ne, %rem3A_297, %ne3A_298 : i32
      %and3A_300 = arith.andi %ne3A_296, %ne3A_299 : i1
      %sub3A_301 = arith.constant 1 : i32
      %sub3A_302 = arith.subi %div3A_281, %sub3A_301 : i32
      %select_n3A_303 = arith.select %and3A_300, %sub3A_302, %div3A_281 : i32
      %gt3A_304 = arith.constant 0 : i32
      %gt3A_305 = arith.cmpi sgt, %select_n3A_303, %gt3A_304 : i32
      %convert_element_type3A_306 = arith.extui %gt3A_305 : i1 to i32
      %cond3A_307 = arith.constant 0 : i32
      %cond3A_308 = arith.cmpi ne, %convert_element_type3A_306, %cond3A_307 : i32
      scf.if %cond3A_308 {
        %dma_start3A_354 = arith.constant 0 : i32
        %dma_start3A_355 = tpu.memref_slice %arg18[%dma_start3A_354] : memref<1600xi32, #tpu.memory_space<vmem>> -> memref<64xi32, #tpu.memory_space<vmem>>
        %dma_start3A_356 = arith.constant 0 : i32
        %dma_start3A_357 = arith.constant 0 : i32
        %dma_start3A_358 = tpu.memref_slice %arg7[%dma_start3A_356, %dma_start3A_357] : memref<10000x128xf32, #tpu.memory_space<hbm>> -> memref<10000x128xf32, #tpu.memory_space<hbm>>
        tpu.enqueue_indirect_dma source(%dma_start3A_358 : memref<10000x128xf32, #tpu.memory_space<hbm>>) target(%arg21 : memref<64x128xf32, #tpu.memory_space<vmem>>) offsets(%dma_start3A_355 : memref<64xi32, #tpu.memory_space<vmem>>) semaphore(%arg28 : memref<!tpu.dma_semaphore, #tpu.memory_space<semaphore_mem>>)
      } else {
      }
      %add3A_309 = arith.constant 1 : i32
      %add3A_310 = arith.addi %select_n3A_303, %add3A_309 : i32
      %jit3A_311 = arith.constant 2 : i32
      %div3A_312 = arith.divsi %add3A_310, %jit3A_311 : i32
      %sign3A_313 = arith.constant 0 : i32
      %sign3A_314 = arith.cmpi sgt, %add3A_310, %sign3A_313 : i32
      %sign3A_315 = arith.extui %sign3A_314 : i1 to i32
      %sign3A_316 = arith.constant 0 : i32
      %sign3A_317 = arith.cmpi slt, %add3A_310, %sign3A_316 : i32
      %sign3A_318 = arith.extui %sign3A_317 : i1 to i32
      %sign3A_319 = arith.subi %sign3A_315, %sign3A_318 : i32
      %sign3A_320 = arith.constant 0 : i32
      %sign3A_321 = arith.cmpi sgt, %jit3A_311, %sign3A_320 : i32
      %sign3A_322 = arith.extui %sign3A_321 : i1 to i32
      %sign3A_323 = arith.constant 0 : i32
      %sign3A_324 = arith.cmpi slt, %jit3A_311, %sign3A_323 : i32
      %sign3A_325 = arith.extui %sign3A_324 : i1 to i32
      %sign3A_326 = arith.subi %sign3A_322, %sign3A_325 : i32
      %ne3A_327 = arith.cmpi ne, %sign3A_319, %sign3A_326 : i32
      %rem3A_328 = arith.remsi %add3A_310, %jit3A_311 : i32
      %ne3A_329 = arith.constant 0 : i32
      %ne3A_330 = arith.cmpi ne, %rem3A_328, %ne3A_329 : i32
      %and3A_331 = arith.andi %ne3A_327, %ne3A_330 : i1
      %sub3A_332 = arith.constant 1 : i32
      %sub3A_333 = arith.subi %div3A_312, %sub3A_332 : i32
      %select_n3A_334 = arith.select %and3A_331, %sub3A_333, %div3A_312 : i32
      %sub3A_335 = arith.constant 0 : i32
      %sub3A_336 = arith.subi %select_n3A_334, %sub3A_335 : i32
      %sub3A_337 = arith.constant 1 : i32
      %sub3A_338 = arith.constant 1 : i32
      %sub3A_339 = arith.subi %sub3A_337, %sub3A_338 : i32
      %add3A_340 = arith.addi %sub3A_336, %sub3A_339 : i32
      %div3A_341 = arith.constant 1 : i32
      %div3A_342 = arith.divsi %add3A_340, %div3A_341 : i32
      %while3A_343 = arith.constant 1 : i32
      %while3A_344 = arith.constant 0 : i32
      %while3A_345 = arith.constant 0 : i32
      %while3A_346 = arith.subi %div3A_342, %while3A_345 : i32
      %while3A_347 = arith.addi %while3A_345, %while3A_346 : i32
      %while3A_348 = arith.constant 1 : i32
      %while3A_349 = arith.divsi %while3A_346, %while3A_348 : i32
      %while3A_350 = arith.muli %while3A_349, %while3A_348 : i32
      %while3A_351 = arith.addi %while3A_345, %while3A_350 : i32
      %while3A_352 = arith.constant 1 : i32
      scf.for %while3A_354 = %while3A_345 to %while3A_351 step %while3A_352  : i32 {
        %mul3A_355 = arith.muli %while3A_354, %while3A_343 : i32
        %add3A_356 = arith.addi %while3A_344, %mul3A_355 : i32
        %mul3A_357 = arith.constant 2 : i32
        %mul3A_358 = arith.muli %mul3A_357, %add3A_356 : i32
        %add3A_359 = arith.constant 1 : i32
        %add3A_360 = arith.addi %mul3A_358, %add3A_359 : i32
        %mul3A_361 = arith.constant 64 : i32
        %mul3A_362 = arith.muli %mul3A_358, %mul3A_361 : i32
        %dma_wait3A_363 = tpu.memref_slice %arg18[%mul3A_362] : memref<1600xi32, #tpu.memory_space<vmem>> -> memref<64xi32, #tpu.memory_space<vmem>>
        %dma_wait3A_364 = arith.constant 0 : i32
        %dma_wait3A_365 = arith.constant 0 : i32
        %dma_wait3A_366 = tpu.memref_slice %arg7[%dma_wait3A_364, %dma_wait3A_365] : memref<10000x128xf32, #tpu.memory_space<hbm>> -> memref<10000x128xf32, #tpu.memory_space<hbm>>
        tpu.wait_indirect_dma semaphore(%arg28 : memref<!tpu.dma_semaphore, #tpu.memory_space<semaphore_mem>>) src(%dma_wait3A_366 : memref<10000x128xf32, #tpu.memory_space<hbm>>) dst(%arg21 : memref<64x128xf32, #tpu.memory_space<vmem>>)
        %lt3A_367 = arith.cmpi slt, %add3A_360, %select_n3A_303 : i32
        %convert_element_type3A_368 = arith.extui %lt3A_367 : i1 to i32
        %cond3A_369 = arith.constant 0 : i32
        %cond3A_370 = arith.cmpi ne, %convert_element_type3A_368, %cond3A_369 : i32
        scf.if %cond3A_370 {
          %mul3A_398 = arith.constant 64 : i32
          %mul3A_399 = arith.muli %add3A_360, %mul3A_398 : i32
          %dma_start3A_400 = tpu.memref_slice %arg18[%mul3A_399] : memref<1600xi32, #tpu.memory_space<vmem>> -> memref<64xi32, #tpu.memory_space<vmem>>
          %dma_start3A_401 = arith.constant 0 : i32
          %dma_start3A_402 = arith.constant 0 : i32
          %dma_start3A_403 = tpu.memref_slice %arg7[%dma_start3A_401, %dma_start3A_402] : memref<10000x128xf32, #tpu.memory_space<hbm>> -> memref<10000x128xf32, #tpu.memory_space<hbm>>
          tpu.enqueue_indirect_dma source(%dma_start3A_403 : memref<10000x128xf32, #tpu.memory_space<hbm>>) target(%arg22 : memref<64x128xf32, #tpu.memory_space<vmem>>) offsets(%dma_start3A_400 : memref<64xi32, #tpu.memory_space<vmem>>) semaphore(%arg29 : memref<!tpu.dma_semaphore, #tpu.memory_space<semaphore_mem>>)
        } else {
        }
        %mul3A_371 = arith.constant 64 : i32
        %mul3A_372 = arith.muli %mul3A_358, %mul3A_371 : i32
        %sub3A_373 = arith.subi %scan3A_231, %mul3A_372 : i32
        %min3A = arith.constant 64 : i32
        %min3A_374 = arith.minsi %sub3A_373, %min3A : i32
        %sub3A_375 = arith.constant 0 : i32
        %sub3A_376 = arith.subi %min3A_374, %sub3A_375 : i32
        %sub3A_377 = arith.constant 1 : i32
        %sub3A_378 = arith.constant 1 : i32
        %sub3A_379 = arith.subi %sub3A_377, %sub3A_378 : i32
        %add3A_380 = arith.addi %sub3A_376, %sub3A_379 : i32
        %div3A_381 = arith.constant 1 : i32
        %div3A_382 = arith.divsi %add3A_380, %div3A_381 : i32
        %while3A_383 = arith.constant 1 : i32
        %while3A_384 = arith.constant 0 : i32
        %while3A_385 = arith.constant 0 : i32
        %while3A_386 = arith.subi %div3A_382, %while3A_385 : i32
        %while3A_387 = arith.addi %while3A_385, %while3A_386 : i32
        %while3A_388 = arith.constant 1 : i32
        %while3A_389 = arith.divsi %while3A_386, %while3A_388 : i32
        %while3A_390 = arith.muli %while3A_389, %while3A_388 : i32
        %while3A_391 = arith.addi %while3A_385, %while3A_390 : i32
        %while3A_392 = arith.constant 1 : i32
        scf.for %while3A_398 = %while3A_385 to %while3A_391 step %while3A_392  : i32 {
          %mul3A_399 = arith.muli %while3A_398, %while3A_383 : i32
          %add3A_400 = arith.addi %while3A_384, %mul3A_399 : i32
          %mul3A_401 = arith.constant 64 : i32
          %mul3A_402 = arith.muli %mul3A_358, %mul3A_401 : i32
          %add3A_403 = arith.addi %mul3A_402, %add3A_400 : i32
          %broadcast_in_dim3A_404 = vector.broadcast %add3A_403 : i32 to vector<16xi32>
          %gather3A = tpu.vector_load_idx %arg19[%broadcast_in_dim3A_404] : memref<1616xi32, #tpu.memory_space<vmem>>[vector<16xi32>], vector<16xi32>,
          %mul3A_405 = arith.constant 4 : i32
          %mul3A_406 = arith.muli %add3A_403, %mul3A_405 : i32
          %get3A_407 = arith.index_cast %mul3A_406 : i32 to index
          %get3A_408 = tpu.vector_load %arg20[%get3A_407] {strides = array<i32>} : memref<6416xf32, #tpu.memory_space<vmem>>, vector<16xf32>,
          %mul3A_409 = arith.constant 4 : i32
          %mul3A_410 = vector.broadcast %mul3A_409 : i32 to vector<16xi32>
          %mul3A_411 = arith.muli %gather3A, %mul3A_410 : vector<16xi32>
          %add3A_412 = arith.addi %mul3A_411, %iota3A : vector<16xi32>
          tpu.vector_store_idx %arg12[%add3A_412], %get3A_408 masked %lt3A_7 {add = true} : memref<1296xf32, #tpu.memory_space<vmem>>[vector<16xi32>], vector<16xf32>, vector<16xi1>
          %mul3A_413 = arith.constant 128 : i32
          %mul3A_414 = vector.broadcast %mul3A_413 : i32 to vector<16xi32>
          %mul3A_415 = arith.muli %gather3A, %mul3A_414 : vector<16xi32>
          %broadcast_in_dim3A_416 = vector.broadcast %add3A_400 : i32 to vector<16xi32>
          %mul3A_417 = arith.constant 4 : i32
          %mul3A_418 = vector.broadcast %mul3A_417 : i32 to vector<16xi32>
          %mul3A_419 = arith.muli %broadcast_in_dim3A_404, %mul3A_418 : vector<16xi32>
          %add3A_420 = arith.constant 0 : i32
          %add3A_421 = vector.broadcast %add3A_420 : i32 to vector<16xi32>
          %add3A_422 = arith.addi %mul3A_419, %add3A_421 : vector<16xi32>
          %gather3A_423 = tpu.vector_load_idx %arg20[%add3A_422] : memref<6416xf32, #tpu.memory_space<vmem>>[vector<16xi32>], vector<16xf32>,
          %add3A_424 = arith.constant 0 : i32
          %add3A_425 = vector.broadcast %add3A_424 : i32 to vector<16xi32>
          %add3A_426 = arith.addi %add3A_425, %iota3A : vector<16xi32>
          %gather3A_427 = tpu.vector_load_idx %arg21[%broadcast_in_dim3A_416, %add3A_426] : memref<64x128xf32, #tpu.memory_space<vmem>>[vector<16xi32>, vector<16xi32>], vector<16xf32>,
          %add3A_428 = arith.constant 0 : i32
          %add3A_429 = vector.broadcast %add3A_428 : i32 to vector<16xi32>
          %add3A_430 = arith.addi %mul3A_415, %add3A_429 : vector<16xi32>
          %add3A_431 = arith.addi %add3A_430, %iota3A : vector<16xi32>
          %mul3A_432 = arith.mulf %gather3A_427, %gather3A_423 : vector<16xf32>
          tpu.vector_store_idx %arg11[%add3A_431], %mul3A_432 {add = true} : memref<40960xf32, #tpu.memory_space<vmem>>[vector<16xi32>], vector<16xf32>,
          %add3A_433 = arith.constant 16 : i32
          %add3A_434 = vector.broadcast %add3A_433 : i32 to vector<16xi32>
          %add3A_435 = arith.addi %add3A_434, %iota3A : vector<16xi32>
          %gather3A_436 = tpu.vector_load_idx %arg21[%broadcast_in_dim3A_416, %add3A_435] : memref<64x128xf32, #tpu.memory_space<vmem>>[vector<16xi32>, vector<16xi32>], vector<16xf32>,
          %add3A_437 = arith.constant 16 : i32
          %add3A_438 = vector.broadcast %add3A_437 : i32 to vector<16xi32>
          %add3A_439 = arith.addi %mul3A_415, %add3A_438 : vector<16xi32>
          %add3A_440 = arith.addi %add3A_439, %iota3A : vector<16xi32>
          %mul3A_441 = arith.mulf %gather3A_436, %gather3A_423 : vector<16xf32>
          tpu.vector_store_idx %arg11[%add3A_440], %mul3A_441 {add = true} : memref<40960xf32, #tpu.memory_space<vmem>>[vector<16xi32>], vector<16xf32>,
          %mul3A_442 = arith.constant 4 : i32
          %mul3A_443 = vector.broadcast %mul3A_442 : i32 to vector<16xi32>
          %mul3A_444 = arith.muli %broadcast_in_dim3A_404, %mul3A_443 : vector<16xi32>
          %add3A_445 = arith.constant 1 : i32
          %add3A_446 = vector.broadcast %add3A_445 : i32 to vector<16xi32>
          %add3A_447 = arith.addi %mul3A_444, %add3A_446 : vector<16xi32>
          %gather3A_448 = tpu.vector_load_idx %arg20[%add3A_447] : memref<6416xf32, #tpu.memory_space<vmem>>[vector<16xi32>], vector<16xf32>,
          %add3A_449 = arith.constant 32 : i32
          %add3A_450 = vector.broadcast %add3A_449 : i32 to vector<16xi32>
          %add3A_451 = arith.addi %add3A_450, %iota3A : vector<16xi32>
          %gather3A_452 = tpu.vector_load_idx %arg21[%broadcast_in_dim3A_416, %add3A_451] : memref<64x128xf32, #tpu.memory_space<vmem>>[vector<16xi32>, vector<16xi32>], vector<16xf32>,
          %add3A_453 = arith.constant 32 : i32
          %add3A_454 = vector.broadcast %add3A_453 : i32 to vector<16xi32>
          %add3A_455 = arith.addi %mul3A_415, %add3A_454 : vector<16xi32>
          %add3A_456 = arith.addi %add3A_455, %iota3A : vector<16xi32>
          %mul3A_457 = arith.mulf %gather3A_452, %gather3A_448 : vector<16xf32>
          tpu.vector_store_idx %arg11[%add3A_456], %mul3A_457 {add = true} : memref<40960xf32, #tpu.memory_space<vmem>>[vector<16xi32>], vector<16xf32>,
          %add3A_458 = arith.constant 48 : i32
          %add3A_459 = vector.broadcast %add3A_458 : i32 to vector<16xi32>
          %add3A_460 = arith.addi %add3A_459, %iota3A : vector<16xi32>
          %gather3A_461 = tpu.vector_load_idx %arg21[%broadcast_in_dim3A_416, %add3A_460] : memref<64x128xf32, #tpu.memory_space<vmem>>[vector<16xi32>, vector<16xi32>], vector<16xf32>,
          %add3A_462 = arith.constant 48 : i32
          %add3A_463 = vector.broadcast %add3A_462 : i32 to vector<16xi32>
          %add3A_464 = arith.addi %mul3A_415, %add3A_463 : vector<16xi32>
          %add3A_465 = arith.addi %add3A_464, %iota3A : vector<16xi32>
          %mul3A_466 = arith.mulf %gather3A_461, %gather3A_448 : vector<16xf32>
          tpu.vector_store_idx %arg11[%add3A_465], %mul3A_466 {add = true} : memref<40960xf32, #tpu.memory_space<vmem>>[vector<16xi32>], vector<16xf32>,
          %mul3A_467 = arith.constant 4 : i32
          %mul3A_468 = vector.broadcast %mul3A_467 : i32 to vector<16xi32>
          %mul3A_469 = arith.muli %broadcast_in_dim3A_404, %mul3A_468 : vector<16xi32>
          %add3A_470 = arith.constant 2 : i32
          %add3A_471 = vector.broadcast %add3A_470 : i32 to vector<16xi32>
          %add3A_472 = arith.addi %mul3A_469, %add3A_471 : vector<16xi32>
          %gather3A_473 = tpu.vector_load_idx %arg20[%add3A_472] : memref<6416xf32, #tpu.memory_space<vmem>>[vector<16xi32>], vector<16xf32>,
          %add3A_474 = arith.constant 64 : i32
          %add3A_475 = vector.broadcast %add3A_474 : i32 to vector<16xi32>
          %add3A_476 = arith.addi %add3A_475, %iota3A : vector<16xi32>
          %gather3A_477 = tpu.vector_load_idx %arg21[%broadcast_in_dim3A_416, %add3A_476] : memref<64x128xf32, #tpu.memory_space<vmem>>[vector<16xi32>, vector<16xi32>], vector<16xf32>,
          %add3A_478 = arith.constant 64 : i32
          %add3A_479 = vector.broadcast %add3A_478 : i32 to vector<16xi32>
          %add3A_480 = arith.addi %mul3A_415, %add3A_479 : vector<16xi32>
          %add3A_481 = arith.addi %add3A_480, %iota3A : vector<16xi32>
          %mul3A_482 = arith.mulf %gather3A_477, %gather3A_473 : vector<16xf32>
          tpu.vector_store_idx %arg11[%add3A_481], %mul3A_482 {add = true} : memref<40960xf32, #tpu.memory_space<vmem>>[vector<16xi32>], vector<16xf32>,
          %add3A_483 = arith.constant 80 : i32
          %add3A_484 = vector.broadcast %add3A_483 : i32 to vector<16xi32>
          %add3A_485 = arith.addi %add3A_484, %iota3A : vector<16xi32>
          %gather3A_486 = tpu.vector_load_idx %arg21[%broadcast_in_dim3A_416, %add3A_485] : memref<64x128xf32, #tpu.memory_space<vmem>>[vector<16xi32>, vector<16xi32>], vector<16xf32>,
          %add3A_487 = arith.constant 80 : i32
          %add3A_488 = vector.broadcast %add3A_487 : i32 to vector<16xi32>
          %add3A_489 = arith.addi %mul3A_415, %add3A_488 : vector<16xi32>
          %add3A_490 = arith.addi %add3A_489, %iota3A : vector<16xi32>
          %mul3A_491 = arith.mulf %gather3A_486, %gather3A_473 : vector<16xf32>
          tpu.vector_store_idx %arg11[%add3A_490], %mul3A_491 {add = true} : memref<40960xf32, #tpu.memory_space<vmem>>[vector<16xi32>], vector<16xf32>,
          %mul3A_492 = arith.constant 4 : i32
          %mul3A_493 = vector.broadcast %mul3A_492 : i32 to vector<16xi32>
          %mul3A_494 = arith.muli %broadcast_in_dim3A_404, %mul3A_493 : vector<16xi32>
          %add3A_495 = arith.constant 3 : i32
          %add3A_496 = vector.broadcast %add3A_495 : i32 to vector<16xi32>
          %add3A_497 = arith.addi %mul3A_494, %add3A_496 : vector<16xi32>
          %gather3A_498 = tpu.vector_load_idx %arg20[%add3A_497] : memref<6416xf32, #tpu.memory_space<vmem>>[vector<16xi32>], vector<16xf32>,
          %add3A_499 = arith.constant 96 : i32
          %add3A_500 = vector.broadcast %add3A_499 : i32 to vector<16xi32>
          %add3A_501 = arith.addi %add3A_500, %iota3A : vector<16xi32>
          %gather3A_502 = tpu.vector_load_idx %arg21[%broadcast_in_dim3A_416, %add3A_501] : memref<64x128xf32, #tpu.memory_space<vmem>>[vector<16xi32>, vector<16xi32>], vector<16xf32>,
          %add3A_503 = arith.constant 96 : i32
          %add3A_504 = vector.broadcast %add3A_503 : i32 to vector<16xi32>
          %add3A_505 = arith.addi %mul3A_415, %add3A_504 : vector<16xi32>
          %add3A_506 = arith.addi %add3A_505, %iota3A : vector<16xi32>
          %mul3A_507 = arith.mulf %gather3A_502, %gather3A_498 : vector<16xf32>
          tpu.vector_store_idx %arg11[%add3A_506], %mul3A_507 {add = true} : memref<40960xf32, #tpu.memory_space<vmem>>[vector<16xi32>], vector<16xf32>,
          %add3A_508 = arith.constant 112 : i32
          %add3A_509 = vector.broadcast %add3A_508 : i32 to vector<16xi32>
          %add3A_510 = arith.addi %add3A_509, %iota3A : vector<16xi32>
          %gather3A_511 = tpu.vector_load_idx %arg21[%broadcast_in_dim3A_416, %add3A_510] : memref<64x128xf32, #tpu.memory_space<vmem>>[vector<16xi32>, vector<16xi32>], vector<16xf32>,
          %add3A_512 = arith.constant 112 : i32
          %add3A_513 = vector.broadcast %add3A_512 : i32 to vector<16xi32>
          %add3A_514 = arith.addi %mul3A_415, %add3A_513 : vector<16xi32>
          %add3A_515 = arith.addi %add3A_514, %iota3A : vector<16xi32>
          %mul3A_516 = arith.mulf %gather3A_511, %gather3A_498 : vector<16xf32>
          tpu.vector_store_idx %arg11[%add3A_515], %mul3A_516 {add = true} : memref<40960xf32, #tpu.memory_space<vmem>>[vector<16xi32>], vector<16xf32>,
        }
        %while3A_393 = arith.constant 1 : i32
        scf.for %while3A_398 = %while3A_391 to %while3A_387 step %while3A_393  : i32 {
          %mul3A_399 = arith.muli %while3A_398, %while3A_383 : i32
          %add3A_400 = arith.addi %while3A_384, %mul3A_399 : i32
          %mul3A_401 = arith.constant 64 : i32
          %mul3A_402 = arith.muli %mul3A_358, %mul3A_401 : i32
          %add3A_403 = arith.addi %mul3A_402, %add3A_400 : i32
          %broadcast_in_dim3A_404 = vector.broadcast %add3A_403 : i32 to vector<16xi32>
          %gather3A = tpu.vector_load_idx %arg19[%broadcast_in_dim3A_404] : memref<1616xi32, #tpu.memory_space<vmem>>[vector<16xi32>], vector<16xi32>,
          %mul3A_405 = arith.constant 4 : i32
          %mul3A_406 = arith.muli %add3A_403, %mul3A_405 : i32
          %get3A_407 = arith.index_cast %mul3A_406 : i32 to index
          %get3A_408 = tpu.vector_load %arg20[%get3A_407] {strides = array<i32>} : memref<6416xf32, #tpu.memory_space<vmem>>, vector<16xf32>,
          %mul3A_409 = arith.constant 4 : i32
          %mul3A_410 = vector.broadcast %mul3A_409 : i32 to vector<16xi32>
          %mul3A_411 = arith.muli %gather3A, %mul3A_410 : vector<16xi32>
          %add3A_412 = arith.addi %mul3A_411, %iota3A : vector<16xi32>
          tpu.vector_store_idx %arg12[%add3A_412], %get3A_408 masked %lt3A_7 {add = true} : memref<1296xf32, #tpu.memory_space<vmem>>[vector<16xi32>], vector<16xf32>, vector<16xi1>
          %mul3A_413 = arith.constant 128 : i32
          %mul3A_414 = vector.broadcast %mul3A_413 : i32 to vector<16xi32>
          %mul3A_415 = arith.muli %gather3A, %mul3A_414 : vector<16xi32>
          %broadcast_in_dim3A_416 = vector.broadcast %add3A_400 : i32 to vector<16xi32>
          %mul3A_417 = arith.constant 4 : i32
          %mul3A_418 = vector.broadcast %mul3A_417 : i32 to vector<16xi32>
          %mul3A_419 = arith.muli %broadcast_in_dim3A_404, %mul3A_418 : vector<16xi32>
          %add3A_420 = arith.constant 0 : i32
          %add3A_421 = vector.broadcast %add3A_420 : i32 to vector<16xi32>
          %add3A_422 = arith.addi %mul3A_419, %add3A_421 : vector<16xi32>
          %gather3A_423 = tpu.vector_load_idx %arg20[%add3A_422] : memref<6416xf32, #tpu.memory_space<vmem>>[vector<16xi32>], vector<16xf32>,
          %add3A_424 = arith.constant 0 : i32
          %add3A_425 = vector.broadcast %add3A_424 : i32 to vector<16xi32>
          %add3A_426 = arith.addi %add3A_425, %iota3A : vector<16xi32>
          %gather3A_427 = tpu.vector_load_idx %arg21[%broadcast_in_dim3A_416, %add3A_426] : memref<64x128xf32, #tpu.memory_space<vmem>>[vector<16xi32>, vector<16xi32>], vector<16xf32>,
          %add3A_428 = arith.constant 0 : i32
          %add3A_429 = vector.broadcast %add3A_428 : i32 to vector<16xi32>
          %add3A_430 = arith.addi %mul3A_415, %add3A_429 : vector<16xi32>
          %add3A_431 = arith.addi %add3A_430, %iota3A : vector<16xi32>
          %mul3A_432 = arith.mulf %gather3A_427, %gather3A_423 : vector<16xf32>
          tpu.vector_store_idx %arg11[%add3A_431], %mul3A_432 {add = true} : memref<40960xf32, #tpu.memory_space<vmem>>[vector<16xi32>], vector<16xf32>,
          %add3A_433 = arith.constant 16 : i32
          %add3A_434 = vector.broadcast %add3A_433 : i32 to vector<16xi32>
          %add3A_435 = arith.addi %add3A_434, %iota3A : vector<16xi32>
          %gather3A_436 = tpu.vector_load_idx %arg21[%broadcast_in_dim3A_416, %add3A_435] : memref<64x128xf32, #tpu.memory_space<vmem>>[vector<16xi32>, vector<16xi32>], vector<16xf32>,
          %add3A_437 = arith.constant 16 : i32
          %add3A_438 = vector.broadcast %add3A_437 : i32 to vector<16xi32>
          %add3A_439 = arith.addi %mul3A_415, %add3A_438 : vector<16xi32>
          %add3A_440 = arith.addi %add3A_439, %iota3A : vector<16xi32>
          %mul3A_441 = arith.mulf %gather3A_436, %gather3A_423 : vector<16xf32>
          tpu.vector_store_idx %arg11[%add3A_440], %mul3A_441 {add = true} : memref<40960xf32, #tpu.memory_space<vmem>>[vector<16xi32>], vector<16xf32>,
          %mul3A_442 = arith.constant 4 : i32
          %mul3A_443 = vector.broadcast %mul3A_442 : i32 to vector<16xi32>
          %mul3A_444 = arith.muli %broadcast_in_dim3A_404, %mul3A_443 : vector<16xi32>
          %add3A_445 = arith.constant 1 : i32
          %add3A_446 = vector.broadcast %add3A_445 : i32 to vector<16xi32>
          %add3A_447 = arith.addi %mul3A_444, %add3A_446 : vector<16xi32>
          %gather3A_448 = tpu.vector_load_idx %arg20[%add3A_447] : memref<6416xf32, #tpu.memory_space<vmem>>[vector<16xi32>], vector<16xf32>,
          %add3A_449 = arith.constant 32 : i32
          %add3A_450 = vector.broadcast %add3A_449 : i32 to vector<16xi32>
          %add3A_451 = arith.addi %add3A_450, %iota3A : vector<16xi32>
          %gather3A_452 = tpu.vector_load_idx %arg21[%broadcast_in_dim3A_416, %add3A_451] : memref<64x128xf32, #tpu.memory_space<vmem>>[vector<16xi32>, vector<16xi32>], vector<16xf32>,
          %add3A_453 = arith.constant 32 : i32
          %add3A_454 = vector.broadcast %add3A_453 : i32 to vector<16xi32>
          %add3A_455 = arith.addi %mul3A_415, %add3A_454 : vector<16xi32>
          %add3A_456 = arith.addi %add3A_455, %iota3A : vector<16xi32>
          %mul3A_457 = arith.mulf %gather3A_452, %gather3A_448 : vector<16xf32>
          tpu.vector_store_idx %arg11[%add3A_456], %mul3A_457 {add = true} : memref<40960xf32, #tpu.memory_space<vmem>>[vector<16xi32>], vector<16xf32>,
          %add3A_458 = arith.constant 48 : i32
          %add3A_459 = vector.broadcast %add3A_458 : i32 to vector<16xi32>
          %add3A_460 = arith.addi %add3A_459, %iota3A : vector<16xi32>
          %gather3A_461 = tpu.vector_load_idx %arg21[%broadcast_in_dim3A_416, %add3A_460] : memref<64x128xf32, #tpu.memory_space<vmem>>[vector<16xi32>, vector<16xi32>], vector<16xf32>,
          %add3A_462 = arith.constant 48 : i32
          %add3A_463 = vector.broadcast %add3A_462 : i32 to vector<16xi32>
          %add3A_464 = arith.addi %mul3A_415, %add3A_463 : vector<16xi32>
          %add3A_465 = arith.addi %add3A_464, %iota3A : vector<16xi32>
          %mul3A_466 = arith.mulf %gather3A_461, %gather3A_448 : vector<16xf32>
          tpu.vector_store_idx %arg11[%add3A_465], %mul3A_466 {add = true} : memref<40960xf32, #tpu.memory_space<vmem>>[vector<16xi32>], vector<16xf32>,
          %mul3A_467 = arith.constant 4 : i32
          %mul3A_468 = vector.broadcast %mul3A_467 : i32 to vector<16xi32>
          %mul3A_469 = arith.muli %broadcast_in_dim3A_404, %mul3A_468 : vector<16xi32>
          %add3A_470 = arith.constant 2 : i32
          %add3A_471 = vector.broadcast %add3A_470 : i32 to vector<16xi32>
          %add3A_472 = arith.addi %mul3A_469, %add3A_471 : vector<16xi32>
          %gather3A_473 = tpu.vector_load_idx %arg20[%add3A_472] : memref<6416xf32, #tpu.memory_space<vmem>>[vector<16xi32>], vector<16xf32>,
          %add3A_474 = arith.constant 64 : i32
          %add3A_475 = vector.broadcast %add3A_474 : i32 to vector<16xi32>
          %add3A_476 = arith.addi %add3A_475, %iota3A : vector<16xi32>
          %gather3A_477 = tpu.vector_load_idx %arg21[%broadcast_in_dim3A_416, %add3A_476] : memref<64x128xf32, #tpu.memory_space<vmem>>[vector<16xi32>, vector<16xi32>], vector<16xf32>,
          %add3A_478 = arith.constant 64 : i32
          %add3A_479 = vector.broadcast %add3A_478 : i32 to vector<16xi32>
          %add3A_480 = arith.addi %mul3A_415, %add3A_479 : vector<16xi32>
          %add3A_481 = arith.addi %add3A_480, %iota3A : vector<16xi32>
          %mul3A_482 = arith.mulf %gather3A_477, %gather3A_473 : vector<16xf32>
          tpu.vector_store_idx %arg11[%add3A_481], %mul3A_482 {add = true} : memref<40960xf32, #tpu.memory_space<vmem>>[vector<16xi32>], vector<16xf32>,
          %add3A_483 = arith.constant 80 : i32
          %add3A_484 = vector.broadcast %add3A_483 : i32 to vector<16xi32>
          %add3A_485 = arith.addi %add3A_484, %iota3A : vector<16xi32>
          %gather3A_486 = tpu.vector_load_idx %arg21[%broadcast_in_dim3A_416, %add3A_485] : memref<64x128xf32, #tpu.memory_space<vmem>>[vector<16xi32>, vector<16xi32>], vector<16xf32>,
          %add3A_487 = arith.constant 80 : i32
          %add3A_488 = vector.broadcast %add3A_487 : i32 to vector<16xi32>
          %add3A_489 = arith.addi %mul3A_415, %add3A_488 : vector<16xi32>
          %add3A_490 = arith.addi %add3A_489, %iota3A : vector<16xi32>
          %mul3A_491 = arith.mulf %gather3A_486, %gather3A_473 : vector<16xf32>
          tpu.vector_store_idx %arg11[%add3A_490], %mul3A_491 {add = true} : memref<40960xf32, #tpu.memory_space<vmem>>[vector<16xi32>], vector<16xf32>,
          %mul3A_492 = arith.constant 4 : i32
          %mul3A_493 = vector.broadcast %mul3A_492 : i32 to vector<16xi32>
          %mul3A_494 = arith.muli %broadcast_in_dim3A_404, %mul3A_493 : vector<16xi32>
          %add3A_495 = arith.constant 3 : i32
          %add3A_496 = vector.broadcast %add3A_495 : i32 to vector<16xi32>
          %add3A_497 = arith.addi %mul3A_494, %add3A_496 : vector<16xi32>
          %gather3A_498 = tpu.vector_load_idx %arg20[%add3A_497] : memref<6416xf32, #tpu.memory_space<vmem>>[vector<16xi32>], vector<16xf32>,
          %add3A_499 = arith.constant 96 : i32
          %add3A_500 = vector.broadcast %add3A_499 : i32 to vector<16xi32>
          %add3A_501 = arith.addi %add3A_500, %iota3A : vector<16xi32>
          %gather3A_502 = tpu.vector_load_idx %arg21[%broadcast_in_dim3A_416, %add3A_501] : memref<64x128xf32, #tpu.memory_space<vmem>>[vector<16xi32>, vector<16xi32>], vector<16xf32>,
          %add3A_503 = arith.constant 96 : i32
          %add3A_504 = vector.broadcast %add3A_503 : i32 to vector<16xi32>
          %add3A_505 = arith.addi %mul3A_415, %add3A_504 : vector<16xi32>
          %add3A_506 = arith.addi %add3A_505, %iota3A : vector<16xi32>
          %mul3A_507 = arith.mulf %gather3A_502, %gather3A_498 : vector<16xf32>
          tpu.vector_store_idx %arg11[%add3A_506], %mul3A_507 {add = true} : memref<40960xf32, #tpu.memory_space<vmem>>[vector<16xi32>], vector<16xf32>,
          %add3A_508 = arith.constant 112 : i32
          %add3A_509 = vector.broadcast %add3A_508 : i32 to vector<16xi32>
          %add3A_510 = arith.addi %add3A_509, %iota3A : vector<16xi32>
          %gather3A_511 = tpu.vector_load_idx %arg21[%broadcast_in_dim3A_416, %add3A_510] : memref<64x128xf32, #tpu.memory_space<vmem>>[vector<16xi32>, vector<16xi32>], vector<16xf32>,
          %add3A_512 = arith.constant 112 : i32
          %add3A_513 = vector.broadcast %add3A_512 : i32 to vector<16xi32>
          %add3A_514 = arith.addi %mul3A_415, %add3A_513 : vector<16xi32>
          %add3A_515 = arith.addi %add3A_514, %iota3A : vector<16xi32>
          %mul3A_516 = arith.mulf %gather3A_511, %gather3A_498 : vector<16xf32>
          tpu.vector_store_idx %arg11[%add3A_515], %mul3A_516 {add = true} : memref<40960xf32, #tpu.memory_space<vmem>>[vector<16xi32>], vector<16xf32>,
        }
        %lt3A_394 = arith.cmpi slt, %add3A_360, %select_n3A_303 : i32
        %convert_element_type3A_395 = arith.extui %lt3A_394 : i1 to i32
        %cond3A_396 = arith.constant 0 : i32
        %cond3A_397 = arith.cmpi ne, %convert_element_type3A_395, %cond3A_396 : i32
        scf.if %cond3A_397 {
          %mul3A_398 = arith.constant 64 : i32
          %mul3A_399 = arith.muli %add3A_360, %mul3A_398 : i32
          %dma_wait3A_400 = tpu.memref_slice %arg18[%mul3A_399] : memref<1600xi32, #tpu.memory_space<vmem>> -> memref<64xi32, #tpu.memory_space<vmem>>
          %dma_wait3A_401 = arith.constant 0 : i32
          %dma_wait3A_402 = arith.constant 0 : i32
          %dma_wait3A_403 = tpu.memref_slice %arg7[%dma_wait3A_401, %dma_wait3A_402] : memref<10000x128xf32, #tpu.memory_space<hbm>> -> memref<10000x128xf32, #tpu.memory_space<hbm>>
          tpu.wait_indirect_dma semaphore(%arg29 : memref<!tpu.dma_semaphore, #tpu.memory_space<semaphore_mem>>) src(%dma_wait3A_403 : memref<10000x128xf32, #tpu.memory_space<hbm>>) dst(%arg22 : memref<64x128xf32, #tpu.memory_space<vmem>>)
          %add3A_404 = arith.constant 1 : i32
          %add3A_405 = arith.addi %add3A_360, %add3A_404 : i32
          %lt3A_406 = arith.cmpi slt, %add3A_405, %select_n3A_303 : i32
          %convert_element_type3A_407 = arith.extui %lt3A_406 : i1 to i32
          %cond3A_408 = arith.constant 0 : i32
          %cond3A_409 = arith.cmpi ne, %convert_element_type3A_407, %cond3A_408 : i32
          scf.if %cond3A_409 {
            %add3A_434 = arith.constant 1 : i32
            %add3A_435 = arith.addi %add3A_360, %add3A_434 : i32
            %mul3A_436 = arith.constant 64 : i32
            %mul3A_437 = arith.muli %add3A_435, %mul3A_436 : i32
            %dma_start3A_438 = tpu.memref_slice %arg18[%mul3A_437] : memref<1600xi32, #tpu.memory_space<vmem>> -> memref<64xi32, #tpu.memory_space<vmem>>
            %dma_start3A_439 = arith.constant 0 : i32
            %dma_start3A_440 = arith.constant 0 : i32
            %dma_start3A_441 = tpu.memref_slice %arg7[%dma_start3A_439, %dma_start3A_440] : memref<10000x128xf32, #tpu.memory_space<hbm>> -> memref<10000x128xf32, #tpu.memory_space<hbm>>
            tpu.enqueue_indirect_dma source(%dma_start3A_441 : memref<10000x128xf32, #tpu.memory_space<hbm>>) target(%arg21 : memref<64x128xf32, #tpu.memory_space<vmem>>) offsets(%dma_start3A_438 : memref<64xi32, #tpu.memory_space<vmem>>) semaphore(%arg28 : memref<!tpu.dma_semaphore, #tpu.memory_space<semaphore_mem>>)
          } else {
          }
          %mul3A_410 = arith.constant 64 : i32
          %mul3A_411 = arith.muli %add3A_360, %mul3A_410 : i32
          %sub3A_412 = arith.subi %scan3A_231, %mul3A_411 : i32
          %min3A_413 = arith.constant 64 : i32
          %min3A_414 = arith.minsi %sub3A_412, %min3A_413 : i32
          %sub3A_415 = arith.constant 0 : i32
          %sub3A_416 = arith.subi %min3A_414, %sub3A_415 : i32
          %sub3A_417 = arith.constant 1 : i32
          %sub3A_418 = arith.constant 1 : i32
          %sub3A_419 = arith.subi %sub3A_417, %sub3A_418 : i32
          %add3A_420 = arith.addi %sub3A_416, %sub3A_419 : i32
          %div3A_421 = arith.constant 1 : i32
          %div3A_422 = arith.divsi %add3A_420, %div3A_421 : i32
          %while3A_423 = arith.constant 1 : i32
          %while3A_424 = arith.constant 0 : i32
          %while3A_425 = arith.constant 0 : i32
          %while3A_426 = arith.subi %div3A_422, %while3A_425 : i32
          %while3A_427 = arith.addi %while3A_425, %while3A_426 : i32
          %while3A_428 = arith.constant 1 : i32
          %while3A_429 = arith.divsi %while3A_426, %while3A_428 : i32
          %while3A_430 = arith.muli %while3A_429, %while3A_428 : i32
          %while3A_431 = arith.addi %while3A_425, %while3A_430 : i32
          %while3A_432 = arith.constant 1 : i32
          scf.for %while3A_434 = %while3A_425 to %while3A_431 step %while3A_432  : i32 {
            %mul3A_435 = arith.muli %while3A_434, %while3A_423 : i32
            %add3A_436 = arith.addi %while3A_424, %mul3A_435 : i32
            %mul3A_437 = arith.constant 64 : i32
            %mul3A_438 = arith.muli %add3A_360, %mul3A_437 : i32
            %add3A_439 = arith.addi %mul3A_438, %add3A_436 : i32
            %broadcast_in_dim3A_440 = vector.broadcast %add3A_439 : i32 to vector<16xi32>
            %gather3A = tpu.vector_load_idx %arg19[%broadcast_in_dim3A_440] : memref<1616xi32, #tpu.memory_space<vmem>>[vector<16xi32>], vector<16xi32>,
            %mul3A_441 = arith.constant 4 : i32
            %mul3A_442 = arith.muli %add3A_439, %mul3A_441 : i32
            %get3A_443 = arith.index_cast %mul3A_442 : i32 to index
            %get3A_444 = tpu.vector_load %arg20[%get3A_443] {strides = array<i32>} : memref<6416xf32, #tpu.memory_space<vmem>>, vector<16xf32>,
            %mul3A_445 = arith.constant 4 : i32
            %mul3A_446 = vector.broadcast %mul3A_445 : i32 to vector<16xi32>
            %mul3A_447 = arith.muli %gather3A, %mul3A_446 : vector<16xi32>
            %add3A_448 = arith.addi %mul3A_447, %iota3A : vector<16xi32>
            tpu.vector_store_idx %arg12[%add3A_448], %get3A_444 masked %lt3A_7 {add = true} : memref<1296xf32, #tpu.memory_space<vmem>>[vector<16xi32>], vector<16xf32>, vector<16xi1>
            %mul3A_449 = arith.constant 128 : i32
            %mul3A_450 = vector.broadcast %mul3A_449 : i32 to vector<16xi32>
            %mul3A_451 = arith.muli %gather3A, %mul3A_450 : vector<16xi32>
            %broadcast_in_dim3A_452 = vector.broadcast %add3A_436 : i32 to vector<16xi32>
            %mul3A_453 = arith.constant 4 : i32
            %mul3A_454 = vector.broadcast %mul3A_453 : i32 to vector<16xi32>
            %mul3A_455 = arith.muli %broadcast_in_dim3A_440, %mul3A_454 : vector<16xi32>
            %add3A_456 = arith.constant 0 : i32
            %add3A_457 = vector.broadcast %add3A_456 : i32 to vector<16xi32>
            %add3A_458 = arith.addi %mul3A_455, %add3A_457 : vector<16xi32>
            %gather3A_459 = tpu.vector_load_idx %arg20[%add3A_458] : memref<6416xf32, #tpu.memory_space<vmem>>[vector<16xi32>], vector<16xf32>,
            %add3A_460 = arith.constant 0 : i32
            %add3A_461 = vector.broadcast %add3A_460 : i32 to vector<16xi32>
            %add3A_462 = arith.addi %add3A_461, %iota3A : vector<16xi32>
            %gather3A_463 = tpu.vector_load_idx %arg22[%broadcast_in_dim3A_452, %add3A_462] : memref<64x128xf32, #tpu.memory_space<vmem>>[vector<16xi32>, vector<16xi32>], vector<16xf32>,
            %add3A_464 = arith.constant 0 : i32
            %add3A_465 = vector.broadcast %add3A_464 : i32 to vector<16xi32>
            %add3A_466 = arith.addi %mul3A_451, %add3A_465 : vector<16xi32>
            %add3A_467 = arith.addi %add3A_466, %iota3A : vector<16xi32>
            %mul3A_468 = arith.mulf %gather3A_463, %gather3A_459 : vector<16xf32>
            tpu.vector_store_idx %arg11[%add3A_467], %mul3A_468 {add = true} : memref<40960xf32, #tpu.memory_space<vmem>>[vector<16xi32>], vector<16xf32>,
            %add3A_469 = arith.constant 16 : i32
            %add3A_470 = vector.broadcast %add3A_469 : i32 to vector<16xi32>
            %add3A_471 = arith.addi %add3A_470, %iota3A : vector<16xi32>
            %gather3A_472 = tpu.vector_load_idx %arg22[%broadcast_in_dim3A_452, %add3A_471] : memref<64x128xf32, #tpu.memory_space<vmem>>[vector<16xi32>, vector<16xi32>], vector<16xf32>,
            %add3A_473 = arith.constant 16 : i32
            %add3A_474 = vector.broadcast %add3A_473 : i32 to vector<16xi32>
            %add3A_475 = arith.addi %mul3A_451, %add3A_474 : vector<16xi32>
            %add3A_476 = arith.addi %add3A_475, %iota3A : vector<16xi32>
            %mul3A_477 = arith.mulf %gather3A_472, %gather3A_459 : vector<16xf32>
            tpu.vector_store_idx %arg11[%add3A_476], %mul3A_477 {add = true} : memref<40960xf32, #tpu.memory_space<vmem>>[vector<16xi32>], vector<16xf32>,
            %mul3A_478 = arith.constant 4 : i32
            %mul3A_479 = vector.broadcast %mul3A_478 : i32 to vector<16xi32>
            %mul3A_480 = arith.muli %broadcast_in_dim3A_440, %mul3A_479 : vector<16xi32>
            %add3A_481 = arith.constant 1 : i32
            %add3A_482 = vector.broadcast %add3A_481 : i32 to vector<16xi32>
            %add3A_483 = arith.addi %mul3A_480, %add3A_482 : vector<16xi32>
            %gather3A_484 = tpu.vector_load_idx %arg20[%add3A_483] : memref<6416xf32, #tpu.memory_space<vmem>>[vector<16xi32>], vector<16xf32>,
            %add3A_485 = arith.constant 32 : i32
            %add3A_486 = vector.broadcast %add3A_485 : i32 to vector<16xi32>
            %add3A_487 = arith.addi %add3A_486, %iota3A : vector<16xi32>
            %gather3A_488 = tpu.vector_load_idx %arg22[%broadcast_in_dim3A_452, %add3A_487] : memref<64x128xf32, #tpu.memory_space<vmem>>[vector<16xi32>, vector<16xi32>], vector<16xf32>,
            %add3A_489 = arith.constant 32 : i32
            %add3A_490 = vector.broadcast %add3A_489 : i32 to vector<16xi32>
            %add3A_491 = arith.addi %mul3A_451, %add3A_490 : vector<16xi32>
            %add3A_492 = arith.addi %add3A_491, %iota3A : vector<16xi32>
            %mul3A_493 = arith.mulf %gather3A_488, %gather3A_484 : vector<16xf32>
            tpu.vector_store_idx %arg11[%add3A_492], %mul3A_493 {add = true} : memref<40960xf32, #tpu.memory_space<vmem>>[vector<16xi32>], vector<16xf32>,
            %add3A_494 = arith.constant 48 : i32
            %add3A_495 = vector.broadcast %add3A_494 : i32 to vector<16xi32>
            %add3A_496 = arith.addi %add3A_495, %iota3A : vector<16xi32>
            %gather3A_497 = tpu.vector_load_idx %arg22[%broadcast_in_dim3A_452, %add3A_496] : memref<64x128xf32, #tpu.memory_space<vmem>>[vector<16xi32>, vector<16xi32>], vector<16xf32>,
            %add3A_498 = arith.constant 48 : i32
            %add3A_499 = vector.broadcast %add3A_498 : i32 to vector<16xi32>
            %add3A_500 = arith.addi %mul3A_451, %add3A_499 : vector<16xi32>
            %add3A_501 = arith.addi %add3A_500, %iota3A : vector<16xi32>
            %mul3A_502 = arith.mulf %gather3A_497, %gather3A_484 : vector<16xf32>
            tpu.vector_store_idx %arg11[%add3A_501], %mul3A_502 {add = true} : memref<40960xf32, #tpu.memory_space<vmem>>[vector<16xi32>], vector<16xf32>,
            %mul3A_503 = arith.constant 4 : i32
            %mul3A_504 = vector.broadcast %mul3A_503 : i32 to vector<16xi32>
            %mul3A_505 = arith.muli %broadcast_in_dim3A_440, %mul3A_504 : vector<16xi32>
            %add3A_506 = arith.constant 2 : i32
            %add3A_507 = vector.broadcast %add3A_506 : i32 to vector<16xi32>
            %add3A_508 = arith.addi %mul3A_505, %add3A_507 : vector<16xi32>
            %gather3A_509 = tpu.vector_load_idx %arg20[%add3A_508] : memref<6416xf32, #tpu.memory_space<vmem>>[vector<16xi32>], vector<16xf32>,
            %add3A_510 = arith.constant 64 : i32
            %add3A_511 = vector.broadcast %add3A_510 : i32 to vector<16xi32>
            %add3A_512 = arith.addi %add3A_511, %iota3A : vector<16xi32>
            %gather3A_513 = tpu.vector_load_idx %arg22[%broadcast_in_dim3A_452, %add3A_512] : memref<64x128xf32, #tpu.memory_space<vmem>>[vector<16xi32>, vector<16xi32>], vector<16xf32>,
            %add3A_514 = arith.constant 64 : i32
            %add3A_515 = vector.broadcast %add3A_514 : i32 to vector<16xi32>
            %add3A_516 = arith.addi %mul3A_451, %add3A_515 : vector<16xi32>
            %add3A_517 = arith.addi %add3A_516, %iota3A : vector<16xi32>
            %mul3A_518 = arith.mulf %gather3A_513, %gather3A_509 : vector<16xf32>
            tpu.vector_store_idx %arg11[%add3A_517], %mul3A_518 {add = true} : memref<40960xf32, #tpu.memory_space<vmem>>[vector<16xi32>], vector<16xf32>,
            %add3A_519 = arith.constant 80 : i32
            %add3A_520 = vector.broadcast %add3A_519 : i32 to vector<16xi32>
            %add3A_521 = arith.addi %add3A_520, %iota3A : vector<16xi32>
            %gather3A_522 = tpu.vector_load_idx %arg22[%broadcast_in_dim3A_452, %add3A_521] : memref<64x128xf32, #tpu.memory_space<vmem>>[vector<16xi32>, vector<16xi32>], vector<16xf32>,
            %add3A_523 = arith.constant 80 : i32
            %add3A_524 = vector.broadcast %add3A_523 : i32 to vector<16xi32>
            %add3A_525 = arith.addi %mul3A_451, %add3A_524 : vector<16xi32>
            %add3A_526 = arith.addi %add3A_525, %iota3A : vector<16xi32>
            %mul3A_527 = arith.mulf %gather3A_522, %gather3A_509 : vector<16xf32>
            tpu.vector_store_idx %arg11[%add3A_526], %mul3A_527 {add = true} : memref<40960xf32, #tpu.memory_space<vmem>>[vector<16xi32>], vector<16xf32>,
            %mul3A_528 = arith.constant 4 : i32
            %mul3A_529 = vector.broadcast %mul3A_528 : i32 to vector<16xi32>
            %mul3A_530 = arith.muli %broadcast_in_dim3A_440, %mul3A_529 : vector<16xi32>
            %add3A_531 = arith.constant 3 : i32
            %add3A_532 = vector.broadcast %add3A_531 : i32 to vector<16xi32>
            %add3A_533 = arith.addi %mul3A_530, %add3A_532 : vector<16xi32>
            %gather3A_534 = tpu.vector_load_idx %arg20[%add3A_533] : memref<6416xf32, #tpu.memory_space<vmem>>[vector<16xi32>], vector<16xf32>,
            %add3A_535 = arith.constant 96 : i32
            %add3A_536 = vector.broadcast %add3A_535 : i32 to vector<16xi32>
            %add3A_537 = arith.addi %add3A_536, %iota3A : vector<16xi32>
            %gather3A_538 = tpu.vector_load_idx %arg22[%broadcast_in_dim3A_452, %add3A_537] : memref<64x128xf32, #tpu.memory_space<vmem>>[vector<16xi32>, vector<16xi32>], vector<16xf32>,
            %add3A_539 = arith.constant 96 : i32
            %add3A_540 = vector.broadcast %add3A_539 : i32 to vector<16xi32>
            %add3A_541 = arith.addi %mul3A_451, %add3A_540 : vector<16xi32>
            %add3A_542 = arith.addi %add3A_541, %iota3A : vector<16xi32>
            %mul3A_543 = arith.mulf %gather3A_538, %gather3A_534 : vector<16xf32>
            tpu.vector_store_idx %arg11[%add3A_542], %mul3A_543 {add = true} : memref<40960xf32, #tpu.memory_space<vmem>>[vector<16xi32>], vector<16xf32>,
            %add3A_544 = arith.constant 112 : i32
            %add3A_545 = vector.broadcast %add3A_544 : i32 to vector<16xi32>
            %add3A_546 = arith.addi %add3A_545, %iota3A : vector<16xi32>
            %gather3A_547 = tpu.vector_load_idx %arg22[%broadcast_in_dim3A_452, %add3A_546] : memref<64x128xf32, #tpu.memory_space<vmem>>[vector<16xi32>, vector<16xi32>], vector<16xf32>,
            %add3A_548 = arith.constant 112 : i32
            %add3A_549 = vector.broadcast %add3A_548 : i32 to vector<16xi32>
            %add3A_550 = arith.addi %mul3A_451, %add3A_549 : vector<16xi32>
            %add3A_551 = arith.addi %add3A_550, %iota3A : vector<16xi32>
            %mul3A_552 = arith.mulf %gather3A_547, %gather3A_534 : vector<16xf32>
            tpu.vector_store_idx %arg11[%add3A_551], %mul3A_552 {add = true} : memref<40960xf32, #tpu.memory_space<vmem>>[vector<16xi32>], vector<16xf32>,
          }
          %while3A_433 = arith.constant 1 : i32
          scf.for %while3A_434 = %while3A_431 to %while3A_427 step %while3A_433  : i32 {
            %mul3A_435 = arith.muli %while3A_434, %while3A_423 : i32
            %add3A_436 = arith.addi %while3A_424, %mul3A_435 : i32
            %mul3A_437 = arith.constant 64 : i32
            %mul3A_438 = arith.muli %add3A_360, %mul3A_437 : i32
            %add3A_439 = arith.addi %mul3A_438, %add3A_436 : i32
            %broadcast_in_dim3A_440 = vector.broadcast %add3A_439 : i32 to vector<16xi32>
            %gather3A = tpu.vector_load_idx %arg19[%broadcast_in_dim3A_440] : memref<1616xi32, #tpu.memory_space<vmem>>[vector<16xi32>], vector<16xi32>,
            %mul3A_441 = arith.constant 4 : i32
            %mul3A_442 = arith.muli %add3A_439, %mul3A_441 : i32
            %get3A_443 = arith.index_cast %mul3A_442 : i32 to index
            %get3A_444 = tpu.vector_load %arg20[%get3A_443] {strides = array<i32>} : memref<6416xf32, #tpu.memory_space<vmem>>, vector<16xf32>,
            %mul3A_445 = arith.constant 4 : i32
            %mul3A_446 = vector.broadcast %mul3A_445 : i32 to vector<16xi32>
            %mul3A_447 = arith.muli %gather3A, %mul3A_446 : vector<16xi32>
            %add3A_448 = arith.addi %mul3A_447, %iota3A : vector<16xi32>
            tpu.vector_store_idx %arg12[%add3A_448], %get3A_444 masked %lt3A_7 {add = true} : memref<1296xf32, #tpu.memory_space<vmem>>[vector<16xi32>], vector<16xf32>, vector<16xi1>
            %mul3A_449 = arith.constant 128 : i32
            %mul3A_450 = vector.broadcast %mul3A_449 : i32 to vector<16xi32>
            %mul3A_451 = arith.muli %gather3A, %mul3A_450 : vector<16xi32>
            %broadcast_in_dim3A_452 = vector.broadcast %add3A_436 : i32 to vector<16xi32>
            %mul3A_453 = arith.constant 4 : i32
            %mul3A_454 = vector.broadcast %mul3A_453 : i32 to vector<16xi32>
            %mul3A_455 = arith.muli %broadcast_in_dim3A_440, %mul3A_454 : vector<16xi32>
            %add3A_456 = arith.constant 0 : i32
            %add3A_457 = vector.broadcast %add3A_456 : i32 to vector<16xi32>
            %add3A_458 = arith.addi %mul3A_455, %add3A_457 : vector<16xi32>
            %gather3A_459 = tpu.vector_load_idx %arg20[%add3A_458] : memref<6416xf32, #tpu.memory_space<vmem>>[vector<16xi32>], vector<16xf32>,
            %add3A_460 = arith.constant 0 : i32
            %add3A_461 = vector.broadcast %add3A_460 : i32 to vector<16xi32>
            %add3A_462 = arith.addi %add3A_461, %iota3A : vector<16xi32>
            %gather3A_463 = tpu.vector_load_idx %arg22[%broadcast_in_dim3A_452, %add3A_462] : memref<64x128xf32, #tpu.memory_space<vmem>>[vector<16xi32>, vector<16xi32>], vector<16xf32>,
            %add3A_464 = arith.constant 0 : i32
            %add3A_465 = vector.broadcast %add3A_464 : i32 to vector<16xi32>
            %add3A_466 = arith.addi %mul3A_451, %add3A_465 : vector<16xi32>
            %add3A_467 = arith.addi %add3A_466, %iota3A : vector<16xi32>
            %mul3A_468 = arith.mulf %gather3A_463, %gather3A_459 : vector<16xf32>
            tpu.vector_store_idx %arg11[%add3A_467], %mul3A_468 {add = true} : memref<40960xf32, #tpu.memory_space<vmem>>[vector<16xi32>], vector<16xf32>,
            %add3A_469 = arith.constant 16 : i32
            %add3A_470 = vector.broadcast %add3A_469 : i32 to vector<16xi32>
            %add3A_471 = arith.addi %add3A_470, %iota3A : vector<16xi32>
            %gather3A_472 = tpu.vector_load_idx %arg22[%broadcast_in_dim3A_452, %add3A_471] : memref<64x128xf32, #tpu.memory_space<vmem>>[vector<16xi32>, vector<16xi32>], vector<16xf32>,
            %add3A_473 = arith.constant 16 : i32
            %add3A_474 = vector.broadcast %add3A_473 : i32 to vector<16xi32>
            %add3A_475 = arith.addi %mul3A_451, %add3A_474 : vector<16xi32>
            %add3A_476 = arith.addi %add3A_475, %iota3A : vector<16xi32>
            %mul3A_477 = arith.mulf %gather3A_472, %gather3A_459 : vector<16xf32>
            tpu.vector_store_idx %arg11[%add3A_476], %mul3A_477 {add = true} : memref<40960xf32, #tpu.memory_space<vmem>>[vector<16xi32>], vector<16xf32>,
            %mul3A_478 = arith.constant 4 : i32
            %mul3A_479 = vector.broadcast %mul3A_478 : i32 to vector<16xi32>
            %mul3A_480 = arith.muli %broadcast_in_dim3A_440, %mul3A_479 : vector<16xi32>
            %add3A_481 = arith.constant 1 : i32
            %add3A_482 = vector.broadcast %add3A_481 : i32 to vector<16xi32>
            %add3A_483 = arith.addi %mul3A_480, %add3A_482 : vector<16xi32>
            %gather3A_484 = tpu.vector_load_idx %arg20[%add3A_483] : memref<6416xf32, #tpu.memory_space<vmem>>[vector<16xi32>], vector<16xf32>,
            %add3A_485 = arith.constant 32 : i32
            %add3A_486 = vector.broadcast %add3A_485 : i32 to vector<16xi32>
            %add3A_487 = arith.addi %add3A_486, %iota3A : vector<16xi32>
            %gather3A_488 = tpu.vector_load_idx %arg22[%broadcast_in_dim3A_452, %add3A_487] : memref<64x128xf32, #tpu.memory_space<vmem>>[vector<16xi32>, vector<16xi32>], vector<16xf32>,
            %add3A_489 = arith.constant 32 : i32
            %add3A_490 = vector.broadcast %add3A_489 : i32 to vector<16xi32>
            %add3A_491 = arith.addi %mul3A_451, %add3A_490 : vector<16xi32>
            %add3A_492 = arith.addi %add3A_491, %iota3A : vector<16xi32>
            %mul3A_493 = arith.mulf %gather3A_488, %gather3A_484 : vector<16xf32>
            tpu.vector_store_idx %arg11[%add3A_492], %mul3A_493 {add = true} : memref<40960xf32, #tpu.memory_space<vmem>>[vector<16xi32>], vector<16xf32>,
            %add3A_494 = arith.constant 48 : i32
            %add3A_495 = vector.broadcast %add3A_494 : i32 to vector<16xi32>
            %add3A_496 = arith.addi %add3A_495, %iota3A : vector<16xi32>
            %gather3A_497 = tpu.vector_load_idx %arg22[%broadcast_in_dim3A_452, %add3A_496] : memref<64x128xf32, #tpu.memory_space<vmem>>[vector<16xi32>, vector<16xi32>], vector<16xf32>,
            %add3A_498 = arith.constant 48 : i32
            %add3A_499 = vector.broadcast %add3A_498 : i32 to vector<16xi32>
            %add3A_500 = arith.addi %mul3A_451, %add3A_499 : vector<16xi32>
            %add3A_501 = arith.addi %add3A_500, %iota3A : vector<16xi32>
            %mul3A_502 = arith.mulf %gather3A_497, %gather3A_484 : vector<16xf32>
            tpu.vector_store_idx %arg11[%add3A_501], %mul3A_502 {add = true} : memref<40960xf32, #tpu.memory_space<vmem>>[vector<16xi32>], vector<16xf32>,
            %mul3A_503 = arith.constant 4 : i32
            %mul3A_504 = vector.broadcast %mul3A_503 : i32 to vector<16xi32>
            %mul3A_505 = arith.muli %broadcast_in_dim3A_440, %mul3A_504 : vector<16xi32>
            %add3A_506 = arith.constant 2 : i32
            %add3A_507 = vector.broadcast %add3A_506 : i32 to vector<16xi32>
            %add3A_508 = arith.addi %mul3A_505, %add3A_507 : vector<16xi32>
            %gather3A_509 = tpu.vector_load_idx %arg20[%add3A_508] : memref<6416xf32, #tpu.memory_space<vmem>>[vector<16xi32>], vector<16xf32>,
            %add3A_510 = arith.constant 64 : i32
            %add3A_511 = vector.broadcast %add3A_510 : i32 to vector<16xi32>
            %add3A_512 = arith.addi %add3A_511, %iota3A : vector<16xi32>
            %gather3A_513 = tpu.vector_load_idx %arg22[%broadcast_in_dim3A_452, %add3A_512] : memref<64x128xf32, #tpu.memory_space<vmem>>[vector<16xi32>, vector<16xi32>], vector<16xf32>,
            %add3A_514 = arith.constant 64 : i32
            %add3A_515 = vector.broadcast %add3A_514 : i32 to vector<16xi32>
            %add3A_516 = arith.addi %mul3A_451, %add3A_515 : vector<16xi32>
            %add3A_517 = arith.addi %add3A_516, %iota3A : vector<16xi32>
            %mul3A_518 = arith.mulf %gather3A_513, %gather3A_509 : vector<16xf32>
            tpu.vector_store_idx %arg11[%add3A_517], %mul3A_518 {add = true} : memref<40960xf32, #tpu.memory_space<vmem>>[vector<16xi32>], vector<16xf32>,
            %add3A_519 = arith.constant 80 : i32
            %add3A_520 = vector.broadcast %add3A_519 : i32 to vector<16xi32>
            %add3A_521 = arith.addi %add3A_520, %iota3A : vector<16xi32>
            %gather3A_522 = tpu.vector_load_idx %arg22[%broadcast_in_dim3A_452, %add3A_521] : memref<64x128xf32, #tpu.memory_space<vmem>>[vector<16xi32>, vector<16xi32>], vector<16xf32>,
            %add3A_523 = arith.constant 80 : i32
            %add3A_524 = vector.broadcast %add3A_523 : i32 to vector<16xi32>
            %add3A_525 = arith.addi %mul3A_451, %add3A_524 : vector<16xi32>
            %add3A_526 = arith.addi %add3A_525, %iota3A : vector<16xi32>
            %mul3A_527 = arith.mulf %gather3A_522, %gather3A_509 : vector<16xf32>
            tpu.vector_store_idx %arg11[%add3A_526], %mul3A_527 {add = true} : memref<40960xf32, #tpu.memory_space<vmem>>[vector<16xi32>], vector<16xf32>,
            %mul3A_528 = arith.constant 4 : i32
            %mul3A_529 = vector.broadcast %mul3A_528 : i32 to vector<16xi32>
            %mul3A_530 = arith.muli %broadcast_in_dim3A_440, %mul3A_529 : vector<16xi32>
            %add3A_531 = arith.constant 3 : i32
            %add3A_532 = vector.broadcast %add3A_531 : i32 to vector<16xi32>
            %add3A_533 = arith.addi %mul3A_530, %add3A_532 : vector<16xi32>
            %gather3A_534 = tpu.vector_load_idx %arg20[%add3A_533] : memref<6416xf32, #tpu.memory_space<vmem>>[vector<16xi32>], vector<16xf32>,
            %add3A_535 = arith.constant 96 : i32
            %add3A_536 = vector.broadcast %add3A_535 : i32 to vector<16xi32>
            %add3A_537 = arith.addi %add3A_536, %iota3A : vector<16xi32>
            %gather3A_538 = tpu.vector_load_idx %arg22[%broadcast_in_dim3A_452, %add3A_537] : memref<64x128xf32, #tpu.memory_space<vmem>>[vector<16xi32>, vector<16xi32>], vector<16xf32>,
            %add3A_539 = arith.constant 96 : i32
            %add3A_540 = vector.broadcast %add3A_539 : i32 to vector<16xi32>
            %add3A_541 = arith.addi %mul3A_451, %add3A_540 : vector<16xi32>
            %add3A_542 = arith.addi %add3A_541, %iota3A : vector<16xi32>
            %mul3A_543 = arith.mulf %gather3A_538, %gather3A_534 : vector<16xf32>
            tpu.vector_store_idx %arg11[%add3A_542], %mul3A_543 {add = true} : memref<40960xf32, #tpu.memory_space<vmem>>[vector<16xi32>], vector<16xf32>,
            %add3A_544 = arith.constant 112 : i32
            %add3A_545 = vector.broadcast %add3A_544 : i32 to vector<16xi32>
            %add3A_546 = arith.addi %add3A_545, %iota3A : vector<16xi32>
            %gather3A_547 = tpu.vector_load_idx %arg22[%broadcast_in_dim3A_452, %add3A_546] : memref<64x128xf32, #tpu.memory_space<vmem>>[vector<16xi32>, vector<16xi32>], vector<16xf32>,
            %add3A_548 = arith.constant 112 : i32
            %add3A_549 = vector.broadcast %add3A_548 : i32 to vector<16xi32>
            %add3A_550 = arith.addi %mul3A_451, %add3A_549 : vector<16xi32>
            %add3A_551 = arith.addi %add3A_550, %iota3A : vector<16xi32>
            %mul3A_552 = arith.mulf %gather3A_547, %gather3A_534 : vector<16xf32>
            tpu.vector_store_idx %arg11[%add3A_551], %mul3A_552 {add = true} : memref<40960xf32, #tpu.memory_space<vmem>>[vector<16xi32>], vector<16xf32>,
          }
        } else {
        }
      }
      %while3A_353 = arith.constant 1 : i32
      scf.for %while3A_354 = %while3A_351 to %while3A_347 step %while3A_353  : i32 {
        %mul3A_355 = arith.muli %while3A_354, %while3A_343 : i32
        %add3A_356 = arith.addi %while3A_344, %mul3A_355 : i32
        %mul3A_357 = arith.constant 2 : i32
        %mul3A_358 = arith.muli %mul3A_357, %add3A_356 : i32
        %add3A_359 = arith.constant 1 : i32
        %add3A_360 = arith.addi %mul3A_358, %add3A_359 : i32
        %mul3A_361 = arith.constant 64 : i32
        %mul3A_362 = arith.muli %mul3A_358, %mul3A_361 : i32
        %dma_wait3A_363 = tpu.memref_slice %arg18[%mul3A_362] : memref<1600xi32, #tpu.memory_space<vmem>> -> memref<64xi32, #tpu.memory_space<vmem>>
        %dma_wait3A_364 = arith.constant 0 : i32
        %dma_wait3A_365 = arith.constant 0 : i32
        %dma_wait3A_366 = tpu.memref_slice %arg7[%dma_wait3A_364, %dma_wait3A_365] : memref<10000x128xf32, #tpu.memory_space<hbm>> -> memref<10000x128xf32, #tpu.memory_space<hbm>>
        tpu.wait_indirect_dma semaphore(%arg28 : memref<!tpu.dma_semaphore, #tpu.memory_space<semaphore_mem>>) src(%dma_wait3A_366 : memref<10000x128xf32, #tpu.memory_space<hbm>>) dst(%arg21 : memref<64x128xf32, #tpu.memory_space<vmem>>)
        %lt3A_367 = arith.cmpi slt, %add3A_360, %select_n3A_303 : i32
        %convert_element_type3A_368 = arith.extui %lt3A_367 : i1 to i32
        %cond3A_369 = arith.constant 0 : i32
        %cond3A_370 = arith.cmpi ne, %convert_element_type3A_368, %cond3A_369 : i32
        scf.if %cond3A_370 {
          %mul3A_398 = arith.constant 64 : i32
          %mul3A_399 = arith.muli %add3A_360, %mul3A_398 : i32
          %dma_start3A_400 = tpu.memref_slice %arg18[%mul3A_399] : memref<1600xi32, #tpu.memory_space<vmem>> -> memref<64xi32, #tpu.memory_space<vmem>>
          %dma_start3A_401 = arith.constant 0 : i32
          %dma_start3A_402 = arith.constant 0 : i32
          %dma_start3A_403 = tpu.memref_slice %arg7[%dma_start3A_401, %dma_start3A_402] : memref<10000x128xf32, #tpu.memory_space<hbm>> -> memref<10000x128xf32, #tpu.memory_space<hbm>>
          tpu.enqueue_indirect_dma source(%dma_start3A_403 : memref<10000x128xf32, #tpu.memory_space<hbm>>) target(%arg22 : memref<64x128xf32, #tpu.memory_space<vmem>>) offsets(%dma_start3A_400 : memref<64xi32, #tpu.memory_space<vmem>>) semaphore(%arg29 : memref<!tpu.dma_semaphore, #tpu.memory_space<semaphore_mem>>)
        } else {
        }
        %mul3A_371 = arith.constant 64 : i32
        %mul3A_372 = arith.muli %mul3A_358, %mul3A_371 : i32
        %sub3A_373 = arith.subi %scan3A_231, %mul3A_372 : i32
        %min3A = arith.constant 64 : i32
        %min3A_374 = arith.minsi %sub3A_373, %min3A : i32
        %sub3A_375 = arith.constant 0 : i32
        %sub3A_376 = arith.subi %min3A_374, %sub3A_375 : i32
        %sub3A_377 = arith.constant 1 : i32
        %sub3A_378 = arith.constant 1 : i32
        %sub3A_379 = arith.subi %sub3A_377, %sub3A_378 : i32
        %add3A_380 = arith.addi %sub3A_376, %sub3A_379 : i32
        %div3A_381 = arith.constant 1 : i32
        %div3A_382 = arith.divsi %add3A_380, %div3A_381 : i32
        %while3A_383 = arith.constant 1 : i32
        %while3A_384 = arith.constant 0 : i32
        %while3A_385 = arith.constant 0 : i32
        %while3A_386 = arith.subi %div3A_382, %while3A_385 : i32
        %while3A_387 = arith.addi %while3A_385, %while3A_386 : i32
        %while3A_388 = arith.constant 1 : i32
        %while3A_389 = arith.divsi %while3A_386, %while3A_388 : i32
        %while3A_390 = arith.muli %while3A_389, %while3A_388 : i32
        %while3A_391 = arith.addi %while3A_385, %while3A_390 : i32
        %while3A_392 = arith.constant 1 : i32
        scf.for %while3A_398 = %while3A_385 to %while3A_391 step %while3A_392  : i32 {
          %mul3A_399 = arith.muli %while3A_398, %while3A_383 : i32
          %add3A_400 = arith.addi %while3A_384, %mul3A_399 : i32
          %mul3A_401 = arith.constant 64 : i32
          %mul3A_402 = arith.muli %mul3A_358, %mul3A_401 : i32
          %add3A_403 = arith.addi %mul3A_402, %add3A_400 : i32
          %broadcast_in_dim3A_404 = vector.broadcast %add3A_403 : i32 to vector<16xi32>
          %gather3A = tpu.vector_load_idx %arg19[%broadcast_in_dim3A_404] : memref<1616xi32, #tpu.memory_space<vmem>>[vector<16xi32>], vector<16xi32>,
          %mul3A_405 = arith.constant 4 : i32
          %mul3A_406 = arith.muli %add3A_403, %mul3A_405 : i32
          %get3A_407 = arith.index_cast %mul3A_406 : i32 to index
          %get3A_408 = tpu.vector_load %arg20[%get3A_407] {strides = array<i32>} : memref<6416xf32, #tpu.memory_space<vmem>>, vector<16xf32>,
          %mul3A_409 = arith.constant 4 : i32
          %mul3A_410 = vector.broadcast %mul3A_409 : i32 to vector<16xi32>
          %mul3A_411 = arith.muli %gather3A, %mul3A_410 : vector<16xi32>
          %add3A_412 = arith.addi %mul3A_411, %iota3A : vector<16xi32>
          tpu.vector_store_idx %arg12[%add3A_412], %get3A_408 masked %lt3A_7 {add = true} : memref<1296xf32, #tpu.memory_space<vmem>>[vector<16xi32>], vector<16xf32>, vector<16xi1>
          %mul3A_413 = arith.constant 128 : i32
          %mul3A_414 = vector.broadcast %mul3A_413 : i32 to vector<16xi32>
          %mul3A_415 = arith.muli %gather3A, %mul3A_414 : vector<16xi32>
          %broadcast_in_dim3A_416 = vector.broadcast %add3A_400 : i32 to vector<16xi32>
          %mul3A_417 = arith.constant 4 : i32
          %mul3A_418 = vector.broadcast %mul3A_417 : i32 to vector<16xi32>
          %mul3A_419 = arith.muli %broadcast_in_dim3A_404, %mul3A_418 : vector<16xi32>
          %add3A_420 = arith.constant 0 : i32
          %add3A_421 = vector.broadcast %add3A_420 : i32 to vector<16xi32>
          %add3A_422 = arith.addi %mul3A_419, %add3A_421 : vector<16xi32>
          %gather3A_423 = tpu.vector_load_idx %arg20[%add3A_422] : memref<6416xf32, #tpu.memory_space<vmem>>[vector<16xi32>], vector<16xf32>,
          %add3A_424 = arith.constant 0 : i32
          %add3A_425 = vector.broadcast %add3A_424 : i32 to vector<16xi32>
          %add3A_426 = arith.addi %add3A_425, %iota3A : vector<16xi32>
          %gather3A_427 = tpu.vector_load_idx %arg21[%broadcast_in_dim3A_416, %add3A_426] : memref<64x128xf32, #tpu.memory_space<vmem>>[vector<16xi32>, vector<16xi32>], vector<16xf32>,
          %add3A_428 = arith.constant 0 : i32
          %add3A_429 = vector.broadcast %add3A_428 : i32 to vector<16xi32>
          %add3A_430 = arith.addi %mul3A_415, %add3A_429 : vector<16xi32>
          %add3A_431 = arith.addi %add3A_430, %iota3A : vector<16xi32>
          %mul3A_432 = arith.mulf %gather3A_427, %gather3A_423 : vector<16xf32>
          tpu.vector_store_idx %arg11[%add3A_431], %mul3A_432 {add = true} : memref<40960xf32, #tpu.memory_space<vmem>>[vector<16xi32>], vector<16xf32>,
          %add3A_433 = arith.constant 16 : i32
          %add3A_434 = vector.broadcast %add3A_433 : i32 to vector<16xi32>
          %add3A_435 = arith.addi %add3A_434, %iota3A : vector<16xi32>
          %gather3A_436 = tpu.vector_load_idx %arg21[%broadcast_in_dim3A_416, %add3A_435] : memref<64x128xf32, #tpu.memory_space<vmem>>[vector<16xi32>, vector<16xi32>], vector<16xf32>,
          %add3A_437 = arith.constant 16 : i32
          %add3A_438 = vector.broadcast %add3A_437 : i32 to vector<16xi32>
          %add3A_439 = arith.addi %mul3A_415, %add3A_438 : vector<16xi32>
          %add3A_440 = arith.addi %add3A_439, %iota3A : vector<16xi32>
          %mul3A_441 = arith.mulf %gather3A_436, %gather3A_423 : vector<16xf32>
          tpu.vector_store_idx %arg11[%add3A_440], %mul3A_441 {add = true} : memref<40960xf32, #tpu.memory_space<vmem>>[vector<16xi32>], vector<16xf32>,
          %mul3A_442 = arith.constant 4 : i32
          %mul3A_443 = vector.broadcast %mul3A_442 : i32 to vector<16xi32>
          %mul3A_444 = arith.muli %broadcast_in_dim3A_404, %mul3A_443 : vector<16xi32>
          %add3A_445 = arith.constant 1 : i32
          %add3A_446 = vector.broadcast %add3A_445 : i32 to vector<16xi32>
          %add3A_447 = arith.addi %mul3A_444, %add3A_446 : vector<16xi32>
          %gather3A_448 = tpu.vector_load_idx %arg20[%add3A_447] : memref<6416xf32, #tpu.memory_space<vmem>>[vector<16xi32>], vector<16xf32>,
          %add3A_449 = arith.constant 32 : i32
          %add3A_450 = vector.broadcast %add3A_449 : i32 to vector<16xi32>
          %add3A_451 = arith.addi %add3A_450, %iota3A : vector<16xi32>
          %gather3A_452 = tpu.vector_load_idx %arg21[%broadcast_in_dim3A_416, %add3A_451] : memref<64x128xf32, #tpu.memory_space<vmem>>[vector<16xi32>, vector<16xi32>], vector<16xf32>,
          %add3A_453 = arith.constant 32 : i32
          %add3A_454 = vector.broadcast %add3A_453 : i32 to vector<16xi32>
          %add3A_455 = arith.addi %mul3A_415, %add3A_454 : vector<16xi32>
          %add3A_456 = arith.addi %add3A_455, %iota3A : vector<16xi32>
          %mul3A_457 = arith.mulf %gather3A_452, %gather3A_448 : vector<16xf32>
          tpu.vector_store_idx %arg11[%add3A_456], %mul3A_457 {add = true} : memref<40960xf32, #tpu.memory_space<vmem>>[vector<16xi32>], vector<16xf32>,
          %add3A_458 = arith.constant 48 : i32
          %add3A_459 = vector.broadcast %add3A_458 : i32 to vector<16xi32>
          %add3A_460 = arith.addi %add3A_459, %iota3A : vector<16xi32>
          %gather3A_461 = tpu.vector_load_idx %arg21[%broadcast_in_dim3A_416, %add3A_460] : memref<64x128xf32, #tpu.memory_space<vmem>>[vector<16xi32>, vector<16xi32>], vector<16xf32>,
          %add3A_462 = arith.constant 48 : i32
          %add3A_463 = vector.broadcast %add3A_462 : i32 to vector<16xi32>
          %add3A_464 = arith.addi %mul3A_415, %add3A_463 : vector<16xi32>
          %add3A_465 = arith.addi %add3A_464, %iota3A : vector<16xi32>
          %mul3A_466 = arith.mulf %gather3A_461, %gather3A_448 : vector<16xf32>
          tpu.vector_store_idx %arg11[%add3A_465], %mul3A_466 {add = true} : memref<40960xf32, #tpu.memory_space<vmem>>[vector<16xi32>], vector<16xf32>,
          %mul3A_467 = arith.constant 4 : i32
          %mul3A_468 = vector.broadcast %mul3A_467 : i32 to vector<16xi32>
          %mul3A_469 = arith.muli %broadcast_in_dim3A_404, %mul3A_468 : vector<16xi32>
          %add3A_470 = arith.constant 2 : i32
          %add3A_471 = vector.broadcast %add3A_470 : i32 to vector<16xi32>
          %add3A_472 = arith.addi %mul3A_469, %add3A_471 : vector<16xi32>
          %gather3A_473 = tpu.vector_load_idx %arg20[%add3A_472] : memref<6416xf32, #tpu.memory_space<vmem>>[vector<16xi32>], vector<16xf32>,
          %add3A_474 = arith.constant 64 : i32
          %add3A_475 = vector.broadcast %add3A_474 : i32 to vector<16xi32>
          %add3A_476 = arith.addi %add3A_475, %iota3A : vector<16xi32>
          %gather3A_477 = tpu.vector_load_idx %arg21[%broadcast_in_dim3A_416, %add3A_476] : memref<64x128xf32, #tpu.memory_space<vmem>>[vector<16xi32>, vector<16xi32>], vector<16xf32>,
          %add3A_478 = arith.constant 64 : i32
          %add3A_479 = vector.broadcast %add3A_478 : i32 to vector<16xi32>
          %add3A_480 = arith.addi %mul3A_415, %add3A_479 : vector<16xi32>
          %add3A_481 = arith.addi %add3A_480, %iota3A : vector<16xi32>
          %mul3A_482 = arith.mulf %gather3A_477, %gather3A_473 : vector<16xf32>
          tpu.vector_store_idx %arg11[%add3A_481], %mul3A_482 {add = true} : memref<40960xf32, #tpu.memory_space<vmem>>[vector<16xi32>], vector<16xf32>,
          %add3A_483 = arith.constant 80 : i32
          %add3A_484 = vector.broadcast %add3A_483 : i32 to vector<16xi32>
          %add3A_485 = arith.addi %add3A_484, %iota3A : vector<16xi32>
          %gather3A_486 = tpu.vector_load_idx %arg21[%broadcast_in_dim3A_416, %add3A_485] : memref<64x128xf32, #tpu.memory_space<vmem>>[vector<16xi32>, vector<16xi32>], vector<16xf32>,
          %add3A_487 = arith.constant 80 : i32
          %add3A_488 = vector.broadcast %add3A_487 : i32 to vector<16xi32>
          %add3A_489 = arith.addi %mul3A_415, %add3A_488 : vector<16xi32>
          %add3A_490 = arith.addi %add3A_489, %iota3A : vector<16xi32>
          %mul3A_491 = arith.mulf %gather3A_486, %gather3A_473 : vector<16xf32>
          tpu.vector_store_idx %arg11[%add3A_490], %mul3A_491 {add = true} : memref<40960xf32, #tpu.memory_space<vmem>>[vector<16xi32>], vector<16xf32>,
          %mul3A_492 = arith.constant 4 : i32
          %mul3A_493 = vector.broadcast %mul3A_492 : i32 to vector<16xi32>
          %mul3A_494 = arith.muli %broadcast_in_dim3A_404, %mul3A_493 : vector<16xi32>
          %add3A_495 = arith.constant 3 : i32
          %add3A_496 = vector.broadcast %add3A_495 : i32 to vector<16xi32>
          %add3A_497 = arith.addi %mul3A_494, %add3A_496 : vector<16xi32>
          %gather3A_498 = tpu.vector_load_idx %arg20[%add3A_497] : memref<6416xf32, #tpu.memory_space<vmem>>[vector<16xi32>], vector<16xf32>,
          %add3A_499 = arith.constant 96 : i32
          %add3A_500 = vector.broadcast %add3A_499 : i32 to vector<16xi32>
          %add3A_501 = arith.addi %add3A_500, %iota3A : vector<16xi32>
          %gather3A_502 = tpu.vector_load_idx %arg21[%broadcast_in_dim3A_416, %add3A_501] : memref<64x128xf32, #tpu.memory_space<vmem>>[vector<16xi32>, vector<16xi32>], vector<16xf32>,
          %add3A_503 = arith.constant 96 : i32
          %add3A_504 = vector.broadcast %add3A_503 : i32 to vector<16xi32>
          %add3A_505 = arith.addi %mul3A_415, %add3A_504 : vector<16xi32>
          %add3A_506 = arith.addi %add3A_505, %iota3A : vector<16xi32>
          %mul3A_507 = arith.mulf %gather3A_502, %gather3A_498 : vector<16xf32>
          tpu.vector_store_idx %arg11[%add3A_506], %mul3A_507 {add = true} : memref<40960xf32, #tpu.memory_space<vmem>>[vector<16xi32>], vector<16xf32>,
          %add3A_508 = arith.constant 112 : i32
          %add3A_509 = vector.broadcast %add3A_508 : i32 to vector<16xi32>
          %add3A_510 = arith.addi %add3A_509, %iota3A : vector<16xi32>
          %gather3A_511 = tpu.vector_load_idx %arg21[%broadcast_in_dim3A_416, %add3A_510] : memref<64x128xf32, #tpu.memory_space<vmem>>[vector<16xi32>, vector<16xi32>], vector<16xf32>,
          %add3A_512 = arith.constant 112 : i32
          %add3A_513 = vector.broadcast %add3A_512 : i32 to vector<16xi32>
          %add3A_514 = arith.addi %mul3A_415, %add3A_513 : vector<16xi32>
          %add3A_515 = arith.addi %add3A_514, %iota3A : vector<16xi32>
          %mul3A_516 = arith.mulf %gather3A_511, %gather3A_498 : vector<16xf32>
          tpu.vector_store_idx %arg11[%add3A_515], %mul3A_516 {add = true} : memref<40960xf32, #tpu.memory_space<vmem>>[vector<16xi32>], vector<16xf32>,
        }
        %while3A_393 = arith.constant 1 : i32
        scf.for %while3A_398 = %while3A_391 to %while3A_387 step %while3A_393  : i32 {
          %mul3A_399 = arith.muli %while3A_398, %while3A_383 : i32
          %add3A_400 = arith.addi %while3A_384, %mul3A_399 : i32
          %mul3A_401 = arith.constant 64 : i32
          %mul3A_402 = arith.muli %mul3A_358, %mul3A_401 : i32
          %add3A_403 = arith.addi %mul3A_402, %add3A_400 : i32
          %broadcast_in_dim3A_404 = vector.broadcast %add3A_403 : i32 to vector<16xi32>
          %gather3A = tpu.vector_load_idx %arg19[%broadcast_in_dim3A_404] : memref<1616xi32, #tpu.memory_space<vmem>>[vector<16xi32>], vector<16xi32>,
          %mul3A_405 = arith.constant 4 : i32
          %mul3A_406 = arith.muli %add3A_403, %mul3A_405 : i32
          %get3A_407 = arith.index_cast %mul3A_406 : i32 to index
          %get3A_408 = tpu.vector_load %arg20[%get3A_407] {strides = array<i32>} : memref<6416xf32, #tpu.memory_space<vmem>>, vector<16xf32>,
          %mul3A_409 = arith.constant 4 : i32
          %mul3A_410 = vector.broadcast %mul3A_409 : i32 to vector<16xi32>
          %mul3A_411 = arith.muli %gather3A, %mul3A_410 : vector<16xi32>
          %add3A_412 = arith.addi %mul3A_411, %iota3A : vector<16xi32>
          tpu.vector_store_idx %arg12[%add3A_412], %get3A_408 masked %lt3A_7 {add = true} : memref<1296xf32, #tpu.memory_space<vmem>>[vector<16xi32>], vector<16xf32>, vector<16xi1>
          %mul3A_413 = arith.constant 128 : i32
          %mul3A_414 = vector.broadcast %mul3A_413 : i32 to vector<16xi32>
          %mul3A_415 = arith.muli %gather3A, %mul3A_414 : vector<16xi32>
          %broadcast_in_dim3A_416 = vector.broadcast %add3A_400 : i32 to vector<16xi32>
          %mul3A_417 = arith.constant 4 : i32
          %mul3A_418 = vector.broadcast %mul3A_417 : i32 to vector<16xi32>
          %mul3A_419 = arith.muli %broadcast_in_dim3A_404, %mul3A_418 : vector<16xi32>
          %add3A_420 = arith.constant 0 : i32
          %add3A_421 = vector.broadcast %add3A_420 : i32 to vector<16xi32>
          %add3A_422 = arith.addi %mul3A_419, %add3A_421 : vector<16xi32>
          %gather3A_423 = tpu.vector_load_idx %arg20[%add3A_422] : memref<6416xf32, #tpu.memory_space<vmem>>[vector<16xi32>], vector<16xf32>,
          %add3A_424 = arith.constant 0 : i32
          %add3A_425 = vector.broadcast %add3A_424 : i32 to vector<16xi32>
          %add3A_426 = arith.addi %add3A_425, %iota3A : vector<16xi32>
          %gather3A_427 = tpu.vector_load_idx %arg21[%broadcast_in_dim3A_416, %add3A_426] : memref<64x128xf32, #tpu.memory_space<vmem>>[vector<16xi32>, vector<16xi32>], vector<16xf32>,
          %add3A_428 = arith.constant 0 : i32
          %add3A_429 = vector.broadcast %add3A_428 : i32 to vector<16xi32>
          %add3A_430 = arith.addi %mul3A_415, %add3A_429 : vector<16xi32>
          %add3A_431 = arith.addi %add3A_430, %iota3A : vector<16xi32>
          %mul3A_432 = arith.mulf %gather3A_427, %gather3A_423 : vector<16xf32>
          tpu.vector_store_idx %arg11[%add3A_431], %mul3A_432 {add = true} : memref<40960xf32, #tpu.memory_space<vmem>>[vector<16xi32>], vector<16xf32>,
          %add3A_433 = arith.constant 16 : i32
          %add3A_434 = vector.broadcast %add3A_433 : i32 to vector<16xi32>
          %add3A_435 = arith.addi %add3A_434, %iota3A : vector<16xi32>
          %gather3A_436 = tpu.vector_load_idx %arg21[%broadcast_in_dim3A_416, %add3A_435] : memref<64x128xf32, #tpu.memory_space<vmem>>[vector<16xi32>, vector<16xi32>], vector<16xf32>,
          %add3A_437 = arith.constant 16 : i32
          %add3A_438 = vector.broadcast %add3A_437 : i32 to vector<16xi32>
          %add3A_439 = arith.addi %mul3A_415, %add3A_438 : vector<16xi32>
          %add3A_440 = arith.addi %add3A_439, %iota3A : vector<16xi32>
          %mul3A_441 = arith.mulf %gather3A_436, %gather3A_423 : vector<16xf32>
          tpu.vector_store_idx %arg11[%add3A_440], %mul3A_441 {add = true} : memref<40960xf32, #tpu.memory_space<vmem>>[vector<16xi32>], vector<16xf32>,
          %mul3A_442 = arith.constant 4 : i32
          %mul3A_443 = vector.broadcast %mul3A_442 : i32 to vector<16xi32>
          %mul3A_444 = arith.muli %broadcast_in_dim3A_404, %mul3A_443 : vector<16xi32>
          %add3A_445 = arith.constant 1 : i32
          %add3A_446 = vector.broadcast %add3A_445 : i32 to vector<16xi32>
          %add3A_447 = arith.addi %mul3A_444, %add3A_446 : vector<16xi32>
          %gather3A_448 = tpu.vector_load_idx %arg20[%add3A_447] : memref<6416xf32, #tpu.memory_space<vmem>>[vector<16xi32>], vector<16xf32>,
          %add3A_449 = arith.constant 32 : i32
          %add3A_450 = vector.broadcast %add3A_449 : i32 to vector<16xi32>
          %add3A_451 = arith.addi %add3A_450, %iota3A : vector<16xi32>
          %gather3A_452 = tpu.vector_load_idx %arg21[%broadcast_in_dim3A_416, %add3A_451] : memref<64x128xf32, #tpu.memory_space<vmem>>[vector<16xi32>, vector<16xi32>], vector<16xf32>,
          %add3A_453 = arith.constant 32 : i32
          %add3A_454 = vector.broadcast %add3A_453 : i32 to vector<16xi32>
          %add3A_455 = arith.addi %mul3A_415, %add3A_454 : vector<16xi32>
          %add3A_456 = arith.addi %add3A_455, %iota3A : vector<16xi32>
          %mul3A_457 = arith.mulf %gather3A_452, %gather3A_448 : vector<16xf32>
          tpu.vector_store_idx %arg11[%add3A_456], %mul3A_457 {add = true} : memref<40960xf32, #tpu.memory_space<vmem>>[vector<16xi32>], vector<16xf32>,
          %add3A_458 = arith.constant 48 : i32
          %add3A_459 = vector.broadcast %add3A_458 : i32 to vector<16xi32>
          %add3A_460 = arith.addi %add3A_459, %iota3A : vector<16xi32>
          %gather3A_461 = tpu.vector_load_idx %arg21[%broadcast_in_dim3A_416, %add3A_460] : memref<64x128xf32, #tpu.memory_space<vmem>>[vector<16xi32>, vector<16xi32>], vector<16xf32>,
          %add3A_462 = arith.constant 48 : i32
          %add3A_463 = vector.broadcast %add3A_462 : i32 to vector<16xi32>
          %add3A_464 = arith.addi %mul3A_415, %add3A_463 : vector<16xi32>
          %add3A_465 = arith.addi %add3A_464, %iota3A : vector<16xi32>
          %mul3A_466 = arith.mulf %gather3A_461, %gather3A_448 : vector<16xf32>
          tpu.vector_store_idx %arg11[%add3A_465], %mul3A_466 {add = true} : memref<40960xf32, #tpu.memory_space<vmem>>[vector<16xi32>], vector<16xf32>,
          %mul3A_467 = arith.constant 4 : i32
          %mul3A_468 = vector.broadcast %mul3A_467 : i32 to vector<16xi32>
          %mul3A_469 = arith.muli %broadcast_in_dim3A_404, %mul3A_468 : vector<16xi32>
          %add3A_470 = arith.constant 2 : i32
          %add3A_471 = vector.broadcast %add3A_470 : i32 to vector<16xi32>
          %add3A_472 = arith.addi %mul3A_469, %add3A_471 : vector<16xi32>
          %gather3A_473 = tpu.vector_load_idx %arg20[%add3A_472] : memref<6416xf32, #tpu.memory_space<vmem>>[vector<16xi32>], vector<16xf32>,
          %add3A_474 = arith.constant 64 : i32
          %add3A_475 = vector.broadcast %add3A_474 : i32 to vector<16xi32>
          %add3A_476 = arith.addi %add3A_475, %iota3A : vector<16xi32>
          %gather3A_477 = tpu.vector_load_idx %arg21[%broadcast_in_dim3A_416, %add3A_476] : memref<64x128xf32, #tpu.memory_space<vmem>>[vector<16xi32>, vector<16xi32>], vector<16xf32>,
          %add3A_478 = arith.constant 64 : i32
          %add3A_479 = vector.broadcast %add3A_478 : i32 to vector<16xi32>
          %add3A_480 = arith.addi %mul3A_415, %add3A_479 : vector<16xi32>
          %add3A_481 = arith.addi %add3A_480, %iota3A : vector<16xi32>
          %mul3A_482 = arith.mulf %gather3A_477, %gather3A_473 : vector<16xf32>
          tpu.vector_store_idx %arg11[%add3A_481], %mul3A_482 {add = true} : memref<40960xf32, #tpu.memory_space<vmem>>[vector<16xi32>], vector<16xf32>,
          %add3A_483 = arith.constant 80 : i32
          %add3A_484 = vector.broadcast %add3A_483 : i32 to vector<16xi32>
          %add3A_485 = arith.addi %add3A_484, %iota3A : vector<16xi32>
          %gather3A_486 = tpu.vector_load_idx %arg21[%broadcast_in_dim3A_416, %add3A_485] : memref<64x128xf32, #tpu.memory_space<vmem>>[vector<16xi32>, vector<16xi32>], vector<16xf32>,
          %add3A_487 = arith.constant 80 : i32
          %add3A_488 = vector.broadcast %add3A_487 : i32 to vector<16xi32>
          %add3A_489 = arith.addi %mul3A_415, %add3A_488 : vector<16xi32>
          %add3A_490 = arith.addi %add3A_489, %iota3A : vector<16xi32>
          %mul3A_491 = arith.mulf %gather3A_486, %gather3A_473 : vector<16xf32>
          tpu.vector_store_idx %arg11[%add3A_490], %mul3A_491 {add = true} : memref<40960xf32, #tpu.memory_space<vmem>>[vector<16xi32>], vector<16xf32>,
          %mul3A_492 = arith.constant 4 : i32
          %mul3A_493 = vector.broadcast %mul3A_492 : i32 to vector<16xi32>
          %mul3A_494 = arith.muli %broadcast_in_dim3A_404, %mul3A_493 : vector<16xi32>
          %add3A_495 = arith.constant 3 : i32
          %add3A_496 = vector.broadcast %add3A_495 : i32 to vector<16xi32>
          %add3A_497 = arith.addi %mul3A_494, %add3A_496 : vector<16xi32>
          %gather3A_498 = tpu.vector_load_idx %arg20[%add3A_497] : memref<6416xf32, #tpu.memory_space<vmem>>[vector<16xi32>], vector<16xf32>,
          %add3A_499 = arith.constant 96 : i32
          %add3A_500 = vector.broadcast %add3A_499 : i32 to vector<16xi32>
          %add3A_501 = arith.addi %add3A_500, %iota3A : vector<16xi32>
          %gather3A_502 = tpu.vector_load_idx %arg21[%broadcast_in_dim3A_416, %add3A_501] : memref<64x128xf32, #tpu.memory_space<vmem>>[vector<16xi32>, vector<16xi32>], vector<16xf32>,
          %add3A_503 = arith.constant 96 : i32
          %add3A_504 = vector.broadcast %add3A_503 : i32 to vector<16xi32>
          %add3A_505 = arith.addi %mul3A_415, %add3A_504 : vector<16xi32>
          %add3A_506 = arith.addi %add3A_505, %iota3A : vector<16xi32>
          %mul3A_507 = arith.mulf %gather3A_502, %gather3A_498 : vector<16xf32>
          tpu.vector_store_idx %arg11[%add3A_506], %mul3A_507 {add = true} : memref<40960xf32, #tpu.memory_space<vmem>>[vector<16xi32>], vector<16xf32>,
          %add3A_508 = arith.constant 112 : i32
          %add3A_509 = vector.broadcast %add3A_508 : i32 to vector<16xi32>
          %add3A_510 = arith.addi %add3A_509, %iota3A : vector<16xi32>
          %gather3A_511 = tpu.vector_load_idx %arg21[%broadcast_in_dim3A_416, %add3A_510] : memref<64x128xf32, #tpu.memory_space<vmem>>[vector<16xi32>, vector<16xi32>], vector<16xf32>,
          %add3A_512 = arith.constant 112 : i32
          %add3A_513 = vector.broadcast %add3A_512 : i32 to vector<16xi32>
          %add3A_514 = arith.addi %mul3A_415, %add3A_513 : vector<16xi32>
          %add3A_515 = arith.addi %add3A_514, %iota3A : vector<16xi32>
          %mul3A_516 = arith.mulf %gather3A_511, %gather3A_498 : vector<16xf32>
          tpu.vector_store_idx %arg11[%add3A_515], %mul3A_516 {add = true} : memref<40960xf32, #tpu.memory_space<vmem>>[vector<16xi32>], vector<16xf32>,
        }
        %lt3A_394 = arith.cmpi slt, %add3A_360, %select_n3A_303 : i32
        %convert_element_type3A_395 = arith.extui %lt3A_394 : i1 to i32
        %cond3A_396 = arith.constant 0 : i32
        %cond3A_397 = arith.cmpi ne, %convert_element_type3A_395, %cond3A_396 : i32
        scf.if %cond3A_397 {
          %mul3A_398 = arith.constant 64 : i32
          %mul3A_399 = arith.muli %add3A_360, %mul3A_398 : i32
          %dma_wait3A_400 = tpu.memref_slice %arg18[%mul3A_399] : memref<1600xi32, #tpu.memory_space<vmem>> -> memref<64xi32, #tpu.memory_space<vmem>>
          %dma_wait3A_401 = arith.constant 0 : i32
          %dma_wait3A_402 = arith.constant 0 : i32
          %dma_wait3A_403 = tpu.memref_slice %arg7[%dma_wait3A_401, %dma_wait3A_402] : memref<10000x128xf32, #tpu.memory_space<hbm>> -> memref<10000x128xf32, #tpu.memory_space<hbm>>
          tpu.wait_indirect_dma semaphore(%arg29 : memref<!tpu.dma_semaphore, #tpu.memory_space<semaphore_mem>>) src(%dma_wait3A_403 : memref<10000x128xf32, #tpu.memory_space<hbm>>) dst(%arg22 : memref<64x128xf32, #tpu.memory_space<vmem>>)
          %add3A_404 = arith.constant 1 : i32
          %add3A_405 = arith.addi %add3A_360, %add3A_404 : i32
          %lt3A_406 = arith.cmpi slt, %add3A_405, %select_n3A_303 : i32
          %convert_element_type3A_407 = arith.extui %lt3A_406 : i1 to i32
          %cond3A_408 = arith.constant 0 : i32
          %cond3A_409 = arith.cmpi ne, %convert_element_type3A_407, %cond3A_408 : i32
          scf.if %cond3A_409 {
            %add3A_434 = arith.constant 1 : i32
            %add3A_435 = arith.addi %add3A_360, %add3A_434 : i32
            %mul3A_436 = arith.constant 64 : i32
            %mul3A_437 = arith.muli %add3A_435, %mul3A_436 : i32
            %dma_start3A_438 = tpu.memref_slice %arg18[%mul3A_437] : memref<1600xi32, #tpu.memory_space<vmem>> -> memref<64xi32, #tpu.memory_space<vmem>>
            %dma_start3A_439 = arith.constant 0 : i32
            %dma_start3A_440 = arith.constant 0 : i32
            %dma_start3A_441 = tpu.memref_slice %arg7[%dma_start3A_439, %dma_start3A_440] : memref<10000x128xf32, #tpu.memory_space<hbm>> -> memref<10000x128xf32, #tpu.memory_space<hbm>>
            tpu.enqueue_indirect_dma source(%dma_start3A_441 : memref<10000x128xf32, #tpu.memory_space<hbm>>) target(%arg21 : memref<64x128xf32, #tpu.memory_space<vmem>>) offsets(%dma_start3A_438 : memref<64xi32, #tpu.memory_space<vmem>>) semaphore(%arg28 : memref<!tpu.dma_semaphore, #tpu.memory_space<semaphore_mem>>)
          } else {
          }
          %mul3A_410 = arith.constant 64 : i32
          %mul3A_411 = arith.muli %add3A_360, %mul3A_410 : i32
          %sub3A_412 = arith.subi %scan3A_231, %mul3A_411 : i32
          %min3A_413 = arith.constant 64 : i32
          %min3A_414 = arith.minsi %sub3A_412, %min3A_413 : i32
          %sub3A_415 = arith.constant 0 : i32
          %sub3A_416 = arith.subi %min3A_414, %sub3A_415 : i32
          %sub3A_417 = arith.constant 1 : i32
          %sub3A_418 = arith.constant 1 : i32
          %sub3A_419 = arith.subi %sub3A_417, %sub3A_418 : i32
          %add3A_420 = arith.addi %sub3A_416, %sub3A_419 : i32
          %div3A_421 = arith.constant 1 : i32
          %div3A_422 = arith.divsi %add3A_420, %div3A_421 : i32
          %while3A_423 = arith.constant 1 : i32
          %while3A_424 = arith.constant 0 : i32
          %while3A_425 = arith.constant 0 : i32
          %while3A_426 = arith.subi %div3A_422, %while3A_425 : i32
          %while3A_427 = arith.addi %while3A_425, %while3A_426 : i32
          %while3A_428 = arith.constant 1 : i32
          %while3A_429 = arith.divsi %while3A_426, %while3A_428 : i32
          %while3A_430 = arith.muli %while3A_429, %while3A_428 : i32
          %while3A_431 = arith.addi %while3A_425, %while3A_430 : i32
          %while3A_432 = arith.constant 1 : i32
          scf.for %while3A_434 = %while3A_425 to %while3A_431 step %while3A_432  : i32 {
            %mul3A_435 = arith.muli %while3A_434, %while3A_423 : i32
            %add3A_436 = arith.addi %while3A_424, %mul3A_435 : i32
            %mul3A_437 = arith.constant 64 : i32
            %mul3A_438 = arith.muli %add3A_360, %mul3A_437 : i32
            %add3A_439 = arith.addi %mul3A_438, %add3A_436 : i32
            %broadcast_in_dim3A_440 = vector.broadcast %add3A_439 : i32 to vector<16xi32>
            %gather3A = tpu.vector_load_idx %arg19[%broadcast_in_dim3A_440] : memref<1616xi32, #tpu.memory_space<vmem>>[vector<16xi32>], vector<16xi32>,
            %mul3A_441 = arith.constant 4 : i32
            %mul3A_442 = arith.muli %add3A_439, %mul3A_441 : i32
            %get3A_443 = arith.index_cast %mul3A_442 : i32 to index
            %get3A_444 = tpu.vector_load %arg20[%get3A_443] {strides = array<i32>} : memref<6416xf32, #tpu.memory_space<vmem>>, vector<16xf32>,
            %mul3A_445 = arith.constant 4 : i32
            %mul3A_446 = vector.broadcast %mul3A_445 : i32 to vector<16xi32>
            %mul3A_447 = arith.muli %gather3A, %mul3A_446 : vector<16xi32>
            %add3A_448 = arith.addi %mul3A_447, %iota3A : vector<16xi32>
            tpu.vector_store_idx %arg12[%add3A_448], %get3A_444 masked %lt3A_7 {add = true} : memref<1296xf32, #tpu.memory_space<vmem>>[vector<16xi32>], vector<16xf32>, vector<16xi1>
            %mul3A_449 = arith.constant 128 : i32
            %mul3A_450 = vector.broadcast %mul3A_449 : i32 to vector<16xi32>
            %mul3A_451 = arith.muli %gather3A, %mul3A_450 : vector<16xi32>
            %broadcast_in_dim3A_452 = vector.broadcast %add3A_436 : i32 to vector<16xi32>
            %mul3A_453 = arith.constant 4 : i32
            %mul3A_454 = vector.broadcast %mul3A_453 : i32 to vector<16xi32>
            %mul3A_455 = arith.muli %broadcast_in_dim3A_440, %mul3A_454 : vector<16xi32>
            %add3A_456 = arith.constant 0 : i32
            %add3A_457 = vector.broadcast %add3A_456 : i32 to vector<16xi32>
            %add3A_458 = arith.addi %mul3A_455, %add3A_457 : vector<16xi32>
            %gather3A_459 = tpu.vector_load_idx %arg20[%add3A_458] : memref<6416xf32, #tpu.memory_space<vmem>>[vector<16xi32>], vector<16xf32>,
            %add3A_460 = arith.constant 0 : i32
            %add3A_461 = vector.broadcast %add3A_460 : i32 to vector<16xi32>
            %add3A_462 = arith.addi %add3A_461, %iota3A : vector<16xi32>
            %gather3A_463 = tpu.vector_load_idx %arg22[%broadcast_in_dim3A_452, %add3A_462] : memref<64x128xf32, #tpu.memory_space<vmem>>[vector<16xi32>, vector<16xi32>], vector<16xf32>,
            %add3A_464 = arith.constant 0 : i32
            %add3A_465 = vector.broadcast %add3A_464 : i32 to vector<16xi32>
            %add3A_466 = arith.addi %mul3A_451, %add3A_465 : vector<16xi32>
            %add3A_467 = arith.addi %add3A_466, %iota3A : vector<16xi32>
            %mul3A_468 = arith.mulf %gather3A_463, %gather3A_459 : vector<16xf32>
            tpu.vector_store_idx %arg11[%add3A_467], %mul3A_468 {add = true} : memref<40960xf32, #tpu.memory_space<vmem>>[vector<16xi32>], vector<16xf32>,
            %add3A_469 = arith.constant 16 : i32
            %add3A_470 = vector.broadcast %add3A_469 : i32 to vector<16xi32>
            %add3A_471 = arith.addi %add3A_470, %iota3A : vector<16xi32>
            %gather3A_472 = tpu.vector_load_idx %arg22[%broadcast_in_dim3A_452, %add3A_471] : memref<64x128xf32, #tpu.memory_space<vmem>>[vector<16xi32>, vector<16xi32>], vector<16xf32>,
            %add3A_473 = arith.constant 16 : i32
            %add3A_474 = vector.broadcast %add3A_473 : i32 to vector<16xi32>
            %add3A_475 = arith.addi %mul3A_451, %add3A_474 : vector<16xi32>
            %add3A_476 = arith.addi %add3A_475, %iota3A : vector<16xi32>
            %mul3A_477 = arith.mulf %gather3A_472, %gather3A_459 : vector<16xf32>
            tpu.vector_store_idx %arg11[%add3A_476], %mul3A_477 {add = true} : memref<40960xf32, #tpu.memory_space<vmem>>[vector<16xi32>], vector<16xf32>,
            %mul3A_478 = arith.constant 4 : i32
            %mul3A_479 = vector.broadcast %mul3A_478 : i32 to vector<16xi32>
            %mul3A_480 = arith.muli %broadcast_in_dim3A_440, %mul3A_479 : vector<16xi32>
            %add3A_481 = arith.constant 1 : i32
            %add3A_482 = vector.broadcast %add3A_481 : i32 to vector<16xi32>
            %add3A_483 = arith.addi %mul3A_480, %add3A_482 : vector<16xi32>
            %gather3A_484 = tpu.vector_load_idx %arg20[%add3A_483] : memref<6416xf32, #tpu.memory_space<vmem>>[vector<16xi32>], vector<16xf32>,
            %add3A_485 = arith.constant 32 : i32
            %add3A_486 = vector.broadcast %add3A_485 : i32 to vector<16xi32>
            %add3A_487 = arith.addi %add3A_486, %iota3A : vector<16xi32>
            %gather3A_488 = tpu.vector_load_idx %arg22[%broadcast_in_dim3A_452, %add3A_487] : memref<64x128xf32, #tpu.memory_space<vmem>>[vector<16xi32>, vector<16xi32>], vector<16xf32>,
            %add3A_489 = arith.constant 32 : i32
            %add3A_490 = vector.broadcast %add3A_489 : i32 to vector<16xi32>
            %add3A_491 = arith.addi %mul3A_451, %add3A_490 : vector<16xi32>
            %add3A_492 = arith.addi %add3A_491, %iota3A : vector<16xi32>
            %mul3A_493 = arith.mulf %gather3A_488, %gather3A_484 : vector<16xf32>
            tpu.vector_store_idx %arg11[%add3A_492], %mul3A_493 {add = true} : memref<40960xf32, #tpu.memory_space<vmem>>[vector<16xi32>], vector<16xf32>,
            %add3A_494 = arith.constant 48 : i32
            %add3A_495 = vector.broadcast %add3A_494 : i32 to vector<16xi32>
            %add3A_496 = arith.addi %add3A_495, %iota3A : vector<16xi32>
            %gather3A_497 = tpu.vector_load_idx %arg22[%broadcast_in_dim3A_452, %add3A_496] : memref<64x128xf32, #tpu.memory_space<vmem>>[vector<16xi32>, vector<16xi32>], vector<16xf32>,
            %add3A_498 = arith.constant 48 : i32
            %add3A_499 = vector.broadcast %add3A_498 : i32 to vector<16xi32>
            %add3A_500 = arith.addi %mul3A_451, %add3A_499 : vector<16xi32>
            %add3A_501 = arith.addi %add3A_500, %iota3A : vector<16xi32>
            %mul3A_502 = arith.mulf %gather3A_497, %gather3A_484 : vector<16xf32>
            tpu.vector_store_idx %arg11[%add3A_501], %mul3A_502 {add = true} : memref<40960xf32, #tpu.memory_space<vmem>>[vector<16xi32>], vector<16xf32>,
            %mul3A_503 = arith.constant 4 : i32
            %mul3A_504 = vector.broadcast %mul3A_503 : i32 to vector<16xi32>
            %mul3A_505 = arith.muli %broadcast_in_dim3A_440, %mul3A_504 : vector<16xi32>
            %add3A_506 = arith.constant 2 : i32
            %add3A_507 = vector.broadcast %add3A_506 : i32 to vector<16xi32>
            %add3A_508 = arith.addi %mul3A_505, %add3A_507 : vector<16xi32>
            %gather3A_509 = tpu.vector_load_idx %arg20[%add3A_508] : memref<6416xf32, #tpu.memory_space<vmem>>[vector<16xi32>], vector<16xf32>,
            %add3A_510 = arith.constant 64 : i32
            %add3A_511 = vector.broadcast %add3A_510 : i32 to vector<16xi32>
            %add3A_512 = arith.addi %add3A_511, %iota3A : vector<16xi32>
            %gather3A_513 = tpu.vector_load_idx %arg22[%broadcast_in_dim3A_452, %add3A_512] : memref<64x128xf32, #tpu.memory_space<vmem>>[vector<16xi32>, vector<16xi32>], vector<16xf32>,
            %add3A_514 = arith.constant 64 : i32
            %add3A_515 = vector.broadcast %add3A_514 : i32 to vector<16xi32>
            %add3A_516 = arith.addi %mul3A_451, %add3A_515 : vector<16xi32>
            %add3A_517 = arith.addi %add3A_516, %iota3A : vector<16xi32>
            %mul3A_518 = arith.mulf %gather3A_513, %gather3A_509 : vector<16xf32>
            tpu.vector_store_idx %arg11[%add3A_517], %mul3A_518 {add = true} : memref<40960xf32, #tpu.memory_space<vmem>>[vector<16xi32>], vector<16xf32>,
            %add3A_519 = arith.constant 80 : i32
            %add3A_520 = vector.broadcast %add3A_519 : i32 to vector<16xi32>
            %add3A_521 = arith.addi %add3A_520, %iota3A : vector<16xi32>
            %gather3A_522 = tpu.vector_load_idx %arg22[%broadcast_in_dim3A_452, %add3A_521] : memref<64x128xf32, #tpu.memory_space<vmem>>[vector<16xi32>, vector<16xi32>], vector<16xf32>,
            %add3A_523 = arith.constant 80 : i32
            %add3A_524 = vector.broadcast %add3A_523 : i32 to vector<16xi32>
            %add3A_525 = arith.addi %mul3A_451, %add3A_524 : vector<16xi32>
            %add3A_526 = arith.addi %add3A_525, %iota3A : vector<16xi32>
            %mul3A_527 = arith.mulf %gather3A_522, %gather3A_509 : vector<16xf32>
            tpu.vector_store_idx %arg11[%add3A_526], %mul3A_527 {add = true} : memref<40960xf32, #tpu.memory_space<vmem>>[vector<16xi32>], vector<16xf32>,
            %mul3A_528 = arith.constant 4 : i32
            %mul3A_529 = vector.broadcast %mul3A_528 : i32 to vector<16xi32>
            %mul3A_530 = arith.muli %broadcast_in_dim3A_440, %mul3A_529 : vector<16xi32>
            %add3A_531 = arith.constant 3 : i32
            %add3A_532 = vector.broadcast %add3A_531 : i32 to vector<16xi32>
            %add3A_533 = arith.addi %mul3A_530, %add3A_532 : vector<16xi32>
            %gather3A_534 = tpu.vector_load_idx %arg20[%add3A_533] : memref<6416xf32, #tpu.memory_space<vmem>>[vector<16xi32>], vector<16xf32>,
            %add3A_535 = arith.constant 96 : i32
            %add3A_536 = vector.broadcast %add3A_535 : i32 to vector<16xi32>
            %add3A_537 = arith.addi %add3A_536, %iota3A : vector<16xi32>
            %gather3A_538 = tpu.vector_load_idx %arg22[%broadcast_in_dim3A_452, %add3A_537] : memref<64x128xf32, #tpu.memory_space<vmem>>[vector<16xi32>, vector<16xi32>], vector<16xf32>,
            %add3A_539 = arith.constant 96 : i32
            %add3A_540 = vector.broadcast %add3A_539 : i32 to vector<16xi32>
            %add3A_541 = arith.addi %mul3A_451, %add3A_540 : vector<16xi32>
            %add3A_542 = arith.addi %add3A_541, %iota3A : vector<16xi32>
            %mul3A_543 = arith.mulf %gather3A_538, %gather3A_534 : vector<16xf32>
            tpu.vector_store_idx %arg11[%add3A_542], %mul3A_543 {add = true} : memref<40960xf32, #tpu.memory_space<vmem>>[vector<16xi32>], vector<16xf32>,
            %add3A_544 = arith.constant 112 : i32
            %add3A_545 = vector.broadcast %add3A_544 : i32 to vector<16xi32>
            %add3A_546 = arith.addi %add3A_545, %iota3A : vector<16xi32>
            %gather3A_547 = tpu.vector_load_idx %arg22[%broadcast_in_dim3A_452, %add3A_546] : memref<64x128xf32, #tpu.memory_space<vmem>>[vector<16xi32>, vector<16xi32>], vector<16xf32>,
            %add3A_548 = arith.constant 112 : i32
            %add3A_549 = vector.broadcast %add3A_548 : i32 to vector<16xi32>
            %add3A_550 = arith.addi %mul3A_451, %add3A_549 : vector<16xi32>
            %add3A_551 = arith.addi %add3A_550, %iota3A : vector<16xi32>
            %mul3A_552 = arith.mulf %gather3A_547, %gather3A_534 : vector<16xf32>
            tpu.vector_store_idx %arg11[%add3A_551], %mul3A_552 {add = true} : memref<40960xf32, #tpu.memory_space<vmem>>[vector<16xi32>], vector<16xf32>,
          }
          %while3A_433 = arith.constant 1 : i32
          scf.for %while3A_434 = %while3A_431 to %while3A_427 step %while3A_433  : i32 {
            %mul3A_435 = arith.muli %while3A_434, %while3A_423 : i32
            %add3A_436 = arith.addi %while3A_424, %mul3A_435 : i32
            %mul3A_437 = arith.constant 64 : i32
            %mul3A_438 = arith.muli %add3A_360, %mul3A_437 : i32
            %add3A_439 = arith.addi %mul3A_438, %add3A_436 : i32
            %broadcast_in_dim3A_440 = vector.broadcast %add3A_439 : i32 to vector<16xi32>
            %gather3A = tpu.vector_load_idx %arg19[%broadcast_in_dim3A_440] : memref<1616xi32, #tpu.memory_space<vmem>>[vector<16xi32>], vector<16xi32>,
            %mul3A_441 = arith.constant 4 : i32
            %mul3A_442 = arith.muli %add3A_439, %mul3A_441 : i32
            %get3A_443 = arith.index_cast %mul3A_442 : i32 to index
            %get3A_444 = tpu.vector_load %arg20[%get3A_443] {strides = array<i32>} : memref<6416xf32, #tpu.memory_space<vmem>>, vector<16xf32>,
            %mul3A_445 = arith.constant 4 : i32
            %mul3A_446 = vector.broadcast %mul3A_445 : i32 to vector<16xi32>
            %mul3A_447 = arith.muli %gather3A, %mul3A_446 : vector<16xi32>
            %add3A_448 = arith.addi %mul3A_447, %iota3A : vector<16xi32>
            tpu.vector_store_idx %arg12[%add3A_448], %get3A_444 masked %lt3A_7 {add = true} : memref<1296xf32, #tpu.memory_space<vmem>>[vector<16xi32>], vector<16xf32>, vector<16xi1>
            %mul3A_449 = arith.constant 128 : i32
            %mul3A_450 = vector.broadcast %mul3A_449 : i32 to vector<16xi32>
            %mul3A_451 = arith.muli %gather3A, %mul3A_450 : vector<16xi32>
            %broadcast_in_dim3A_452 = vector.broadcast %add3A_436 : i32 to vector<16xi32>
            %mul3A_453 = arith.constant 4 : i32
            %mul3A_454 = vector.broadcast %mul3A_453 : i32 to vector<16xi32>
            %mul3A_455 = arith.muli %broadcast_in_dim3A_440, %mul3A_454 : vector<16xi32>
            %add3A_456 = arith.constant 0 : i32
            %add3A_457 = vector.broadcast %add3A_456 : i32 to vector<16xi32>
            %add3A_458 = arith.addi %mul3A_455, %add3A_457 : vector<16xi32>
            %gather3A_459 = tpu.vector_load_idx %arg20[%add3A_458] : memref<6416xf32, #tpu.memory_space<vmem>>[vector<16xi32>], vector<16xf32>,
            %add3A_460 = arith.constant 0 : i32
            %add3A_461 = vector.broadcast %add3A_460 : i32 to vector<16xi32>
            %add3A_462 = arith.addi %add3A_461, %iota3A : vector<16xi32>
            %gather3A_463 = tpu.vector_load_idx %arg22[%broadcast_in_dim3A_452, %add3A_462] : memref<64x128xf32, #tpu.memory_space<vmem>>[vector<16xi32>, vector<16xi32>], vector<16xf32>,
            %add3A_464 = arith.constant 0 : i32
            %add3A_465 = vector.broadcast %add3A_464 : i32 to vector<16xi32>
            %add3A_466 = arith.addi %mul3A_451, %add3A_465 : vector<16xi32>
            %add3A_467 = arith.addi %add3A_466, %iota3A : vector<16xi32>
            %mul3A_468 = arith.mulf %gather3A_463, %gather3A_459 : vector<16xf32>
            tpu.vector_store_idx %arg11[%add3A_467], %mul3A_468 {add = true} : memref<40960xf32, #tpu.memory_space<vmem>>[vector<16xi32>], vector<16xf32>,
            %add3A_469 = arith.constant 16 : i32
            %add3A_470 = vector.broadcast %add3A_469 : i32 to vector<16xi32>
            %add3A_471 = arith.addi %add3A_470, %iota3A : vector<16xi32>
            %gather3A_472 = tpu.vector_load_idx %arg22[%broadcast_in_dim3A_452, %add3A_471] : memref<64x128xf32, #tpu.memory_space<vmem>>[vector<16xi32>, vector<16xi32>], vector<16xf32>,
            %add3A_473 = arith.constant 16 : i32
            %add3A_474 = vector.broadcast %add3A_473 : i32 to vector<16xi32>
            %add3A_475 = arith.addi %mul3A_451, %add3A_474 : vector<16xi32>
            %add3A_476 = arith.addi %add3A_475, %iota3A : vector<16xi32>
            %mul3A_477 = arith.mulf %gather3A_472, %gather3A_459 : vector<16xf32>
            tpu.vector_store_idx %arg11[%add3A_476], %mul3A_477 {add = true} : memref<40960xf32, #tpu.memory_space<vmem>>[vector<16xi32>], vector<16xf32>,
            %mul3A_478 = arith.constant 4 : i32
            %mul3A_479 = vector.broadcast %mul3A_478 : i32 to vector<16xi32>
            %mul3A_480 = arith.muli %broadcast_in_dim3A_440, %mul3A_479 : vector<16xi32>
            %add3A_481 = arith.constant 1 : i32
            %add3A_482 = vector.broadcast %add3A_481 : i32 to vector<16xi32>
            %add3A_483 = arith.addi %mul3A_480, %add3A_482 : vector<16xi32>
            %gather3A_484 = tpu.vector_load_idx %arg20[%add3A_483] : memref<6416xf32, #tpu.memory_space<vmem>>[vector<16xi32>], vector<16xf32>,
            %add3A_485 = arith.constant 32 : i32
            %add3A_486 = vector.broadcast %add3A_485 : i32 to vector<16xi32>
            %add3A_487 = arith.addi %add3A_486, %iota3A : vector<16xi32>
            %gather3A_488 = tpu.vector_load_idx %arg22[%broadcast_in_dim3A_452, %add3A_487] : memref<64x128xf32, #tpu.memory_space<vmem>>[vector<16xi32>, vector<16xi32>], vector<16xf32>,
            %add3A_489 = arith.constant 32 : i32
            %add3A_490 = vector.broadcast %add3A_489 : i32 to vector<16xi32>
            %add3A_491 = arith.addi %mul3A_451, %add3A_490 : vector<16xi32>
            %add3A_492 = arith.addi %add3A_491, %iota3A : vector<16xi32>
            %mul3A_493 = arith.mulf %gather3A_488, %gather3A_484 : vector<16xf32>
            tpu.vector_store_idx %arg11[%add3A_492], %mul3A_493 {add = true} : memref<40960xf32, #tpu.memory_space<vmem>>[vector<16xi32>], vector<16xf32>,
            %add3A_494 = arith.constant 48 : i32
            %add3A_495 = vector.broadcast %add3A_494 : i32 to vector<16xi32>
            %add3A_496 = arith.addi %add3A_495, %iota3A : vector<16xi32>
            %gather3A_497 = tpu.vector_load_idx %arg22[%broadcast_in_dim3A_452, %add3A_496] : memref<64x128xf32, #tpu.memory_space<vmem>>[vector<16xi32>, vector<16xi32>], vector<16xf32>,
            %add3A_498 = arith.constant 48 : i32
            %add3A_499 = vector.broadcast %add3A_498 : i32 to vector<16xi32>
            %add3A_500 = arith.addi %mul3A_451, %add3A_499 : vector<16xi32>
            %add3A_501 = arith.addi %add3A_500, %iota3A : vector<16xi32>
            %mul3A_502 = arith.mulf %gather3A_497, %gather3A_484 : vector<16xf32>
            tpu.vector_store_idx %arg11[%add3A_501], %mul3A_502 {add = true} : memref<40960xf32, #tpu.memory_space<vmem>>[vector<16xi32>], vector<16xf32>,
            %mul3A_503 = arith.constant 4 : i32
            %mul3A_504 = vector.broadcast %mul3A_503 : i32 to vector<16xi32>
            %mul3A_505 = arith.muli %broadcast_in_dim3A_440, %mul3A_504 : vector<16xi32>
            %add3A_506 = arith.constant 2 : i32
            %add3A_507 = vector.broadcast %add3A_506 : i32 to vector<16xi32>
            %add3A_508 = arith.addi %mul3A_505, %add3A_507 : vector<16xi32>
            %gather3A_509 = tpu.vector_load_idx %arg20[%add3A_508] : memref<6416xf32, #tpu.memory_space<vmem>>[vector<16xi32>], vector<16xf32>,
            %add3A_510 = arith.constant 64 : i32
            %add3A_511 = vector.broadcast %add3A_510 : i32 to vector<16xi32>
            %add3A_512 = arith.addi %add3A_511, %iota3A : vector<16xi32>
            %gather3A_513 = tpu.vector_load_idx %arg22[%broadcast_in_dim3A_452, %add3A_512] : memref<64x128xf32, #tpu.memory_space<vmem>>[vector<16xi32>, vector<16xi32>], vector<16xf32>,
            %add3A_514 = arith.constant 64 : i32
            %add3A_515 = vector.broadcast %add3A_514 : i32 to vector<16xi32>
            %add3A_516 = arith.addi %mul3A_451, %add3A_515 : vector<16xi32>
            %add3A_517 = arith.addi %add3A_516, %iota3A : vector<16xi32>
            %mul3A_518 = arith.mulf %gather3A_513, %gather3A_509 : vector<16xf32>
            tpu.vector_store_idx %arg11[%add3A_517], %mul3A_518 {add = true} : memref<40960xf32, #tpu.memory_space<vmem>>[vector<16xi32>], vector<16xf32>,
            %add3A_519 = arith.constant 80 : i32
            %add3A_520 = vector.broadcast %add3A_519 : i32 to vector<16xi32>
            %add3A_521 = arith.addi %add3A_520, %iota3A : vector<16xi32>
            %gather3A_522 = tpu.vector_load_idx %arg22[%broadcast_in_dim3A_452, %add3A_521] : memref<64x128xf32, #tpu.memory_space<vmem>>[vector<16xi32>, vector<16xi32>], vector<16xf32>,
            %add3A_523 = arith.constant 80 : i32
            %add3A_524 = vector.broadcast %add3A_523 : i32 to vector<16xi32>
            %add3A_525 = arith.addi %mul3A_451, %add3A_524 : vector<16xi32>
            %add3A_526 = arith.addi %add3A_525, %iota3A : vector<16xi32>
            %mul3A_527 = arith.mulf %gather3A_522, %gather3A_509 : vector<16xf32>
            tpu.vector_store_idx %arg11[%add3A_526], %mul3A_527 {add = true} : memref<40960xf32, #tpu.memory_space<vmem>>[vector<16xi32>], vector<16xf32>,
            %mul3A_528 = arith.constant 4 : i32
            %mul3A_529 = vector.broadcast %mul3A_528 : i32 to vector<16xi32>
            %mul3A_530 = arith.muli %broadcast_in_dim3A_440, %mul3A_529 : vector<16xi32>
            %add3A_531 = arith.constant 3 : i32
            %add3A_532 = vector.broadcast %add3A_531 : i32 to vector<16xi32>
            %add3A_533 = arith.addi %mul3A_530, %add3A_532 : vector<16xi32>
            %gather3A_534 = tpu.vector_load_idx %arg20[%add3A_533] : memref<6416xf32, #tpu.memory_space<vmem>>[vector<16xi32>], vector<16xf32>,
            %add3A_535 = arith.constant 96 : i32
            %add3A_536 = vector.broadcast %add3A_535 : i32 to vector<16xi32>
            %add3A_537 = arith.addi %add3A_536, %iota3A : vector<16xi32>
            %gather3A_538 = tpu.vector_load_idx %arg22[%broadcast_in_dim3A_452, %add3A_537] : memref<64x128xf32, #tpu.memory_space<vmem>>[vector<16xi32>, vector<16xi32>], vector<16xf32>,
            %add3A_539 = arith.constant 96 : i32
            %add3A_540 = vector.broadcast %add3A_539 : i32 to vector<16xi32>
            %add3A_541 = arith.addi %mul3A_451, %add3A_540 : vector<16xi32>
            %add3A_542 = arith.addi %add3A_541, %iota3A : vector<16xi32>
            %mul3A_543 = arith.mulf %gather3A_538, %gather3A_534 : vector<16xf32>
            tpu.vector_store_idx %arg11[%add3A_542], %mul3A_543 {add = true} : memref<40960xf32, #tpu.memory_space<vmem>>[vector<16xi32>], vector<16xf32>,
            %add3A_544 = arith.constant 112 : i32
            %add3A_545 = vector.broadcast %add3A_544 : i32 to vector<16xi32>
            %add3A_546 = arith.addi %add3A_545, %iota3A : vector<16xi32>
            %gather3A_547 = tpu.vector_load_idx %arg22[%broadcast_in_dim3A_452, %add3A_546] : memref<64x128xf32, #tpu.memory_space<vmem>>[vector<16xi32>, vector<16xi32>], vector<16xf32>,
            %add3A_548 = arith.constant 112 : i32
            %add3A_549 = vector.broadcast %add3A_548 : i32 to vector<16xi32>
            %add3A_550 = arith.addi %mul3A_451, %add3A_549 : vector<16xi32>
            %add3A_551 = arith.addi %add3A_550, %iota3A : vector<16xi32>
            %mul3A_552 = arith.mulf %gather3A_547, %gather3A_534 : vector<16xf32>
            tpu.vector_store_idx %arg11[%add3A_551], %mul3A_552 {add = true} : memref<40960xf32, #tpu.memory_space<vmem>>[vector<16xi32>], vector<16xf32>,
          }
        } else {
        }
      }
    }
    %scan3A_63 = arith.constant 100 : i32
    %scan3A_64 = arith.constant 0 : i32
    %scan3A_65 = arith.constant 320 : i32
    %scan3A_66 = arith.addi %scan3A_64, %scan3A_65 : i32
    %scan3A_67 = arith.constant 1 : i32
    scf.for %scan3A_71 = %scan3A_64 to %scan3A_66 step %scan3A_67  : i32 {
      %mul3A_72 = arith.constant 1 : i32
      %mul3A_73 = arith.muli %scan3A_71, %mul3A_72 : i32
      %add3A_74 = arith.constant 0 : i32
      %add3A_75 = arith.addi %add3A_74, %mul3A_73 : i32
      %mul3A_76 = arith.constant 4 : i32
      %mul3A_77 = arith.muli %add3A_75, %mul3A_76 : i32
      %broadcast_in_dim3A_78 = vector.broadcast %mul3A_77 : i32 to vector<16xi32>
      %add3A_79 = arith.constant 0 : i32
      %add3A_80 = vector.broadcast %add3A_79 : i32 to vector<16xi32>
      %add3A_81 = arith.addi %broadcast_in_dim3A_78, %add3A_80 : vector<16xi32>
      %gather3A = tpu.vector_load_idx %arg12[%add3A_81] : memref<1296xf32, #tpu.memory_space<vmem>>[vector<16xi32>], vector<16xf32>,
      %add3A_82 = arith.constant 1.000000e-16 : f32
      %add3A_83 = vector.broadcast %add3A_82 : f32 to vector<16xf32>
      %add3A_84 = arith.addf %gather3A, %add3A_83 : vector<16xf32>
      %div3A = arith.constant 1.000000e+00 : f32
      %div3A_85 = vector.broadcast %div3A : f32 to vector<16xf32>
      %div3A_86 = arith.divf %div3A_85, %add3A_84 : vector<16xf32>
      %mul3A_87 = arith.constant 128 : i32
      %mul3A_88 = arith.muli %add3A_75, %mul3A_87 : i32
      %add3A_89 = arith.constant 0 : i32
      %add3A_90 = arith.addi %mul3A_88, %add3A_89 : i32
      %add3A_91 = arith.constant 0 : i32
      %add3A_92 = arith.addi %add3A_90, %add3A_91 : i32
      %add3A_93 = vector.broadcast %add3A_92 : i32 to vector<16xi32>
      %add3A_94 = arith.addi %add3A_93, %iota3A : vector<16xi32>
      %gather3A_95 = tpu.vector_load_idx %arg11[%add3A_94] : memref<40960xf32, #tpu.memory_space<vmem>>[vector<16xi32>], vector<16xf32>,
      %mul3A_96 = arith.mulf %gather3A_95, %div3A_86 : vector<16xf32>
      tpu.vector_store_idx %arg11[%add3A_94], %mul3A_96 : memref<40960xf32, #tpu.memory_space<vmem>>[vector<16xi32>], vector<16xf32>,
      %mul3A_97 = arith.constant 128 : i32
      %mul3A_98 = arith.muli %add3A_75, %mul3A_97 : i32
      %add3A_99 = arith.constant 0 : i32
      %add3A_100 = arith.addi %mul3A_98, %add3A_99 : i32
      %add3A_101 = arith.constant 16 : i32
      %add3A_102 = arith.addi %add3A_100, %add3A_101 : i32
      %add3A_103 = vector.broadcast %add3A_102 : i32 to vector<16xi32>
      %add3A_104 = arith.addi %add3A_103, %iota3A : vector<16xi32>
      %gather3A_105 = tpu.vector_load_idx %arg11[%add3A_104] : memref<40960xf32, #tpu.memory_space<vmem>>[vector<16xi32>], vector<16xf32>,
      %mul3A_106 = arith.mulf %gather3A_105, %div3A_86 : vector<16xf32>
      tpu.vector_store_idx %arg11[%add3A_104], %mul3A_106 : memref<40960xf32, #tpu.memory_space<vmem>>[vector<16xi32>], vector<16xf32>,
      %add3A_107 = arith.constant 1 : i32
      %add3A_108 = vector.broadcast %add3A_107 : i32 to vector<16xi32>
      %add3A_109 = arith.addi %broadcast_in_dim3A_78, %add3A_108 : vector<16xi32>
      %gather3A_110 = tpu.vector_load_idx %arg12[%add3A_109] : memref<1296xf32, #tpu.memory_space<vmem>>[vector<16xi32>], vector<16xf32>,
      %add3A_111 = arith.constant 1.000000e-16 : f32
      %add3A_112 = vector.broadcast %add3A_111 : f32 to vector<16xf32>
      %add3A_113 = arith.addf %gather3A_110, %add3A_112 : vector<16xf32>
      %div3A_114 = arith.constant 1.000000e+00 : f32
      %div3A_115 = vector.broadcast %div3A_114 : f32 to vector<16xf32>
      %div3A_116 = arith.divf %div3A_115, %add3A_113 : vector<16xf32>
      %mul3A_117 = arith.constant 128 : i32
      %mul3A_118 = arith.muli %add3A_75, %mul3A_117 : i32
      %add3A_119 = arith.constant 32 : i32
      %add3A_120 = arith.addi %mul3A_118, %add3A_119 : i32
      %add3A_121 = arith.constant 0 : i32
      %add3A_122 = arith.addi %add3A_120, %add3A_121 : i32
      %add3A_123 = vector.broadcast %add3A_122 : i32 to vector<16xi32>
      %add3A_124 = arith.addi %add3A_123, %iota3A : vector<16xi32>
      %gather3A_125 = tpu.vector_load_idx %arg11[%add3A_124] : memref<40960xf32, #tpu.memory_space<vmem>>[vector<16xi32>], vector<16xf32>,
      %mul3A_126 = arith.mulf %gather3A_125, %div3A_116 : vector<16xf32>
      tpu.vector_store_idx %arg11[%add3A_124], %mul3A_126 : memref<40960xf32, #tpu.memory_space<vmem>>[vector<16xi32>], vector<16xf32>,
      %mul3A_127 = arith.constant 128 : i32
      %mul3A_128 = arith.muli %add3A_75, %mul3A_127 : i32
      %add3A_129 = arith.constant 32 : i32
      %add3A_130 = arith.addi %mul3A_128, %add3A_129 : i32
      %add3A_131 = arith.constant 16 : i32
      %add3A_132 = arith.addi %add3A_130, %add3A_131 : i32
      %add3A_133 = vector.broadcast %add3A_132 : i32 to vector<16xi32>
      %add3A_134 = arith.addi %add3A_133, %iota3A : vector<16xi32>
      %gather3A_135 = tpu.vector_load_idx %arg11[%add3A_134] : memref<40960xf32, #tpu.memory_space<vmem>>[vector<16xi32>], vector<16xf32>,
      %mul3A_136 = arith.mulf %gather3A_135, %div3A_116 : vector<16xf32>
      tpu.vector_store_idx %arg11[%add3A_134], %mul3A_136 : memref<40960xf32, #tpu.memory_space<vmem>>[vector<16xi32>], vector<16xf32>,
      %add3A_137 = arith.constant 2 : i32
      %add3A_138 = vector.broadcast %add3A_137 : i32 to vector<16xi32>
      %add3A_139 = arith.addi %broadcast_in_dim3A_78, %add3A_138 : vector<16xi32>
      %gather3A_140 = tpu.vector_load_idx %arg12[%add3A_139] : memref<1296xf32, #tpu.memory_space<vmem>>[vector<16xi32>], vector<16xf32>,
      %add3A_141 = arith.constant 1.000000e-16 : f32
      %add3A_142 = vector.broadcast %add3A_141 : f32 to vector<16xf32>
      %add3A_143 = arith.addf %gather3A_140, %add3A_142 : vector<16xf32>
      %div3A_144 = arith.constant 1.000000e+00 : f32
      %div3A_145 = vector.broadcast %div3A_144 : f32 to vector<16xf32>
      %div3A_146 = arith.divf %div3A_145, %add3A_143 : vector<16xf32>
      %mul3A_147 = arith.constant 128 : i32
      %mul3A_148 = arith.muli %add3A_75, %mul3A_147 : i32
      %add3A_149 = arith.constant 64 : i32
      %add3A_150 = arith.addi %mul3A_148, %add3A_149 : i32
      %add3A_151 = arith.constant 0 : i32
      %add3A_152 = arith.addi %add3A_150, %add3A_151 : i32
      %add3A_153 = vector.broadcast %add3A_152 : i32 to vector<16xi32>
      %add3A_154 = arith.addi %add3A_153, %iota3A : vector<16xi32>
      %gather3A_155 = tpu.vector_load_idx %arg11[%add3A_154] : memref<40960xf32, #tpu.memory_space<vmem>>[vector<16xi32>], vector<16xf32>,
      %mul3A_156 = arith.mulf %gather3A_155, %div3A_146 : vector<16xf32>
      tpu.vector_store_idx %arg11[%add3A_154], %mul3A_156 : memref<40960xf32, #tpu.memory_space<vmem>>[vector<16xi32>], vector<16xf32>,
      %mul3A_157 = arith.constant 128 : i32
      %mul3A_158 = arith.muli %add3A_75, %mul3A_157 : i32
      %add3A_159 = arith.constant 64 : i32
      %add3A_160 = arith.addi %mul3A_158, %add3A_159 : i32
      %add3A_161 = arith.constant 16 : i32
      %add3A_162 = arith.addi %add3A_160, %add3A_161 : i32
      %add3A_163 = vector.broadcast %add3A_162 : i32 to vector<16xi32>
      %add3A_164 = arith.addi %add3A_163, %iota3A : vector<16xi32>
      %gather3A_165 = tpu.vector_load_idx %arg11[%add3A_164] : memref<40960xf32, #tpu.memory_space<vmem>>[vector<16xi32>], vector<16xf32>,
      %mul3A_166 = arith.mulf %gather3A_165, %div3A_146 : vector<16xf32>
      tpu.vector_store_idx %arg11[%add3A_164], %mul3A_166 : memref<40960xf32, #tpu.memory_space<vmem>>[vector<16xi32>], vector<16xf32>,
      %add3A_167 = arith.constant 3 : i32
      %add3A_168 = vector.broadcast %add3A_167 : i32 to vector<16xi32>
      %add3A_169 = arith.addi %broadcast_in_dim3A_78, %add3A_168 : vector<16xi32>
      %gather3A_170 = tpu.vector_load_idx %arg12[%add3A_169] : memref<1296xf32, #tpu.memory_space<vmem>>[vector<16xi32>], vector<16xf32>,
      %add3A_171 = arith.constant 1.000000e-16 : f32
      %add3A_172 = vector.broadcast %add3A_171 : f32 to vector<16xf32>
      %add3A_173 = arith.addf %gather3A_170, %add3A_172 : vector<16xf32>
      %div3A_174 = arith.constant 1.000000e+00 : f32
      %div3A_175 = vector.broadcast %div3A_174 : f32 to vector<16xf32>
      %div3A_176 = arith.divf %div3A_175, %add3A_173 : vector<16xf32>
      %mul3A_177 = arith.constant 128 : i32
      %mul3A_178 = arith.muli %add3A_75, %mul3A_177 : i32
      %add3A_179 = arith.constant 96 : i32
      %add3A_180 = arith.addi %mul3A_178, %add3A_179 : i32
      %add3A_181 = arith.constant 0 : i32
      %add3A_182 = arith.addi %add3A_180, %add3A_181 : i32
      %add3A_183 = vector.broadcast %add3A_182 : i32 to vector<16xi32>
      %add3A_184 = arith.addi %add3A_183, %iota3A : vector<16xi32>
      %gather3A_185 = tpu.vector_load_idx %arg11[%add3A_184] : memref<40960xf32, #tpu.memory_space<vmem>>[vector<16xi32>], vector<16xf32>,
      %mul3A_186 = arith.mulf %gather3A_185, %div3A_176 : vector<16xf32>
      tpu.vector_store_idx %arg11[%add3A_184], %mul3A_186 : memref<40960xf32, #tpu.memory_space<vmem>>[vector<16xi32>], vector<16xf32>,
      %mul3A_187 = arith.constant 128 : i32
      %mul3A_188 = arith.muli %add3A_75, %mul3A_187 : i32
      %add3A_189 = arith.constant 96 : i32
      %add3A_190 = arith.addi %mul3A_188, %add3A_189 : i32
      %add3A_191 = arith.constant 16 : i32
      %add3A_192 = arith.addi %add3A_190, %add3A_191 : i32
      %add3A_193 = vector.broadcast %add3A_192 : i32 to vector<16xi32>
      %add3A_194 = arith.addi %add3A_193, %iota3A : vector<16xi32>
      %gather3A_195 = tpu.vector_load_idx %arg11[%add3A_194] : memref<40960xf32, #tpu.memory_space<vmem>>[vector<16xi32>], vector<16xf32>,
      %mul3A_196 = arith.mulf %gather3A_195, %div3A_176 : vector<16xf32>
      tpu.vector_store_idx %arg11[%add3A_194], %mul3A_196 : memref<40960xf32, #tpu.memory_space<vmem>>[vector<16xi32>], vector<16xf32>,
    }
    %scan3A_68 = arith.constant 320 : i32
    %mul3A_69 = arith.constant 128 : i32
    %mul3A_70 = arith.muli %mul3A_2, %mul3A_69 : i32
    "tpu.region"() ({
      %run_scoped3A = tpu.sem_alloc : memref<!tpu.dma_semaphore, #tpu.memory_space<semaphore_mem>>
      %dma_start3A_71 = tpu.memref_slice %arg8[%mul3A_70] : memref<1310720xf32, #tpu.memory_space<hbm>> -> memref<40960xf32, #tpu.memory_space<hbm>>
      %dma_start3A_72 = tpu.memref_slice %arg8[%mul3A_70] : memref<1310720xf32, #tpu.memory_space<hbm>> -> memref<40960xf32, #tpu.memory_space<hbm>>
      tpu.enqueue_dma source(%arg11 : memref<40960xf32, #tpu.memory_space<vmem>>) target(%dma_start3A_72 : memref<40960xf32, #tpu.memory_space<hbm>>) target_semaphore(%run_scoped3A : memref<!tpu.dma_semaphore, #tpu.memory_space<semaphore_mem>>)
      %dma_wait3A = tpu.memref_slice %arg8[%mul3A_70] : memref<1310720xf32, #tpu.memory_space<hbm>> -> memref<40960xf32, #tpu.memory_space<hbm>>
      %dma_wait3A_73 = tpu.memref_slice %arg8[%mul3A_70] : memref<1310720xf32, #tpu.memory_space<hbm>> -> memref<40960xf32, #tpu.memory_space<hbm>>
      tpu.wait_dma2 semaphore(%run_scoped3A : memref<!tpu.dma_semaphore, #tpu.memory_space<semaphore_mem>>) src(%arg11 : memref<40960xf32, #tpu.memory_space<vmem>>) dst(%dma_wait3A_73 : memref<40960xf32, #tpu.memory_space<hbm>>)
      tpu.yield
    }) : () -> ()
    return
  }
}

module attributes {stable_mosaic.version = 14 : i64} {
  func.func @_pre_body(%arg0: i32, %arg1: memref<1000x128xf32, #tpu.memory_space<vmem>>, %arg2: memref<128x128xf32, #tpu.memory_space<vmem>>, %arg3: memref<128x8xf32, #tpu.memory_space<vmem>>, %arg4: memref<1000x128xf32, #tpu.memory_space<vmem>>, %arg5: memref<1000x8xf32, #tpu.memory_space<vmem>>, %arg6: memref<1x8xf32, #tpu.memory_space<vmem>>) attributes {dimension_semantics = [#tpu.dimension_semantics<arbitrary>], iteration_bounds = array<i64: 10>, scalar_prefetch = 0 : i64, scratch_operands = 0 : i64, tpu.core_type = #tpu.core_type<tc>, window_params = [{transform_indices = @transform_0, window_bounds = array<i64: 1000, 128>}, {pipeline_mode = #tpu.pipeline_mode<synchronous>, transform_indices = @transform_1, window_bounds = array<i64: 128, 128>}, {pipeline_mode = #tpu.pipeline_mode<synchronous>, transform_indices = @transform_2, window_bounds = array<i64: 128, 8>}, {transform_indices = @transform_3, window_bounds = array<i64: 1000, 128>}, {transform_indices = @transform_4, window_bounds = array<i64: 1000, 8>}, {pipeline_mode = #tpu.pipeline_mode<synchronous>, transform_indices = @transform_5, window_bounds = array<i64: 1, 8>}]} {
    %get3A = arith.constant 0 : index
    %get3A_0 = arith.constant 0 : index
    %get3A_1 = vector.load %arg1[%get3A, %get3A_0] : memref<1000x128xf32, #tpu.memory_space<vmem>>, vector<1000x128xf32>
    %get3A_2 = arith.constant 0 : index
    %get3A_3 = arith.constant 0 : index
    %get3A_4 = vector.load %arg2[%get3A_2, %get3A_3] : memref<128x128xf32, #tpu.memory_space<vmem>>, vector<128x128xf32>
    %dot_general3A = arith.constant dense<0.000000e+00> : vector<1000x128xf32>
    %dot_general3A_5 = tpu.matmul %get3A_1, %get3A_4, %dot_general3A {dimension_numbers = #tpu.dot_dimension_numbers<[1], [0], [0], [1], [0, 0, 1, 1], [], []>, transpose_lhs_hint = false} : vector<1000x128xf32>, vector<128x128xf32>, vector<1000x128xf32> -> vector<1000x128xf32>
    %get3A_6 = arith.constant 0 : index
    %get3A_7 = arith.constant 0 : index
    %get3A_8 = vector.load %arg3[%get3A_6, %get3A_7] : memref<128x8xf32, #tpu.memory_space<vmem>>, vector<128x8xf32>
    %dot_general3A_9 = arith.constant dense<0.000000e+00> : vector<1000x8xf32>
    %dot_general3A_10 = tpu.matmul %dot_general3A_5, %get3A_8, %dot_general3A_9 {dimension_numbers = #tpu.dot_dimension_numbers<[1], [0], [0], [1], [0, 0, 1, 1], [], []>, transpose_lhs_hint = false} : vector<1000x128xf32>, vector<128x8xf32>, vector<1000x8xf32> -> vector<1000x8xf32>
    %swap3A = arith.constant 0 : index
    %swap3A_11 = arith.constant 0 : index
    %swap3A_12 = vector.load %arg4[%swap3A, %swap3A_11] : memref<1000x128xf32, #tpu.memory_space<vmem>>, vector<1000x128xf32>
    tpu.vector_store %arg4[%swap3A, %swap3A_11], %dot_general3A_5 {strides = array<i32>} : memref<1000x128xf32, #tpu.memory_space<vmem>>, vector<1000x128xf32>,
    %swap3A_13 = arith.constant 0 : index
    %swap3A_14 = arith.constant 0 : index
    %swap3A_15 = vector.load %arg5[%swap3A_13, %swap3A_14] : memref<1000x8xf32, #tpu.memory_space<vmem>>, vector<1000x8xf32>
    tpu.vector_store %arg5[%swap3A_13, %swap3A_14], %dot_general3A_10 {strides = array<i32>} : memref<1000x8xf32, #tpu.memory_space<vmem>>, vector<1000x8xf32>,
    %reduce_max3A = arith.constant dense<0xFF800000> : vector<8xf32>
    %reduce_max3A_16 = vector.multi_reduction <maximumf>, %dot_general3A_10, %reduce_max3A [0] : vector<1000x8xf32> to vector<8xf32>
    %broadcast_in_dim3A = vector.shape_cast %reduce_max3A_16 : vector<8xf32> to vector<1x8xf32>
    %eq3A = arith.constant 0 : i32
    %eq3A_17 = arith.cmpi eq, %arg0, %eq3A : i32
    %convert_element_type3A = arith.extui %eq3A_17 : i1 to i32
    %cond3A = arith.constant 0 : i32
    %cond3A_18 = arith.cmpi ne, %convert_element_type3A, %cond3A : i32
    scf.if %cond3A_18 {
      %swap3A_23 = arith.constant 0 : index
      %swap3A_24 = arith.constant 0 : index
      %swap3A_25 = vector.load %arg6[%swap3A_23, %swap3A_24] : memref<1x8xf32, #tpu.memory_space<vmem>>, vector<1x8xf32>
      tpu.vector_store %arg6[%swap3A_23, %swap3A_24], %broadcast_in_dim3A {strides = array<i32>} : memref<1x8xf32, #tpu.memory_space<vmem>>, vector<1x8xf32>,
    } else {
    }
    %ne3A = arith.constant 0 : i32
    %ne3A_19 = arith.cmpi ne, %arg0, %ne3A : i32
    %convert_element_type3A_20 = arith.extui %ne3A_19 : i1 to i32
    %cond3A_21 = arith.constant 0 : i32
    %cond3A_22 = arith.cmpi ne, %convert_element_type3A_20, %cond3A_21 : i32
    scf.if %cond3A_22 {
      %get3A_23 = arith.constant 0 : index
      %get3A_24 = arith.constant 0 : index
      %get3A_25 = vector.load %arg6[%get3A_23, %get3A_24] : memref<1x8xf32, #tpu.memory_space<vmem>>, vector<1x8xf32>
      %max3A = arith.maximumf %get3A_25, %broadcast_in_dim3A : vector<1x8xf32>
      %swap3A_26 = arith.constant 0 : index
      %swap3A_27 = arith.constant 0 : index
      %swap3A_28 = vector.load %arg6[%swap3A_26, %swap3A_27] : memref<1x8xf32, #tpu.memory_space<vmem>>, vector<1x8xf32>
      tpu.vector_store %arg6[%swap3A_26, %swap3A_27], %max3A {strides = array<i32>} : memref<1x8xf32, #tpu.memory_space<vmem>>, vector<1x8xf32>,
    } else {
    }
    return
  }
  func.func @transform_0(%arg0: i32) -> (i32, i32) {
    %c0_i32 = arith.constant 0 : i32
    %c0_i32_0 = arith.constant 0 : i32
    return %arg0, %c0_i32 : i32, i32
  }
  func.func @transform_1(%arg0: i32) -> (i32, i32) {
    %c0_i32 = arith.constant 0 : i32
    %c0_i32_0 = arith.constant 0 : i32
    %c0_i32_1 = arith.constant 0 : i32
    return %c0_i32, %c0_i32_0 : i32, i32
  }
  func.func @transform_2(%arg0: i32) -> (i32, i32) {
    %c0_i32 = arith.constant 0 : i32
    %c0_i32_0 = arith.constant 0 : i32
    %c0_i32_1 = arith.constant 0 : i32
    return %c0_i32, %c0_i32_0 : i32, i32
  }
  func.func @transform_3(%arg0: i32) -> (i32, i32) {
    %c0_i32 = arith.constant 0 : i32
    %c0_i32_0 = arith.constant 0 : i32
    return %arg0, %c0_i32 : i32, i32
  }
  func.func @transform_4(%arg0: i32) -> (i32, i32) {
    %c0_i32 = arith.constant 0 : i32
    %c0_i32_0 = arith.constant 0 : i32
    return %arg0, %c0_i32 : i32, i32
  }
  func.func @transform_5(%arg0: i32) -> (i32, i32) {
    %c0_i32 = arith.constant 0 : i32
    %c0_i32_0 = arith.constant 0 : i32
    %c0_i32_1 = arith.constant 0 : i32
    return %c0_i32, %c0_i32_0 : i32, i32
  }
}

module attributes {stable_mosaic.version = 14 : i64} {
  func.func @_gru_body(%arg0: i32, %arg1: memref<1000x128xf32, #tpu.memory_space<vmem>>, %arg2: memref<1000x128xf32, #tpu.memory_space<vmem>>, %arg3: memref<128x384xf32, #tpu.memory_space<vmem>>, %arg4: memref<128x384xf32, #tpu.memory_space<vmem>>, %arg5: memref<1x384xf32, #tpu.memory_space<vmem>>, %arg6: memref<1x384xf32, #tpu.memory_space<vmem>>, %arg7: memref<1000x128xf32, #tpu.memory_space<vmem>>) attributes {dimension_semantics = [#tpu.dimension_semantics<arbitrary>], iteration_bounds = array<i64: 10>, scalar_prefetch = 0 : i64, scratch_operands = 0 : i64, tpu.core_type = #tpu.core_type<tc>, window_params = [{transform_indices = @transform_0, window_bounds = array<i64: 1000, 128>}, {transform_indices = @transform_1, window_bounds = array<i64: 1000, 128>}, {pipeline_mode = #tpu.pipeline_mode<synchronous>, transform_indices = @transform_2, window_bounds = array<i64: 128, 384>}, {pipeline_mode = #tpu.pipeline_mode<synchronous>, transform_indices = @transform_3, window_bounds = array<i64: 128, 384>}, {pipeline_mode = #tpu.pipeline_mode<synchronous>, transform_indices = @transform_4, window_bounds = array<i64: 1, 384>}, {pipeline_mode = #tpu.pipeline_mode<synchronous>, transform_indices = @transform_5, window_bounds = array<i64: 1, 384>}, {transform_indices = @transform_6, window_bounds = array<i64: 1000, 128>}]} {
    %get3A = arith.constant 0 : index
    %get3A_0 = arith.constant 0 : index
    %get3A_1 = vector.load %arg1[%get3A, %get3A_0] : memref<1000x128xf32, #tpu.memory_space<vmem>>, vector<1000x128xf32>
    %get3A_2 = arith.constant 0 : index
    %get3A_3 = arith.constant 0 : index
    %get3A_4 = vector.load %arg3[%get3A_2, %get3A_3] : memref<128x384xf32, #tpu.memory_space<vmem>>, vector<128x384xf32>
    %dot_general3A = arith.constant dense<0.000000e+00> : vector<1000x384xf32>
    %dot_general3A_5 = tpu.matmul %get3A_1, %get3A_4, %dot_general3A {dimension_numbers = #tpu.dot_dimension_numbers<[1], [0], [0], [1], [0, 0, 1, 1], [], []>, transpose_lhs_hint = false} : vector<1000x128xf32>, vector<128x384xf32>, vector<1000x384xf32> -> vector<1000x384xf32>
    %get3A_6 = arith.constant 0 : index
    %get3A_7 = arith.constant 0 : index
    %get3A_8 = vector.load %arg5[%get3A_6, %get3A_7] : memref<1x384xf32, #tpu.memory_space<vmem>>, vector<1x384xf32>
    %add3A = vector.broadcast %get3A_8 : vector<1x384xf32> to vector<1000x384xf32>
    %add3A_9 = arith.addf %dot_general3A_5, %add3A : vector<1000x384xf32>
    %get3A_10 = arith.constant 0 : index
    %get3A_11 = arith.constant 0 : index
    %get3A_12 = vector.load %arg2[%get3A_10, %get3A_11] : memref<1000x128xf32, #tpu.memory_space<vmem>>, vector<1000x128xf32>
    %get3A_13 = arith.constant 0 : index
    %get3A_14 = arith.constant 0 : index
    %get3A_15 = vector.load %arg4[%get3A_13, %get3A_14] : memref<128x384xf32, #tpu.memory_space<vmem>>, vector<128x384xf32>
    %dot_general3A_16 = arith.constant dense<0.000000e+00> : vector<1000x384xf32>
    %dot_general3A_17 = tpu.matmul %get3A_12, %get3A_15, %dot_general3A_16 {dimension_numbers = #tpu.dot_dimension_numbers<[1], [0], [0], [1], [0, 0, 1, 1], [], []>, transpose_lhs_hint = false} : vector<1000x128xf32>, vector<128x384xf32>, vector<1000x384xf32> -> vector<1000x384xf32>
    %get3A_18 = arith.constant 0 : index
    %get3A_19 = arith.constant 0 : index
    %get3A_20 = vector.load %arg6[%get3A_18, %get3A_19] : memref<1x384xf32, #tpu.memory_space<vmem>>, vector<1x384xf32>
    %add3A_21 = vector.broadcast %get3A_20 : vector<1x384xf32> to vector<1000x384xf32>
    %add3A_22 = arith.addf %dot_general3A_17, %add3A_21 : vector<1000x384xf32>
    %slice3A = vector.extract_strided_slice %add3A_9 {offsets = [0, 0], sizes = [1000, 128], strides = [1, 1]} : vector<1000x384xf32> to vector<1000x128xf32>
    %slice3A_23 = vector.extract_strided_slice %add3A_22 {offsets = [0, 0], sizes = [1000, 128], strides = [1, 1]} : vector<1000x384xf32> to vector<1000x128xf32>
    %add3A_24 = arith.addf %slice3A, %slice3A_23 : vector<1000x128xf32>
    %logistic3A = arith.negf %add3A_24 : vector<1000x128xf32>
    %logistic3A_25 = math.exp %logistic3A : vector<1000x128xf32>
    %logistic3A_26 = arith.constant 1.000000e+00 : f32
    %logistic3A_27 = vector.broadcast %logistic3A_26 : f32 to vector<1000x128xf32>
    %logistic3A_28 = arith.addf %logistic3A_27, %logistic3A_25 : vector<1000x128xf32>
    %logistic3A_29 = arith.divf %logistic3A_27, %logistic3A_28 : vector<1000x128xf32>
    %slice3A_30 = vector.extract_strided_slice %add3A_9 {offsets = [0, 128], sizes = [1000, 128], strides = [1, 1]} : vector<1000x384xf32> to vector<1000x128xf32>
    %slice3A_31 = vector.extract_strided_slice %add3A_22 {offsets = [0, 128], sizes = [1000, 128], strides = [1, 1]} : vector<1000x384xf32> to vector<1000x128xf32>
    %add3A_32 = arith.addf %slice3A_30, %slice3A_31 : vector<1000x128xf32>
    %logistic3A_33 = arith.negf %add3A_32 : vector<1000x128xf32>
    %logistic3A_34 = math.exp %logistic3A_33 : vector<1000x128xf32>
    %logistic3A_35 = arith.constant 1.000000e+00 : f32
    %logistic3A_36 = vector.broadcast %logistic3A_35 : f32 to vector<1000x128xf32>
    %logistic3A_37 = arith.addf %logistic3A_36, %logistic3A_34 : vector<1000x128xf32>
    %logistic3A_38 = arith.divf %logistic3A_36, %logistic3A_37 : vector<1000x128xf32>
    %slice3A_39 = vector.extract_strided_slice %add3A_9 {offsets = [0, 256], sizes = [1000, 128], strides = [1, 1]} : vector<1000x384xf32> to vector<1000x128xf32>
    %slice3A_40 = vector.extract_strided_slice %add3A_22 {offsets = [0, 256], sizes = [1000, 128], strides = [1, 1]} : vector<1000x384xf32> to vector<1000x128xf32>
    %mul3A = arith.mulf %logistic3A_29, %slice3A_40 : vector<1000x128xf32>
    %add3A_41 = arith.addf %slice3A_39, %mul3A : vector<1000x128xf32>
    %tanh3A = math.tanh %add3A_41 : vector<1000x128xf32>
    %sub3A = arith.constant 1.000000e+00 : f32
    %sub3A_42 = vector.broadcast %sub3A : f32 to vector<1000x128xf32>
    %sub3A_43 = arith.subf %sub3A_42, %logistic3A_38 : vector<1000x128xf32>
    %mul3A_44 = arith.mulf %sub3A_43, %tanh3A : vector<1000x128xf32>
    %get3A_45 = arith.constant 0 : index
    %get3A_46 = arith.constant 0 : index
    %get3A_47 = vector.load %arg2[%get3A_45, %get3A_46] : memref<1000x128xf32, #tpu.memory_space<vmem>>, vector<1000x128xf32>
    %mul3A_48 = arith.mulf %logistic3A_38, %get3A_47 : vector<1000x128xf32>
    %add3A_49 = arith.addf %mul3A_44, %mul3A_48 : vector<1000x128xf32>
    %swap3A = arith.constant 0 : index
    %swap3A_50 = arith.constant 0 : index
    %swap3A_51 = vector.load %arg7[%swap3A, %swap3A_50] : memref<1000x128xf32, #tpu.memory_space<vmem>>, vector<1000x128xf32>
    tpu.vector_store %arg7[%swap3A, %swap3A_50], %add3A_49 {strides = array<i32>} : memref<1000x128xf32, #tpu.memory_space<vmem>>, vector<1000x128xf32>,
    return
  }
  func.func @transform_0(%arg0: i32) -> (i32, i32) {
    %c0_i32 = arith.constant 0 : i32
    %c0_i32_0 = arith.constant 0 : i32
    return %arg0, %c0_i32 : i32, i32
  }
  func.func @transform_1(%arg0: i32) -> (i32, i32) {
    %c0_i32 = arith.constant 0 : i32
    %c0_i32_0 = arith.constant 0 : i32
    return %arg0, %c0_i32 : i32, i32
  }
  func.func @transform_2(%arg0: i32) -> (i32, i32) {
    %c0_i32 = arith.constant 0 : i32
    %c0_i32_0 = arith.constant 0 : i32
    %c0_i32_1 = arith.constant 0 : i32
    return %c0_i32, %c0_i32_0 : i32, i32
  }
  func.func @transform_3(%arg0: i32) -> (i32, i32) {
    %c0_i32 = arith.constant 0 : i32
    %c0_i32_0 = arith.constant 0 : i32
    %c0_i32_1 = arith.constant 0 : i32
    return %c0_i32, %c0_i32_0 : i32, i32
  }
  func.func @transform_4(%arg0: i32) -> (i32, i32) {
    %c0_i32 = arith.constant 0 : i32
    %c0_i32_0 = arith.constant 0 : i32
    %c0_i32_1 = arith.constant 0 : i32
    return %c0_i32, %c0_i32_0 : i32, i32
  }
  func.func @transform_5(%arg0: i32) -> (i32, i32) {
    %c0_i32 = arith.constant 0 : i32
    %c0_i32_0 = arith.constant 0 : i32
    %c0_i32_1 = arith.constant 0 : i32
    return %c0_i32, %c0_i32_0 : i32, i32
  }
  func.func @transform_6(%arg0: i32) -> (i32, i32) {
    %c0_i32 = arith.constant 0 : i32
    %c0_i32_0 = arith.constant 0 : i32
    return %arg0, %c0_i32 : i32, i32
  }
}

</mosaic_0001>

<sc_bundles>
// kernel: kernel.5.cloned.1.call-start
scs
__scs_entry_jumppad:
0x0: {  	(pc) =	sbr.rel $0x88, $3  }
0x1: {  	(tag) =	ssettag $0x0;
	lr =	simm.s32 $0x1  }
0x2: {  	[smem:$0x3F99] =	sst lr;
	_ =	strace $0xD0000000  }
0x3: {  	_ = 	snop  }
0x4: {  	_ = 	snop  }
0x5: {  	_ = 	snop  }
0x6: {  	_ = 	snop  }
0x7: {  	_ = 	snop  }
__scs_overlays_trampoline_lowered:
0x8: {  	[smem:$0x3FA8] =	sst s0  }
0x9: {  	[smem:$0x3FA9] =	sst s1  }
0xa: {  	[smem:$0x3FAA] =	sst s2  }
0xb: {  	[smem:$0x3FAB] =	sst s3  }
0xc: {  	[smem:$0x3FAC] =	sst s4  }
0xd: {  	[smem:$0x3FAD] =	sst s5  }
0xe: {  	[smem:$0x3FAE] =	sst s6  }
0xf: {  	[smem:$0x3FAF] =	sst s7  }
0x10: {  	[smem:$0x3FB0] =	sst s8  }
0x11: {  	[smem:$0x3FB1] =	sst s9;
	s0 =	simm.s32 @!p0 $0x0  }
0x12: {  	s1 =	sld [smem:$0x3F97];
	s0 =	simm.s32 @p0 $0x1  }
0x13: {  	[smem:$0x3FB2] =	sst s0;
	s0 =	simm.s32 @!p1 $0x0  }
0x14: {  	s2 =	sld [smem:$0x3F96];
	s0 =	simm.s32 @p1 $0x1  }
0x15: {  	[smem:$0x3FB3] =	sst s0;
	s0 =	simm.s32 @!p2 $0x0  }
0x16: {  	s3 =	sld [smem:$0x3FDB];
	s0 =	simm.s32 @p2 $0x1  }
0x17: {  	s4 =	simm.s32 $0x1BF5;
	[smem:$0x3FB5] =	sst s0  }
0x18: {  	s0 =	sld [smem:$0x3F98];
	_ =	swait.ge [sflag:s4], $0x0  }
0x19: {  	s7 =	sld [smem:$0x3F99]  }
0x1a: {  	s8 =	sadd.s32 $0xFFFFE003, lr  }
0x1b: {  	s9 =	sadd.s32 $0xFFFFFEF7, lr;
	s5 =	simm.s32 $0xFFFFFFFF;
	p2 =	slt.u32 s8, $0xFFFFF086  }
0x1c: {  	p1 =	slt.u32 s9, $0xF7A;
	s5 =	simm.s32 @!p2 $0x0  }
0x1d: {  	s5 =	simm.s32 @p1 $0x1;
	p0 =	seq.s32 s7, s2  }
0x1e: {  	s7 =	smul.u32 @!p0 $0xF7A, s2;
	p2 =	seq.s32 @!p0 s5, $0x0  }
0x1f: {  	s9 =	smul.u32 $0xF7A, s1;
	s8 =	simm.s32 @!p0 $0x1BF5;
	p2 =	por !p2, p0  }
0x20: {  	[sflag:s8] =	ssyncset.s32 @!p0 $0xFFFFF086;
	s6 =	sadd.s32 @!p0 s3, s7;
	s7 =	simm.s32 @!p0 $0x108  }
0x21: {  	s3 =	sadd.s32 s3, s9;
	s6 =	sadd.s32 @!p0 $0x88, s6;
	s7 =	simm.s32 @p2 $0x1082  }
0x22: {  	[simem:s7], [sflag:s8] =	dma.local @!p0 [hbm:s6], $0xF7A  }
0x23: {  	s9 =	sor.u32 $0xD0000000, s2;
	s6 =	simm.s32 $0x108;
	_ =	swait.ge @!p0 [sflag:s8], $0x0  }
0x24: {  	s3 =	sadd.s32 $0x88, s3;
	s6 =	simm.s32 @!p1 $0x1082;
	[sflag:s4] =	ssyncset.s32 $0xFFFFF086  }
0x25: {  	[simem:s6], [sflag:s4] =	dma.local [hbm:s3], $0xF7A  }
0x26: {  	[smem:$0x3F99] =	sst s1;
	(tag) =	ssettag s2;
	_ =	strace s9  }
0x27: {  	s1 =	sld [smem:$0x3FA9]  }
0x28: {  	s2 =	sld [smem:$0x3FAA]  }
0x29: {  	s4 =	sld [smem:$0x3FAC]  }
0x2a: {  	p0 =	seq.s32 s5, $0x0;
	s5 =	sld [smem:$0x3FAD]  }
0x2b: {  	s6 =	sld [smem:$0x3FAE]  }
0x2c: {  	s7 =	sld [smem:$0x3FAF]  }
0x2d: {  	s3 =	simm.s32 $0x108;
	s8 =	sld [smem:$0x3FB0]  }
0x2e: {  	s3 =	simm.s32 @!p0 $0x1082;
	s9 =	sld [smem:$0x3FB1]  }
0x2f: {  	lr =	sadd.s32 s0, s3;
	s0 =	sld [smem:$0x3FA8]  }
0x30: {  	s3 =	sld [smem:$0x3FAB]  }
0x31: {  	[smem:$0x3FB4] =	sst s10  }
0x32: {  	s10 =	sld [smem:$0x3FB2];
	_ =	sdelay $0x3  }
0x33: {  	p0 =	seq.s32 s10, $0x1;
	s10 =	sld [smem:$0x3FB4];
	_ =	sdelay $0x3  }
0x34: {  	[smem:$0x3FB4] =	sst s10  }
0x35: {  	s10 =	sld [smem:$0x3FB3];
	_ =	sdelay $0x3  }
0x36: {  	p1 =	seq.s32 s10, $0x1;
	s10 =	sld [smem:$0x3FB4];
	_ =	sdelay $0x3  }
0x37: {  	[smem:$0x3FB4] =	sst s10  }
0x38: {  	s10 =	sld [smem:$0x3FB5]  }
0x39: {  	_ = 	snop;
	(pc) =	sbr.ind lr, $3  }
0x3a: {  	_ = 	snop  }
0x3b: {  	_ = 	snop  }
0x3c: {  	p2 =	seq.s32 s10, $0x1;
	s10 =	sld [smem:$0x3FB4]  }
0x3d: {  	_ =	shalt  }
0x3e: {  	_ =	shalt  }
0x3f: {  	_ =	shalt  }
0x40: {  	_ =	shalt  }
0x41: {  	_ =	shalt  }
0x42: {  	_ =	shalt  }
0x43: {  	_ =	shalt  }
0x44: {  	_ =	shalt  }
0x45: {  	_ =	shalt  }
0x46: {  	_ =	shalt  }
0x47: {  	_ =	shalt  }
0x48: {  	_ =	shalt  }
0x49: {  	_ =	shalt  }
0x4a: {  	_ =	shalt  }
0x4b: {  	_ =	shalt  }
0x4c: {  	_ =	shalt  }
0x4d: {  	_ =	shalt  }
0x4e: {  	_ =	shalt  }
0x4f: {  	_ =	shalt  }
0x50: {  	_ =	shalt  }
0x51: {  	_ =	shalt  }
0x52: {  	_ =	shalt  }
0x53: {  	_ =	shalt  }
0x54: {  	_ =	shalt  }
0x55: {  	_ =	shalt  }
0x56: {  	_ =	shalt  }
0x57: {  	_ =	shalt  }
0x58: {  	_ =	shalt  }
0x59: {  	_ =	shalt  }
0x5a: {  	_ =	shalt  }
0x5b: {  	_ =	shalt  }
0x5c: {  	_ =	shalt  }
0x5d: {  	_ =	shalt  }
0x5e: {  	_ =	shalt  }
0x5f: {  	_ =	shalt  }
0x60: {  	_ =	shalt  }
0x61: {  	_ =	shalt  }
0x62: {  	_ =	shalt  }
0x63: {  	_ =	shalt  }
0x64: {  	_ =	shalt  }
0x65: {  	_ =	shalt  }
0x66: {  	_ =	shalt  }
0x67: {  	_ =	shalt  }
0x68: {  	_ =	shalt  }
0x69: {  	_ =	shalt  }
0x6a: {  	_ =	shalt  }
0x6b: {  	_ =	shalt  }
0x6c: {  	_ =	shalt  }
0x6d: {  	_ =	shalt  }
0x6e: {  	_ =	shalt  }
0x6f: {  	_ =	shalt  }
0x70: {  	_ =	shalt  }
0x71: {  	_ =	shalt  }
0x72: {  	_ =	shalt  }
0x73: {  	_ =	shalt  }
0x74: {  	_ =	shalt  }
0x75: {  	_ =	shalt  }
0x76: {  	_ =	shalt  }
0x77: {  	_ =	shalt  }
0x78: {  	_ =	shalt  }
0x79: {  	_ =	shalt  }
0x7a: {  	_ =	shalt  }
0x7b: {  	_ =	shalt  }
0x7c: {  	_ =	shalt  }
0x7d: {  	_ =	shalt  }
0x7e: {  	_ =	shalt  }
0x7f: {  	_ =	shalt  }
0x80: {  	_ =	shalt  }
0x81: {  	_ =	shalt  }
0x82: {  	_ =	shalt  }
0x83: {  	_ =	shalt  }
0x84: {  	_ =	shalt  }
0x85: {  	_ =	shalt  }
0x86: {  	_ =	shalt  }
0x87: {  	_ =	shalt  }
.Lfunc_end0:
.L_simem_size_0:
called_computation_lowered:
.L_overlay_start_0:
0x88: {  	s2 =	sld [smem:$0x3FD9]  }
0x89: {  	s3 =	sld [smem:$0x3FFE];
	_ =	sdelay $0x1  }
0x8a: {  	s1 =	srdreg.scid  }
0x8b: {  	s0 =	sand.u32 $0x1, s1  }
0x8c: {  	s17 =	sshll.u32 s0, $0xA;
	s2 =	sadd.s32 s3, s2  }
0x8d: {  	s2 =	sadd.s32 s2, s17  }
0x8e: {  	[smem:$0x3FC0] =	sst s2  }
0x8f: {  	_ = 	snop  }
0x90: {  	s2 =	sld [smem:$0x3FD0];
	(tm) =	ssettm $0x1  }
0x91: {  	s18 =	sld [smem:$0x3FFB];
	_ =	sdelay $0x3  }
0x92: {  	_ =	strace s18  }
0x93: {  	s3 =	sld [smem:$0x3FFC];
	_ =	sdelay $0x3  }
0x94: {  	_ =	strace s3  }
0x95: {  	s3 =	sld [smem:$0x3FFD];
	_ =	sdelay $0x3  }
0x96: {  	_ =	strace s3  }
0x97: {  	_ =	strace $0x8FFFFFFF  }
0x98: {  	s19 =	sld [smem:$0x3FDB];
	_ =	sdelay $0x1  }
0x99: {  	s4 =	simm.s32 $_scs_section_size  }
0x9a: {  	s5 =	simm.s32 $_size__tile_overlayer_lowered;
	s6 =	simm.s32 $_tile_overlayer_lowered  }
0x9b: {  	s22 =	simm.s32 $0x1BFF;
	s21 =	sshll.u32 s6, $0x1;
	s3 =	sadd.s32 s4, s19  }
0x9c: {  	s7 =	simm.s32 $0x0;
	s20 =	sshll.u32 s5, $0x1;
	s5 =	sadd.s32 s21, s3  }
0x9d: {  	[timem:s7], [sflag:s22] =	dma.local [hbm:s5], s20  }
0x9e: {  	_ =	swait.ge [sflag:s22], s20  }
0x9f: {  	s4 =	ssub.s32 $0x0, s20;
	[sflag:s22] =	ssyncset.done $0x0  }
0xa0: {  	[sflag:s22] =	ssyncadd.s32 s4;
	_ =	sdelay $0x1  }
0xa1: {  	s23 =	simm.s32 $0x1B8B  }
0xa2: {  	_ =	swait.ge [sflag:s23], $0x1  }
0xa3: {  	[sflag:s23] =	ssyncset.done $0x0  }
0xa4: {  	s25 =	simm.s32 $0x1B8E;
	s24 =	sld [smem:$0x3FFE];
	[sflag:s23] =	ssyncadd.s32 $0xFFFFFFFF  }
0xa5: {  	s26 =	simm.s32 $execute0_lowered;
	[smem:$0x3FD2] =	sst s25  }
0xa6: {  	s5 =	sshll.u32 s26, $0x1;
	_ =	strace $0x80000046;
	[dreg:$0x1] =	wrdreg $0xFFFFFFFF  }
0xa7: {  	s28 =	simm.s32 $_size_execute0_lowered;
	s3 =	sadd.s32 s3, s5;
	[dreg:$0x0] =	wrdreg $0x0  }
0xa8: {  	s5 =	sshll.u32 s28, $0x1;
	[dreg:$0x2] =	wrdreg s3  }
0xa9: {  	[dreg:$0x3] =	wrdreg s5  }
0xaa: {  	[dreg:$0x4] =	wrdreg $0xC0  }
0xab: {  	_ =	task [dreg:s7], $0x5FFFF  }
0xac: {  	[dreg:$0x1] =	wrdreg $0xFFFFFFFF  }
0xad: {  	[dreg:$0x0] =	wrdreg $0x60  }
0xae: {  	[dreg:$0x2] =	wrdreg s24  }
0xaf: {  	[dreg:$0x3] =	wrdreg s2  }
0xb0: {  	[dreg:$0x4] =	wrdreg $0x9  }
0xb1: {  	_ =	task.clear_ibuf [dreg:s7], $0x5FFFF;
	_ =	strace $0x90000046  }
0xb2: {  	s29 =	simm.s32 $0x9;
	_ =	strace $0x80000048  }
0xb3: {  	_ =	swait.ge [sflag:s29], $0x1  }
0xb4: {  	[sflag:s29] =	ssyncadd.s32 $0xFFFFFFFF  }
0xb5: {  	_ =	strace $0x90000048  }
0xb6: {  	_ =	sfence  }
0xb7: {  	s30 =	sld [smem:$0x0];
	_ =	sdelay $0x2  }
0xb8: {  	s31 =	sshll.u32 s1, $0xD;
	s1 =	sshrl.u32 s1, $0x2  }
0xb9: {  	s3 =	sand.u32 $0x4000, s31;
	s1 =	sadd.s32 s1, s30  }
0xba: {  	s0 =	sor.u32 s3, s0;
	s1 =	sshll.u32 s1, $0x11  }
0xbb: {  	s0 =	sor.u32 s1, s0  }
0xbc: {  	s0 =	sadd.s32 $0x8F2B, s0  }
0xbd: {  	[sflag:s0] =	ssyncadd.remote.s32 $0x1  }
0xbe: {  	_ =	sfence.sel $0xFFFF  }
0xbf: {  	[dreg:$0x0] =	wrdreg $0xFFFFFFFF;
	(pc) =	sbr.abs _section_cstart, $3  }
0xc0: {  	[dreg:$0x1] =	wrdreg $0xFFFFFFFF  }
0xc1: {  	_ =	task.clear_ibuf [dreg:s7], $0x2FFFF;
	_ =	strace $0x9FFFFFFF  }
0xc2: {  	(tm) =	ssettm $0x7FFFFFFF  }
0xc3: {  	_ =	shalt  }
tec
execute0_lowered:
.L_overlay_start_1:
0x0: {  	(tag) =	ssettag $0x1  }
0x1: {  	s0 =	rddreg [dreg:$0x0]  }
0x2: {  	s26 =	rddreg [dreg:$0x1];
	s1 =	srdreg.scid  }
0x3: {  	s2 =	stileid.u32;
	s3 =	simm.s32 $0x0;
	s11 =	simm.s32 $0x14650  }
0x4: {  	s12 =	simm.s32 $0x152D0;
	s14 =	simm.s32 $0x9C40;
	s16 =	simm.s32 $0xA140  }
0x5: {  	s17 =	simm.s32 $0x14140;
	s18 =	simm.s32 $0x165A0;
	s19 =	simm.s32 $0x16BE0  }
0x6: {  	s20 =	simm.s32 $0x15F50;
	s28 =	simm.s32 $0x18B40;
	s29 =	simm.s32 $0x1AB40  }
0x7: {  	s1 =	sand.u32 $0x1, s1;
	[smem:$0x7FF] =	sst s3;
	s5 =	sadd.s32 $0xE400, s0  }
0x8: {  	s22 =	sadd.s32 $0x4600, s0;
	_ =	strace $0x80000047;
	[dreg:$0x3] =	wrdreg s5  }
0x9: {  	s2 =	sshll.u32 s2, $0x1;
	s23 =	sadd.s32 $0x3000, s0;
	[dreg:$0x4] =	wrdreg s22  }
0xa: {  	s6 =	sadd.s32 $0x4400, s0;
	s2 =	sor.u32 s1, s2;
	[dreg:$0x5] =	wrdreg s23  }
0xb: {  	s1 =	ssub.s32 $0x2, s1;
	[dreg:$0x6] =	wrdreg s6;
	s4 =	smul.u32 $0xA0, s2  }
0xc: {  	v2 =	vlaneseq.u32;
	v3 =	vimm.f32 $0.0e+00;
	s23 =	simm.s32 $0x14C90;
	s24 =	smul.u32 $0x1400, s2;
	s25 =	sshrl.u32 s1, $0x1  }
0xd: {  	v4 =	vimm.s32 $0x0;
	v5 =	vor.u32 $0xFFFFFFC8, v2;
	v6 =	vor.u32 $0xFFFFFFD8, v2;
	s2 =	smul.u32 $0x140, s2;
	s1 =	ssub.s32 s1, s25;
	s25 =	simm.s32 $0x17230  }
0xe: {  	v7 =	vor.u32 $0xFFFFFFE8, v2;
	v8 =	vor.u32 $0xFFFFFFF8, v2;
	v9 =	vmul.u32 $0x4, v2;
	s4 =	sadd.s32 s4, s0;
	s0 =	sadd.s32 s24, s0;
	s31 =	smax.u32 s1, $0x1  }
0xf: {  	v10 =	vor.u32 $0x10, v2;
	v11 =	vor.u32 $0x20, v2;
	v12 =	vor.u32 $0x30, v2;
	s30 =	sadd.s32 $0x140, s2;
	s4 =	sadd.s32 $0x1C00, s4;
	[dreg:$0x9] =	wrdreg s31  }
0x10: {  	v13 =	vor.u32 $0x40, v2;
	v14 =	vor.u32 $0x50, v2;
	v15 =	vor.u32 $0x60, v2;
	s1 =	simm.s32 $0x7;
	s0 =	sadd.s32 $0x18200, s0;
	[dreg:$0x7] =	wrdreg s4  }
0x11: {  	v16 =	vor.u32 $0x70, v2;
	v0 =	vmov s2;
	s24 =	simm.s32 $0x15910;
	s2 =	simm.s32 $0x0;
	v1 =	vmov s30;
	[dreg:$0x8] =	wrdreg s0  }
.LBB2_1:
0x12: {  	[dreg:$0xa] =	wrdreg s2  }
0x13: {  	s0 =	rddreg [dreg:$0x3]  }
0x14: {  	[tilespmem:s11], [sflag:$0x1] =	stream.linear.gather [hbm4b:s0+s3], $0x640, $0x38;
	[tilespmem:$0x1CB50] =	vst v63  }
0x15: {  	s15 =	rddreg [dreg:$0x4]  }
0x16: {  	[tilespmem:s12], [sflag:$0x3] =	stream.linear.gather [hbm4b:s15+s3], $0x640, $0x38;
	[tilespmem:$0x1CB50] =	vst v63  }
0x17: {  	s21 =	rddreg [dreg:$0x5]  }
0x18: {  	[tilespmem:s3], [sflag:$0x7] =	stream.linear.gather [hbm4b:s21+s3], $0x9C40, $0x38;
	[tilespmem:$0x1CB50] =	vst v63  }
0x19: {  	_ =	swait.ge [sflag:s1], $0x9C40  }
0x1a: {  	[sflag:s1] =	ssyncset.done $0x0  }
0x1b: {  	s22 =	rddreg [dreg:$0x7];
	[sflag:s1] =	ssyncadd.s32 $0xFFFF63C0  }
0x1c: {  	[tilespmem:s14], [sflag:$0x7] =	stream.linear.gather [hbm4b:s22+s3], $0x500, $0x38;
	[tilespmem:$0x1CB50] =	vst v63  }
0x1d: {  	_ =	swait.ge [sflag:s1], $0x500  }
0x1e: {  	[sflag:s1] =	ssyncset.done $0x0  }
0x1f: {  	s31 =	simm.s32 $0x1CB40;
	s30 =	rddreg [dreg:$0x6];
	[sflag:s1] =	ssyncadd.s32 $0xFFFFFB00  }
0x20: {  	[tilespmem:s31], [sflag:$0x7] =	stream.linear.gather [hbm4b:s30+s3], $0x10, $0x38;
	[tilespmem:$0x1CB50] =	vst v63  }
0x21: {  	_ =	swait.ge [sflag:s1], $0x10  }
0x22: {  	[sflag:s1] =	ssyncset.done $0x0  }
0x23: {  	[sflag:s1] =	ssyncadd.s32 $0xFFFFFFF0  }
0x24: {  	v17 =	vor.u32 s3, v2;
	s0 =	simm.s32 $0x10;
	v20 =	vld [tilespmem:$0x1CB40]  }
.LBB2_2:
0x25: {  	p0 =	sne.s32 s0, $0x9FF0  }
.Ltmp0:
0x26: {  	_ = 	snop;
	(pc) =	sbr.rel @p0 .LBB2_2-.Ltmp0, $3  }
0x27: {  	_ =	sdelay $0x1  }
0x28: {  	[tilespmem:v17+s16+$0x0] =	vst.idx.msk $0xffff, v3;
	s1 =	smov.u32 s0;
	s0 =	sadd.s32 $0x10, s0  }
0x29: {  	v17 =	vor.u32 s1, v2  }
0x2a: {  	_ =	sdelay $0x2  }
0x2b: {  	s0 =	simm.s32 $0x0  }
0x2c: {  	[tilespmem:v17+s16+$0x0] =	vst.idx.msk $0xffff, v3;
	s1 =	simm.s32 $0x10;
	v17 =	vor.u32 s0, v2  }
.LBB2_4:
0x2d: {  	p0 =	sne.s32 s1, $0x4F0  }
.Ltmp1:
0x2e: {  	_ = 	snop;
	(pc) =	sbr.rel @p0 .LBB2_4-.Ltmp1, $3  }
0x2f: {  	_ =	sdelay $0x1  }
0x30: {  	[tilespmem:v17+s17+$0x0] =	vst.idx.msk $0xffff, v3;
	s2 =	smov.u32 s1;
	s1 =	sadd.s32 $0x10, s1  }
0x31: {  	v17 =	vor.u32 s2, v2  }
0x32: {  	_ =	sdelay $0x3  }
0x33: {  	[tilespmem:v17+s17+$0x0] =	vst.idx.msk $0xffff, v3;
	s1 =	simm.s32 $0x10;
	v17 =	vor.u32 s0, v2  }
.LBB2_6:
0x34: {  	p0 =	sne.s32 s1, $0x630  }
.Ltmp2:
0x35: {  	_ = 	snop;
	(pc) =	sbr.rel @p0 .LBB2_6-.Ltmp2, $3  }
0x36: {  	_ =	sdelay $0x1  }
0x37: {  	[tilespmem:v17+s18+$0x0] =	vst.idx.msk $0xffff, v4;
	s0 =	smov.u32 s1;
	s1 =	sadd.s32 $0x10, s1  }
0x38: {  	v17 =	vor.u32 s0, v2  }
0x39: {  	_ =	sdelay $0x2  }
0x3a: {  	s0 =	simm.s32 $0x0  }
0x3b: {  	[tilespmem:v17+s18+$0x0] =	vst.idx.msk $0xffff, v4;
	s1 =	simm.s32 $0x10;
	v17 =	vor.u32 s0, v2  }
.LBB2_8:
0x3c: {  	p0 =	sne.s32 s1, $0x630  }
.Ltmp3:
0x3d: {  	_ = 	snop;
	(pc) =	sbr.rel @p0 .LBB2_8-.Ltmp3, $3  }
0x3e: {  	_ =	sdelay $0x1  }
0x3f: {  	[tilespmem:v17+s19+$0x0] =	vst.idx.msk $0xffff, v4;
	s2 =	smov.u32 s1;
	s1 =	sadd.s32 $0x10, s1  }
0x40: {  	v17 =	vor.u32 s2, v2  }
0x41: {  	_ =	sdelay $0x3  }
0x42: {  	[tilespmem:v17+s19+$0x0] =	vst.idx.msk $0xffff, v4;
	s1 =	simm.s32 $0x10;
	v19 =	vor.u32 s0, v2  }
.LBB2_10:
0x43: {  	p0 =	sne.s32 s1, $0x640  }
.Ltmp4:
0x44: {  	_ = 	snop;
	(pc) =	sbr.rel @p0 .LBB2_10-.Ltmp4, $3  }
0x45: {  	_ =	sdelay $0x1  }
0x46: {  	[tilespmem:v19+s20+$0x0] =	vst.idx.msk $0xffff, v4;
	s0 =	smov.u32 s1;
	s1 =	sadd.s32 $0x10, s1  }
0x47: {  	v19 =	vor.u32 s0, v2  }
.Ltmp5:
0x48: {  	_ = 	snop;
	(pc) =	sbr.rel .LBB2_12-.Ltmp5, $3  }
0x49: {  	_ =	sdelay $0x1  }
0x4a: {  	v17 =	vbroadcast v20, $0x0;
	v18 =	vbroadcast v20, $0x1  }
0x4b: {  	[tilespmem:v19+s20+$0x0] =	vst.idx.msk $0xffff, v4;
	v19 =	vbroadcast v20, $0x2;
	v20 =	vbroadcast v20, $0x3;
	s1 =	simm.s32 $0x0  }
.LBB2_68:
0x4c: {  	s1 =	rddreg [dreg:$0xb]  }
0x4d: {  	s1 =	sadd.s32 $0x1, s1  }
0x4e: {  	p0 =	sne.s32 s1, $0x64  }
.Ltmp6:
0x4f: {  	_ = 	snop;
	(pc) =	sbr.rel @!p0 .LBB2_69-.Ltmp6, $1  }
0x50: {  	_ =	sdelay $0x3  }
.LBB2_12:
0x51: {  	s0 =	simm.s32 $0x1  }
0x52: {  	_ =	swait.ge [sflag:s0], $0x640  }
0x53: {  	s31 =	smul.u32 $0xC80, s1;
	s4 =	simm.s32 $0x0;
	[sflag:s0] =	ssyncset.done $0x0  }
0x54: {  	s2 =	simm.s32 $0x3;
	[dreg:$0xb] =	wrdreg s1;
	[sflag:s0] =	ssyncadd.s32 $0xFFFFF9C0  }
0x55: {  	s7 =	simm.s32 $0x0;
	v21 =	vor.u32 s4, v2;
	s1 =	sshrl.u32 s31, $0x3;
	_ =	swait.ge [sflag:s2], $0x640  }
0x56: {  	v22 =	vand.u32 v5, v21;
	s5 =	sadd.s32 $0xC8, s1;
	[sflag:s2] =	ssyncset.done $0x0;
	s6 =	rddreg [dreg:$0x3]  }
0x57: {  	s8 =	rddreg [dreg:$0x4];
	[sflag:s2] =	ssyncadd.s32 $0xFFFFF9C0;
	s1 =	sadd.s32 s6, s5  }
0x58: {  	[tilespmem:s23], [sflag:$0x2] =	stream.linear.gather [hbm4b:s1+s7], $0x640, $0x38;
	[tilespmem:$0x1CB50] =	vst v63  }
0x59: {  	s0 =	sadd.s32 s8, s5  }
0x5a: {  	[tilespmem:s24], [sflag:$0x4] =	stream.linear.gather [hbm4b:s0+s7], $0x640, $0x38;
	[tilespmem:$0x1CB50] =	vst v63  }
0x5b: {  	v22 =	vld.idx.msk [tilespmem:v22+s12+$0x0], $0xffff  }
0x5c: {  	s9 =	simm.s32 $0x10  }
0x5d: {  	v23 =	vor.u32 s9, v2  }
0x5e: {  	v24 =	vand.u32 v6, v23;
	_ =	sdelay $0x1  }
0x5f: {  	vm0 =	vge.s32 v22, v0;
	vm1 =	vlt.s32 v22, v1  }
0x60: {  	vm0 =	vmand vm0, vm1  }
0x61: {  	[tilespmem:s7+$0x15F50] =	vst.msk vm0, v21;
	v21 =	vmpcnt.ones.xlane vm0  }
0x62: {  	v22 =	vld.idx.msk [tilespmem:v24+s12+$0x0], $0xffff  }
0x63: {  	(v2sf) =	vpush v21, $0x0;
	_ =	sdelay $0x3  }
0x64: {  	vm0 =	vge.s32 v22, v0;
	vm1 =	vlt.s32 v22, v1  }
0x65: {  	vm0 =	vmand vm0, vm1  }
0x66: {  	v21 =	vmpcnt.ones.xlane vm0;
	_ =	sdelay $0x1  }
0x67: {  	(v2sf) =	vpush v21, $0x0;
	_ =	sdelay $0x2  }
0x68: {  	s10 =	simm.s32 $0x20  }
0x69: {  	v21 =	vor.u32 s10, v2  }
0x6a: {  	v22 =	vand.u32 v7, v21;
	_ =	sdelay $0x1  }
0x6b: {  	s13 =	spop (v2sf)  }
0x6c: {  	s0 =	sadd.s32 $0x0, s13  }
0x6d: {  	[tilespmem:s0+$0x15F50] =	vst.msk vm0, v23  }
0x6e: {  	v22 =	vld.idx.msk [tilespmem:v22+s12+$0x0], $0xffff  }
0x6f: {  	s15 =	simm.s32 $0x30  }
0x70: {  	v23 =	vor.u32 s15, v2  }
0x71: {  	v62 =	vand.u32 v8, v23;
	_ =	sdelay $0x1  }
0x72: {  	vm0 =	vge.s32 v22, v0;
	vm1 =	vlt.s32 v22, v1;
	s21 =	spop (v2sf)  }
0x73: {  	s0 =	sadd.s32 s0, s21;
	vm0 =	vmand vm0, vm1  }
0x74: {  	[tilespmem:s0+$0x15F50] =	vst.msk vm0, v21;
	v21 =	vmpcnt.ones.xlane vm0  }
0x75: {  	v22 =	vld.idx.msk [tilespmem:v62+s12+$0x0], $0xffff  }
0x76: {  	(v2sf) =	vpush v21, $0x0;
	_ =	sdelay $0x3  }
0x77: {  	vm0 =	vge.s32 v22, v0;
	vm1 =	vlt.s32 v22, v1  }
0x78: {  	vm0 =	vmand vm0, vm1  }
0x79: {  	v21 =	vmpcnt.ones.xlane vm0;
	_ =	sdelay $0x1  }
0x7a: {  	(v2sf) =	vpush v21, $0x0;
	_ =	sdelay $0x2  }
0x7b: {  	s22 =	simm.s32 $0x40  }
0x7c: {  	v22 =	vor.u32 s22, v2  }
0x7d: {  	v21 =	vand.u32 v5, v22;
	_ =	sdelay $0x1  }
0x7e: {  	s30 =	spop (v2sf)  }
0x7f: {  	s2 =	sadd.s32 s0, s30  }
0x80: {  	[tilespmem:s2+$0x15F50] =	vst.msk vm0, v23  }
0x81: {  	v63 =	vld.idx.msk [tilespmem:v21+s12+$0x0], $0xffff  }
0x82: {  	[dreg:$0xc] =	wrdreg s31;
	s31 =	simm.s32 $0x50  }
0x83: {  	v21 =	vor.u32 s31, v2  }
0x84: {  	v23 =	vand.u32 v6, v21;
	_ =	sdelay $0x1  }
0x85: {  	s1 =	simm.s32 $0x70;
	s0 =	simm.s32 $0x4;
	vm0 =	vge.s32 v63, v0;
	vm1 =	vlt.s32 v63, v1;
	s4 =	spop (v2sf)  }
.LBB2_13:
0x86: {  	s0 =	sadd.s32 $0x4, s0;
	vm0 =	vmand vm0, vm1;
	s2 =	sadd.s32 s2, s4  }
0x87: {  	p0 =	slt.u32 s0, $0x60;
	[tilespmem:s2+$0x15F50] =	vst.msk vm0, v22;
	v22 =	vmpcnt.ones.xlane vm0  }
0x88: {  	v23 =	vld.idx.msk [tilespmem:v23+s12+$0x0], $0xffff  }
0x89: {  	(v2sf) =	vpush v22, $0x0;
	_ =	sdelay $0x4  }
0x8a: {  	vm0 =	vge.s32 v23, v0;
	vm1 =	vlt.s32 v23, v1  }
0x8b: {  	vm0 =	vmand vm0, vm1  }
0x8c: {  	v22 =	vmpcnt.ones.xlane vm0;
	_ =	sdelay $0x1  }
0x8d: {  	(v2sf) =	vpush v22, $0x0;
	_ =	sdelay $0x1  }
0x8e: {  	s4 =	sadd.s32 $0xFFFFFFF0, s1  }
0x8f: {  	v22 =	vor.u32 s4, v2  }
0x90: {  	v23 =	vand.u32 v7, v22;
	_ =	sdelay $0x1  }
0x91: {  	s4 =	spop (v2sf)  }
0x92: {  	s2 =	sadd.s32 s2, s4  }
0x93: {  	[tilespmem:s2+$0x15F50] =	vst.msk vm0, v21  }
0x94: {  	v21 =	vld.idx.msk [tilespmem:v23+s12+$0x0], $0xffff;
	_ =	sdelay $0x2  }
0x95: {  	v23 =	vor.u32 s1, v2  }
0x96: {  	v24 =	vand.u32 v8, v23;
	_ =	sdelay $0x1  }
0x97: {  	vm0 =	vge.s32 v21, v0;
	vm1 =	vlt.s32 v21, v1;
	s4 =	spop (v2sf)  }
0x98: {  	vm0 =	vmand vm0, vm1;
	s2 =	sadd.s32 s2, s4  }
0x99: {  	v21 =	vmpcnt.ones.xlane vm0;
	[tilespmem:s2+$0x15F50] =	vst.msk vm0, v22  }
0x9a: {  	v22 =	vld.idx.msk [tilespmem:v24+s12+$0x0], $0xffff  }
0x9b: {  	(v2sf) =	vpush v21, $0x0;
	_ =	sdelay $0x4  }
0x9c: {  	vm0 =	vge.s32 v22, v0;
	vm1 =	vlt.s32 v22, v1  }
0x9d: {  	vm0 =	vmand vm0, vm1  }
0x9e: {  	v21 =	vmpcnt.ones.xlane vm0;
	_ =	sdelay $0x1  }
0x9f: {  	(v2sf) =	vpush v21, $0x0  }
0xa0: {  	s1 =	sadd.s32 $0x40, s1  }
0xa1: {  	s4 =	sadd.s32 $0xFFFFFFD0, s1  }
0xa2: {  	v22 =	vor.u32 s4, v2  }
0xa3: {  	v21 =	vand.u32 v5, v22;
	_ =	sdelay $0x1  }
0xa4: {  	s4 =	spop (v2sf)  }
0xa5: {  	s2 =	sadd.s32 s2, s4  }
0xa6: {  	[tilespmem:s2+$0x15F50] =	vst.msk vm0, v23  }
0xa7: {  	v24 =	vld.idx.msk [tilespmem:v21+s12+$0x0], $0xffff;
	_ =	sdelay $0x1  }
.Ltmp7:
0xa8: {  	s4 =	sadd.s32 $0xFFFFFFE0, s1;
	(pc) =	sbr.rel @p0 .LBB2_13-.Ltmp7, $3  }
0xa9: {  	v21 =	vor.u32 s4, v2  }
0xaa: {  	v23 =	vand.u32 v6, v21;
	_ =	sdelay $0x1  }
0xab: {  	vm0 =	vge.s32 v24, v0;
	vm1 =	vlt.s32 v24, v1;
	s4 =	spop (v2sf)  }
0xac: {  	_ =	sdelay $0x1  }
0xad: {  	vm0 =	vmand vm0, vm1;
	s0 =	sadd.s32 s2, s4  }
0xae: {  	[tilespmem:s0+$0x15F50] =	vst.msk vm0, v22;
	v22 =	vmpcnt.ones.xlane vm0  }
0xaf: {  	v23 =	vld.idx.msk [tilespmem:v23+s12+$0x0], $0xffff  }
0xb0: {  	(v2sf) =	vpush v22, $0x0;
	_ =	sdelay $0x3  }
0xb1: {  	vm10 =	vge.s32 v23, v0;
	vm11 =	vlt.s32 v23, v1  }
0xb2: {  	vm0 =	vmand vm10, vm11  }
0xb3: {  	v22 =	vmpcnt.ones.xlane vm0;
	_ =	sdelay $0x1  }
0xb4: {  	(v2sf) =	vpush v22, $0x0;
	_ =	sdelay $0x2  }
0xb5: {  	s7 =	sadd.s32 $0xFFFFFFF0, s1  }
0xb6: {  	v22 =	vor.u32 s7, v2  }
0xb7: {  	v23 =	vand.u32 v7, v22;
	_ =	sdelay $0x1  }
0xb8: {  	s7 =	spop (v2sf)  }
0xb9: {  	s8 =	sadd.s32 s0, s7  }
0xba: {  	[tilespmem:s8+$0x15F50] =	vst.msk vm0, v21  }
0xbb: {  	v21 =	vld.idx.msk [tilespmem:v23+s12+$0x0], $0xffff;
	_ =	sdelay $0x1  }
0xbc: {  	v23 =	vor.u32 s1, v2  }
0xbd: {  	v24 =	vand.u32 v8, v23;
	_ =	sdelay $0x1  }
0xbe: {  	vm12 =	vge.s32 v21, v0;
	vm13 =	vlt.s32 v21, v1;
	s10 =	spop (v2sf)  }
0xbf: {  	s9 =	sadd.s32 s8, s10;
	vm0 =	vmand vm12, vm13  }
0xc0: {  	[tilespmem:s9+$0x15F50] =	vst.msk vm0, v22  }
0xc1: {  	v21 =	vld.idx.msk [tilespmem:v24+s12+$0x0], $0xffff;
	_ =	sdelay $0x4  }
0xc2: {  	vm14 =	vge.s32 v21, v0;
	vm2 =	vlt.s32 v21, v1  }
0xc3: {  	v21 =	vmpcnt.ones.xlane vm0;
	vm15 =	vmand vm14, vm2  }
0xc4: {  	v22 =	vmpcnt.ones.xlane vm15  }
0xc5: {  	(v2sf) =	vpush v21, $0x0  }
0xc6: {  	(v2sf) =	vpush v22, $0x0;
	_ =	sdelay $0xd  }
0xc7: {  	s13 =	spop (v2sf)  }
0xc8: {  	s2 =	sadd.s32 s9, s13;
	s21 =	spop (v2sf)  }
0xc9: {  	s30 =	sadd.s32 s2, s21  }
0xca: {  	s15 =	sadd.s32 $0xF, s30  }
0xcb: {  	s22 =	sand.u32 $0xF, s15  }
0xcc: {  	s31 =	sshra.s32 s15, $0x1F;
	p1 =	slt.s32 s15, $0x1;
	p0 =	sne.s32 s22, $0x0  }
0xcd: {  	s4 =	sshrl.u32 s31, $0x1C;
	p0 =	por !p1, !p0  }
0xce: {  	s1 =	sadd.s32 s4, s15;
	s4 =	simm.s32 $0x1;
	p0 =	por !p0, !p0  }
0xcf: {  	s1 =	sshra.s32 s1, $0x4;
	s4 =	simm.s32 @!p0 $0x0  }
0xd0: {  	s1 =	ssub.s32 s1, s4  }
0xd1: {  	p0 =	slt.s32 s1, $0x1  }
.Ltmp8:
0xd2: {  	_ = 	snop;
	(pc) =	sbr.rel @p0 .LBB2_21-.Ltmp8, $2  }
0xd3: {  	_ =	sdelay $0x2  }
0xd4: {  	[tilespmem:s2+$0x15F50] =	vst.msk vm15, v23  }
0xd5: {  	p1 =	sne.s32 s1, $0x1  }
.Ltmp9:
0xd6: {  	_ = 	snop;
	(pc) =	sbr.rel @!p1 .LBB2_16-.Ltmp9, $4  }
0xd7: {  	_ = 	snop  }
0xd8: {  	s2 =	simm.s32 $0x0  }
0xd9: {  	v23 =	vor.u32 s2, v2  }
0xda: {  	v21 =	vmov s30;
	s8 =	simm.s32 $0x3;
	s1 =	sadd.s32 $0xFFFFFFFF, s1;
	p0 =	por $0x0, $0x0;
	v22 =	vand.u32 v8, v23  }
0xdb: {  	_ =	sdelay $0x3  }
0xdc: {  	v24 =	vld.idx.msk [tilespmem:v22+s20+$0x0], $0xffff;
	_ =	sdelay $0x7  }
0xdd: {  	v25 =	vld.idx.msk [tilespmem:v24+s12+$0x0], $0xffff  }
0xde: {  	v24 =	vld.idx.msk [tilespmem:v24+s11+$0x0], $0xffff;
	_ =	sdelay $0x3  }
0xdf: {  	vm0 =	vlt.s32 v23, v21;
	v23 =	vsub.s32 v25, v0  }
0xe0: {  	v25 =	vshll.u32 v24, $0x2;
	v23 =	vnsel vm0, $0x0, v23  }
0xe1: {  	v26 =	vshll.u32 v23, $0x2;
	_ =	sdelay $0x1  }
0xe2: {  	[tilespmem:v22+s18+$0x0] =	vst.idx.msk $0xffff, v24  }
0xe3: {  	[tilespmem:v22+s19+$0x0] =	vst.idx.msk $0xffff, v23  }
0xe4: {  	v22 =	vld.idx.msk [tilespmem:v25+s3+$0x0], $0xffff  }
0xe5: {  	v23 =	vld.idx.msk [tilespmem:v26+s14+$0x0], $0xffff;
	_ =	sdelay $0x4  }
0xe6: {  	v22 =	vadd.f32 v23, v22;
	_ =	sdelay $0x1  }
0xe7: {  	v23 =	vmul.f32 $2.000000030e-01, v22  }
0xe8: {  	vm12 =	vgt.f32 v22, $0.0e+00  }
0xe9: {  	v22 =	vsel vm12, v22, v23  }
0xea: {  	v22 =	vsub.f32 v22, v17;
	_ =	sdelay $0x1  }
0xeb: {  	v22 =	vmul.f32 $1.442695020e+00, v22;
	_ =	sdelay $0x1  }
0xec: {  	(erf) = vpow2.f32 v22;
	_ =	sdelay $0x3  }
0xed: {  	s2 =	simm.s32 $0x0  }
0xee: {  	v22 =	vor.u32 s2, v9  }
0xef: {  	v23 =	vor.u32 $0x1, v25  }
0xf0: {  	v24 =	vor.u32 $0x1, v26;
	_ =	sdelay $0x1  }
0xf1: {  	v27 =	vpop (erf)  }
0xf2: {  	[tilespmem:v22+s25+$0x0] =	vst.idx.msk $0xffff, v27  }
0xf3: {  	v22 =	vld.idx.msk [tilespmem:v23+s3+$0x0], $0xffff  }
0xf4: {  	v23 =	vld.idx.msk [tilespmem:v24+s14+$0x0], $0xffff;
	_ =	sdelay $0x4  }
0xf5: {  	v22 =	vadd.f32 v23, v22;
	_ =	sdelay $0x1  }
0xf6: {  	v23 =	vmul.f32 $2.000000030e-01, v22  }
0xf7: {  	vm13 =	vgt.f32 v22, $0.0e+00  }
0xf8: {  	v22 =	vsel vm13, v22, v23  }
0xf9: {  	v22 =	vsub.f32 v22, v18;
	_ =	sdelay $0x1  }
0xfa: {  	v22 =	vmul.f32 $1.442695020e+00, v22;
	_ =	sdelay $0x1  }
0xfb: {  	(erf) = vpow2.f32 v22;
	_ =	sdelay $0x3  }
0xfc: {  	s22 =	simm.s32 $0x1  }
0xfd: {  	v22 =	vor.u32 s22, v9  }
0xfe: {  	v23 =	vor.u32 $0x2, v25  }
0xff: {  	v24 =	vor.u32 $0x2, v26;
	_ =	sdelay $0x1  }
0x100: {  	v27 =	vpop (erf)  }
0x101: {  	[tilespmem:v22+s25+$0x0] =	vst.idx.msk $0xffff, v27  }
0x102: {  	v22 =	vld.idx.msk [tilespmem:v23+s3+$0x0], $0xffff  }
0x103: {  	v23 =	vld.idx.msk [tilespmem:v24+s14+$0x0], $0xffff;
	_ =	sdelay $0x4  }
0x104: {  	v22 =	vadd.f32 v23, v22;
	_ =	sdelay $0x1  }
0x105: {  	v23 =	vmul.f32 $2.000000030e-01, v22  }
0x106: {  	vm14 =	vgt.f32 v22, $0.0e+00  }
0x107: {  	v22 =	vsel vm14, v22, v23  }
0x108: {  	v22 =	vsub.f32 v22, v19;
	_ =	sdelay $0x1  }
0x109: {  	v22 =	vmul.f32 $1.442695020e+00, v22;
	_ =	sdelay $0x1  }
0x10a: {  	(erf) = vpow2.f32 v22;
	_ =	sdelay $0x3  }
0x10b: {  	s31 =	simm.s32 $0x2  }
0x10c: {  	v22 =	vor.u32 s31, v9  }
0x10d: {  	v23 =	vor.u32 $0x3, v25  }
0x10e: {  	v24 =	vor.u32 $0x3, v26;
	_ =	sdelay $0x1  }
0x10f: {  	v25 =	vpop (erf)  }
0x110: {  	[tilespmem:v22+s25+$0x0] =	vst.idx.msk $0xffff, v25  }
0x111: {  	v22 =	vld.idx.msk [tilespmem:v23+s3+$0x0], $0xffff  }
0x112: {  	v23 =	vld.idx.msk [tilespmem:v24+s14+$0x0], $0xffff;
	_ =	sdelay $0x4  }
0x113: {  	v22 =	vadd.f32 v23, v22;
	_ =	sdelay $0x1  }
0x114: {  	v23 =	vmul.f32 $2.000000030e-01, v22  }
0x115: {  	vm15 =	vgt.f32 v22, $0.0e+00  }
0x116: {  	v22 =	vsel vm15, v22, v23  }
0x117: {  	v22 =	vsub.f32 v22, v20;
	_ =	sdelay $0x1  }
0x118: {  	v22 =	vmul.f32 $1.442695020e+00, v22;
	_ =	sdelay $0x1  }
0x119: {  	p1 =	sne.s32 s1, $0x1;
	(erf) = vpow2.f32 v22  }
.Ltmp10:
0x11a: {  	_ = 	snop;
	(pc) =	sbr.rel @!p1 .LBB2_18-.Ltmp10, $4  }
0x11b: {  	_ = 	snop  }
0x11c: {  	s4 =	simm.s32 $0x10  }
0x11d: {  	v23 =	vor.u32 s4, v2  }
0x11e: {  	s5 =	sadd.s32 $0xFFFFFFFF, s1;
	p0 =	por $0x1, $0x1;
	s1 =	simm.s32 $0x3;
	v24 =	vor.u32 s8, v9;
	v22 =	vand.u32 v8, v23  }
.LBB2_19:
0x11f: {  	p1 =	sne.s32 s5, $0x1;
	s5 =	sadd.s32 $0xFFFFFFFF, s5;
	s1 =	sadd.s32 $0x40, s1  }
0x120: {  	_ =	sdelay $0x1  }
0x121: {  	v25 =	vpop (erf)  }
0x122: {  	[tilespmem:v24+s25+$0x0] =	vst.idx.msk $0xffff, v25  }
0x123: {  	v24 =	vld.idx.msk [tilespmem:v22+s20+$0x0], $0xffff;
	_ =	sdelay $0x7  }
0x124: {  	v25 =	vld.idx.msk [tilespmem:v24+s12+$0x0], $0xffff  }
0x125: {  	v24 =	vld.idx.msk [tilespmem:v24+s11+$0x0], $0xffff;
	_ =	sdelay $0x4  }
0x126: {  	vm0 =	vlt.s32 v23, v21;
	v23 =	vsub.s32 v25, v0  }
0x127: {  	v23 =	vnsel vm0, $0x0, v23;
	v25 =	vshll.u32 v24, $0x2  }
0x128: {  	v26 =	vshll.u32 v23, $0x2;
	_ =	sdelay $0x1  }
0x129: {  	[tilespmem:v22+s18+$0x0] =	vst.idx.msk $0xffff, v24  }
0x12a: {  	[tilespmem:v22+s19+$0x0] =	vst.idx.msk $0xffff, v23  }
0x12b: {  	v22 =	vld.idx.msk [tilespmem:v25+s3+$0x0], $0xffff  }
0x12c: {  	v23 =	vld.idx.msk [tilespmem:v26+s14+$0x0], $0xffff;
	_ =	sdelay $0x5  }
0x12d: {  	v22 =	vadd.f32 v23, v22;
	_ =	sdelay $0x1  }
0x12e: {  	v23 =	vmul.f32 $2.000000030e-01, v22  }
0x12f: {  	vm0 =	vgt.f32 v22, $0.0e+00  }
0x130: {  	v22 =	vsel vm0, v22, v23  }
0x131: {  	v22 =	vsub.f32 v22, v17;
	_ =	sdelay $0x1  }
0x132: {  	v22 =	vmul.f32 $1.442695020e+00, v22;
	_ =	sdelay $0x1  }
0x133: {  	(erf) = vpow2.f32 v22;
	_ =	sdelay $0x3  }
0x134: {  	s2 =	sadd.s32 $0xFFFFFFFD, s1  }
0x135: {  	v22 =	vor.u32 s2, v9  }
0x136: {  	v23 =	vor.u32 $0x1, v25  }
0x137: {  	v24 =	vor.u32 $0x1, v26;
	_ =	sdelay $0x1  }
0x138: {  	v27 =	vpop (erf)  }
0x139: {  	[tilespmem:v22+s25+$0x0] =	vst.idx.msk $0xffff, v27  }
0x13a: {  	v22 =	vld.idx.msk [tilespmem:v23+s3+$0x0], $0xffff  }
0x13b: {  	v23 =	vld.idx.msk [tilespmem:v24+s14+$0x0], $0xffff;
	_ =	sdelay $0x5  }
0x13c: {  	v22 =	vadd.f32 v23, v22;
	_ =	sdelay $0x1  }
0x13d: {  	v23 =	vmul.f32 $2.000000030e-01, v22  }
0x13e: {  	vm0 =	vgt.f32 v22, $0.0e+00  }
0x13f: {  	v22 =	vsel vm0, v22, v23  }
0x140: {  	v22 =	vsub.f32 v22, v18;
	_ =	sdelay $0x1  }
0x141: {  	v22 =	vmul.f32 $1.442695020e+00, v22;
	_ =	sdelay $0x1  }
0x142: {  	(erf) = vpow2.f32 v22;
	_ =	sdelay $0x3  }
0x143: {  	s2 =	sadd.s32 $0xFFFFFFFE, s1  }
0x144: {  	v22 =	vor.u32 s2, v9  }
0x145: {  	v23 =	vor.u32 $0x2, v25  }
0x146: {  	v24 =	vor.u32 $0x2, v26;
	_ =	sdelay $0x1  }
0x147: {  	v27 =	vpop (erf)  }
0x148: {  	[tilespmem:v22+s25+$0x0] =	vst.idx.msk $0xffff, v27  }
0x149: {  	v22 =	vld.idx.msk [tilespmem:v23+s3+$0x0], $0xffff  }
0x14a: {  	v23 =	vld.idx.msk [tilespmem:v24+s14+$0x0], $0xffff;
	_ =	sdelay $0x5  }
0x14b: {  	v22 =	vadd.f32 v23, v22;
	_ =	sdelay $0x1  }
0x14c: {  	v23 =	vmul.f32 $2.000000030e-01, v22  }
0x14d: {  	vm0 =	vgt.f32 v22, $0.0e+00  }
0x14e: {  	v22 =	vsel vm0, v22, v23  }
0x14f: {  	v22 =	vsub.f32 v22, v19;
	_ =	sdelay $0x1  }
0x150: {  	v22 =	vmul.f32 $1.442695020e+00, v22;
	_ =	sdelay $0x1  }
0x151: {  	(erf) = vpow2.f32 v22;
	_ =	sdelay $0x3  }
0x152: {  	s2 =	sadd.s32 $0xFFFFFFFF, s1  }
0x153: {  	v22 =	vor.u32 s2, v9  }
0x154: {  	v24 =	vor.u32 $0x3, v26;
	v23 =	vor.u32 $0x3, v25;
	_ =	sdelay $0x2  }
0x155: {  	v25 =	vpop (erf)  }
0x156: {  	[tilespmem:v22+s25+$0x0] =	vst.idx.msk $0xffff, v25  }
0x157: {  	v22 =	vld.idx.msk [tilespmem:v23+s3+$0x0], $0xffff  }
0x158: {  	v23 =	vld.idx.msk [tilespmem:v24+s14+$0x0], $0xffff;
	_ =	sdelay $0x5  }
0x159: {  	v22 =	vadd.f32 v23, v22;
	_ =	sdelay $0x1  }
0x15a: {  	vm0 =	vgt.f32 v22, $0.0e+00;
	v23 =	vmul.f32 $2.000000030e-01, v22;
	_ =	sdelay $0x1  }
0x15b: {  	v22 =	vsel vm0, v22, v23  }
0x15c: {  	v22 =	vsub.f32 v22, v20;
	_ =	sdelay $0x1  }
0x15d: {  	v22 =	vmul.f32 $1.442695020e+00, v22;
	_ =	sdelay $0x1  }
0x15e: {  	(erf) = vpow2.f32 v22  }
.Ltmp11:
0x15f: {  	(pc) =	sbr.rel @p1 .LBB2_19-.Ltmp11, $4  }
0x160: {  	_ = 	snop  }
0x161: {  	s4 =	sadd.s32 $0x10, s4  }
0x162: {  	v24 =	vor.u32 s1, v9;
	v23 =	vor.u32 s4, v2  }
0x163: {  	v22 =	vand.u32 v8, v23  }
.LBB2_20:
0x164: {  	_ =	sdelay $0x2  }
0x165: {  	v25 =	vpop @p0 (erf)  }
0x166: {  	[tilespmem:v24+s25+$0x0] =	vst.idx.msk @p0 $0xffff, v25  }
0x167: {  	v24 =	vld.idx.msk [tilespmem:v22+s20+$0x0], $0xffff;
	_ =	sdelay $0x7  }
0x168: {  	v25 =	vld.idx.msk [tilespmem:v24+s12+$0x0], $0xffff  }
0x169: {  	v24 =	vld.idx.msk [tilespmem:v24+s11+$0x0], $0xffff;
	_ =	sdelay $0x3  }
0x16a: {  	vm0 =	vlt.s32 v23, v21;
	v21 =	vsub.s32 v25, v0  }
0x16b: {  	v23 =	vshll.u32 v24, $0x2;
	v21 =	vnsel vm0, $0x0, v21  }
0x16c: {  	v59 =	vshll.u32 v21, $0x2;
	_ =	sdelay $0x1  }
0x16d: {  	[tilespmem:v22+s18+$0x0] =	vst.idx.msk $0xffff, v24  }
0x16e: {  	[tilespmem:v22+s19+$0x0] =	vst.idx.msk $0xffff, v21  }
0x16f: {  	v21 =	vld.idx.msk [tilespmem:v23+s3+$0x0], $0xffff  }
0x170: {  	v22 =	vld.idx.msk [tilespmem:v59+s14+$0x0], $0xffff;
	_ =	sdelay $0x4  }
0x171: {  	v21 =	vadd.f32 v22, v21;
	_ =	sdelay $0x1  }
0x172: {  	v22 =	vmul.f32 $2.000000030e-01, v21  }
0x173: {  	vm12 =	vgt.f32 v21, $0.0e+00  }
0x174: {  	v21 =	vsel vm12, v21, v22  }
0x175: {  	v21 =	vsub.f32 v21, v17;
	_ =	sdelay $0x1  }
0x176: {  	v21 =	vmul.f32 $1.442695020e+00, v21;
	_ =	sdelay $0x1  }
0x177: {  	(erf) = vpow2.f32 v21;
	_ =	sdelay $0x1  }
0x178: {  	s1 =	sadd.s32 @p0 $0x40, s1  }
0x179: {  	s8 =	smov.u32 @p0 s1  }
0x17a: {  	s1 =	sadd.s32 $0xFFFFFFFD, s8  }
0x17b: {  	v21 =	vor.u32 s1, v9  }
0x17c: {  	v22 =	vor.u32 $0x1, v23  }
0x17d: {  	v60 =	vor.u32 $0x1, v59;
	_ =	sdelay $0x1  }
0x17e: {  	v26 =	vpop (erf)  }
0x17f: {  	[tilespmem:v21+s25+$0x0] =	vst.idx.msk $0xffff, v26  }
0x180: {  	v21 =	vld.idx.msk [tilespmem:v22+s3+$0x0], $0xffff  }
0x181: {  	v22 =	vld.idx.msk [tilespmem:v60+s14+$0x0], $0xffff;
	_ =	sdelay $0x4  }
0x182: {  	v21 =	vadd.f32 v22, v21;
	_ =	sdelay $0x1  }
0x183: {  	v22 =	vmul.f32 $2.000000030e-01, v21  }
0x184: {  	vm13 =	vgt.f32 v21, $0.0e+00  }
0x185: {  	v21 =	vsel vm13, v21, v22  }
0x186: {  	v21 =	vsub.f32 v21, v18;
	_ =	sdelay $0x1  }
0x187: {  	v21 =	vmul.f32 $1.442695020e+00, v21;
	_ =	sdelay $0x1  }
0x188: {  	(erf) = vpow2.f32 v21;
	_ =	sdelay $0x3  }
0x189: {  	s22 =	sadd.s32 $0xFFFFFFFE, s8  }
0x18a: {  	v21 =	vor.u32 s22, v9  }
0x18b: {  	v22 =	vor.u32 $0x2, v23  }
0x18c: {  	v61 =	vor.u32 $0x2, v59;
	_ =	sdelay $0x1  }
0x18d: {  	v62 =	vpop (erf)  }
0x18e: {  	[tilespmem:v21+s25+$0x0] =	vst.idx.msk $0xffff, v62  }
0x18f: {  	v21 =	vld.idx.msk [tilespmem:v22+s3+$0x0], $0xffff  }
0x190: {  	v22 =	vld.idx.msk [tilespmem:v61+s14+$0x0], $0xffff;
	_ =	sdelay $0x4  }
0x191: {  	v21 =	vadd.f32 v22, v21;
	_ =	sdelay $0x1  }
0x192: {  	v22 =	vmul.f32 $2.000000030e-01, v21  }
0x193: {  	vm14 =	vgt.f32 v21, $0.0e+00  }
0x194: {  	v21 =	vsel vm14, v21, v22  }
0x195: {  	v21 =	vsub.f32 v21, v19;
	_ =	sdelay $0x1  }
0x196: {  	v21 =	vmul.f32 $1.442695020e+00, v21;
	_ =	sdelay $0x1  }
0x197: {  	(erf) = vpow2.f32 v21;
	_ =	sdelay $0x3  }
0x198: {  	s31 =	sadd.s32 $0xFFFFFFFF, s8  }
0x199: {  	v21 =	vor.u32 s31, v9  }
0x19a: {  	v22 =	vor.u32 $0x3, v23  }
0x19b: {  	v23 =	vor.u32 $0x3, v59;
	_ =	sdelay $0x1  }
0x19c: {  	v63 =	vpop (erf)  }
0x19d: {  	[tilespmem:v21+s25+$0x0] =	vst.idx.msk $0xffff, v63  }
0x19e: {  	v21 =	vld.idx.msk [tilespmem:v22+s3+$0x0], $0xffff  }
0x19f: {  	v22 =	vld.idx.msk [tilespmem:v23+s14+$0x0], $0xffff;
	_ =	sdelay $0x4  }
0x1a0: {  	v21 =	vadd.f32 v22, v21;
	_ =	sdelay $0x1  }
0x1a1: {  	v22 =	vmul.f32 $2.000000030e-01, v21  }
0x1a2: {  	vm15 =	vgt.f32 v21, $0.0e+00  }
0x1a3: {  	v21 =	vsel vm15, v21, v22  }
0x1a4: {  	v21 =	vsub.f32 v21, v20;
	_ =	sdelay $0x1  }
0x1a5: {  	v21 =	vmul.f32 $1.442695020e+00, v21;
	_ =	sdelay $0x1  }
0x1a6: {  	(erf) = vpow2.f32 v21;
	_ =	sdelay $0x4  }
0x1a7: {  	v21 =	vor.u32 s8, v9;
	_ =	sdelay $0x3  }
0x1a8: {  	v22 =	vpop (erf)  }
0x1a9: {  	[tilespmem:v21+s25+$0x0] =	vst.idx.msk $0xffff, v22  }
.LBB2_21:
0x1aa: {  	s1 =	sadd.s32 $0x3F, s30  }
0x1ab: {  	s2 =	sand.u32 $0x3F, s1  }
0x1ac: {  	s4 =	sshra.s32 s1, $0x1F;
	p0 =	slt.s32 s1, $0x1;
	p1 =	sne.s32 s2, $0x0  }
0x1ad: {  	s9 =	sshrl.u32 s4, $0x1A;
	p0 =	por !p0, !p1  }
0x1ae: {  	s2 =	simm.s32 $0x1;
	s1 =	sadd.s32 s9, s1;
	p0 =	por !p0, !p0  }
0x1af: {  	s1 =	sshra.s32 s1, $0x6;
	s2 =	simm.s32 @!p0 $0x0  }
0x1b0: {  	s8 =	ssub.s32 s1, s2  }
0x1b1: {  	p0 =	slt.s32 s8, $0x1  }
0x1b2: {  	s15 =	sadd.s32 $0x1, s8;
	s1 =	simm.s32 @!p0 $0x40  }
0x1b3: {  	s2 =	simm.s32 @!p0 $0x165A0;
	s4 =	simm.s32 @!p0 $0x18B40;
	s22 =	sand.u32 $0x1, s15  }
0x1b4: {  	[tilespmem:s4], [sflag:$0x5] =	stream.indirect.gather @!p0 [hbm4b:s26+s1], $0x80, s2, s1, $0xb8;
	[tilespmem:$0x1CB50] =	vst v63  }
0x1b5: {  	p5 =	slt.s32 s8, $0x0;
	p6 =	seq.s32 s22, $0x1  }
0x1b6: {  	s31 =	sshrl.u32 s15, $0x1F;
	p0 =	por !p5, !p6  }
0x1b7: {  	s1 =	sadd.s32 s31, s15;
	s2 =	simm.s32 $0x1;
	p0 =	por !p0, !p0  }
0x1b8: {  	s1 =	sshra.s32 s1, $0x1;
	s2 =	simm.s32 @!p0 $0x0  }
0x1b9: {  	s9 =	ssub.s32 s1, s2  }
0x1ba: {  	p0 =	slt.s32 s9, $0x1  }
.Ltmp12:
0x1bb: {  	_ = 	snop;
	(pc) =	sbr.rel @p0 .LBB2_40-.Ltmp12, $1  }
0x1bc: {  	_ =	sdelay $0x3  }
.Ltmp13:
0x1bd: {  	s1 =	sadd.s32 s10, s7;
	(pc) =	sbr.rel .LBB2_23-.Ltmp13, $4  }
0x1be: {  	s1 =	sadd.s32 s13, s1  }
0x1bf: {  	s6 =	simm.s32 $0x17230;
	s22 =	simm.s32 $0x40;
	s1 =	sadd.s32 s21, s1  }
0x1c0: {  	s7 =	smov.u32 s30;
	s31 =	simm.s32 $0x0;
	s0 =	sadd.s32 s0, s1  }
0x1c1: {  	s21 =	simm.s32 $0x17330;
	s10 =	sadd.s32 $0xFFFFFFC0, s0;
	s0 =	simm.s32 $0x0  }
.LBB2_33:
0x1c2: {  	s5 =	smov.u32 s21  }
.LBB2_38:
0x1c3: {  	v24 =	vmov s15;
	_ =	sdelay $0x1  }
0x1c4: {  	v21 =	vmul.f32 @p0 v23, v21;
	_ =	sdelay $0x1  }
0x1c5: {  	[tilespmem:v22+s16+$0x0] =	vst.idx.add.f32.msk @p0 $0xffff, v21  }
0x1c6: {  	v21 =	vld.idx.msk [tilespmem:v24+s19+$0x0], $0xffff;
	_ =	sdelay $0x3  }
0x1c7: {  	s1 =	sadd.s32 @p0 $0x4, s5;
	s4 =	smov.u32 s21  }
0x1c8: {  	s4 =	smov.u32 @p0 s1;
	v22 =	vshll.u32 v21, $0x2  }
0x1c9: {  	v23 =	vld [tilespmem:s4+$0x0];
	v22 =	vadd.s32 v2, v22  }
0x1ca: {  	s15 =	sshll.u32 s2, $0x7;
	v24 =	vshll.u32 v24, $0x2  }
0x1cb: {  	v25 =	vor.u32 s15, v2;
	_ =	sdelay $0x2  }
0x1cc: {  	[tilespmem:v22+s17+$0x0] =	vst.idx.add.f32.msk $0xf, v23  }
0x1cd: {  	v22 =	vld.idx.msk [tilespmem:v24+s25+$0x0], $0xffff  }
0x1ce: {  	v23 =	vld.idx.msk [tilespmem:v25+s29+$0x0], $0xffff  }
0x1cf: {  	v21 =	vshll.u32 v21, $0x7  }
0x1d0: {  	v50 =	vor.u32 v2, v21  }
0x1d1: {  	v26 =	vor.u32 s15, v10;
	_ =	sdelay $0x1  }
0x1d2: {  	v23 =	vmul.f32 v23, v22;
	_ =	sdelay $0x1  }
0x1d3: {  	[tilespmem:v50+s16+$0x0] =	vst.idx.add.f32.msk $0xffff, v23  }
0x1d4: {  	v23 =	vld.idx.msk [tilespmem:v26+s29+$0x0], $0xffff;
	_ =	sdelay $0x1  }
0x1d5: {  	v51 =	vor.u32 v10, v21  }
0x1d6: {  	v52 =	vor.u32 $0x1, v24  }
0x1d7: {  	v27 =	vor.u32 s15, v11  }
0x1d8: {  	v22 =	vmul.f32 v23, v22;
	_ =	sdelay $0x1  }
0x1d9: {  	[tilespmem:v51+s16+$0x0] =	vst.idx.add.f32.msk $0xffff, v22  }
0x1da: {  	v22 =	vld.idx.msk [tilespmem:v52+s25+$0x0], $0xffff  }
0x1db: {  	v23 =	vld.idx.msk [tilespmem:v27+s29+$0x0], $0xffff;
	_ =	sdelay $0x1  }
0x1dc: {  	v53 =	vor.u32 v11, v21  }
0x1dd: {  	v54 =	vor.u32 s15, v12;
	_ =	sdelay $0x1  }
0x1de: {  	v23 =	vmul.f32 v23, v22;
	_ =	sdelay $0x1  }
0x1df: {  	[tilespmem:v53+s16+$0x0] =	vst.idx.add.f32.msk $0xffff, v23  }
0x1e0: {  	v23 =	vld.idx.msk [tilespmem:v54+s29+$0x0], $0xffff;
	_ =	sdelay $0x1  }
0x1e1: {  	v55 =	vor.u32 v12, v21  }
0x1e2: {  	v56 =	vor.u32 $0x2, v24  }
0x1e3: {  	v57 =	vor.u32 s15, v13  }
0x1e4: {  	v22 =	vmul.f32 v23, v22;
	_ =	sdelay $0x1  }
0x1e5: {  	[tilespmem:v55+s16+$0x0] =	vst.idx.add.f32.msk $0xffff, v22  }
0x1e6: {  	v22 =	vld.idx.msk [tilespmem:v56+s25+$0x0], $0xffff  }
0x1e7: {  	v23 =	vld.idx.msk [tilespmem:v57+s29+$0x0], $0xffff;
	_ =	sdelay $0x1  }
0x1e8: {  	v58 =	vor.u32 v13, v21  }
0x1e9: {  	v59 =	vor.u32 s15, v14;
	_ =	sdelay $0x1  }
0x1ea: {  	v23 =	vmul.f32 v23, v22;
	_ =	sdelay $0x1  }
0x1eb: {  	[tilespmem:v58+s16+$0x0] =	vst.idx.add.f32.msk $0xffff, v23  }
0x1ec: {  	v23 =	vld.idx.msk [tilespmem:v59+s29+$0x0], $0xffff;
	_ =	sdelay $0x1  }
0x1ed: {  	v60 =	vor.u32 v14, v21  }
0x1ee: {  	v24 =	vor.u32 $0x3, v24  }
0x1ef: {  	v61 =	vor.u32 s15, v15  }
0x1f0: {  	v22 =	vmul.f32 v23, v22;
	_ =	sdelay $0x1  }
0x1f1: {  	[tilespmem:v60+s16+$0x0] =	vst.idx.add.f32.msk $0xffff, v22  }
0x1f2: {  	v22 =	vld.idx.msk [tilespmem:v24+s25+$0x0], $0xffff  }
0x1f3: {  	v23 =	vld.idx.msk [tilespmem:v61+s29+$0x0], $0xffff;
	_ =	sdelay $0x1  }
0x1f4: {  	v62 =	vor.u32 v15, v21  }
0x1f5: {  	v63 =	vor.u32 s15, v16;
	_ =	sdelay $0x1  }
0x1f6: {  	v23 =	vmul.f32 v23, v22;
	_ =	sdelay $0x1  }
0x1f7: {  	[tilespmem:v62+s16+$0x0] =	vst.idx.add.f32.msk $0xffff, v23  }
0x1f8: {  	v23 =	vld.idx.msk [tilespmem:v63+s29+$0x0], $0xffff;
	_ =	sdelay $0x1  }
0x1f9: {  	v21 =	vor.u32 v16, v21;
	_ =	sdelay $0x2  }
0x1fa: {  	v22 =	vmul.f32 v23, v22;
	_ =	sdelay $0x1  }
0x1fb: {  	[tilespmem:v21+s16+$0x0] =	vst.idx.add.f32.msk $0xffff, v22  }
.LBB2_39:
0x1fc: {  	s31 =	sadd.s32 $0x1, s31  }
0x1fd: {  	p0 =	sne.s32 s31, s9  }
.Ltmp14:
0x1fe: {  	_ = 	snop;
	(pc) =	sbr.rel @!p0 .LBB2_40-.Ltmp14, $3  }
0x1ff: {  	_ =	sdelay $0x1  }
0x200: {  	s7 =	sadd.s32 $0xFFFFFF80, s7;
	s10 =	sadd.s32 $0xFFFFFF80, s10;
	s6 =	sadd.s32 $0x200, s6  }
0x201: {  	s0 =	sadd.s32 $0x80, s0;
	s21 =	sadd.s32 $0x200, s21;
	s22 =	sadd.s32 $0x80, s22  }
.LBB2_23:
0x202: {  	s1 =	sshllo.u32 s31, $0x1  }
0x203: {  	s4 =	simm.s32 $0x5;
	p0 =	sge.s32 s1, s8  }
0x204: {  	s15 =	sshll.u32 s31, $0x7;
	_ =	swait.ge [sflag:s4], $0x2000;
	s2 =	sshll.u32 @!p0 s1, $0x8  }
0x205: {  	[sflag:s4] =	ssyncset.done $0x0;
	s5 =	simm.s32 @!p0 $0x1AB40;
	s2 =	sshra.s32 @!p0 s2, $0x2  }
0x206: {  	[sflag:s4] =	ssyncadd.s32 $0xFFFFE000;
	s4 =	simm.s32 @!p0 $0x40;
	s2 =	sadd.s32 @!p0 $0x165A0, s2  }
0x207: {  	[tilespmem:s5], [sflag:$0x6] =	stream.indirect.gather @!p0 [hbm4b:s26+s4], $0x80, s2, s4, $0xb8;
	[tilespmem:$0x1CB50] =	vst v63  }
0x208: {  	s2 =	ssub.s32 s30, s15  }
0x209: {  	p1 =	slt.s32 s2, $0x1  }
.Ltmp15:
0x20a: {  	_ = 	snop;
	(pc) =	sbr.rel @p1 .LBB2_31-.Ltmp15, $1  }
0x20b: {  	_ =	sdelay $0x3  }
0x20c: {  	p1 =	sgt.s32 s7, $0x1;
	s2 =	smov.u32 s7  }
0x20d: {  	s2 =	simm.s32 @!p1 $0x1  }
0x20e: {  	s5 =	smin.u32 s2, $0x40  }
0x20f: {  	p2 =	sne.s32 s5, $0x1  }
.Ltmp16:
0x210: {  	_ = 	snop;
	(pc) =	sbr.rel @!p2 .LBB2_25-.Ltmp16, $2  }
0x211: {  	_ =	sdelay $0x2  }
0x212: {  	s4 =	simm.s32 $0x1;
	p1 =	por $0x0, $0x0;
	s2 =	sadd.s32 $0x0, s0  }
0x213: {  	v21 =	vmov s2;
	_ =	sdelay $0x4  }
0x214: {  	v22 =	vld.idx.msk [tilespmem:v21+s19+$0x0], $0xffff;
	_ =	sdelay $0x4  }
0x215: {  	v23 =	vshll.u32 v22, $0x2  }
0x216: {  	v24 =	vld [tilespmem:s6+$0x0];
	v23 =	vadd.s32 v2, v23  }
0x217: {  	s26 =	simm.s32 $0x0;
	v21 =	vshll.u32 v21, $0x2  }
0x218: {  	v25 =	vor.u32 s26, v2;
	_ =	sdelay $0x2  }
0x219: {  	[tilespmem:v23+s17+$0x0] =	vst.idx.add.f32.msk $0xf, v24  }
0x21a: {  	v23 =	vld.idx.msk [tilespmem:v21+s25+$0x0], $0xffff  }
0x21b: {  	v24 =	vld.idx.msk [tilespmem:v25+s28+$0x0], $0xffff  }
0x21c: {  	v22 =	vshll.u32 v22, $0x7  }
0x21d: {  	v48 =	vor.u32 v2, v22  }
0x21e: {  	v26 =	vor.u32 s26, v10;
	_ =	sdelay $0x1  }
0x21f: {  	v24 =	vmul.f32 v24, v23;
	_ =	sdelay $0x1  }
0x220: {  	[tilespmem:v48+s16+$0x0] =	vst.idx.add.f32.msk $0xffff, v24  }
0x221: {  	v24 =	vld.idx.msk [tilespmem:v26+s28+$0x0], $0xffff;
	_ =	sdelay $0x1  }
0x222: {  	v49 =	vor.u32 v10, v22  }
0x223: {  	v50 =	vor.u32 $0x1, v21  }
0x224: {  	v27 =	vor.u32 s26, v11  }
0x225: {  	v23 =	vmul.f32 v24, v23;
	_ =	sdelay $0x1  }
0x226: {  	[tilespmem:v49+s16+$0x0] =	vst.idx.add.f32.msk $0xffff, v23  }
0x227: {  	v23 =	vld.idx.msk [tilespmem:v50+s25+$0x0], $0xffff  }
0x228: {  	v51 =	vld.idx.msk [tilespmem:v27+s28+$0x0], $0xffff;
	_ =	sdelay $0x1  }
0x229: {  	v52 =	vor.u32 v11, v22  }
0x22a: {  	v53 =	vor.u32 s26, v12;
	_ =	sdelay $0x1  }
0x22b: {  	v24 =	vmul.f32 v51, v23;
	_ =	sdelay $0x1  }
0x22c: {  	[tilespmem:v52+s16+$0x0] =	vst.idx.add.f32.msk $0xffff, v24  }
0x22d: {  	v24 =	vld.idx.msk [tilespmem:v53+s28+$0x0], $0xffff;
	_ =	sdelay $0x1  }
0x22e: {  	v54 =	vor.u32 v12, v22  }
0x22f: {  	v55 =	vor.u32 $0x2, v21  }
0x230: {  	v56 =	vor.u32 s26, v13  }
0x231: {  	v23 =	vmul.f32 v24, v23;
	_ =	sdelay $0x1  }
0x232: {  	[tilespmem:v54+s16+$0x0] =	vst.idx.add.f32.msk $0xffff, v23  }
0x233: {  	v23 =	vld.idx.msk [tilespmem:v55+s25+$0x0], $0xffff  }
0x234: {  	v57 =	vld.idx.msk [tilespmem:v56+s28+$0x0], $0xffff;
	_ =	sdelay $0x1  }
0x235: {  	v58 =	vor.u32 v13, v22  }
0x236: {  	v59 =	vor.u32 s26, v14;
	_ =	sdelay $0x1  }
0x237: {  	v24 =	vmul.f32 v57, v23;
	_ =	sdelay $0x1  }
0x238: {  	[tilespmem:v58+s16+$0x0] =	vst.idx.add.f32.msk $0xffff, v24  }
0x239: {  	v24 =	vld.idx.msk [tilespmem:v59+s28+$0x0], $0xffff;
	_ =	sdelay $0x1  }
0x23a: {  	v60 =	vor.u32 v14, v22  }
0x23b: {  	v21 =	vor.u32 $0x3, v21  }
0x23c: {  	v61 =	vor.u32 s26, v15  }
0x23d: {  	v23 =	vmul.f32 v24, v23;
	_ =	sdelay $0x1  }
0x23e: {  	[tilespmem:v60+s16+$0x0] =	vst.idx.add.f32.msk $0xffff, v23  }
0x23f: {  	v21 =	vld.idx.msk [tilespmem:v21+s25+$0x0], $0xffff  }
0x240: {  	v23 =	vld.idx.msk [tilespmem:v61+s28+$0x0], $0xffff;
	_ =	sdelay $0x1  }
0x241: {  	v62 =	vor.u32 v15, v22  }
0x242: {  	v63 =	vor.u32 s26, v16;
	_ =	sdelay $0x1  }
0x243: {  	p2 =	sne.s32 s5, $0x2;
	v23 =	vmul.f32 v23, v21  }
.Ltmp17:
0x244: {  	_ = 	snop;
	(pc) =	sbr.rel @!p2 .LBB2_27-.Ltmp17, $4  }
0x245: {  	[tilespmem:v62+s16+$0x0] =	vst.idx.add.f32.msk $0xffff, v23  }
0x246: {  	v23 =	vld.idx.msk [tilespmem:v63+s28+$0x0], $0xffff  }
0x247: {  	s15 =	simm.s32 $0x2  }
0x248: {  	s2 =	sadd.s32 $0x1, s0;
	p1 =	por $0x1, $0x1;
	s13 =	smov.u32 s6;
	v22 =	vor.u32 v16, v22  }
.LBB2_28:
0x249: {  	v24 =	vmov s2;
	s13 =	sadd.s32 $0x4, s13;
	s26 =	smov.u32 s15;
	s15 =	sadd.s32 $0x1, s15  }
0x24a: {  	p2 =	sne.s32 s5, s15  }
0x24b: {  	v21 =	vmul.f32 v23, v21;
	_ =	sdelay $0x1  }
0x24c: {  	[tilespmem:v22+s16+$0x0] =	vst.idx.add.f32.msk $0xffff, v21  }
0x24d: {  	v21 =	vld.idx.msk [tilespmem:v24+s19+$0x0], $0xffff;
	_ =	sdelay $0x5  }
0x24e: {  	v22 =	vshll.u32 v21, $0x2;
	v23 =	vshll.u32 v21, $0x7  }
0x24f: {  	s2 =	sshll.u32 s4, $0x7;
	s4 =	smov.u32 s26;
	v22 =	vadd.s32 v2, v22;
	v21 =	vld [tilespmem:s13+$0x0]  }
0x250: {  	v25 =	vor.u32 s2, v2;
	v24 =	vshll.u32 v24, $0x2;
	_ =	sdelay $0x3  }
0x251: {  	[tilespmem:v22+s17+$0x0] =	vst.idx.add.f32.msk $0xf, v21  }
0x252: {  	v21 =	vld.idx.msk [tilespmem:v24+s25+$0x0], $0xffff  }
0x253: {  	v22 =	vld.idx.msk [tilespmem:v25+s28+$0x0], $0xffff;
	_ =	sdelay $0x1  }
0x254: {  	v25 =	vor.u32 v2, v23  }
0x255: {  	v26 =	vor.u32 s2, v10;
	_ =	sdelay $0x2  }
0x256: {  	v22 =	vmul.f32 v22, v21;
	_ =	sdelay $0x1  }
0x257: {  	[tilespmem:v25+s16+$0x0] =	vst.idx.add.f32.msk $0xffff, v22  }
0x258: {  	v22 =	vld.idx.msk [tilespmem:v26+s28+$0x0], $0xffff;
	_ =	sdelay $0x1  }
0x259: {  	v25 =	vor.u32 v10, v23;
	_ =	sdelay $0x1  }
0x25a: {  	v27 =	vor.u32 s2, v11;
	v26 =	vor.u32 $0x1, v24;
	_ =	sdelay $0x1  }
0x25b: {  	v21 =	vmul.f32 v22, v21;
	_ =	sdelay $0x1  }
0x25c: {  	[tilespmem:v25+s16+$0x0] =	vst.idx.add.f32.msk $0xffff, v21  }
0x25d: {  	v21 =	vld.idx.msk [tilespmem:v26+s25+$0x0], $0xffff  }
0x25e: {  	v22 =	vld.idx.msk [tilespmem:v27+s28+$0x0], $0xffff  }
0x25f: {  	v25 =	vor.u32 v11, v23  }
0x260: {  	v26 =	vor.u32 s2, v12;
	_ =	sdelay $0x3  }
0x261: {  	v22 =	vmul.f32 v22, v21;
	_ =	sdelay $0x1  }
0x262: {  	[tilespmem:v25+s16+$0x0] =	vst.idx.add.f32.msk $0xffff, v22  }
0x263: {  	v22 =	vld.idx.msk [tilespmem:v26+s28+$0x0], $0xffff  }
0x264: {  	v25 =	vor.u32 v12, v23;
	_ =	sdelay $0x2  }
0x265: {  	v27 =	vor.u32 s2, v13;
	v26 =	vor.u32 $0x2, v24;
	_ =	sdelay $0x1  }
0x266: {  	v21 =	vmul.f32 v22, v21;
	_ =	sdelay $0x1  }
0x267: {  	[tilespmem:v25+s16+$0x0] =	vst.idx.add.f32.msk $0xffff, v21  }
0x268: {  	v21 =	vld.idx.msk [tilespmem:v26+s25+$0x0], $0xffff  }
0x269: {  	v25 =	vor.u32 v13, v23;
	v22 =	vld.idx.msk [tilespmem:v27+s28+$0x0], $0xffff  }
0x26a: {  	v26 =	vor.u32 s2, v14;
	_ =	sdelay $0x4  }
0x26b: {  	v22 =	vmul.f32 v22, v21;
	_ =	sdelay $0x1  }
0x26c: {  	[tilespmem:v25+s16+$0x0] =	vst.idx.add.f32.msk $0xffff, v22  }
0x26d: {  	v25 =	vor.u32 v14, v23;
	v22 =	vld.idx.msk [tilespmem:v26+s28+$0x0], $0xffff;
	_ =	sdelay $0x3  }
0x26e: {  	v24 =	vor.u32 $0x3, v24;
	v26 =	vor.u32 s2, v15;
	_ =	sdelay $0x1  }
0x26f: {  	v21 =	vmul.f32 v22, v21;
	_ =	sdelay $0x1  }
0x270: {  	[tilespmem:v25+s16+$0x0] =	vst.idx.add.f32.msk $0xffff, v21  }
0x271: {  	v22 =	vor.u32 v15, v23;
	v21 =	vld.idx.msk [tilespmem:v24+s25+$0x0], $0xffff  }
0x272: {  	v25 =	vor.u32 s2, v16;
	v24 =	vld.idx.msk [tilespmem:v26+s28+$0x0], $0xffff;
	_ =	sdelay $0x5  }
0x273: {  	v24 =	vmul.f32 v24, v21;
	_ =	sdelay $0x1  }
.Ltmp18:
0x274: {  	[tilespmem:v22+s16+$0x0] =	vst.idx.add.f32.msk $0xffff, v24;
	v22 =	vor.u32 v16, v23;
	(pc) =	sbr.rel @p2 .LBB2_28-.Ltmp18, $2  }
0x275: {  	v23 =	vld.idx.msk [tilespmem:v25+s28+$0x0], $0xffff;
	_ =	sdelay $0x2  }
0x276: {  	s2 =	sadd.s32 s4, s0  }
0x277: {  	s26 =	rddreg [dreg:$0x1]  }
.LBB2_30:
0x278: {  	v24 =	vmov s2;
	_ =	sdelay $0x1  }
0x279: {  	v21 =	vmul.f32 @p1 v23, v21;
	_ =	sdelay $0x1  }
0x27a: {  	[tilespmem:v22+s16+$0x0] =	vst.idx.add.f32.msk @p1 $0xffff, v21  }
0x27b: {  	v21 =	vld.idx.msk [tilespmem:v24+s19+$0x0], $0xffff;
	_ =	sdelay $0x3  }
0x27c: {  	s2 =	sadd.s32 @p1 $0x4, s13;
	s5 =	smov.u32 s6  }
0x27d: {  	s5 =	smov.u32 @p1 s2;
	v22 =	vshll.u32 v21, $0x2  }
0x27e: {  	v23 =	vld [tilespmem:s5+$0x0];
	v22 =	vadd.s32 v2, v22  }
0x27f: {  	s15 =	sshll.u32 s4, $0x7;
	v24 =	vshll.u32 v24, $0x2  }
0x280: {  	v25 =	vor.u32 s15, v2;
	_ =	sdelay $0x2  }
0x281: {  	[tilespmem:v22+s17+$0x0] =	vst.idx.add.f32.msk $0xf, v23  }
0x282: {  	v22 =	vld.idx.msk [tilespmem:v24+s25+$0x0], $0xffff  }
0x283: {  	v23 =	vld.idx.msk [tilespmem:v25+s28+$0x0], $0xffff  }
0x284: {  	v21 =	vshll.u32 v21, $0x7  }
0x285: {  	v50 =	vor.u32 v2, v21  }
0x286: {  	v26 =	vor.u32 s15, v10;
	_ =	sdelay $0x1  }
0x287: {  	v23 =	vmul.f32 v23, v22;
	_ =	sdelay $0x1  }
0x288: {  	[tilespmem:v50+s16+$0x0] =	vst.idx.add.f32.msk $0xffff, v23  }
0x289: {  	v23 =	vld.idx.msk [tilespmem:v26+s28+$0x0], $0xffff;
	_ =	sdelay $0x1  }
0x28a: {  	v51 =	vor.u32 v10, v21  }
0x28b: {  	v52 =	vor.u32 $0x1, v24  }
0x28c: {  	v27 =	vor.u32 s15, v11  }
0x28d: {  	v22 =	vmul.f32 v23, v22;
	_ =	sdelay $0x1  }
0x28e: {  	[tilespmem:v51+s16+$0x0] =	vst.idx.add.f32.msk $0xffff, v22  }
0x28f: {  	v22 =	vld.idx.msk [tilespmem:v52+s25+$0x0], $0xffff  }
0x290: {  	v23 =	vld.idx.msk [tilespmem:v27+s28+$0x0], $0xffff;
	_ =	sdelay $0x1  }
0x291: {  	v53 =	vor.u32 v11, v21  }
0x292: {  	v54 =	vor.u32 s15, v12;
	_ =	sdelay $0x1  }
0x293: {  	v23 =	vmul.f32 v23, v22;
	_ =	sdelay $0x1  }
0x294: {  	[tilespmem:v53+s16+$0x0] =	vst.idx.add.f32.msk $0xffff, v23  }
0x295: {  	v23 =	vld.idx.msk [tilespmem:v54+s28+$0x0], $0xffff;
	_ =	sdelay $0x1  }
0x296: {  	v55 =	vor.u32 v12, v21  }
0x297: {  	v56 =	vor.u32 $0x2, v24  }
0x298: {  	v57 =	vor.u32 s15, v13  }
0x299: {  	v22 =	vmul.f32 v23, v22;
	_ =	sdelay $0x1  }
0x29a: {  	[tilespmem:v55+s16+$0x0] =	vst.idx.add.f32.msk $0xffff, v22  }
0x29b: {  	v22 =	vld.idx.msk [tilespmem:v56+s25+$0x0], $0xffff  }
0x29c: {  	v23 =	vld.idx.msk [tilespmem:v57+s28+$0x0], $0xffff;
	_ =	sdelay $0x1  }
0x29d: {  	v58 =	vor.u32 v13, v21  }
0x29e: {  	v59 =	vor.u32 s15, v14;
	_ =	sdelay $0x1  }
0x29f: {  	v23 =	vmul.f32 v23, v22;
	_ =	sdelay $0x1  }
0x2a0: {  	[tilespmem:v58+s16+$0x0] =	vst.idx.add.f32.msk $0xffff, v23  }
0x2a1: {  	v23 =	vld.idx.msk [tilespmem:v59+s28+$0x0], $0xffff;
	_ =	sdelay $0x1  }
0x2a2: {  	v60 =	vor.u32 v14, v21  }
0x2a3: {  	v24 =	vor.u32 $0x3, v24  }
0x2a4: {  	v61 =	vor.u32 s15, v15  }
0x2a5: {  	v22 =	vmul.f32 v23, v22;
	_ =	sdelay $0x1  }
0x2a6: {  	[tilespmem:v60+s16+$0x0] =	vst.idx.add.f32.msk $0xffff, v22  }
0x2a7: {  	v22 =	vld.idx.msk [tilespmem:v24+s25+$0x0], $0xffff  }
0x2a8: {  	v23 =	vld.idx.msk [tilespmem:v61+s28+$0x0], $0xffff;
	_ =	sdelay $0x1  }
0x2a9: {  	v62 =	vor.u32 v15, v21  }
0x2aa: {  	v63 =	vor.u32 s15, v16;
	_ =	sdelay $0x1  }
0x2ab: {  	v23 =	vmul.f32 v23, v22;
	_ =	sdelay $0x1  }
0x2ac: {  	[tilespmem:v62+s16+$0x0] =	vst.idx.add.f32.msk $0xffff, v23  }
0x2ad: {  	v23 =	vld.idx.msk [tilespmem:v63+s28+$0x0], $0xffff;
	_ =	sdelay $0x1  }
0x2ae: {  	v21 =	vor.u32 v16, v21;
	_ =	sdelay $0x2  }
0x2af: {  	v22 =	vmul.f32 v23, v22;
	_ =	sdelay $0x1  }
0x2b0: {  	[tilespmem:v21+s16+$0x0] =	vst.idx.add.f32.msk $0xffff, v22  }
.LBB2_31:
0x2b1: {  	s2 =	sshll.u32 s31, $0x1  }
0x2b2: {  	s2 =	sadd.s32 @!p0 $0x2, s2  }
0x2b3: {  	s4 =	simm.s32 @!p0 $0x6;
	p1 =	sge.s32 @!p0 s2, s8  }
0x2b4: {  	_ =	swait.ge @!p0 [sflag:s4], $0x2000;
	p1 =	por p1, p0  }
0x2b5: {  	s1 =	sshll.u32 @!p0 s1, $0x6;
	[sflag:s4] =	ssyncset.done @!p0 $0x0;
	s2 =	sshll.u32 @!p1 s2, $0x8  }
0x2b6: {  	s1 =	ssub.s32 @!p0 s30, s1;
	[sflag:s4] =	ssyncadd.s32 @!p0 $0xFFFFE000;
	s2 =	sshra.s32 @!p1 s2, $0x2  }
0x2b7: {  	s4 =	simm.s32 @!p1 $0x40;
	s5 =	simm.s32 @!p1 $0x18B40;
	s2 =	sadd.s32 @!p1 $0x165A0, s2  }
0x2b8: {  	[tilespmem:s5], [sflag:$0x5] =	stream.indirect.gather @!p1 [hbm4b:s26+s4], $0x80, s2, s4, $0xb8;
	[tilespmem:$0x1CB50] =	vst v63  }
0x2b9: {  	p1 =	slt.s32 @!p0 s1, $0x1  }
0x2ba: {  	p1 =	por p0, p1  }
.Ltmp19:
0x2bb: {  	_ = 	snop;
	(pc) =	sbr.rel @p1 .LBB2_39-.Ltmp19, $1  }
0x2bc: {  	_ =	sdelay $0x3  }
0x2bd: {  	p1 =	sgt.s32 s10, $0x1;
	s1 =	smov.u32 s10  }
0x2be: {  	s1 =	simm.s32 @!p1 $0x1  }
0x2bf: {  	s1 =	smin.u32 s1, $0x40  }
0x2c0: {  	p1 =	sne.s32 s1, $0x1  }
.Ltmp20:
0x2c1: {  	_ = 	snop;
	(pc) =	sbr.rel @!p1 .LBB2_33-.Ltmp20, $3  }
0x2c2: {  	_ =	sdelay $0x1  }
0x2c3: {  	s2 =	simm.s32 @!p0 $0x0  }
0x2c4: {  	s4 =	simm.s32 $0x1;
	s15 =	sadd.s32 $0x0, s22;
	p0 =	por $0x0, $0x0  }
0x2c5: {  	v21 =	vmov s15;
	_ =	sdelay $0x4  }
0x2c6: {  	v22 =	vld.idx.msk [tilespmem:v21+s19+$0x0], $0xffff;
	_ =	sdelay $0x4  }
0x2c7: {  	v23 =	vshll.u32 v22, $0x2  }
0x2c8: {  	v24 =	vld [tilespmem:s21+$0x0];
	v23 =	vadd.s32 v2, v23  }
0x2c9: {  	s2 =	simm.s32 $0x0;
	v21 =	vshll.u32 v21, $0x2  }
0x2ca: {  	v25 =	vor.u32 s2, v2;
	_ =	sdelay $0x2  }
0x2cb: {  	[tilespmem:v23+s17+$0x0] =	vst.idx.add.f32.msk $0xf, v24  }
0x2cc: {  	v23 =	vld.idx.msk [tilespmem:v21+s25+$0x0], $0xffff  }
0x2cd: {  	v24 =	vld.idx.msk [tilespmem:v25+s29+$0x0], $0xffff  }
0x2ce: {  	v22 =	vshll.u32 v22, $0x7  }
0x2cf: {  	v48 =	vor.u32 v2, v22  }
0x2d0: {  	v26 =	vor.u32 s2, v10;
	_ =	sdelay $0x1  }
0x2d1: {  	v24 =	vmul.f32 v24, v23;
	_ =	sdelay $0x1  }
0x2d2: {  	[tilespmem:v48+s16+$0x0] =	vst.idx.add.f32.msk $0xffff, v24  }
0x2d3: {  	v24 =	vld.idx.msk [tilespmem:v26+s29+$0x0], $0xffff;
	_ =	sdelay $0x1  }
0x2d4: {  	v49 =	vor.u32 v10, v22  }
0x2d5: {  	v50 =	vor.u32 $0x1, v21  }
0x2d6: {  	v27 =	vor.u32 s2, v11  }
0x2d7: {  	v23 =	vmul.f32 v24, v23;
	_ =	sdelay $0x1  }
0x2d8: {  	[tilespmem:v49+s16+$0x0] =	vst.idx.add.f32.msk $0xffff, v23  }
0x2d9: {  	v23 =	vld.idx.msk [tilespmem:v50+s25+$0x0], $0xffff  }
0x2da: {  	v51 =	vld.idx.msk [tilespmem:v27+s29+$0x0], $0xffff;
	_ =	sdelay $0x1  }
0x2db: {  	v52 =	vor.u32 v11, v22  }
0x2dc: {  	v53 =	vor.u32 s2, v12;
	_ =	sdelay $0x1  }
0x2dd: {  	v24 =	vmul.f32 v51, v23;
	_ =	sdelay $0x1  }
0x2de: {  	[tilespmem:v52+s16+$0x0] =	vst.idx.add.f32.msk $0xffff, v24  }
0x2df: {  	v24 =	vld.idx.msk [tilespmem:v53+s29+$0x0], $0xffff;
	_ =	sdelay $0x1  }
0x2e0: {  	v54 =	vor.u32 v12, v22  }
0x2e1: {  	v55 =	vor.u32 $0x2, v21  }
0x2e2: {  	v56 =	vor.u32 s2, v13  }
0x2e3: {  	v23 =	vmul.f32 v24, v23;
	_ =	sdelay $0x1  }
0x2e4: {  	[tilespmem:v54+s16+$0x0] =	vst.idx.add.f32.msk $0xffff, v23  }
0x2e5: {  	v23 =	vld.idx.msk [tilespmem:v55+s25+$0x0], $0xffff  }
0x2e6: {  	v57 =	vld.idx.msk [tilespmem:v56+s29+$0x0], $0xffff;
	_ =	sdelay $0x1  }
0x2e7: {  	v58 =	vor.u32 v13, v22  }
0x2e8: {  	v59 =	vor.u32 s2, v14;
	_ =	sdelay $0x1  }
0x2e9: {  	v24 =	vmul.f32 v57, v23;
	_ =	sdelay $0x1  }
0x2ea: {  	[tilespmem:v58+s16+$0x0] =	vst.idx.add.f32.msk $0xffff, v24  }
0x2eb: {  	v24 =	vld.idx.msk [tilespmem:v59+s29+$0x0], $0xffff;
	_ =	sdelay $0x1  }
0x2ec: {  	v60 =	vor.u32 v14, v22  }
0x2ed: {  	v21 =	vor.u32 $0x3, v21  }
0x2ee: {  	v61 =	vor.u32 s2, v15  }
0x2ef: {  	v23 =	vmul.f32 v24, v23;
	_ =	sdelay $0x1  }
0x2f0: {  	[tilespmem:v60+s16+$0x0] =	vst.idx.add.f32.msk $0xffff, v23  }
0x2f1: {  	v21 =	vld.idx.msk [tilespmem:v21+s25+$0x0], $0xffff  }
0x2f2: {  	v23 =	vld.idx.msk [tilespmem:v61+s29+$0x0], $0xffff;
	_ =	sdelay $0x1  }
0x2f3: {  	v62 =	vor.u32 v15, v22  }
0x2f4: {  	v63 =	vor.u32 s2, v16;
	_ =	sdelay $0x1  }
0x2f5: {  	p1 =	sne.s32 s1, $0x2;
	v23 =	vmul.f32 v23, v21  }
.Ltmp21:
0x2f6: {  	_ = 	snop;
	(pc) =	sbr.rel @!p1 .LBB2_35-.Ltmp21, $4  }
0x2f7: {  	[tilespmem:v62+s16+$0x0] =	vst.idx.add.f32.msk $0xffff, v23  }
0x2f8: {  	v23 =	vld.idx.msk [tilespmem:v63+s29+$0x0], $0xffff  }
0x2f9: {  	s13 =	simm.s32 $0x2  }
0x2fa: {  	s15 =	sadd.s32 $0x1, s22;
	p0 =	por $0x1, $0x1;
	s5 =	smov.u32 s21;
	v22 =	vor.u32 v16, v22  }
.LBB2_36:
0x2fb: {  	v24 =	vmov s15;
	s5 =	sadd.s32 $0x4, s5;
	s15 =	smov.u32 s13;
	s13 =	sadd.s32 $0x1, s13  }
0x2fc: {  	p1 =	sne.s32 s1, s13  }
0x2fd: {  	v21 =	vmul.f32 v23, v21;
	_ =	sdelay $0x1  }
0x2fe: {  	[tilespmem:v22+s16+$0x0] =	vst.idx.add.f32.msk $0xffff, v21  }
0x2ff: {  	v21 =	vld.idx.msk [tilespmem:v24+s19+$0x0], $0xffff;
	_ =	sdelay $0x5  }
0x300: {  	v22 =	vshll.u32 v21, $0x2;
	v23 =	vshll.u32 v21, $0x7  }
0x301: {  	s2 =	sshll.u32 s4, $0x7;
	s4 =	smov.u32 s15;
	v22 =	vadd.s32 v2, v22;
	v21 =	vld [tilespmem:s5+$0x0]  }
0x302: {  	v25 =	vor.u32 s2, v2;
	v24 =	vshll.u32 v24, $0x2;
	_ =	sdelay $0x3  }
0x303: {  	[tilespmem:v22+s17+$0x0] =	vst.idx.add.f32.msk $0xf, v21  }
0x304: {  	v21 =	vld.idx.msk [tilespmem:v24+s25+$0x0], $0xffff  }
0x305: {  	v22 =	vld.idx.msk [tilespmem:v25+s29+$0x0], $0xffff;
	_ =	sdelay $0x1  }
0x306: {  	v25 =	vor.u32 v2, v23  }
0x307: {  	v26 =	vor.u32 s2, v10;
	_ =	sdelay $0x2  }
0x308: {  	v22 =	vmul.f32 v22, v21;
	_ =	sdelay $0x1  }
0x309: {  	[tilespmem:v25+s16+$0x0] =	vst.idx.add.f32.msk $0xffff, v22  }
0x30a: {  	v22 =	vld.idx.msk [tilespmem:v26+s29+$0x0], $0xffff;
	_ =	sdelay $0x1  }
0x30b: {  	v25 =	vor.u32 v10, v23;
	_ =	sdelay $0x1  }
0x30c: {  	v27 =	vor.u32 s2, v11;
	v26 =	vor.u32 $0x1, v24;
	_ =	sdelay $0x1  }
0x30d: {  	v21 =	vmul.f32 v22, v21;
	_ =	sdelay $0x1  }
0x30e: {  	[tilespmem:v25+s16+$0x0] =	vst.idx.add.f32.msk $0xffff, v21  }
0x30f: {  	v21 =	vld.idx.msk [tilespmem:v26+s25+$0x0], $0xffff  }
0x310: {  	v22 =	vld.idx.msk [tilespmem:v27+s29+$0x0], $0xffff  }
0x311: {  	v25 =	vor.u32 v11, v23  }
0x312: {  	v26 =	vor.u32 s2, v12;
	_ =	sdelay $0x3  }
0x313: {  	v22 =	vmul.f32 v22, v21;
	_ =	sdelay $0x1  }
0x314: {  	[tilespmem:v25+s16+$0x0] =	vst.idx.add.f32.msk $0xffff, v22  }
0x315: {  	v22 =	vld.idx.msk [tilespmem:v26+s29+$0x0], $0xffff  }
0x316: {  	v25 =	vor.u32 v12, v23;
	_ =	sdelay $0x2  }
0x317: {  	v27 =	vor.u32 s2, v13;
	v26 =	vor.u32 $0x2, v24;
	_ =	sdelay $0x1  }
0x318: {  	v21 =	vmul.f32 v22, v21;
	_ =	sdelay $0x1  }
0x319: {  	[tilespmem:v25+s16+$0x0] =	vst.idx.add.f32.msk $0xffff, v21  }
0x31a: {  	v21 =	vld.idx.msk [tilespmem:v26+s25+$0x0], $0xffff  }
0x31b: {  	v25 =	vor.u32 v13, v23;
	v22 =	vld.idx.msk [tilespmem:v27+s29+$0x0], $0xffff  }
0x31c: {  	v26 =	vor.u32 s2, v14;
	_ =	sdelay $0x4  }
0x31d: {  	v22 =	vmul.f32 v22, v21;
	_ =	sdelay $0x1  }
0x31e: {  	[tilespmem:v25+s16+$0x0] =	vst.idx.add.f32.msk $0xffff, v22  }
0x31f: {  	v25 =	vor.u32 v14, v23;
	v22 =	vld.idx.msk [tilespmem:v26+s29+$0x0], $0xffff;
	_ =	sdelay $0x3  }
0x320: {  	v24 =	vor.u32 $0x3, v24;
	v26 =	vor.u32 s2, v15;
	_ =	sdelay $0x1  }
0x321: {  	v21 =	vmul.f32 v22, v21;
	_ =	sdelay $0x1  }
0x322: {  	[tilespmem:v25+s16+$0x0] =	vst.idx.add.f32.msk $0xffff, v21  }
0x323: {  	v22 =	vor.u32 v15, v23;
	v21 =	vld.idx.msk [tilespmem:v24+s25+$0x0], $0xffff  }
0x324: {  	v25 =	vor.u32 s2, v16;
	v24 =	vld.idx.msk [tilespmem:v26+s29+$0x0], $0xffff;
	_ =	sdelay $0x5  }
0x325: {  	v24 =	vmul.f32 v24, v21;
	_ =	sdelay $0x1  }
.Ltmp22:
0x326: {  	[tilespmem:v22+s16+$0x0] =	vst.idx.add.f32.msk $0xffff, v24;
	v22 =	vor.u32 v16, v23;
	(pc) =	sbr.rel @p1 .LBB2_36-.Ltmp22, $2  }
0x327: {  	v23 =	vld.idx.msk [tilespmem:v25+s29+$0x0], $0xffff;
	_ =	sdelay $0x2  }
0x328: {  	s15 =	sadd.s32 s4, s22  }
.Ltmp23:
0x329: {  	(pc) =	sbr.rel .LBB2_38-.Ltmp23, $2  }
0x32a: {  	_ =	sdelay $0x2  }
0x32b: {  	s2 =	smov.u32 s4  }
.LBB2_25:
.Ltmp24:
0x32c: {  	(pc) =	sbr.rel .LBB2_30-.Ltmp24, $2  }
0x32d: {  	_ =	sdelay $0x2  }
0x32e: {  	s13 =	smov.u32 s6;
	s4 =	simm.s32 $0x0  }
.LBB2_27:
.Ltmp25:
0x32f: {  	(pc) =	sbr.rel .LBB2_30-.Ltmp25, $2  }
0x330: {  	_ =	sdelay $0x2  }
0x331: {  	s13 =	smov.u32 s6;
	s26 =	rddreg [dreg:$0x1]  }
.LBB2_35:
.Ltmp26:
0x332: {  	(pc) =	sbr.rel .LBB2_38-.Ltmp26, $2  }
0x333: {  	_ =	sdelay $0x2  }
0x334: {  	s5 =	smov.u32 s21;
	s2 =	simm.s32 $0x1  }
.LBB2_40:
0x335: {  	s0 =	simm.s32 $0x2  }
0x336: {  	_ =	swait.ge [sflag:s0], $0x640  }
0x337: {  	[sflag:s0] =	ssyncset.done $0x0  }
0x338: {  	s2 =	simm.s32 $0x4;
	[sflag:s0] =	ssyncadd.s32 $0xFFFFF9C0  }
0x339: {  	_ =	swait.ge [sflag:s2], $0x640  }
0x33a: {  	s6 =	rddreg [dreg:$0xb]  }
0x33b: {  	s1 =	rddreg [dreg:$0xc];
	p0 =	seq.s32 s6, $0x63  }
0x33c: {  	s7 =	simm.s32 $0x0;
	[sflag:s2] =	ssyncset.done $0x0;
	s1 =	sshrl.u32 @!p0 s1, $0x3  }
0x33d: {  	v21 =	vor.u32 s7, v2;
	[sflag:s2] =	ssyncadd.s32 $0xFFFFF9C0;
	s0 =	sadd.s32 @!p0 $0x190, s1;
	s1 =	rddreg [dreg:$0x3]  }
0x33e: {  	v22 =	vand.u32 v5, v21;
	s2 =	simm.s32 @!p0 $0x0;
	s4 =	simm.s32 @!p0 $0x14650;
	s1 =	sadd.s32 @!p0 s1, s0  }
0x33f: {  	[tilespmem:s4], [sflag:$0x1] =	stream.linear.gather @!p0 [hbm4b:s1+s2], $0x640, $0x38;
	[tilespmem:$0x1CB50] =	vst v63  }
0x340: {  	s1 =	rddreg [dreg:$0x4]  }
0x341: {  	s0 =	sadd.s32 @!p0 s1, s0;
	s1 =	simm.s32 @!p0 $0x152D0  }
0x342: {  	[tilespmem:s1], [sflag:$0x3] =	stream.linear.gather @!p0 [hbm4b:s0+s2], $0x640, $0x38;
	[tilespmem:$0x1CB50] =	vst v63  }
0x343: {  	v22 =	vld.idx.msk [tilespmem:v22+s24+$0x0], $0xffff  }
0x344: {  	s8 =	simm.s32 $0x10  }
0x345: {  	v23 =	vor.u32 s8, v2  }
0x346: {  	v24 =	vand.u32 v6, v23;
	_ =	sdelay $0x1  }
0x347: {  	vm0 =	vge.s32 v22, v0;
	vm1 =	vlt.s32 v22, v1  }
0x348: {  	s9 =	simm.s32 $0x0;
	vm0 =	vmand vm0, vm1  }
0x349: {  	[tilespmem:s9+$0x15F50] =	vst.msk vm0, v21;
	v21 =	vmpcnt.ones.xlane vm0  }
0x34a: {  	v22 =	vld.idx.msk [tilespmem:v24+s24+$0x0], $0xffff  }
0x34b: {  	(v2sf) =	vpush v21, $0x0;
	_ =	sdelay $0x3  }
0x34c: {  	vm0 =	vge.s32 v22, v0;
	vm1 =	vlt.s32 v22, v1  }
0x34d: {  	vm0 =	vmand vm0, vm1  }
0x34e: {  	v21 =	vmpcnt.ones.xlane vm0;
	_ =	sdelay $0x1  }
0x34f: {  	(v2sf) =	vpush v21, $0x0;
	_ =	sdelay $0x2  }
0x350: {  	s10 =	simm.s32 $0x20  }
0x351: {  	v21 =	vor.u32 s10, v2  }
0x352: {  	v22 =	vand.u32 v7, v21;
	_ =	sdelay $0x1  }
0x353: {  	s13 =	spop (v2sf)  }
0x354: {  	s0 =	sadd.s32 $0x0, s13  }
0x355: {  	[tilespmem:s0+$0x15F50] =	vst.msk vm0, v23  }
0x356: {  	v22 =	vld.idx.msk [tilespmem:v22+s24+$0x0], $0xffff  }
0x357: {  	s15 =	simm.s32 $0x30  }
0x358: {  	v23 =	vor.u32 s15, v2  }
0x359: {  	v62 =	vand.u32 v8, v23;
	_ =	sdelay $0x1  }
0x35a: {  	vm0 =	vge.s32 v22, v0;
	vm1 =	vlt.s32 v22, v1;
	s21 =	spop (v2sf)  }
0x35b: {  	s0 =	sadd.s32 s0, s21;
	vm0 =	vmand vm0, vm1  }
0x35c: {  	[tilespmem:s0+$0x15F50] =	vst.msk vm0, v21;
	v21 =	vmpcnt.ones.xlane vm0  }
0x35d: {  	v22 =	vld.idx.msk [tilespmem:v62+s24+$0x0], $0xffff  }
0x35e: {  	(v2sf) =	vpush v21, $0x0;
	_ =	sdelay $0x3  }
0x35f: {  	vm0 =	vge.s32 v22, v0;
	vm1 =	vlt.s32 v22, v1  }
0x360: {  	vm0 =	vmand vm0, vm1  }
0x361: {  	v21 =	vmpcnt.ones.xlane vm0;
	_ =	sdelay $0x1  }
0x362: {  	(v2sf) =	vpush v21, $0x0;
	_ =	sdelay $0x2  }
0x363: {  	s22 =	simm.s32 $0x40  }
0x364: {  	v22 =	vor.u32 s22, v2  }
0x365: {  	v21 =	vand.u32 v5, v22;
	_ =	sdelay $0x1  }
0x366: {  	s30 =	spop (v2sf)  }
0x367: {  	s2 =	sadd.s32 s0, s30  }
0x368: {  	[tilespmem:s2+$0x15F50] =	vst.msk vm0, v23  }
0x369: {  	v63 =	vld.idx.msk [tilespmem:v21+s24+$0x0], $0xffff  }
0x36a: {  	s31 =	simm.s32 $0x50  }
0x36b: {  	v21 =	vor.u32 s31, v2  }
0x36c: {  	v23 =	vand.u32 v6, v21;
	_ =	sdelay $0x1  }
0x36d: {  	s1 =	simm.s32 $0x70;
	s0 =	simm.s32 $0x4;
	vm0 =	vge.s32 v63, v0;
	vm1 =	vlt.s32 v63, v1;
	s4 =	spop (v2sf)  }
.LBB2_41:
0x36e: {  	s0 =	sadd.s32 $0x4, s0;
	vm0 =	vmand vm0, vm1;
	s2 =	sadd.s32 s2, s4  }
0x36f: {  	p0 =	slt.u32 s0, $0x60;
	[tilespmem:s2+$0x15F50] =	vst.msk vm0, v22;
	v22 =	vmpcnt.ones.xlane vm0  }
0x370: {  	v23 =	vld.idx.msk [tilespmem:v23+s24+$0x0], $0xffff  }
0x371: {  	(v2sf) =	vpush v22, $0x0;
	_ =	sdelay $0x4  }
0x372: {  	vm0 =	vge.s32 v23, v0;
	vm1 =	vlt.s32 v23, v1  }
0x373: {  	vm0 =	vmand vm0, vm1  }
0x374: {  	v22 =	vmpcnt.ones.xlane vm0;
	_ =	sdelay $0x1  }
0x375: {  	(v2sf) =	vpush v22, $0x0;
	_ =	sdelay $0x1  }
0x376: {  	s4 =	sadd.s32 $0xFFFFFFF0, s1  }
0x377: {  	v22 =	vor.u32 s4, v2  }
0x378: {  	v23 =	vand.u32 v7, v22;
	_ =	sdelay $0x1  }
0x379: {  	s4 =	spop (v2sf)  }
0x37a: {  	s2 =	sadd.s32 s2, s4  }
0x37b: {  	[tilespmem:s2+$0x15F50] =	vst.msk vm0, v21  }
0x37c: {  	v21 =	vld.idx.msk [tilespmem:v23+s24+$0x0], $0xffff;
	_ =	sdelay $0x2  }
0x37d: {  	v23 =	vor.u32 s1, v2  }
0x37e: {  	v24 =	vand.u32 v8, v23;
	_ =	sdelay $0x1  }
0x37f: {  	vm0 =	vge.s32 v21, v0;
	vm1 =	vlt.s32 v21, v1;
	s4 =	spop (v2sf)  }
0x380: {  	vm0 =	vmand vm0, vm1;
	s2 =	sadd.s32 s2, s4  }
0x381: {  	v21 =	vmpcnt.ones.xlane vm0;
	[tilespmem:s2+$0x15F50] =	vst.msk vm0, v22  }
0x382: {  	v22 =	vld.idx.msk [tilespmem:v24+s24+$0x0], $0xffff  }
0x383: {  	(v2sf) =	vpush v21, $0x0;
	_ =	sdelay $0x4  }
0x384: {  	vm0 =	vge.s32 v22, v0;
	vm1 =	vlt.s32 v22, v1  }
0x385: {  	vm0 =	vmand vm0, vm1  }
0x386: {  	v21 =	vmpcnt.ones.xlane vm0;
	_ =	sdelay $0x1  }
0x387: {  	(v2sf) =	vpush v21, $0x0  }
0x388: {  	s1 =	sadd.s32 $0x40, s1  }
0x389: {  	s4 =	sadd.s32 $0xFFFFFFD0, s1  }
0x38a: {  	v22 =	vor.u32 s4, v2  }
0x38b: {  	v21 =	vand.u32 v5, v22;
	_ =	sdelay $0x1  }
0x38c: {  	s4 =	spop (v2sf)  }
0x38d: {  	s2 =	sadd.s32 s2, s4  }
0x38e: {  	[tilespmem:s2+$0x15F50] =	vst.msk vm0, v23  }
0x38f: {  	v24 =	vld.idx.msk [tilespmem:v21+s24+$0x0], $0xffff;
	_ =	sdelay $0x1  }
.Ltmp27:
0x390: {  	s4 =	sadd.s32 $0xFFFFFFE0, s1;
	(pc) =	sbr.rel @p0 .LBB2_41-.Ltmp27, $3  }
0x391: {  	v21 =	vor.u32 s4, v2  }
0x392: {  	v23 =	vand.u32 v6, v21;
	_ =	sdelay $0x1  }
0x393: {  	vm0 =	vge.s32 v24, v0;
	vm1 =	vlt.s32 v24, v1;
	s4 =	spop (v2sf)  }
0x394: {  	_ =	sdelay $0x1  }
0x395: {  	vm0 =	vmand vm0, vm1;
	s0 =	sadd.s32 s2, s4  }
0x396: {  	[tilespmem:s0+$0x15F50] =	vst.msk vm0, v22;
	v22 =	vmpcnt.ones.xlane vm0  }
0x397: {  	v23 =	vld.idx.msk [tilespmem:v23+s24+$0x0], $0xffff  }
0x398: {  	(v2sf) =	vpush v22, $0x0;
	_ =	sdelay $0x3  }
0x399: {  	vm10 =	vge.s32 v23, v0;
	vm11 =	vlt.s32 v23, v1  }
0x39a: {  	vm0 =	vmand vm10, vm11  }
0x39b: {  	v22 =	vmpcnt.ones.xlane vm0;
	_ =	sdelay $0x1  }
0x39c: {  	(v2sf) =	vpush v22, $0x0;
	_ =	sdelay $0x2  }
0x39d: {  	s13 =	sadd.s32 $0xFFFFFFF0, s1  }
0x39e: {  	v22 =	vor.u32 s13, v2  }
0x39f: {  	v23 =	vand.u32 v7, v22;
	_ =	sdelay $0x1  }
0x3a0: {  	s9 =	spop (v2sf)  }
0x3a1: {  	s15 =	sadd.s32 s0, s9  }
0x3a2: {  	[tilespmem:s15+$0x15F50] =	vst.msk vm0, v21  }
0x3a3: {  	v21 =	vld.idx.msk [tilespmem:v23+s24+$0x0], $0xffff;
	_ =	sdelay $0x1  }
0x3a4: {  	v23 =	vor.u32 s1, v2  }
0x3a5: {  	v24 =	vand.u32 v8, v23;
	_ =	sdelay $0x1  }
0x3a6: {  	vm12 =	vge.s32 v21, v0;
	vm13 =	vlt.s32 v21, v1;
	s10 =	spop (v2sf)  }
0x3a7: {  	s21 =	sadd.s32 s15, s10;
	vm0 =	vmand vm12, vm13  }
0x3a8: {  	[tilespmem:s21+$0x15F50] =	vst.msk vm0, v22  }
0x3a9: {  	v21 =	vld.idx.msk [tilespmem:v24+s24+$0x0], $0xffff;
	_ =	sdelay $0x4  }
0x3aa: {  	vm14 =	vge.s32 v21, v0;
	vm2 =	vlt.s32 v21, v1  }
0x3ab: {  	v21 =	vmpcnt.ones.xlane vm0;
	vm15 =	vmand vm14, vm2  }
0x3ac: {  	v22 =	vmpcnt.ones.xlane vm15  }
0x3ad: {  	(v2sf) =	vpush v21, $0x0  }
0x3ae: {  	(v2sf) =	vpush v22, $0x0;
	_ =	sdelay $0xd  }
0x3af: {  	s13 =	spop (v2sf)  }
0x3b0: {  	s2 =	sadd.s32 s21, s13;
	s21 =	spop (v2sf)  }
0x3b1: {  	s6 =	sadd.s32 s2, s21  }
0x3b2: {  	s22 =	sadd.s32 $0xF, s6  }
0x3b3: {  	s30 =	sand.u32 $0xF, s22  }
0x3b4: {  	s31 =	sshra.s32 s22, $0x1F;
	p1 =	slt.s32 s22, $0x1;
	p0 =	sne.s32 s30, $0x0  }
0x3b5: {  	s4 =	sshrl.u32 s31, $0x1C;
	p0 =	por !p1, !p0  }
0x3b6: {  	s1 =	sadd.s32 s4, s22;
	s4 =	simm.s32 $0x1;
	p0 =	por !p0, !p0  }
0x3b7: {  	s1 =	sshra.s32 s1, $0x4;
	s4 =	simm.s32 @!p0 $0x0  }
0x3b8: {  	s1 =	ssub.s32 s1, s4  }
0x3b9: {  	p0 =	slt.s32 s1, $0x1  }
.Ltmp28:
0x3ba: {  	_ = 	snop;
	(pc) =	sbr.rel @p0 .LBB2_49-.Ltmp28, $2  }
0x3bb: {  	_ =	sdelay $0x2  }
0x3bc: {  	[tilespmem:s2+$0x15F50] =	vst.msk vm15, v23  }
0x3bd: {  	p1 =	sne.s32 s1, $0x1  }
.Ltmp29:
0x3be: {  	_ = 	snop;
	(pc) =	sbr.rel @!p1 .LBB2_44-.Ltmp29, $4  }
0x3bf: {  	_ = 	snop  }
0x3c0: {  	s2 =	simm.s32 $0x0  }
0x3c1: {  	v23 =	vor.u32 s2, v2  }
0x3c2: {  	v21 =	vmov s6;
	s7 =	simm.s32 $0x3;
	s1 =	sadd.s32 $0xFFFFFFFF, s1;
	p0 =	por $0x0, $0x0;
	v22 =	vand.u32 v8, v23  }
0x3c3: {  	_ =	sdelay $0x3  }
0x3c4: {  	v24 =	vld.idx.msk [tilespmem:v22+s20+$0x0], $0xffff;
	_ =	sdelay $0x7  }
0x3c5: {  	v25 =	vld.idx.msk [tilespmem:v24+s24+$0x0], $0xffff  }
0x3c6: {  	v24 =	vld.idx.msk [tilespmem:v24+s23+$0x0], $0xffff;
	_ =	sdelay $0x3  }
0x3c7: {  	vm0 =	vlt.s32 v23, v21;
	v23 =	vsub.s32 v25, v0  }
0x3c8: {  	v25 =	vshll.u32 v24, $0x2;
	v23 =	vnsel vm0, $0x0, v23  }
0x3c9: {  	v26 =	vshll.u32 v23, $0x2;
	_ =	sdelay $0x1  }
0x3ca: {  	[tilespmem:v22+s18+$0x0] =	vst.idx.msk $0xffff, v24  }
0x3cb: {  	[tilespmem:v22+s19+$0x0] =	vst.idx.msk $0xffff, v23  }
0x3cc: {  	v22 =	vld.idx.msk [tilespmem:v25+s3+$0x0], $0xffff  }
0x3cd: {  	v23 =	vld.idx.msk [tilespmem:v26+s14+$0x0], $0xffff;
	_ =	sdelay $0x4  }
0x3ce: {  	v22 =	vadd.f32 v23, v22;
	_ =	sdelay $0x1  }
0x3cf: {  	v23 =	vmul.f32 $2.000000030e-01, v22  }
0x3d0: {  	vm12 =	vgt.f32 v22, $0.0e+00  }
0x3d1: {  	v22 =	vsel vm12, v22, v23  }
0x3d2: {  	v22 =	vsub.f32 v22, v17;
	_ =	sdelay $0x1  }
0x3d3: {  	v22 =	vmul.f32 $1.442695020e+00, v22;
	_ =	sdelay $0x1  }
0x3d4: {  	(erf) = vpow2.f32 v22;
	_ =	sdelay $0x3  }
0x3d5: {  	s2 =	simm.s32 $0x0  }
0x3d6: {  	v22 =	vor.u32 s2, v9  }
0x3d7: {  	v23 =	vor.u32 $0x1, v25  }
0x3d8: {  	v24 =	vor.u32 $0x1, v26;
	_ =	sdelay $0x1  }
0x3d9: {  	v27 =	vpop (erf)  }
0x3da: {  	[tilespmem:v22+s25+$0x0] =	vst.idx.msk $0xffff, v27  }
0x3db: {  	v22 =	vld.idx.msk [tilespmem:v23+s3+$0x0], $0xffff  }
0x3dc: {  	v23 =	vld.idx.msk [tilespmem:v24+s14+$0x0], $0xffff;
	_ =	sdelay $0x4  }
0x3dd: {  	v22 =	vadd.f32 v23, v22;
	_ =	sdelay $0x1  }
0x3de: {  	v23 =	vmul.f32 $2.000000030e-01, v22  }
0x3df: {  	vm13 =	vgt.f32 v22, $0.0e+00  }
0x3e0: {  	v22 =	vsel vm13, v22, v23  }
0x3e1: {  	v22 =	vsub.f32 v22, v18;
	_ =	sdelay $0x1  }
0x3e2: {  	v22 =	vmul.f32 $1.442695020e+00, v22;
	_ =	sdelay $0x1  }
0x3e3: {  	(erf) = vpow2.f32 v22;
	_ =	sdelay $0x3  }
0x3e4: {  	s30 =	simm.s32 $0x1  }
0x3e5: {  	v22 =	vor.u32 s30, v9  }
0x3e6: {  	v23 =	vor.u32 $0x2, v25  }
0x3e7: {  	v24 =	vor.u32 $0x2, v26;
	_ =	sdelay $0x1  }
0x3e8: {  	v27 =	vpop (erf)  }
0x3e9: {  	[tilespmem:v22+s25+$0x0] =	vst.idx.msk $0xffff, v27  }
0x3ea: {  	v22 =	vld.idx.msk [tilespmem:v23+s3+$0x0], $0xffff  }
0x3eb: {  	v23 =	vld.idx.msk [tilespmem:v24+s14+$0x0], $0xffff;
	_ =	sdelay $0x4  }
0x3ec: {  	v22 =	vadd.f32 v23, v22;
	_ =	sdelay $0x1  }
0x3ed: {  	v23 =	vmul.f32 $2.000000030e-01, v22  }
0x3ee: {  	vm14 =	vgt.f32 v22, $0.0e+00  }
0x3ef: {  	v22 =	vsel vm14, v22, v23  }
0x3f0: {  	v22 =	vsub.f32 v22, v19;
	_ =	sdelay $0x1  }
0x3f1: {  	v22 =	vmul.f32 $1.442695020e+00, v22;
	_ =	sdelay $0x1  }
0x3f2: {  	(erf) = vpow2.f32 v22;
	_ =	sdelay $0x3  }
0x3f3: {  	s31 =	simm.s32 $0x2  }
0x3f4: {  	v22 =	vor.u32 s31, v9  }
0x3f5: {  	v23 =	vor.u32 $0x3, v25  }
0x3f6: {  	v24 =	vor.u32 $0x3, v26;
	_ =	sdelay $0x1  }
0x3f7: {  	v25 =	vpop (erf)  }
0x3f8: {  	[tilespmem:v22+s25+$0x0] =	vst.idx.msk $0xffff, v25  }
0x3f9: {  	v22 =	vld.idx.msk [tilespmem:v23+s3+$0x0], $0xffff  }
0x3fa: {  	v23 =	vld.idx.msk [tilespmem:v24+s14+$0x0], $0xffff;
	_ =	sdelay $0x4  }
0x3fb: {  	v22 =	vadd.f32 v23, v22;
	_ =	sdelay $0x1  }
0x3fc: {  	v23 =	vmul.f32 $2.000000030e-01, v22  }
0x3fd: {  	vm15 =	vgt.f32 v22, $0.0e+00  }
0x3fe: {  	v22 =	vsel vm15, v22, v23  }
0x3ff: {  	v22 =	vsub.f32 v22, v20;
	_ =	sdelay $0x1  }
0x400: {  	v22 =	vmul.f32 $1.442695020e+00, v22;
	_ =	sdelay $0x1  }
0x401: {  	p1 =	sne.s32 s1, $0x1;
	(erf) = vpow2.f32 v22  }
.Ltmp30:
0x402: {  	_ = 	snop;
	(pc) =	sbr.rel @!p1 .LBB2_46-.Ltmp30, $4  }
0x403: {  	_ = 	snop  }
0x404: {  	s4 =	simm.s32 $0x10  }
0x405: {  	v23 =	vor.u32 s4, v2  }
0x406: {  	s5 =	sadd.s32 $0xFFFFFFFF, s1;
	p0 =	por $0x1, $0x1;
	s1 =	simm.s32 $0x3;
	v24 =	vor.u32 s7, v9;
	v22 =	vand.u32 v8, v23  }
.LBB2_47:
0x407: {  	p1 =	sne.s32 s5, $0x1;
	s5 =	sadd.s32 $0xFFFFFFFF, s5;
	s1 =	sadd.s32 $0x40, s1  }
0x408: {  	_ =	sdelay $0x1  }
0x409: {  	v25 =	vpop (erf)  }
0x40a: {  	[tilespmem:v24+s25+$0x0] =	vst.idx.msk $0xffff, v25  }
0x40b: {  	v24 =	vld.idx.msk [tilespmem:v22+s20+$0x0], $0xffff;
	_ =	sdelay $0x7  }
0x40c: {  	v25 =	vld.idx.msk [tilespmem:v24+s24+$0x0], $0xffff  }
0x40d: {  	v24 =	vld.idx.msk [tilespmem:v24+s23+$0x0], $0xffff;
	_ =	sdelay $0x4  }
0x40e: {  	vm0 =	vlt.s32 v23, v21;
	v23 =	vsub.s32 v25, v0  }
0x40f: {  	v23 =	vnsel vm0, $0x0, v23;
	v25 =	vshll.u32 v24, $0x2  }
0x410: {  	v26 =	vshll.u32 v23, $0x2;
	_ =	sdelay $0x1  }
0x411: {  	[tilespmem:v22+s18+$0x0] =	vst.idx.msk $0xffff, v24  }
0x412: {  	[tilespmem:v22+s19+$0x0] =	vst.idx.msk $0xffff, v23  }
0x413: {  	v22 =	vld.idx.msk [tilespmem:v25+s3+$0x0], $0xffff  }
0x414: {  	v23 =	vld.idx.msk [tilespmem:v26+s14+$0x0], $0xffff;
	_ =	sdelay $0x5  }
0x415: {  	v22 =	vadd.f32 v23, v22;
	_ =	sdelay $0x1  }
0x416: {  	v23 =	vmul.f32 $2.000000030e-01, v22  }
0x417: {  	vm0 =	vgt.f32 v22, $0.0e+00  }
0x418: {  	v22 =	vsel vm0, v22, v23  }
0x419: {  	v22 =	vsub.f32 v22, v17;
	_ =	sdelay $0x1  }
0x41a: {  	v22 =	vmul.f32 $1.442695020e+00, v22;
	_ =	sdelay $0x1  }
0x41b: {  	(erf) = vpow2.f32 v22;
	_ =	sdelay $0x3  }
0x41c: {  	s2 =	sadd.s32 $0xFFFFFFFD, s1  }
0x41d: {  	v22 =	vor.u32 s2, v9  }
0x41e: {  	v23 =	vor.u32 $0x1, v25  }
0x41f: {  	v24 =	vor.u32 $0x1, v26;
	_ =	sdelay $0x1  }
0x420: {  	v27 =	vpop (erf)  }
0x421: {  	[tilespmem:v22+s25+$0x0] =	vst.idx.msk $0xffff, v27  }
0x422: {  	v22 =	vld.idx.msk [tilespmem:v23+s3+$0x0], $0xffff  }
0x423: {  	v23 =	vld.idx.msk [tilespmem:v24+s14+$0x0], $0xffff;
	_ =	sdelay $0x5  }
0x424: {  	v22 =	vadd.f32 v23, v22;
	_ =	sdelay $0x1  }
0x425: {  	v23 =	vmul.f32 $2.000000030e-01, v22  }
0x426: {  	vm0 =	vgt.f32 v22, $0.0e+00  }
0x427: {  	v22 =	vsel vm0, v22, v23  }
0x428: {  	v22 =	vsub.f32 v22, v18;
	_ =	sdelay $0x1  }
0x429: {  	v22 =	vmul.f32 $1.442695020e+00, v22;
	_ =	sdelay $0x1  }
0x42a: {  	(erf) = vpow2.f32 v22;
	_ =	sdelay $0x3  }
0x42b: {  	s2 =	sadd.s32 $0xFFFFFFFE, s1  }
0x42c: {  	v22 =	vor.u32 s2, v9  }
0x42d: {  	v23 =	vor.u32 $0x2, v25  }
0x42e: {  	v24 =	vor.u32 $0x2, v26;
	_ =	sdelay $0x1  }
0x42f: {  	v27 =	vpop (erf)  }
0x430: {  	[tilespmem:v22+s25+$0x0] =	vst.idx.msk $0xffff, v27  }
0x431: {  	v22 =	vld.idx.msk [tilespmem:v23+s3+$0x0], $0xffff  }
0x432: {  	v23 =	vld.idx.msk [tilespmem:v24+s14+$0x0], $0xffff;
	_ =	sdelay $0x5  }
0x433: {  	v22 =	vadd.f32 v23, v22;
	_ =	sdelay $0x1  }
0x434: {  	v23 =	vmul.f32 $2.000000030e-01, v22  }
0x435: {  	vm0 =	vgt.f32 v22, $0.0e+00  }
0x436: {  	v22 =	vsel vm0, v22, v23  }
0x437: {  	v22 =	vsub.f32 v22, v19;
	_ =	sdelay $0x1  }
0x438: {  	v22 =	vmul.f32 $1.442695020e+00, v22;
	_ =	sdelay $0x1  }
0x439: {  	(erf) = vpow2.f32 v22;
	_ =	sdelay $0x3  }
0x43a: {  	s2 =	sadd.s32 $0xFFFFFFFF, s1  }
0x43b: {  	v22 =	vor.u32 s2, v9  }
0x43c: {  	v24 =	vor.u32 $0x3, v26;
	v23 =	vor.u32 $0x3, v25;
	_ =	sdelay $0x2  }
0x43d: {  	v25 =	vpop (erf)  }
0x43e: {  	[tilespmem:v22+s25+$0x0] =	vst.idx.msk $0xffff, v25  }
0x43f: {  	v22 =	vld.idx.msk [tilespmem:v23+s3+$0x0], $0xffff  }
0x440: {  	v23 =	vld.idx.msk [tilespmem:v24+s14+$0x0], $0xffff;
	_ =	sdelay $0x5  }
0x441: {  	v22 =	vadd.f32 v23, v22;
	_ =	sdelay $0x1  }
0x442: {  	vm0 =	vgt.f32 v22, $0.0e+00;
	v23 =	vmul.f32 $2.000000030e-01, v22;
	_ =	sdelay $0x1  }
0x443: {  	v22 =	vsel vm0, v22, v23  }
0x444: {  	v22 =	vsub.f32 v22, v20;
	_ =	sdelay $0x1  }
0x445: {  	v22 =	vmul.f32 $1.442695020e+00, v22;
	_ =	sdelay $0x1  }
0x446: {  	(erf) = vpow2.f32 v22  }
.Ltmp31:
0x447: {  	(pc) =	sbr.rel @p1 .LBB2_47-.Ltmp31, $4  }
0x448: {  	_ = 	snop  }
0x449: {  	s4 =	sadd.s32 $0x10, s4  }
0x44a: {  	v24 =	vor.u32 s1, v9;
	v23 =	vor.u32 s4, v2  }
0x44b: {  	v22 =	vand.u32 v8, v23  }
.LBB2_48:
0x44c: {  	_ =	sdelay $0x2  }
0x44d: {  	v25 =	vpop @p0 (erf)  }
0x44e: {  	[tilespmem:v24+s25+$0x0] =	vst.idx.msk @p0 $0xffff, v25  }
0x44f: {  	v24 =	vld.idx.msk [tilespmem:v22+s20+$0x0], $0xffff;
	_ =	sdelay $0x7  }
0x450: {  	v25 =	vld.idx.msk [tilespmem:v24+s24+$0x0], $0xffff  }
0x451: {  	v24 =	vld.idx.msk [tilespmem:v24+s23+$0x0], $0xffff;
	_ =	sdelay $0x3  }
0x452: {  	vm0 =	vlt.s32 v23, v21;
	v21 =	vsub.s32 v25, v0  }
0x453: {  	v23 =	vshll.u32 v24, $0x2;
	v21 =	vnsel vm0, $0x0, v21  }
0x454: {  	v59 =	vshll.u32 v21, $0x2;
	_ =	sdelay $0x1  }
0x455: {  	[tilespmem:v22+s18+$0x0] =	vst.idx.msk $0xffff, v24  }
0x456: {  	[tilespmem:v22+s19+$0x0] =	vst.idx.msk $0xffff, v21  }
0x457: {  	v21 =	vld.idx.msk [tilespmem:v23+s3+$0x0], $0xffff  }
0x458: {  	v22 =	vld.idx.msk [tilespmem:v59+s14+$0x0], $0xffff;
	_ =	sdelay $0x4  }
0x459: {  	v21 =	vadd.f32 v22, v21;
	_ =	sdelay $0x1  }
0x45a: {  	v22 =	vmul.f32 $2.000000030e-01, v21  }
0x45b: {  	vm12 =	vgt.f32 v21, $0.0e+00  }
0x45c: {  	v21 =	vsel vm12, v21, v22  }
0x45d: {  	v21 =	vsub.f32 v21, v17;
	_ =	sdelay $0x1  }
0x45e: {  	v21 =	vmul.f32 $1.442695020e+00, v21;
	_ =	sdelay $0x1  }
0x45f: {  	(erf) = vpow2.f32 v21;
	_ =	sdelay $0x1  }
0x460: {  	s1 =	sadd.s32 @p0 $0x40, s1  }
0x461: {  	s7 =	smov.u32 @p0 s1  }
0x462: {  	s1 =	sadd.s32 $0xFFFFFFFD, s7  }
0x463: {  	v21 =	vor.u32 s1, v9  }
0x464: {  	v22 =	vor.u32 $0x1, v23  }
0x465: {  	v60 =	vor.u32 $0x1, v59;
	_ =	sdelay $0x1  }
0x466: {  	v26 =	vpop (erf)  }
0x467: {  	[tilespmem:v21+s25+$0x0] =	vst.idx.msk $0xffff, v26  }
0x468: {  	v21 =	vld.idx.msk [tilespmem:v22+s3+$0x0], $0xffff  }
0x469: {  	v22 =	vld.idx.msk [tilespmem:v60+s14+$0x0], $0xffff;
	_ =	sdelay $0x4  }
0x46a: {  	v21 =	vadd.f32 v22, v21;
	_ =	sdelay $0x1  }
0x46b: {  	v22 =	vmul.f32 $2.000000030e-01, v21  }
0x46c: {  	vm13 =	vgt.f32 v21, $0.0e+00  }
0x46d: {  	v21 =	vsel vm13, v21, v22  }
0x46e: {  	v21 =	vsub.f32 v21, v18;
	_ =	sdelay $0x1  }
0x46f: {  	v21 =	vmul.f32 $1.442695020e+00, v21;
	_ =	sdelay $0x1  }
0x470: {  	(erf) = vpow2.f32 v21;
	_ =	sdelay $0x3  }
0x471: {  	s30 =	sadd.s32 $0xFFFFFFFE, s7  }
0x472: {  	v21 =	vor.u32 s30, v9  }
0x473: {  	v22 =	vor.u32 $0x2, v23  }
0x474: {  	v61 =	vor.u32 $0x2, v59;
	_ =	sdelay $0x1  }
0x475: {  	v62 =	vpop (erf)  }
0x476: {  	[tilespmem:v21+s25+$0x0] =	vst.idx.msk $0xffff, v62  }
0x477: {  	v21 =	vld.idx.msk [tilespmem:v22+s3+$0x0], $0xffff  }
0x478: {  	v22 =	vld.idx.msk [tilespmem:v61+s14+$0x0], $0xffff;
	_ =	sdelay $0x4  }
0x479: {  	v21 =	vadd.f32 v22, v21;
	_ =	sdelay $0x1  }
0x47a: {  	v22 =	vmul.f32 $2.000000030e-01, v21  }
0x47b: {  	vm14 =	vgt.f32 v21, $0.0e+00  }
0x47c: {  	v21 =	vsel vm14, v21, v22  }
0x47d: {  	v21 =	vsub.f32 v21, v19;
	_ =	sdelay $0x1  }
0x47e: {  	v21 =	vmul.f32 $1.442695020e+00, v21;
	_ =	sdelay $0x1  }
0x47f: {  	(erf) = vpow2.f32 v21;
	_ =	sdelay $0x3  }
0x480: {  	s31 =	sadd.s32 $0xFFFFFFFF, s7  }
0x481: {  	v21 =	vor.u32 s31, v9  }
0x482: {  	v22 =	vor.u32 $0x3, v23  }
0x483: {  	v23 =	vor.u32 $0x3, v59;
	_ =	sdelay $0x1  }
0x484: {  	v63 =	vpop (erf)  }
0x485: {  	[tilespmem:v21+s25+$0x0] =	vst.idx.msk $0xffff, v63  }
0x486: {  	v21 =	vld.idx.msk [tilespmem:v22+s3+$0x0], $0xffff  }
0x487: {  	v22 =	vld.idx.msk [tilespmem:v23+s14+$0x0], $0xffff;
	_ =	sdelay $0x4  }
0x488: {  	v21 =	vadd.f32 v22, v21;
	_ =	sdelay $0x1  }
0x489: {  	v22 =	vmul.f32 $2.000000030e-01, v21  }
0x48a: {  	vm15 =	vgt.f32 v21, $0.0e+00  }
0x48b: {  	v21 =	vsel vm15, v21, v22  }
0x48c: {  	v21 =	vsub.f32 v21, v20;
	_ =	sdelay $0x1  }
0x48d: {  	v21 =	vmul.f32 $1.442695020e+00, v21;
	_ =	sdelay $0x1  }
0x48e: {  	(erf) = vpow2.f32 v21;
	_ =	sdelay $0x4  }
0x48f: {  	v21 =	vor.u32 s7, v9;
	_ =	sdelay $0x3  }
0x490: {  	v22 =	vpop (erf)  }
0x491: {  	[tilespmem:v21+s25+$0x0] =	vst.idx.msk $0xffff, v22  }
.LBB2_49:
0x492: {  	s1 =	sadd.s32 $0x3F, s6  }
0x493: {  	s2 =	sand.u32 $0x3F, s1  }
0x494: {  	s4 =	sshra.s32 s1, $0x1F;
	p0 =	slt.s32 s1, $0x1;
	p1 =	sne.s32 s2, $0x0  }
0x495: {  	s15 =	sshrl.u32 s4, $0x1A;
	p0 =	por !p0, !p1  }
0x496: {  	s2 =	simm.s32 $0x1;
	s1 =	sadd.s32 s15, s1;
	p0 =	por !p0, !p0  }
0x497: {  	s1 =	sshra.s32 s1, $0x6;
	s2 =	simm.s32 @!p0 $0x0  }
0x498: {  	s7 =	ssub.s32 s1, s2  }
0x499: {  	p0 =	slt.s32 s7, $0x1  }
0x49a: {  	s22 =	sadd.s32 $0x1, s7;
	s1 =	simm.s32 @!p0 $0x40  }
0x49b: {  	s2 =	simm.s32 @!p0 $0x165A0;
	s4 =	simm.s32 @!p0 $0x18B40;
	s30 =	sand.u32 $0x1, s22  }
0x49c: {  	[tilespmem:s4], [sflag:$0x5] =	stream.indirect.gather @!p0 [hbm4b:s26+s1], $0x80, s2, s1, $0xb8;
	[tilespmem:$0x1CB50] =	vst v63  }
0x49d: {  	p5 =	slt.s32 s7, $0x0;
	p6 =	seq.s32 s30, $0x1  }
0x49e: {  	s31 =	sshrl.u32 s22, $0x1F;
	p0 =	por !p5, !p6  }
0x49f: {  	s1 =	sadd.s32 s31, s22;
	s2 =	simm.s32 $0x1;
	p0 =	por !p0, !p0  }
0x4a0: {  	s1 =	sshra.s32 s1, $0x1;
	s2 =	simm.s32 @!p0 $0x0  }
0x4a1: {  	s8 =	ssub.s32 s1, s2  }
0x4a2: {  	p0 =	slt.s32 s8, $0x1  }
.Ltmp32:
0x4a3: {  	_ = 	snop;
	(pc) =	sbr.rel @p0 .LBB2_68-.Ltmp32, $1  }
0x4a4: {  	_ =	sdelay $0x3  }
.Ltmp33:
0x4a5: {  	s1 =	sadd.s32 s10, s9;
	(pc) =	sbr.rel .LBB2_51-.Ltmp33, $4  }
0x4a6: {  	s1 =	sadd.s32 s13, s1  }
0x4a7: {  	s10 =	simm.s32 $0x17230;
	s22 =	smov.u32 s6;
	s1 =	sadd.s32 s21, s1  }
0x4a8: {  	s30 =	simm.s32 $0x0;
	s13 =	simm.s32 $0x17330;
	s0 =	sadd.s32 s0, s1  }
0x4a9: {  	s21 =	simm.s32 $0x40;
	s9 =	sadd.s32 $0xFFFFFFC0, s0;
	s0 =	simm.s32 $0x0  }
.LBB2_61:
0x4aa: {  	s5 =	smov.u32 s13  }
.LBB2_66:
0x4ab: {  	v24 =	vmov s31;
	_ =	sdelay $0x1  }
0x4ac: {  	v21 =	vmul.f32 @p0 v23, v21;
	_ =	sdelay $0x1  }
0x4ad: {  	[tilespmem:v22+s16+$0x0] =	vst.idx.add.f32.msk @p0 $0xffff, v21  }
0x4ae: {  	v21 =	vld.idx.msk [tilespmem:v24+s19+$0x0], $0xffff;
	_ =	sdelay $0x3  }
0x4af: {  	s1 =	sadd.s32 @p0 $0x4, s5;
	s4 =	smov.u32 s13  }
0x4b0: {  	s4 =	smov.u32 @p0 s1;
	v22 =	vshll.u32 v21, $0x2  }
0x4b1: {  	v23 =	vld [tilespmem:s4+$0x0];
	v22 =	vadd.s32 v2, v22  }
0x4b2: {  	s31 =	sshll.u32 s2, $0x7;
	v24 =	vshll.u32 v24, $0x2  }
0x4b3: {  	v25 =	vor.u32 s31, v2;
	_ =	sdelay $0x2  }
0x4b4: {  	[tilespmem:v22+s17+$0x0] =	vst.idx.add.f32.msk $0xf, v23  }
0x4b5: {  	v22 =	vld.idx.msk [tilespmem:v24+s25+$0x0], $0xffff  }
0x4b6: {  	v23 =	vld.idx.msk [tilespmem:v25+s29+$0x0], $0xffff  }
0x4b7: {  	v21 =	vshll.u32 v21, $0x7  }
0x4b8: {  	v50 =	vor.u32 v2, v21  }
0x4b9: {  	v26 =	vor.u32 s31, v10;
	_ =	sdelay $0x1  }
0x4ba: {  	v23 =	vmul.f32 v23, v22;
	_ =	sdelay $0x1  }
0x4bb: {  	[tilespmem:v50+s16+$0x0] =	vst.idx.add.f32.msk $0xffff, v23  }
0x4bc: {  	v23 =	vld.idx.msk [tilespmem:v26+s29+$0x0], $0xffff;
	_ =	sdelay $0x1  }
0x4bd: {  	v51 =	vor.u32 v10, v21  }
0x4be: {  	v52 =	vor.u32 $0x1, v24  }
0x4bf: {  	v27 =	vor.u32 s31, v11  }
0x4c0: {  	v22 =	vmul.f32 v23, v22;
	_ =	sdelay $0x1  }
0x4c1: {  	[tilespmem:v51+s16+$0x0] =	vst.idx.add.f32.msk $0xffff, v22  }
0x4c2: {  	v22 =	vld.idx.msk [tilespmem:v52+s25+$0x0], $0xffff  }
0x4c3: {  	v23 =	vld.idx.msk [tilespmem:v27+s29+$0x0], $0xffff;
	_ =	sdelay $0x1  }
0x4c4: {  	v53 =	vor.u32 v11, v21  }
0x4c5: {  	v54 =	vor.u32 s31, v12;
	_ =	sdelay $0x1  }
0x4c6: {  	v23 =	vmul.f32 v23, v22;
	_ =	sdelay $0x1  }
0x4c7: {  	[tilespmem:v53+s16+$0x0] =	vst.idx.add.f32.msk $0xffff, v23  }
0x4c8: {  	v23 =	vld.idx.msk [tilespmem:v54+s29+$0x0], $0xffff;
	_ =	sdelay $0x1  }
0x4c9: {  	v55 =	vor.u32 v12, v21  }
0x4ca: {  	v56 =	vor.u32 $0x2, v24  }
0x4cb: {  	v57 =	vor.u32 s31, v13  }
0x4cc: {  	v22 =	vmul.f32 v23, v22;
	_ =	sdelay $0x1  }
0x4cd: {  	[tilespmem:v55+s16+$0x0] =	vst.idx.add.f32.msk $0xffff, v22  }
0x4ce: {  	v22 =	vld.idx.msk [tilespmem:v56+s25+$0x0], $0xffff  }
0x4cf: {  	v23 =	vld.idx.msk [tilespmem:v57+s29+$0x0], $0xffff;
	_ =	sdelay $0x1  }
0x4d0: {  	v58 =	vor.u32 v13, v21  }
0x4d1: {  	v59 =	vor.u32 s31, v14;
	_ =	sdelay $0x1  }
0x4d2: {  	v23 =	vmul.f32 v23, v22;
	_ =	sdelay $0x1  }
0x4d3: {  	[tilespmem:v58+s16+$0x0] =	vst.idx.add.f32.msk $0xffff, v23  }
0x4d4: {  	v23 =	vld.idx.msk [tilespmem:v59+s29+$0x0], $0xffff;
	_ =	sdelay $0x1  }
0x4d5: {  	v60 =	vor.u32 v14, v21  }
0x4d6: {  	v24 =	vor.u32 $0x3, v24  }
0x4d7: {  	v61 =	vor.u32 s31, v15  }
0x4d8: {  	v22 =	vmul.f32 v23, v22;
	_ =	sdelay $0x1  }
0x4d9: {  	[tilespmem:v60+s16+$0x0] =	vst.idx.add.f32.msk $0xffff, v22  }
0x4da: {  	v22 =	vld.idx.msk [tilespmem:v24+s25+$0x0], $0xffff  }
0x4db: {  	v23 =	vld.idx.msk [tilespmem:v61+s29+$0x0], $0xffff;
	_ =	sdelay $0x1  }
0x4dc: {  	v62 =	vor.u32 v15, v21  }
0x4dd: {  	v63 =	vor.u32 s31, v16;
	_ =	sdelay $0x1  }
0x4de: {  	v23 =	vmul.f32 v23, v22;
	_ =	sdelay $0x1  }
0x4df: {  	[tilespmem:v62+s16+$0x0] =	vst.idx.add.f32.msk $0xffff, v23  }
0x4e0: {  	v23 =	vld.idx.msk [tilespmem:v63+s29+$0x0], $0xffff;
	_ =	sdelay $0x1  }
0x4e1: {  	v21 =	vor.u32 v16, v21;
	_ =	sdelay $0x2  }
0x4e2: {  	v22 =	vmul.f32 v23, v22;
	_ =	sdelay $0x1  }
0x4e3: {  	[tilespmem:v21+s16+$0x0] =	vst.idx.add.f32.msk $0xffff, v22  }
.LBB2_67:
0x4e4: {  	s30 =	sadd.s32 $0x1, s30  }
0x4e5: {  	p0 =	sne.s32 s30, s8  }
.Ltmp34:
0x4e6: {  	_ = 	snop;
	(pc) =	sbr.rel @!p0 .LBB2_68-.Ltmp34, $3  }
0x4e7: {  	_ =	sdelay $0x1  }
0x4e8: {  	s22 =	sadd.s32 $0xFFFFFF80, s22;
	s9 =	sadd.s32 $0xFFFFFF80, s9;
	s10 =	sadd.s32 $0x200, s10  }
0x4e9: {  	s0 =	sadd.s32 $0x80, s0;
	s13 =	sadd.s32 $0x200, s13;
	s21 =	sadd.s32 $0x80, s21  }
.LBB2_51:
0x4ea: {  	s1 =	sshllo.u32 s30, $0x1  }
0x4eb: {  	s4 =	simm.s32 $0x5;
	p0 =	sge.s32 s1, s7  }
0x4ec: {  	s31 =	sshll.u32 s30, $0x7;
	_ =	swait.ge [sflag:s4], $0x2000;
	s2 =	sshll.u32 @!p0 s1, $0x8  }
0x4ed: {  	[sflag:s4] =	ssyncset.done $0x0;
	s5 =	simm.s32 @!p0 $0x1AB40;
	s2 =	sshra.s32 @!p0 s2, $0x2  }
0x4ee: {  	[sflag:s4] =	ssyncadd.s32 $0xFFFFE000;
	s4 =	simm.s32 @!p0 $0x40;
	s2 =	sadd.s32 @!p0 $0x165A0, s2  }
0x4ef: {  	[tilespmem:s5], [sflag:$0x6] =	stream.indirect.gather @!p0 [hbm4b:s26+s4], $0x80, s2, s4, $0xb8;
	[tilespmem:$0x1CB50] =	vst v63  }
0x4f0: {  	s2 =	ssub.s32 s6, s31  }
0x4f1: {  	p1 =	slt.s32 s2, $0x1  }
.Ltmp35:
0x4f2: {  	_ = 	snop;
	(pc) =	sbr.rel @p1 .LBB2_59-.Ltmp35, $1  }
0x4f3: {  	_ =	sdelay $0x3  }
0x4f4: {  	p1 =	sgt.s32 s22, $0x1;
	s2 =	smov.u32 s22  }
0x4f5: {  	s2 =	simm.s32 @!p1 $0x1  }
0x4f6: {  	s5 =	smin.u32 s2, $0x40  }
0x4f7: {  	p2 =	sne.s32 s5, $0x1  }
.Ltmp36:
0x4f8: {  	_ = 	snop;
	(pc) =	sbr.rel @!p2 .LBB2_53-.Ltmp36, $2  }
0x4f9: {  	_ =	sdelay $0x2  }
0x4fa: {  	s4 =	simm.s32 $0x1;
	p1 =	por $0x0, $0x0;
	s2 =	sadd.s32 $0x0, s0  }
0x4fb: {  	v21 =	vmov s2;
	_ =	sdelay $0x4  }
0x4fc: {  	v22 =	vld.idx.msk [tilespmem:v21+s19+$0x0], $0xffff;
	_ =	sdelay $0x4  }
0x4fd: {  	v23 =	vshll.u32 v22, $0x2  }
0x4fe: {  	v24 =	vld [tilespmem:s10+$0x0];
	v23 =	vadd.s32 v2, v23  }
0x4ff: {  	s26 =	simm.s32 $0x0;
	v21 =	vshll.u32 v21, $0x2  }
0x500: {  	v25 =	vor.u32 s26, v2;
	_ =	sdelay $0x2  }
0x501: {  	[tilespmem:v23+s17+$0x0] =	vst.idx.add.f32.msk $0xf, v24  }
0x502: {  	v23 =	vld.idx.msk [tilespmem:v21+s25+$0x0], $0xffff  }
0x503: {  	v24 =	vld.idx.msk [tilespmem:v25+s28+$0x0], $0xffff  }
0x504: {  	v22 =	vshll.u32 v22, $0x7  }
0x505: {  	v48 =	vor.u32 v2, v22  }
0x506: {  	v26 =	vor.u32 s26, v10;
	_ =	sdelay $0x1  }
0x507: {  	v24 =	vmul.f32 v24, v23;
	_ =	sdelay $0x1  }
0x508: {  	[tilespmem:v48+s16+$0x0] =	vst.idx.add.f32.msk $0xffff, v24  }
0x509: {  	v24 =	vld.idx.msk [tilespmem:v26+s28+$0x0], $0xffff;
	_ =	sdelay $0x1  }
0x50a: {  	v49 =	vor.u32 v10, v22  }
0x50b: {  	v50 =	vor.u32 $0x1, v21  }
0x50c: {  	v27 =	vor.u32 s26, v11  }
0x50d: {  	v23 =	vmul.f32 v24, v23;
	_ =	sdelay $0x1  }
0x50e: {  	[tilespmem:v49+s16+$0x0] =	vst.idx.add.f32.msk $0xffff, v23  }
0x50f: {  	v23 =	vld.idx.msk [tilespmem:v50+s25+$0x0], $0xffff  }
0x510: {  	v51 =	vld.idx.msk [tilespmem:v27+s28+$0x0], $0xffff;
	_ =	sdelay $0x1  }
0x511: {  	v52 =	vor.u32 v11, v22  }
0x512: {  	v53 =	vor.u32 s26, v12;
	_ =	sdelay $0x1  }
0x513: {  	v24 =	vmul.f32 v51, v23;
	_ =	sdelay $0x1  }
0x514: {  	[tilespmem:v52+s16+$0x0] =	vst.idx.add.f32.msk $0xffff, v24  }
0x515: {  	v24 =	vld.idx.msk [tilespmem:v53+s28+$0x0], $0xffff;
	_ =	sdelay $0x1  }
0x516: {  	v54 =	vor.u32 v12, v22  }
0x517: {  	v55 =	vor.u32 $0x2, v21  }
0x518: {  	v56 =	vor.u32 s26, v13  }
0x519: {  	v23 =	vmul.f32 v24, v23;
	_ =	sdelay $0x1  }
0x51a: {  	[tilespmem:v54+s16+$0x0] =	vst.idx.add.f32.msk $0xffff, v23  }
0x51b: {  	v23 =	vld.idx.msk [tilespmem:v55+s25+$0x0], $0xffff  }
0x51c: {  	v57 =	vld.idx.msk [tilespmem:v56+s28+$0x0], $0xffff;
	_ =	sdelay $0x1  }
0x51d: {  	v58 =	vor.u32 v13, v22  }
0x51e: {  	v59 =	vor.u32 s26, v14;
	_ =	sdelay $0x1  }
0x51f: {  	v24 =	vmul.f32 v57, v23;
	_ =	sdelay $0x1  }
0x520: {  	[tilespmem:v58+s16+$0x0] =	vst.idx.add.f32.msk $0xffff, v24  }
0x521: {  	v24 =	vld.idx.msk [tilespmem:v59+s28+$0x0], $0xffff;
	_ =	sdelay $0x1  }
0x522: {  	v60 =	vor.u32 v14, v22  }
0x523: {  	v21 =	vor.u32 $0x3, v21  }
0x524: {  	v61 =	vor.u32 s26, v15  }
0x525: {  	v23 =	vmul.f32 v24, v23;
	_ =	sdelay $0x1  }
0x526: {  	[tilespmem:v60+s16+$0x0] =	vst.idx.add.f32.msk $0xffff, v23  }
0x527: {  	v21 =	vld.idx.msk [tilespmem:v21+s25+$0x0], $0xffff  }
0x528: {  	v23 =	vld.idx.msk [tilespmem:v61+s28+$0x0], $0xffff;
	_ =	sdelay $0x1  }
0x529: {  	v62 =	vor.u32 v15, v22  }
0x52a: {  	v63 =	vor.u32 s26, v16;
	_ =	sdelay $0x1  }
0x52b: {  	p2 =	sne.s32 s5, $0x2;
	v23 =	vmul.f32 v23, v21  }
.Ltmp37:
0x52c: {  	_ = 	snop;
	(pc) =	sbr.rel @!p2 .LBB2_55-.Ltmp37, $4  }
0x52d: {  	[tilespmem:v62+s16+$0x0] =	vst.idx.add.f32.msk $0xffff, v23  }
0x52e: {  	v23 =	vld.idx.msk [tilespmem:v63+s28+$0x0], $0xffff  }
0x52f: {  	s15 =	simm.s32 $0x2  }
0x530: {  	s2 =	sadd.s32 $0x1, s0;
	p1 =	por $0x1, $0x1;
	s31 =	smov.u32 s10;
	v22 =	vor.u32 v16, v22  }
.LBB2_56:
0x531: {  	v24 =	vmov s2;
	s31 =	sadd.s32 $0x4, s31;
	s26 =	smov.u32 s15;
	s15 =	sadd.s32 $0x1, s15  }
0x532: {  	p2 =	sne.s32 s5, s15  }
0x533: {  	v21 =	vmul.f32 v23, v21;
	_ =	sdelay $0x1  }
0x534: {  	[tilespmem:v22+s16+$0x0] =	vst.idx.add.f32.msk $0xffff, v21  }
0x535: {  	v21 =	vld.idx.msk [tilespmem:v24+s19+$0x0], $0xffff;
	_ =	sdelay $0x5  }
0x536: {  	v22 =	vshll.u32 v21, $0x2;
	v23 =	vshll.u32 v21, $0x7  }
0x537: {  	s2 =	sshll.u32 s4, $0x7;
	s4 =	smov.u32 s26;
	v22 =	vadd.s32 v2, v22;
	v21 =	vld [tilespmem:s31+$0x0]  }
0x538: {  	v25 =	vor.u32 s2, v2;
	v24 =	vshll.u32 v24, $0x2;
	_ =	sdelay $0x3  }
0x539: {  	[tilespmem:v22+s17+$0x0] =	vst.idx.add.f32.msk $0xf, v21  }
0x53a: {  	v21 =	vld.idx.msk [tilespmem:v24+s25+$0x0], $0xffff  }
0x53b: {  	v22 =	vld.idx.msk [tilespmem:v25+s28+$0x0], $0xffff;
	_ =	sdelay $0x1  }
0x53c: {  	v25 =	vor.u32 v2, v23  }
0x53d: {  	v26 =	vor.u32 s2, v10;
	_ =	sdelay $0x2  }
0x53e: {  	v22 =	vmul.f32 v22, v21;
	_ =	sdelay $0x1  }
0x53f: {  	[tilespmem:v25+s16+$0x0] =	vst.idx.add.f32.msk $0xffff, v22  }
0x540: {  	v22 =	vld.idx.msk [tilespmem:v26+s28+$0x0], $0xffff;
	_ =	sdelay $0x1  }
0x541: {  	v25 =	vor.u32 v10, v23;
	_ =	sdelay $0x1  }
0x542: {  	v27 =	vor.u32 s2, v11;
	v26 =	vor.u32 $0x1, v24;
	_ =	sdelay $0x1  }
0x543: {  	v21 =	vmul.f32 v22, v21;
	_ =	sdelay $0x1  }
0x544: {  	[tilespmem:v25+s16+$0x0] =	vst.idx.add.f32.msk $0xffff, v21  }
0x545: {  	v21 =	vld.idx.msk [tilespmem:v26+s25+$0x0], $0xffff  }
0x546: {  	v22 =	vld.idx.msk [tilespmem:v27+s28+$0x0], $0xffff  }
0x547: {  	v25 =	vor.u32 v11, v23  }
0x548: {  	v26 =	vor.u32 s2, v12;
	_ =	sdelay $0x3  }
0x549: {  	v22 =	vmul.f32 v22, v21;
	_ =	sdelay $0x1  }
0x54a: {  	[tilespmem:v25+s16+$0x0] =	vst.idx.add.f32.msk $0xffff, v22  }
0x54b: {  	v22 =	vld.idx.msk [tilespmem:v26+s28+$0x0], $0xffff  }
0x54c: {  	v25 =	vor.u32 v12, v23;
	_ =	sdelay $0x2  }
0x54d: {  	v27 =	vor.u32 s2, v13;
	v26 =	vor.u32 $0x2, v24;
	_ =	sdelay $0x1  }
0x54e: {  	v21 =	vmul.f32 v22, v21;
	_ =	sdelay $0x1  }
0x54f: {  	[tilespmem:v25+s16+$0x0] =	vst.idx.add.f32.msk $0xffff, v21  }
0x550: {  	v21 =	vld.idx.msk [tilespmem:v26+s25+$0x0], $0xffff  }
0x551: {  	v25 =	vor.u32 v13, v23;
	v22 =	vld.idx.msk [tilespmem:v27+s28+$0x0], $0xffff  }
0x552: {  	v26 =	vor.u32 s2, v14;
	_ =	sdelay $0x4  }
0x553: {  	v22 =	vmul.f32 v22, v21;
	_ =	sdelay $0x1  }
0x554: {  	[tilespmem:v25+s16+$0x0] =	vst.idx.add.f32.msk $0xffff, v22  }
0x555: {  	v25 =	vor.u32 v14, v23;
	v22 =	vld.idx.msk [tilespmem:v26+s28+$0x0], $0xffff;
	_ =	sdelay $0x3  }
0x556: {  	v24 =	vor.u32 $0x3, v24;
	v26 =	vor.u32 s2, v15;
	_ =	sdelay $0x1  }
0x557: {  	v21 =	vmul.f32 v22, v21;
	_ =	sdelay $0x1  }
0x558: {  	[tilespmem:v25+s16+$0x0] =	vst.idx.add.f32.msk $0xffff, v21  }
0x559: {  	v22 =	vor.u32 v15, v23;
	v21 =	vld.idx.msk [tilespmem:v24+s25+$0x0], $0xffff  }
0x55a: {  	v25 =	vor.u32 s2, v16;
	v24 =	vld.idx.msk [tilespmem:v26+s28+$0x0], $0xffff;
	_ =	sdelay $0x5  }
0x55b: {  	v24 =	vmul.f32 v24, v21;
	_ =	sdelay $0x1  }
.Ltmp38:
0x55c: {  	[tilespmem:v22+s16+$0x0] =	vst.idx.add.f32.msk $0xffff, v24;
	v22 =	vor.u32 v16, v23;
	(pc) =	sbr.rel @p2 .LBB2_56-.Ltmp38, $2  }
0x55d: {  	v23 =	vld.idx.msk [tilespmem:v25+s28+$0x0], $0xffff;
	_ =	sdelay $0x2  }
0x55e: {  	s2 =	sadd.s32 s4, s0  }
0x55f: {  	s26 =	rddreg [dreg:$0x1]  }
.LBB2_58:
0x560: {  	v24 =	vmov s2;
	_ =	sdelay $0x1  }
0x561: {  	v21 =	vmul.f32 @p1 v23, v21;
	_ =	sdelay $0x1  }
0x562: {  	[tilespmem:v22+s16+$0x0] =	vst.idx.add.f32.msk @p1 $0xffff, v21  }
0x563: {  	v21 =	vld.idx.msk [tilespmem:v24+s19+$0x0], $0xffff;
	_ =	sdelay $0x3  }
0x564: {  	s2 =	sadd.s32 @p1 $0x4, s31;
	s5 =	smov.u32 s10  }
0x565: {  	s5 =	smov.u32 @p1 s2;
	v22 =	vshll.u32 v21, $0x2  }
0x566: {  	v23 =	vld [tilespmem:s5+$0x0];
	v22 =	vadd.s32 v2, v22  }
0x567: {  	s31 =	sshll.u32 s4, $0x7;
	v24 =	vshll.u32 v24, $0x2  }
0x568: {  	v25 =	vor.u32 s31, v2;
	_ =	sdelay $0x2  }
0x569: {  	[tilespmem:v22+s17+$0x0] =	vst.idx.add.f32.msk $0xf, v23  }
0x56a: {  	v22 =	vld.idx.msk [tilespmem:v24+s25+$0x0], $0xffff  }
0x56b: {  	v23 =	vld.idx.msk [tilespmem:v25+s28+$0x0], $0xffff  }
0x56c: {  	v21 =	vshll.u32 v21, $0x7  }
0x56d: {  	v50 =	vor.u32 v2, v21  }
0x56e: {  	v26 =	vor.u32 s31, v10;
	_ =	sdelay $0x1  }
0x56f: {  	v23 =	vmul.f32 v23, v22;
	_ =	sdelay $0x1  }
0x570: {  	[tilespmem:v50+s16+$0x0] =	vst.idx.add.f32.msk $0xffff, v23  }
0x571: {  	v23 =	vld.idx.msk [tilespmem:v26+s28+$0x0], $0xffff;
	_ =	sdelay $0x1  }
0x572: {  	v51 =	vor.u32 v10, v21  }
0x573: {  	v52 =	vor.u32 $0x1, v24  }
0x574: {  	v27 =	vor.u32 s31, v11  }
0x575: {  	v22 =	vmul.f32 v23, v22;
	_ =	sdelay $0x1  }
0x576: {  	[tilespmem:v51+s16+$0x0] =	vst.idx.add.f32.msk $0xffff, v22  }
0x577: {  	v22 =	vld.idx.msk [tilespmem:v52+s25+$0x0], $0xffff  }
0x578: {  	v23 =	vld.idx.msk [tilespmem:v27+s28+$0x0], $0xffff;
	_ =	sdelay $0x1  }
0x579: {  	v53 =	vor.u32 v11, v21  }
0x57a: {  	v54 =	vor.u32 s31, v12;
	_ =	sdelay $0x1  }
0x57b: {  	v23 =	vmul.f32 v23, v22;
	_ =	sdelay $0x1  }
0x57c: {  	[tilespmem:v53+s16+$0x0] =	vst.idx.add.f32.msk $0xffff, v23  }
0x57d: {  	v23 =	vld.idx.msk [tilespmem:v54+s28+$0x0], $0xffff;
	_ =	sdelay $0x1  }
0x57e: {  	v55 =	vor.u32 v12, v21  }
0x57f: {  	v56 =	vor.u32 $0x2, v24  }
0x580: {  	v57 =	vor.u32 s31, v13  }
0x581: {  	v22 =	vmul.f32 v23, v22;
	_ =	sdelay $0x1  }
0x582: {  	[tilespmem:v55+s16+$0x0] =	vst.idx.add.f32.msk $0xffff, v22  }
0x583: {  	v22 =	vld.idx.msk [tilespmem:v56+s25+$0x0], $0xffff  }
0x584: {  	v23 =	vld.idx.msk [tilespmem:v57+s28+$0x0], $0xffff;
	_ =	sdelay $0x1  }
0x585: {  	v58 =	vor.u32 v13, v21  }
0x586: {  	v59 =	vor.u32 s31, v14;
	_ =	sdelay $0x1  }
0x587: {  	v23 =	vmul.f32 v23, v22;
	_ =	sdelay $0x1  }
0x588: {  	[tilespmem:v58+s16+$0x0] =	vst.idx.add.f32.msk $0xffff, v23  }
0x589: {  	v23 =	vld.idx.msk [tilespmem:v59+s28+$0x0], $0xffff;
	_ =	sdelay $0x1  }
0x58a: {  	v60 =	vor.u32 v14, v21  }
0x58b: {  	v24 =	vor.u32 $0x3, v24  }
0x58c: {  	v61 =	vor.u32 s31, v15  }
0x58d: {  	v22 =	vmul.f32 v23, v22;
	_ =	sdelay $0x1  }
0x58e: {  	[tilespmem:v60+s16+$0x0] =	vst.idx.add.f32.msk $0xffff, v22  }
0x58f: {  	v22 =	vld.idx.msk [tilespmem:v24+s25+$0x0], $0xffff  }
0x590: {  	v23 =	vld.idx.msk [tilespmem:v61+s28+$0x0], $0xffff;
	_ =	sdelay $0x1  }
0x591: {  	v62 =	vor.u32 v15, v21  }
0x592: {  	v63 =	vor.u32 s31, v16;
	_ =	sdelay $0x1  }
0x593: {  	v23 =	vmul.f32 v23, v22;
	_ =	sdelay $0x1  }
0x594: {  	[tilespmem:v62+s16+$0x0] =	vst.idx.add.f32.msk $0xffff, v23  }
0x595: {  	v23 =	vld.idx.msk [tilespmem:v63+s28+$0x0], $0xffff;
	_ =	sdelay $0x1  }
0x596: {  	v21 =	vor.u32 v16, v21;
	_ =	sdelay $0x2  }
0x597: {  	v22 =	vmul.f32 v23, v22;
	_ =	sdelay $0x1  }
0x598: {  	[tilespmem:v21+s16+$0x0] =	vst.idx.add.f32.msk $0xffff, v22  }
.LBB2_59:
0x599: {  	s2 =	sshll.u32 s30, $0x1  }
0x59a: {  	s2 =	sadd.s32 @!p0 $0x2, s2  }
0x59b: {  	s4 =	simm.s32 @!p0 $0x6;
	p1 =	sge.s32 @!p0 s2, s7  }
0x59c: {  	_ =	swait.ge @!p0 [sflag:s4], $0x2000;
	p1 =	por p1, p0  }
0x59d: {  	s1 =	sshll.u32 @!p0 s1, $0x6;
	[sflag:s4] =	ssyncset.done @!p0 $0x0;
	s2 =	sshll.u32 @!p1 s2, $0x8  }
0x59e: {  	s1 =	ssub.s32 @!p0 s6, s1;
	[sflag:s4] =	ssyncadd.s32 @!p0 $0xFFFFE000;
	s2 =	sshra.s32 @!p1 s2, $0x2  }
0x59f: {  	s4 =	simm.s32 @!p1 $0x40;
	s5 =	simm.s32 @!p1 $0x18B40;
	s2 =	sadd.s32 @!p1 $0x165A0, s2  }
0x5a0: {  	[tilespmem:s5], [sflag:$0x5] =	stream.indirect.gather @!p1 [hbm4b:s26+s4], $0x80, s2, s4, $0xb8;
	[tilespmem:$0x1CB50] =	vst v63  }
0x5a1: {  	p1 =	slt.s32 @!p0 s1, $0x1  }
0x5a2: {  	p1 =	por p0, p1  }
.Ltmp39:
0x5a3: {  	_ = 	snop;
	(pc) =	sbr.rel @p1 .LBB2_67-.Ltmp39, $1  }
0x5a4: {  	_ =	sdelay $0x3  }
0x5a5: {  	p1 =	sgt.s32 s9, $0x1;
	s1 =	smov.u32 s9  }
0x5a6: {  	s1 =	simm.s32 @!p1 $0x1  }
0x5a7: {  	s1 =	smin.u32 s1, $0x40  }
0x5a8: {  	p1 =	sne.s32 s1, $0x1  }
.Ltmp40:
0x5a9: {  	_ = 	snop;
	(pc) =	sbr.rel @!p1 .LBB2_61-.Ltmp40, $3  }
0x5aa: {  	_ =	sdelay $0x1  }
0x5ab: {  	s2 =	simm.s32 @!p0 $0x0  }
0x5ac: {  	s4 =	simm.s32 $0x1;
	s31 =	sadd.s32 $0x0, s21;
	p0 =	por $0x0, $0x0  }
0x5ad: {  	v21 =	vmov s31;
	_ =	sdelay $0x4  }
0x5ae: {  	v22 =	vld.idx.msk [tilespmem:v21+s19+$0x0], $0xffff;
	_ =	sdelay $0x4  }
0x5af: {  	v23 =	vshll.u32 v22, $0x2  }
0x5b0: {  	v24 =	vld [tilespmem:s13+$0x0];
	v23 =	vadd.s32 v2, v23  }
0x5b1: {  	s2 =	simm.s32 $0x0;
	v21 =	vshll.u32 v21, $0x2  }
0x5b2: {  	v25 =	vor.u32 s2, v2;
	_ =	sdelay $0x2  }
0x5b3: {  	[tilespmem:v23+s17+$0x0] =	vst.idx.add.f32.msk $0xf, v24  }
0x5b4: {  	v23 =	vld.idx.msk [tilespmem:v21+s25+$0x0], $0xffff  }
0x5b5: {  	v24 =	vld.idx.msk [tilespmem:v25+s29+$0x0], $0xffff  }
0x5b6: {  	v22 =	vshll.u32 v22, $0x7  }
0x5b7: {  	v48 =	vor.u32 v2, v22  }
0x5b8: {  	v26 =	vor.u32 s2, v10;
	_ =	sdelay $0x1  }
0x5b9: {  	v24 =	vmul.f32 v24, v23;
	_ =	sdelay $0x1  }
0x5ba: {  	[tilespmem:v48+s16+$0x0] =	vst.idx.add.f32.msk $0xffff, v24  }
0x5bb: {  	v24 =	vld.idx.msk [tilespmem:v26+s29+$0x0], $0xffff;
	_ =	sdelay $0x1  }
0x5bc: {  	v49 =	vor.u32 v10, v22  }
0x5bd: {  	v50 =	vor.u32 $0x1, v21  }
0x5be: {  	v27 =	vor.u32 s2, v11  }
0x5bf: {  	v23 =	vmul.f32 v24, v23;
	_ =	sdelay $0x1  }
0x5c0: {  	[tilespmem:v49+s16+$0x0] =	vst.idx.add.f32.msk $0xffff, v23  }
0x5c1: {  	v23 =	vld.idx.msk [tilespmem:v50+s25+$0x0], $0xffff  }
0x5c2: {  	v51 =	vld.idx.msk [tilespmem:v27+s29+$0x0], $0xffff;
	_ =	sdelay $0x1  }
0x5c3: {  	v52 =	vor.u32 v11, v22  }
0x5c4: {  	v53 =	vor.u32 s2, v12;
	_ =	sdelay $0x1  }
0x5c5: {  	v24 =	vmul.f32 v51, v23;
	_ =	sdelay $0x1  }
0x5c6: {  	[tilespmem:v52+s16+$0x0] =	vst.idx.add.f32.msk $0xffff, v24  }
0x5c7: {  	v24 =	vld.idx.msk [tilespmem:v53+s29+$0x0], $0xffff;
	_ =	sdelay $0x1  }
0x5c8: {  	v54 =	vor.u32 v12, v22  }
0x5c9: {  	v55 =	vor.u32 $0x2, v21  }
0x5ca: {  	v56 =	vor.u32 s2, v13  }
0x5cb: {  	v23 =	vmul.f32 v24, v23;
	_ =	sdelay $0x1  }
0x5cc: {  	[tilespmem:v54+s16+$0x0] =	vst.idx.add.f32.msk $0xffff, v23  }
0x5cd: {  	v23 =	vld.idx.msk [tilespmem:v55+s25+$0x0], $0xffff  }
0x5ce: {  	v57 =	vld.idx.msk [tilespmem:v56+s29+$0x0], $0xffff;
	_ =	sdelay $0x1  }
0x5cf: {  	v58 =	vor.u32 v13, v22  }
0x5d0: {  	v59 =	vor.u32 s2, v14;
	_ =	sdelay $0x1  }
0x5d1: {  	v24 =	vmul.f32 v57, v23;
	_ =	sdelay $0x1  }
0x5d2: {  	[tilespmem:v58+s16+$0x0] =	vst.idx.add.f32.msk $0xffff, v24  }
0x5d3: {  	v24 =	vld.idx.msk [tilespmem:v59+s29+$0x0], $0xffff;
	_ =	sdelay $0x1  }
0x5d4: {  	v60 =	vor.u32 v14, v22  }
0x5d5: {  	v21 =	vor.u32 $0x3, v21  }
0x5d6: {  	v61 =	vor.u32 s2, v15  }
0x5d7: {  	v23 =	vmul.f32 v24, v23;
	_ =	sdelay $0x1  }
0x5d8: {  	[tilespmem:v60+s16+$0x0] =	vst.idx.add.f32.msk $0xffff, v23  }
0x5d9: {  	v21 =	vld.idx.msk [tilespmem:v21+s25+$0x0], $0xffff  }
0x5da: {  	v23 =	vld.idx.msk [tilespmem:v61+s29+$0x0], $0xffff;
	_ =	sdelay $0x1  }
0x5db: {  	v62 =	vor.u32 v15, v22  }
0x5dc: {  	v63 =	vor.u32 s2, v16;
	_ =	sdelay $0x1  }
0x5dd: {  	p1 =	sne.s32 s1, $0x2;
	v23 =	vmul.f32 v23, v21  }
.Ltmp41:
0x5de: {  	_ = 	snop;
	(pc) =	sbr.rel @!p1 .LBB2_63-.Ltmp41, $4  }
0x5df: {  	[tilespmem:v62+s16+$0x0] =	vst.idx.add.f32.msk $0xffff, v23  }
0x5e0: {  	v23 =	vld.idx.msk [tilespmem:v63+s29+$0x0], $0xffff  }
0x5e1: {  	s15 =	simm.s32 $0x2  }
0x5e2: {  	s31 =	sadd.s32 $0x1, s21;
	p0 =	por $0x1, $0x1;
	s5 =	smov.u32 s13;
	v22 =	vor.u32 v16, v22  }
.LBB2_64:
0x5e3: {  	v24 =	vmov s31;
	s5 =	sadd.s32 $0x4, s5;
	s26 =	smov.u32 s15;
	s15 =	sadd.s32 $0x1, s15  }
0x5e4: {  	p1 =	sne.s32 s1, s15  }
0x5e5: {  	v21 =	vmul.f32 v23, v21;
	_ =	sdelay $0x1  }
0x5e6: {  	[tilespmem:v22+s16+$0x0] =	vst.idx.add.f32.msk $0xffff, v21  }
0x5e7: {  	v21 =	vld.idx.msk [tilespmem:v24+s19+$0x0], $0xffff;
	_ =	sdelay $0x5  }
0x5e8: {  	v22 =	vshll.u32 v21, $0x2;
	v23 =	vshll.u32 v21, $0x7  }
0x5e9: {  	s2 =	sshll.u32 s4, $0x7;
	s4 =	smov.u32 s26;
	v22 =	vadd.s32 v2, v22;
	v21 =	vld [tilespmem:s5+$0x0]  }
0x5ea: {  	v25 =	vor.u32 s2, v2;
	v24 =	vshll.u32 v24, $0x2;
	_ =	sdelay $0x3  }
0x5eb: {  	[tilespmem:v22+s17+$0x0] =	vst.idx.add.f32.msk $0xf, v21  }
0x5ec: {  	v21 =	vld.idx.msk [tilespmem:v24+s25+$0x0], $0xffff  }
0x5ed: {  	v22 =	vld.idx.msk [tilespmem:v25+s29+$0x0], $0xffff;
	_ =	sdelay $0x1  }
0x5ee: {  	v25 =	vor.u32 v2, v23  }
0x5ef: {  	v26 =	vor.u32 s2, v10;
	_ =	sdelay $0x2  }
0x5f0: {  	v22 =	vmul.f32 v22, v21;
	_ =	sdelay $0x1  }
0x5f1: {  	[tilespmem:v25+s16+$0x0] =	vst.idx.add.f32.msk $0xffff, v22  }
0x5f2: {  	v22 =	vld.idx.msk [tilespmem:v26+s29+$0x0], $0xffff;
	_ =	sdelay $0x1  }
0x5f3: {  	v25 =	vor.u32 v10, v23;
	_ =	sdelay $0x1  }
0x5f4: {  	v27 =	vor.u32 s2, v11;
	v26 =	vor.u32 $0x1, v24;
	_ =	sdelay $0x1  }
0x5f5: {  	v21 =	vmul.f32 v22, v21;
	_ =	sdelay $0x1  }
0x5f6: {  	[tilespmem:v25+s16+$0x0] =	vst.idx.add.f32.msk $0xffff, v21  }
0x5f7: {  	v21 =	vld.idx.msk [tilespmem:v26+s25+$0x0], $0xffff  }
0x5f8: {  	v22 =	vld.idx.msk [tilespmem:v27+s29+$0x0], $0xffff  }
0x5f9: {  	v25 =	vor.u32 v11, v23  }
0x5fa: {  	v26 =	vor.u32 s2, v12;
	_ =	sdelay $0x3  }
0x5fb: {  	v22 =	vmul.f32 v22, v21;
	_ =	sdelay $0x1  }
0x5fc: {  	[tilespmem:v25+s16+$0x0] =	vst.idx.add.f32.msk $0xffff, v22  }
0x5fd: {  	v22 =	vld.idx.msk [tilespmem:v26+s29+$0x0], $0xffff  }
0x5fe: {  	v25 =	vor.u32 v12, v23;
	_ =	sdelay $0x2  }
0x5ff: {  	v27 =	vor.u32 s2, v13;
	v26 =	vor.u32 $0x2, v24;
	_ =	sdelay $0x1  }
0x600: {  	v21 =	vmul.f32 v22, v21;
	_ =	sdelay $0x1  }
0x601: {  	[tilespmem:v25+s16+$0x0] =	vst.idx.add.f32.msk $0xffff, v21  }
0x602: {  	v21 =	vld.idx.msk [tilespmem:v26+s25+$0x0], $0xffff  }
0x603: {  	v25 =	vor.u32 v13, v23;
	v22 =	vld.idx.msk [tilespmem:v27+s29+$0x0], $0xffff  }
0x604: {  	v26 =	vor.u32 s2, v14;
	_ =	sdelay $0x4  }
0x605: {  	v22 =	vmul.f32 v22, v21;
	_ =	sdelay $0x1  }
0x606: {  	[tilespmem:v25+s16+$0x0] =	vst.idx.add.f32.msk $0xffff, v22  }
0x607: {  	v25 =	vor.u32 v14, v23;
	v22 =	vld.idx.msk [tilespmem:v26+s29+$0x0], $0xffff;
	_ =	sdelay $0x3  }
0x608: {  	v24 =	vor.u32 $0x3, v24;
	v26 =	vor.u32 s2, v15;
	_ =	sdelay $0x1  }
0x609: {  	v21 =	vmul.f32 v22, v21;
	_ =	sdelay $0x1  }
0x60a: {  	[tilespmem:v25+s16+$0x0] =	vst.idx.add.f32.msk $0xffff, v21  }
0x60b: {  	v22 =	vor.u32 v15, v23;
	v21 =	vld.idx.msk [tilespmem:v24+s25+$0x0], $0xffff  }
0x60c: {  	v25 =	vor.u32 s2, v16;
	v24 =	vld.idx.msk [tilespmem:v26+s29+$0x0], $0xffff;
	_ =	sdelay $0x5  }
0x60d: {  	v24 =	vmul.f32 v24, v21;
	_ =	sdelay $0x1  }
.Ltmp42:
0x60e: {  	[tilespmem:v22+s16+$0x0] =	vst.idx.add.f32.msk $0xffff, v24;
	v22 =	vor.u32 v16, v23;
	(pc) =	sbr.rel @p1 .LBB2_64-.Ltmp42, $2  }
0x60f: {  	v23 =	vld.idx.msk [tilespmem:v25+s29+$0x0], $0xffff;
	_ =	sdelay $0x2  }
0x610: {  	s31 =	sadd.s32 s4, s21  }
.Ltmp43:
0x611: {  	(pc) =	sbr.rel .LBB2_66-.Ltmp43, $2  }
0x612: {  	_ =	sdelay $0x2  }
0x613: {  	s2 =	smov.u32 s4;
	s26 =	rddreg [dreg:$0x1]  }
.LBB2_53:
.Ltmp44:
0x614: {  	(pc) =	sbr.rel .LBB2_58-.Ltmp44, $2  }
0x615: {  	_ =	sdelay $0x2  }
0x616: {  	s31 =	smov.u32 s10;
	s4 =	simm.s32 $0x0  }
.LBB2_55:
.Ltmp45:
0x617: {  	(pc) =	sbr.rel .LBB2_58-.Ltmp45, $2  }
0x618: {  	_ =	sdelay $0x2  }
0x619: {  	s31 =	smov.u32 s10;
	s26 =	rddreg [dreg:$0x1]  }
.LBB2_63:
.Ltmp46:
0x61a: {  	(pc) =	sbr.rel .LBB2_66-.Ltmp46, $2  }
0x61b: {  	_ =	sdelay $0x2  }
0x61c: {  	s5 =	smov.u32 s13;
	s2 =	simm.s32 $0x1;
	s26 =	rddreg [dreg:$0x1]  }
.LBB2_16:
.Ltmp47:
0x61d: {  	(pc) =	sbr.rel .LBB2_20-.Ltmp47, $2  }
0x61e: {  	_ =	sdelay $0x2  }
0x61f: {  	s1 =	simm.s32 $0x3  }
.LBB2_44:
.Ltmp48:
0x620: {  	(pc) =	sbr.rel .LBB2_48-.Ltmp48, $2  }
0x621: {  	_ =	sdelay $0x2  }
0x622: {  	s1 =	simm.s32 $0x3  }
.LBB2_18:
.Ltmp49:
0x623: {  	(pc) =	sbr.rel .LBB2_20-.Ltmp49, $2  }
0x624: {  	_ =	sdelay $0x2  }
0x625: {  	s1 =	simm.s32 $0x3  }
.LBB2_46:
.Ltmp50:
0x626: {  	(pc) =	sbr.rel .LBB2_48-.Ltmp50, $2  }
0x627: {  	_ =	sdelay $0x2  }
0x628: {  	s1 =	simm.s32 $0x3  }
.LBB2_69:
0x629: {  	s0 =	simm.s32 $0x0  }
0x62a: {  	v17 =	vmov s0;
	_ =	sdelay $0x4  }
0x62b: {  	v18 =	vld.idx.msk [tilespmem:v17+s17+$0x0], $0xffff;
	_ =	sdelay $0x4  }
0x62c: {  	v18 =	vadd.f32 $1.000000020e-16, v18  }
0x62d: {  	s9 =	simm.s32 $0x0  }
0x62e: {  	v19 =	vor.u32 s9, v2;
	(erf) = vrcp.f32 v18;
	_ =	sdelay $0x4  }
0x62f: {  	v18 =	vld.idx.msk [tilespmem:v19+s16+$0x0], $0xffff;
	_ =	sdelay $0x1  }
0x630: {  	s10 =	simm.s32 $0x10  }
0x631: {  	v20 =	vor.u32 s10, v2  }
0x632: {  	v21 =	vpop (erf)  }
0x633: {  	v18 =	vmul.f32 v21, v18;
	_ =	sdelay $0x1  }
0x634: {  	[tilespmem:v19+s16+$0x0] =	vst.idx.msk $0xffff, v18  }
0x635: {  	v18 =	vld.idx.msk [tilespmem:v20+s16+$0x0], $0xffff;
	_ =	sdelay $0x2  }
0x636: {  	v19 =	vor.u32 $0x1, v17;
	_ =	sdelay $0x1  }
0x637: {  	v18 =	vmul.f32 v18, v21;
	_ =	sdelay $0x1  }
0x638: {  	[tilespmem:v20+s16+$0x0] =	vst.idx.msk $0xffff, v18  }
0x639: {  	v18 =	vld.idx.msk [tilespmem:v19+s17+$0x0], $0xffff;
	_ =	sdelay $0x4  }
0x63a: {  	v18 =	vadd.f32 $1.000000020e-16, v18  }
0x63b: {  	s13 =	simm.s32 $0x20  }
0x63c: {  	v19 =	vor.u32 s13, v2;
	(erf) = vrcp.f32 v18;
	_ =	sdelay $0x4  }
0x63d: {  	v18 =	vld.idx.msk [tilespmem:v19+s16+$0x0], $0xffff;
	_ =	sdelay $0x1  }
0x63e: {  	s15 =	simm.s32 $0x30  }
0x63f: {  	v20 =	vor.u32 s15, v2  }
0x640: {  	v62 =	vpop (erf)  }
0x641: {  	v18 =	vmul.f32 v62, v18;
	_ =	sdelay $0x1  }
0x642: {  	[tilespmem:v19+s16+$0x0] =	vst.idx.msk $0xffff, v18  }
0x643: {  	v18 =	vld.idx.msk [tilespmem:v20+s16+$0x0], $0xffff;
	_ =	sdelay $0x2  }
0x644: {  	v19 =	vor.u32 $0x2, v17;
	_ =	sdelay $0x1  }
0x645: {  	v18 =	vmul.f32 v18, v62;
	_ =	sdelay $0x1  }
0x646: {  	[tilespmem:v20+s16+$0x0] =	vst.idx.msk $0xffff, v18  }
0x647: {  	v18 =	vld.idx.msk [tilespmem:v19+s17+$0x0], $0xffff;
	_ =	sdelay $0x4  }
0x648: {  	v18 =	vadd.f32 $1.000000020e-16, v18  }
0x649: {  	s21 =	simm.s32 $0x40  }
0x64a: {  	v19 =	vor.u32 s21, v2;
	(erf) = vrcp.f32 v18;
	_ =	sdelay $0x4  }
0x64b: {  	v18 =	vld.idx.msk [tilespmem:v19+s16+$0x0], $0xffff;
	_ =	sdelay $0x1  }
0x64c: {  	s22 =	simm.s32 $0x50  }
0x64d: {  	v20 =	vor.u32 s22, v2  }
0x64e: {  	v63 =	vpop (erf)  }
0x64f: {  	v18 =	vmul.f32 v63, v18;
	_ =	sdelay $0x1  }
0x650: {  	[tilespmem:v19+s16+$0x0] =	vst.idx.msk $0xffff, v18  }
0x651: {  	v18 =	vld.idx.msk [tilespmem:v20+s16+$0x0], $0xffff;
	_ =	sdelay $0x2  }
0x652: {  	v17 =	vor.u32 $0x3, v17;
	_ =	sdelay $0x1  }
0x653: {  	v18 =	vmul.f32 v18, v63;
	_ =	sdelay $0x1  }
0x654: {  	[tilespmem:v20+s16+$0x0] =	vst.idx.msk $0xffff, v18  }
0x655: {  	v17 =	vld.idx.msk [tilespmem:v17+s17+$0x0], $0xffff;
	_ =	sdelay $0x4  }
0x656: {  	v17 =	vadd.f32 $1.000000020e-16, v17  }
0x657: {  	s30 =	simm.s32 $0x60  }
0x658: {  	v19 =	vor.u32 s30, v2;
	(erf) = vrcp.f32 v17;
	_ =	sdelay $0x4  }
0x659: {  	v17 =	vld.idx.msk [tilespmem:v19+s16+$0x0], $0xffff;
	_ =	sdelay $0x1  }
0x65a: {  	s31 =	simm.s32 $0x70  }
0x65b: {  	v18 =	vor.u32 s31, v2  }
0x65c: {  	v20 =	vpop (erf)  }
0x65d: {  	v17 =	vmul.f32 v20, v17;
	_ =	sdelay $0x1  }
0x65e: {  	[tilespmem:v19+s16+$0x0] =	vst.idx.msk $0xffff, v17  }
0x65f: {  	v19 =	vld.idx.msk [tilespmem:v18+s16+$0x0], $0xffff;
	_ =	sdelay $0x1  }
0x660: {  	s1 =	simm.s32 $0x4  }
0x661: {  	v17 =	vmov s1;
	_ =	sdelay $0x1  }
0x662: {  	s4 =	simm.s32 $0x170;
	s0 =	simm.s32 $0xF0;
	v19 =	vmul.f32 v19, v20  }
.LBB2_70:
0x663: {  	_ = 	snop  }
0x664: {  	p0 =	sne.s32 s4, $0x9FF0;
	s5 =	smov.u32 s4;
	s4 =	sadd.s32 $0x80, s4;
	[tilespmem:v18+s16+$0x0] =	vst.idx.msk $0xffff, v19  }
0x665: {  	v18 =	vld.idx.msk [tilespmem:v17+s17+$0x0], $0xffff;
	_ =	sdelay $0x5  }
0x666: {  	s2 =	sadd.s32 $0xFFFFFF90, s0;
	v18 =	vadd.f32 $1.000000020e-16, v18  }
0x667: {  	v19 =	vor.u32 s2, v2  }
0x668: {  	(erf) = vrcp.f32 v18;
	_ =	sdelay $0x3  }
0x669: {  	v18 =	vld.idx.msk [tilespmem:v19+s16+$0x0], $0xffff;
	_ =	sdelay $0x2  }
0x66a: {  	s2 =	sadd.s32 $0xFFFFFFA0, s0  }
0x66b: {  	v20 =	vor.u32 s2, v2  }
0x66c: {  	v21 =	vpop (erf)  }
0x66d: {  	v18 =	vmul.f32 v21, v18;
	_ =	sdelay $0x1  }
0x66e: {  	[tilespmem:v19+s16+$0x0] =	vst.idx.msk $0xffff, v18  }
0x66f: {  	v18 =	vld.idx.msk [tilespmem:v20+s16+$0x0], $0xffff;
	_ =	sdelay $0x3  }
0x670: {  	v19 =	vor.u32 $0x1, v17;
	_ =	sdelay $0x1  }
0x671: {  	v18 =	vmul.f32 v18, v21;
	_ =	sdelay $0x1  }
0x672: {  	[tilespmem:v20+s16+$0x0] =	vst.idx.msk $0xffff, v18  }
0x673: {  	v18 =	vld.idx.msk [tilespmem:v19+s17+$0x0], $0xffff;
	_ =	sdelay $0x5  }
0x674: {  	s2 =	sadd.s32 $0xFFFFFFB0, s0;
	v18 =	vadd.f32 $1.000000020e-16, v18  }
0x675: {  	v19 =	vor.u32 s2, v2  }
0x676: {  	(erf) = vrcp.f32 v18;
	_ =	sdelay $0x3  }
0x677: {  	v18 =	vld.idx.msk [tilespmem:v19+s16+$0x0], $0xffff;
	_ =	sdelay $0x2  }
0x678: {  	s2 =	sadd.s32 $0xFFFFFFC0, s0  }
0x679: {  	v20 =	vor.u32 s2, v2  }
0x67a: {  	v21 =	vpop (erf)  }
0x67b: {  	v18 =	vmul.f32 v21, v18;
	_ =	sdelay $0x1  }
0x67c: {  	[tilespmem:v19+s16+$0x0] =	vst.idx.msk $0xffff, v18  }
0x67d: {  	v18 =	vld.idx.msk [tilespmem:v20+s16+$0x0], $0xffff;
	_ =	sdelay $0x3  }
0x67e: {  	v19 =	vor.u32 $0x2, v17;
	_ =	sdelay $0x1  }
0x67f: {  	v18 =	vmul.f32 v18, v21;
	_ =	sdelay $0x1  }
0x680: {  	[tilespmem:v20+s16+$0x0] =	vst.idx.msk $0xffff, v18  }
0x681: {  	v18 =	vld.idx.msk [tilespmem:v19+s17+$0x0], $0xffff;
	_ =	sdelay $0x5  }
0x682: {  	s2 =	sadd.s32 $0xFFFFFFD0, s0;
	v18 =	vadd.f32 $1.000000020e-16, v18  }
0x683: {  	v19 =	vor.u32 s2, v2  }
0x684: {  	(erf) = vrcp.f32 v18;
	_ =	sdelay $0x3  }
0x685: {  	v18 =	vld.idx.msk [tilespmem:v19+s16+$0x0], $0xffff;
	_ =	sdelay $0x2  }
0x686: {  	s2 =	sadd.s32 $0xFFFFFFE0, s0  }
0x687: {  	v20 =	vor.u32 s2, v2  }
0x688: {  	v21 =	vpop (erf)  }
0x689: {  	v18 =	vmul.f32 v21, v18;
	_ =	sdelay $0x1  }
0x68a: {  	[tilespmem:v19+s16+$0x0] =	vst.idx.msk $0xffff, v18  }
0x68b: {  	v18 =	vld.idx.msk [tilespmem:v20+s16+$0x0], $0xffff;
	_ =	sdelay $0x3  }
0x68c: {  	v17 =	vor.u32 $0x3, v17;
	s2 =	sadd.s32 $0xFFFFFFF0, s0  }
0x68d: {  	v19 =	vor.u32 s2, v2  }
0x68e: {  	v18 =	vmul.f32 v18, v21;
	_ =	sdelay $0x1  }
0x68f: {  	[tilespmem:v20+s16+$0x0] =	vst.idx.msk $0xffff, v18  }
0x690: {  	v17 =	vld.idx.msk [tilespmem:v17+s17+$0x0], $0xffff  }
0x691: {  	v20 =	vld.idx.msk [tilespmem:v19+s16+$0x0], $0xffff;
	_ =	sdelay $0x4  }
0x692: {  	v17 =	vadd.f32 $1.000000020e-16, v17;
	_ =	sdelay $0x1  }
0x693: {  	(erf) = vrcp.f32 v17;
	_ =	sdelay $0x7  }
0x694: {  	v18 =	vor.u32 s0, v2;
	s0 =	smov.u32 s5  }
0x695: {  	v21 =	vpop (erf)  }
0x696: {  	v17 =	vmul.f32 v21, v20;
	_ =	sdelay $0x1  }
0x697: {  	[tilespmem:v19+s16+$0x0] =	vst.idx.msk $0xffff, v17  }
0x698: {  	v19 =	vld.idx.msk [tilespmem:v18+s16+$0x0], $0xffff;
	_ =	sdelay $0x1  }
.Ltmp51:
0x699: {  	(pc) =	sbr.rel @p0 .LBB2_70-.Ltmp51, $3  }
0x69a: {  	s1 =	sadd.s32 $0x4, s1  }
0x69b: {  	v17 =	vmov s1;
	_ =	sdelay $0x1  }
0x69c: {  	v19 =	vmul.f32 v19, v21  }
0x69d: {  	_ =	sdelay $0x3  }
0x69e: {  	[tilespmem:v18+s16+$0x0] =	vst.idx.msk $0xffff, v19  }
0x69f: {  	v18 =	vld.idx.msk [tilespmem:v17+s17+$0x0], $0xffff;
	_ =	sdelay $0x4  }
0x6a0: {  	v18 =	vadd.f32 $1.000000020e-16, v18  }
0x6a1: {  	s1 =	sadd.s32 $0xFFFFFF90, s0  }
0x6a2: {  	v19 =	vor.u32 s1, v2;
	(erf) = vrcp.f32 v18;
	_ =	sdelay $0x4  }
0x6a3: {  	v18 =	vld.idx.msk [tilespmem:v19+s16+$0x0], $0xffff;
	_ =	sdelay $0x1  }
0x6a4: {  	s9 =	sadd.s32 $0xFFFFFFA0, s0  }
0x6a5: {  	v20 =	vor.u32 s9, v2  }
0x6a6: {  	v21 =	vpop (erf)  }
0x6a7: {  	v18 =	vmul.f32 v21, v18;
	_ =	sdelay $0x1  }
0x6a8: {  	[tilespmem:v19+s16+$0x0] =	vst.idx.msk $0xffff, v18  }
0x6a9: {  	v18 =	vld.idx.msk [tilespmem:v20+s16+$0x0], $0xffff;
	_ =	sdelay $0x2  }
0x6aa: {  	v19 =	vor.u32 $0x1, v17;
	_ =	sdelay $0x1  }
0x6ab: {  	v18 =	vmul.f32 v18, v21;
	_ =	sdelay $0x1  }
0x6ac: {  	[tilespmem:v20+s16+$0x0] =	vst.idx.msk $0xffff, v18  }
0x6ad: {  	v18 =	vld.idx.msk [tilespmem:v19+s17+$0x0], $0xffff;
	_ =	sdelay $0x4  }
0x6ae: {  	v18 =	vadd.f32 $1.000000020e-16, v18  }
0x6af: {  	s10 =	sadd.s32 $0xFFFFFFB0, s0  }
0x6b0: {  	v19 =	vor.u32 s10, v2;
	(erf) = vrcp.f32 v18;
	_ =	sdelay $0x4  }
0x6b1: {  	v18 =	vld.idx.msk [tilespmem:v19+s16+$0x0], $0xffff;
	_ =	sdelay $0x1  }
0x6b2: {  	s13 =	sadd.s32 $0xFFFFFFC0, s0  }
0x6b3: {  	v59 =	vor.u32 s13, v2  }
0x6b4: {  	v60 =	vpop (erf)  }
0x6b5: {  	v18 =	vmul.f32 v60, v18;
	_ =	sdelay $0x1  }
0x6b6: {  	[tilespmem:v19+s16+$0x0] =	vst.idx.msk $0xffff, v18  }
0x6b7: {  	v18 =	vld.idx.msk [tilespmem:v59+s16+$0x0], $0xffff;
	_ =	sdelay $0x2  }
0x6b8: {  	v19 =	vor.u32 $0x2, v17;
	_ =	sdelay $0x1  }
0x6b9: {  	v18 =	vmul.f32 v18, v60;
	_ =	sdelay $0x1  }
0x6ba: {  	[tilespmem:v59+s16+$0x0] =	vst.idx.msk $0xffff, v18  }
0x6bb: {  	v18 =	vld.idx.msk [tilespmem:v19+s17+$0x0], $0xffff;
	_ =	sdelay $0x4  }
0x6bc: {  	v18 =	vadd.f32 $1.000000020e-16, v18  }
0x6bd: {  	s15 =	sadd.s32 $0xFFFFFFD0, s0  }
0x6be: {  	v19 =	vor.u32 s15, v2;
	(erf) = vrcp.f32 v18;
	_ =	sdelay $0x4  }
0x6bf: {  	v18 =	vld.idx.msk [tilespmem:v19+s16+$0x0], $0xffff;
	_ =	sdelay $0x1  }
0x6c0: {  	s21 =	sadd.s32 $0xFFFFFFE0, s0  }
0x6c1: {  	v61 =	vor.u32 s21, v2  }
0x6c2: {  	v62 =	vpop (erf)  }
0x6c3: {  	v18 =	vmul.f32 v62, v18;
	_ =	sdelay $0x1  }
0x6c4: {  	[tilespmem:v19+s16+$0x0] =	vst.idx.msk $0xffff, v18  }
0x6c5: {  	v18 =	vld.idx.msk [tilespmem:v61+s16+$0x0], $0xffff;
	_ =	sdelay $0x2  }
0x6c6: {  	v17 =	vor.u32 $0x3, v17;
	_ =	sdelay $0x1  }
0x6c7: {  	v18 =	vmul.f32 v18, v62;
	_ =	sdelay $0x1  }
0x6c8: {  	[tilespmem:v61+s16+$0x0] =	vst.idx.msk $0xffff, v18  }
0x6c9: {  	v17 =	vld.idx.msk [tilespmem:v17+s17+$0x0], $0xffff;
	_ =	sdelay $0x4  }
0x6ca: {  	v17 =	vadd.f32 $1.000000020e-16, v17  }
0x6cb: {  	s22 =	sadd.s32 $0xFFFFFFF0, s0  }
0x6cc: {  	v18 =	vor.u32 s22, v2;
	(erf) = vrcp.f32 v17;
	_ =	sdelay $0x4  }
0x6cd: {  	v17 =	vld.idx.msk [tilespmem:v18+s16+$0x0], $0xffff;
	_ =	sdelay $0x2  }
0x6ce: {  	v19 =	vor.u32 s0, v2  }
0x6cf: {  	v63 =	vpop (erf)  }
0x6d0: {  	v17 =	vmul.f32 v63, v17;
	_ =	sdelay $0x1  }
0x6d1: {  	[tilespmem:v18+s16+$0x0] =	vst.idx.msk $0xffff, v17  }
0x6d2: {  	v17 =	vld.idx.msk [tilespmem:v19+s16+$0x0], $0xffff;
	_ =	sdelay $0x4  }
0x6d3: {  	v17 =	vmul.f32 v17, v63;
	_ =	sdelay $0x1  }
0x6d4: {  	s30 =	rddreg [dreg:$0x8];
	s1 =	simm.s32 $0x7;
	[tilespmem:v19+s16+$0x0] =	vst.idx.msk $0xffff, v17  }
0x6d5: {  	[hbm4b:s30+s3] =	stream.linear.scatter [tilespmem:s16], [sflag:$0x7], $0xA000, $0x38;
	[tilespmem:$0x1CB50] =	vst v63  }
0x6d6: {  	_ =	swait.ge [sflag:s1], $0xA000  }
0x6d7: {  	s2 =	rddreg [dreg:$0xa]  }
0x6d8: {  	s31 =	rddreg [dreg:$0x9];
	s2 =	sadd.s32 $0x1, s2  }
0x6d9: {  	p0 =	sne.s32 s2, s31  }
.Ltmp52:
0x6da: {  	_ = 	snop;
	(pc) =	sbr.rel @p0 .LBB2_1-.Ltmp52, $3  }
0x6db: {  	_ =	sdelay $0x1  }
0x6dc: {  	[sflag:s1] =	ssyncset.done $0x0  }
0x6dd: {  	[sflag:s1] =	ssyncadd.s32 $0xFFFF6000  }
0x6de: {  	_ =	sfence.sel $0x180000  }
0x6df: {  	[bflag:$0x0] =	sbarrier.arrive $0xFFFF  }
0x6e0: {  	_ =	strace $0x90000047  }
0x6e1: {  	s0 =	stileid.u32;
	[bflag:$0x2] =	sbarrier.arrive $0xFFFF  }
0x6e2: {  	p0 =	sne.s32 s0, $0x0;
	s0 =	rddreg [dreg:$0x2]  }
0x6e3: {  	s0 =	sadd.s32 @!p0 $0x100000, s0  }
0x6e4: {  	[sflag:s0] =	ssyncadd.tile.s32 @!p0 $0x1;
	_ =	shalt  }
.Lfunc_end2:
_tile_overlayer_lowered:
.L_overlay_start_2:
0x6e5: {  	(tag) =	ssettag $0x2  }
0x6e6: {  	s0 =	rddreg [dreg:$0x0];
	s2 =	stileid.u32  }
0x6e7: {  	s1 =	rddreg [dreg:$0x1];
	p0 =	sne.s32 s2, $0x0  }
0x6e8: {  	s3 =	rddreg [dreg:$0x2];
	[bflag:$0x3] =	sbarrier.arrive $0xFFFF;
	s2 =	simm.s32 @!p0 $0x1C07  }
0x6e9: {  	[timem:s3], [sflag:s2] =	dma.local @!p0 [hbm:s0], s1  }
0x6ea: {  	s0 =	simm.s32 @!p0 $0x7  }
0x6eb: {  	_ =	swait.ge @!p0 [sflag:s0], s1  }
0x6ec: {  	s1 =	ssub.s32 @!p0 $0x0, s1;
	[sflag:s0] =	ssyncset.done @!p0 $0x0  }
0x6ed: {  	[sflag:s0] =	ssyncadd.s32 @!p0 s1  }
0x6ee: {  	[bflag:$0x3] =	sbarrier.arrive $0xFFFF  }
0x6ef: {  	_ =	shalt  }

</sc_bundles>
